<compile_context>
chip_gen: v7x
topology: tpu7x:2x2x1
jax: 0.10.2.dev20260603
libtpu: 0.0.44.dev20260713+nightly
codegen_flags: <defaults>
</compile_context>

<pallas_src>
import functools
import math

import jax
import jax.numpy as jnp
from jax import lax
from jax.experimental import pallas as pl
from jax.experimental.pallas import tpu as pltpu
from jax.experimental.pallas import tpu_sc as plsc

N = 8388608
T = 16
B = 1801
NB = T * B
NC = 2
NS = 16
NW = NC * NS
CHUNK = N // NW
TILE_E = 8192
STEPS = CHUNK // TILE_E
VECS = TILE_E // 16
IROWS = TILE_E // 128
SROWS = 48
GROUPS = SROWS // 8
VDIRECT = SROWS * 8

_SCALE = 1800.0 / math.pi
_C = [c * _SCALE for c in (
    1.5707963050, -0.2145988016, 0.0889789874, -0.0501743046,
    0.0308918810, -0.0170881256, 0.0066700901, -0.0012624911)]

_mesh = plsc.VectorSubcoreMesh(core_axis_name="c", subcore_axis_name="s")


@functools.partial(
    pl.kernel,
    mesh=_mesh,
    out_type=[jax.ShapeDtypeStruct((NW, NB), jnp.float32),
              jax.ShapeDtypeStruct((NB,), jnp.float32),
              jax.ShapeDtypeStruct((NB,), jnp.float32)],
    scratch_types=[
        pltpu.VMEM((TILE_E,), jnp.float32),
        pltpu.VMEM((TILE_E,), jnp.int32),
        pltpu.VMEM((TILE_E,), jnp.float32),
        pltpu.VMEM((TILE_E,), jnp.int32),
        pltpu.VMEM((IROWS, 128), jnp.int32),
        pltpu.VMEM((IROWS, 128), jnp.int32),
        pltpu.VMEM((128,), jnp.float32),
        pltpu.VMEM((NB,), jnp.float32),
        pltpu.VMEM_SHARED((NB,), jnp.float32),
        pltpu.SemaphoreType.DMA,
        pltpu.SemaphoreType.DMA,
        pltpu.SemaphoreType.DMA,
        pltpu.SemaphoreType.DMA,
    ],
    compiler_params=pltpu.CompilerParams(needs_layout_passes=False),
)
def _hist_sc(prods_hbm, atoms_hbm, out_tiles_hbm, out0_hbm, out1_hbm,
             pbuf0, abuf0, pbuf1, abuf1, ibuf0, ibuf1, ones_v, hist,
             shared_hist, sem0, sem1, ssem0, ssem1):
    cid = lax.axis_index("c")
    sid = lax.axis_index("s")
    wid = cid * NS + sid
    base = wid * CHUNK
    zeros16 = jnp.zeros((16,), jnp.float32)
    ones16 = jnp.ones((16,), jnp.float32)

    def start_in(st, pb, ab, sem):
        off = base + st * TILE_E
        pltpu.make_async_copy(prods_hbm.at[pl.ds(off, TILE_E)], pb, sem).start()
        pltpu.make_async_copy(atoms_hbm.at[pl.ds(off, TILE_E)], ab, sem).start()

    def drain_in(st, pb, ab, sem):
        off = base + st * TILE_E
        pltpu.make_async_copy(prods_hbm.at[pl.ds(off, TILE_E)], pb, sem).wait()
        pltpu.make_async_copy(atoms_hbm.at[pl.ds(off, TILE_E)], ab, sem).wait()

    def issue_rows(ib, sem, k0, nk):
        def go(k, carry):
            pltpu.make_async_copy(ones_v, shared_hist.at[ib.at[k]], sem
                                  ).start(add=True)
            return carry
        lax.fori_loop(k0, k0 + nk, go, 0)

    def drain_streams(ib, sem):
        def go(k, carry):
            pltpu.make_async_copy(ones_v, shared_hist.at[ib.at[k]], sem
                                  ).wait()
            return carry
        lax.fori_loop(0, SROWS, go, 0)

    start_in(0, pbuf0, abuf0, sem0)

    for k in range(8):
        ones_v[pl.ds(k * 16, 16)] = ones16

    def zero_body(i, carry):
        hist[pl.ds(i * 16, 16)] = zeros16
        return carry

    lax.fori_loop(0, NB // 16, zero_body, 0)

    @pl.when(sid == 0)
    def _():
        pltpu.sync_copy(hist, shared_hist)

    plsc.subcore_barrier()

    def bins_of(pbuf, abuf, j):
        p = pbuf[pl.ds(j * 16, 16)]
        a = abuf[pl.ds(j * 16, 16)]
        p = jnp.minimum(jnp.maximum(p, 0.0), 1.0 - 1e-6)
        x = 1.0 - p
        xh = 0.5 * x
        yi = jnp.int32(0x5F3759DF) - (lax.bitcast_convert_type(x, jnp.int32) >> 1)
        y = lax.bitcast_convert_type(yi, jnp.float32)
        y = y * (1.5 - xh * y * y)
        y = y * (1.5 - xh * y * y)
        y = y * (1.5 - xh * y * y)
        s = x * y
        poly = jnp.float32(_C[7])
        for c in (_C[6], _C[5], _C[4], _C[3], _C[2], _C[1], _C[0]):
            poly = poly * p + jnp.float32(c)
        binf = s * poly + 0.5
        bin_i = binf.astype(jnp.int32)
        bin_i = jnp.minimum(jnp.maximum(bin_i, 0), B - 1)
        return a * B + bin_i

    def compute_stage(pbuf, abuf, ibuf, j):
        ibuf[j >> 3, pl.ds((j & 7) * 16, 16)] = bins_of(pbuf, abuf, j)

    def compute_direct(pbuf, abuf, j):
        plsc.addupdate_scatter(hist, [bins_of(pbuf, abuf, j)], ones16)

    def half(pb, ab, ib, ssem):
        def group(g, carry):
            plsc.parallel_loop(g * 64, (g + 1) * 64, 1, unroll=16)(
                functools.partial(compute_stage, pb, ab, ib))
            issue_rows(ib, ssem, g * 8, 8)
            return carry

        lax.fori_loop(0, GROUPS, group, 0)
        plsc.parallel_loop(VDIRECT, VECS, 1, unroll=16)(
            functools.partial(compute_direct, pb, ab))

    def outer(i, carry):
        st0 = 2 * i
        drain_in(st0, pbuf0, abuf0, sem0)
        start_in(st0 + 1, pbuf1, abuf1, sem1)

        @pl.when(i > 0)
        def _():
            drain_streams(ibuf0, ssem0)

        half(pbuf0, abuf0, ibuf0, ssem0)

        drain_in(st0 + 1, pbuf1, abuf1, sem1)

        @pl.when(i < STEPS // 2 - 1)
        def _():
            start_in(st0 + 2, pbuf0, abuf0, sem0)

        @pl.when(i > 0)
        def _():
            drain_streams(ibuf1, ssem1)

        half(pbuf1, abuf1, ibuf1, ssem1)
        return carry

    lax.fori_loop(0, STEPS // 2, outer, 0)

    drain_streams(ibuf0, ssem0)
    drain_streams(ibuf1, ssem1)
    pltpu.sync_copy(hist, out_tiles_hbm.at[wid])
    plsc.subcore_barrier()

    @pl.when(jnp.logical_and(sid == 0, cid == 0))
    def _():
        pltpu.sync_copy(shared_hist, out0_hbm)

    @pl.when(jnp.logical_and(sid == 0, cid == 1))
    def _():
        pltpu.sync_copy(shared_hist, out1_hbm)


def _finish_tc(partials_ref, tgt_ref, probs_ref, vw_ref, out_ref):
    hist = jnp.sum(partials_ref[...], axis=0)
    s = jnp.sum(hist, axis=1, keepdims=True)
    s = jnp.where(s == 0.0, 1.0, s)
    d = hist / s - tgt_ref[...]
    k = 1
    while k < B:
        shifted = jnp.concatenate(
            [jnp.zeros((T, k), jnp.float32), d[:, : B - k]], axis=1)
        d = d + shifted
        k *= 2
    w1 = jnp.sum(jnp.abs(d), axis=1, keepdims=True) * 0.1
    pw = probs_ref[...] * vw_ref[...]
    total = jnp.sum(w1 * pw) / (jnp.sum(pw) + 1e-5)
    out_ref[...] = jnp.reshape(total, (1, 1))


def kernel(prods, atom_types, target_angles, atom_types_probabilities, valency_weight):
    tiles, p0, p1 = _hist_sc(prods, atom_types)
    partials = jnp.concatenate([tiles, p0[None, :], p1[None, :]], axis=0)
    res = pl.pallas_call(
        _finish_tc,
        out_shape=jax.ShapeDtypeStruct((1, 1), jnp.float32),
    )(
        partials.reshape(NW + 2, T, B),
        target_angles,
        atom_types_probabilities.reshape(T, 1),
        valency_weight.reshape(T, 1),
    )
    return res[0, 0]

# --- scband reference (transcript-rebuilt; emitter-appended) ---
"""Pipeline reference for scband-sampling-metrics-39694087750095 (READ-ONLY COPY).

The authoritative reference and input builder live on the scoring server;
editing this copy changes nothing except your own understanding.
"""

import jax, jax.numpy as jnp
import numpy as np
import math

N = 8388608
T = 16
B = 1801

def setup_inputs(seed: int = 0) -> dict:
    key = jax.random.key(seed)
    k1, k2, k3, k4, k5 = jax.random.split(key, 5)
    prods = jax.random.uniform(k1, (N,), dtype=jnp.float32)
    atom_types = jax.random.randint(k2, (N,), 0, T, dtype=jnp.int32)
    target_angles = jax.random.uniform(k3, (T, B), dtype=jnp.float32)
    target_angles = target_angles / jnp.sum(target_angles, axis=1, keepdims=True)
    atom_types_probabilities = jax.random.uniform(k4, (T,), dtype=jnp.float32)
    atom_types_probabilities = atom_types_probabilities / jnp.sum(atom_types_probabilities)
    valency_weight = jax.random.uniform(k5, (T,), dtype=jnp.float32)
    return {
        'prods': prods,
        'atom_types': atom_types,
        'target_angles': target_angles,
        'atom_types_probabilities': atom_types_probabilities,
        'valency_weight': valency_weight,
    }

def reference(prods, atom_types, target_angles, atom_types_probabilities, valency_weight):
    # Vectorized form of angle_distance: per-(atom_type) histogram of bond angles
    # angle = acos(clamp(prod, 0, 1)); bin = round(angle * 180/pi, decimals=1) * 10
    p = jnp.clip(prods, 0.0, 1.0 - 1e-6)
    angle = jnp.arccos(p)
    bins = jnp.round(angle * (180.0 / math.pi) * 10.0).astype(jnp.int32)
    bins = jnp.clip(bins, 0, B - 1)
    # scatter-add histogram: generated_angles[atom_type, bin] += 1
    generated_angles = jnp.zeros((T, B), dtype=jnp.float32).at[atom_types, bins].add(1.0)
    s = jnp.sum(generated_angles, axis=1, keepdims=True)
    s = jnp.where(s == 0, 1.0, s)
    generated_angles = generated_angles / s
    cs_generated = jnp.cumsum(generated_angles, axis=1)
    cs_target = jnp.cumsum(target_angles, axis=1)
    w1_per_type = jnp.sum(jnp.abs(cs_generated - cs_target), axis=1) / 10.0
    weighted = w1_per_type * atom_types_probabilities * valency_weight
    total = jnp.sum(weighted) / (jnp.sum(atom_types_probabilities * valency_weight) + 1e-5)
    return total

if __name__ == "__main__":
    import jax
    _d = setup_inputs()
    print(jax.jit(kernel)(*tuple(_d.values())))

</pallas_src>

<mosaic_0001>
#map = affine_map<(d0, d1) -> (0)>
#map1 = affine_map<(d0, d1) -> (0, 0)>
module attributes {stable_mosaic.version = 14 : i64} {
  func.func @_hist_sc(%arg0: i32, %arg1: i32, %arg2: memref<8388608xf32, #tpu.memory_space<hbm>>, %arg3: memref<8388608xi32, #tpu.memory_space<hbm>>, %arg4: memref<32x28816xf32, #tpu.memory_space<hbm>>, %arg5: memref<28816xf32, #tpu.memory_space<hbm>>, %arg6: memref<28816xf32, #tpu.memory_space<hbm>>, %arg7: memref<8192xf32, #tpu.memory_space<vmem>>, %arg8: memref<8192xi32, #tpu.memory_space<vmem>>, %arg9: memref<8192xf32, #tpu.memory_space<vmem>>, %arg10: memref<8192xi32, #tpu.memory_space<vmem>>, %arg11: memref<64x128xi32, #tpu.memory_space<vmem>>, %arg12: memref<64x128xi32, #tpu.memory_space<vmem>>, %arg13: memref<128xf32, #tpu.memory_space<vmem>>, %arg14: memref<28816xf32, #tpu.memory_space<vmem>>, %arg15: memref<28816xf32, #tpu.memory_space<vmem_shared>>, %arg16: memref<!tpu.dma_semaphore, #tpu.memory_space<semaphore_mem>>, %arg17: memref<!tpu.dma_semaphore, #tpu.memory_space<semaphore_mem>>, %arg18: memref<!tpu.dma_semaphore, #tpu.memory_space<semaphore_mem>>, %arg19: memref<!tpu.dma_semaphore, #tpu.memory_space<semaphore_mem>>) attributes {dimension_semantics = [#tpu.dimension_semantics<core_parallel>, #tpu.dimension_semantics<subcore_parallel>], iteration_bounds = array<i64: 2, 16>, scalar_prefetch = 0 : i64, scratch_operands = 13 : i64, tpu.core_type = #tpu.core_type<sc_vector_subcore>, window_params = [{transform_indices = #map}, {transform_indices = #map}, {transform_indices = #map1}, {transform_indices = #map}, {transform_indices = #map}]} {
    %mul3A = arith.constant 16 : i32
    %mul3A_0 = arith.muli %arg0, %mul3A : i32
    %add3A = arith.addi %mul3A_0, %arg1 : i32
    %mul3A_1 = arith.constant 262144 : i32
    %mul3A_2 = arith.muli %add3A, %mul3A_1 : i32
    %broadcast_in_dim3A = arith.constant 0.000000e+00 : f32
    %broadcast_in_dim3A_3 = vector.broadcast %broadcast_in_dim3A : f32 to vector<16xf32>
    %broadcast_in_dim3A_4 = arith.constant 1.000000e+00 : f32
    %broadcast_in_dim3A_5 = vector.broadcast %broadcast_in_dim3A_4 : f32 to vector<16xf32>
    %add3A_6 = arith.constant 0 : i32
    %add3A_7 = arith.addi %mul3A_2, %add3A_6 : i32
    %dma_start3A = tpu.memref_slice %arg2[%add3A_7] : memref<8388608xf32, #tpu.memory_space<hbm>> -> memref<8192xf32, #tpu.memory_space<hbm>>
    %dma_start3A_8 = tpu.memref_slice %arg2[%add3A_7] : memref<8388608xf32, #tpu.memory_space<hbm>> -> memref<8192xf32, #tpu.memory_space<hbm>>
    tpu.enqueue_dma source(%dma_start3A_8 : memref<8192xf32, #tpu.memory_space<hbm>>) target(%arg7 : memref<8192xf32, #tpu.memory_space<vmem>>) target_semaphore(%arg16 : memref<!tpu.dma_semaphore, #tpu.memory_space<semaphore_mem>>)
    %dma_start3A_9 = tpu.memref_slice %arg3[%add3A_7] : memref<8388608xi32, #tpu.memory_space<hbm>> -> memref<8192xi32, #tpu.memory_space<hbm>>
    %dma_start3A_10 = tpu.memref_slice %arg3[%add3A_7] : memref<8388608xi32, #tpu.memory_space<hbm>> -> memref<8192xi32, #tpu.memory_space<hbm>>
    tpu.enqueue_dma source(%dma_start3A_10 : memref<8192xi32, #tpu.memory_space<hbm>>) target(%arg8 : memref<8192xi32, #tpu.memory_space<vmem>>) target_semaphore(%arg16 : memref<!tpu.dma_semaphore, #tpu.memory_space<semaphore_mem>>)
    %swap3A = arith.constant 0 : index
    %swap3A_11 = tpu.vector_load %arg13[%swap3A] {strides = array<i32>} : memref<128xf32, #tpu.memory_space<vmem>>, vector<16xf32>,
    tpu.vector_store %arg13[%swap3A], %broadcast_in_dim3A_5 {strides = array<i32>} : memref<128xf32, #tpu.memory_space<vmem>>, vector<16xf32>,
    %swap3A_12 = arith.constant 16 : index
    %swap3A_13 = tpu.vector_load %arg13[%swap3A_12] {strides = array<i32>} : memref<128xf32, #tpu.memory_space<vmem>>, vector<16xf32>,
    tpu.vector_store %arg13[%swap3A_12], %broadcast_in_dim3A_5 {strides = array<i32>} : memref<128xf32, #tpu.memory_space<vmem>>, vector<16xf32>,
    %swap3A_14 = arith.constant 32 : index
    %swap3A_15 = tpu.vector_load %arg13[%swap3A_14] {strides = array<i32>} : memref<128xf32, #tpu.memory_space<vmem>>, vector<16xf32>,
    tpu.vector_store %arg13[%swap3A_14], %broadcast_in_dim3A_5 {strides = array<i32>} : memref<128xf32, #tpu.memory_space<vmem>>, vector<16xf32>,
    %swap3A_16 = arith.constant 48 : index
    %swap3A_17 = tpu.vector_load %arg13[%swap3A_16] {strides = array<i32>} : memref<128xf32, #tpu.memory_space<vmem>>, vector<16xf32>,
    tpu.vector_store %arg13[%swap3A_16], %broadcast_in_dim3A_5 {strides = array<i32>} : memref<128xf32, #tpu.memory_space<vmem>>, vector<16xf32>,
    %swap3A_18 = arith.constant 64 : index
    %swap3A_19 = tpu.vector_load %arg13[%swap3A_18] {strides = array<i32>} : memref<128xf32, #tpu.memory_space<vmem>>, vector<16xf32>,
    tpu.vector_store %arg13[%swap3A_18], %broadcast_in_dim3A_5 {strides = array<i32>} : memref<128xf32, #tpu.memory_space<vmem>>, vector<16xf32>,
    %swap3A_20 = arith.constant 80 : index
    %swap3A_21 = tpu.vector_load %arg13[%swap3A_20] {strides = array<i32>} : memref<128xf32, #tpu.memory_space<vmem>>, vector<16xf32>,
    tpu.vector_store %arg13[%swap3A_20], %broadcast_in_dim3A_5 {strides = array<i32>} : memref<128xf32, #tpu.memory_space<vmem>>, vector<16xf32>,
    %swap3A_22 = arith.constant 96 : index
    %swap3A_23 = tpu.vector_load %arg13[%swap3A_22] {strides = array<i32>} : memref<128xf32, #tpu.memory_space<vmem>>, vector<16xf32>,
    tpu.vector_store %arg13[%swap3A_22], %broadcast_in_dim3A_5 {strides = array<i32>} : memref<128xf32, #tpu.memory_space<vmem>>, vector<16xf32>,
    %swap3A_24 = arith.constant 112 : index
    %swap3A_25 = tpu.vector_load %arg13[%swap3A_24] {strides = array<i32>} : memref<128xf32, #tpu.memory_space<vmem>>, vector<16xf32>,
    tpu.vector_store %arg13[%swap3A_24], %broadcast_in_dim3A_5 {strides = array<i32>} : memref<128xf32, #tpu.memory_space<vmem>>, vector<16xf32>,
    %scan3A = arith.constant 0 : i32
    %scan3A_26 = arith.constant 0 : i32
    %scan3A_27 = arith.constant 1801 : i32
    %scan3A_28 = arith.addi %scan3A_26, %scan3A_27 : i32
    %scan3A_29 = arith.constant 1 : i32
    scf.for %scan3A_67 = %scan3A_26 to %scan3A_28 step %scan3A_29  : i32 {
      %mul3A_68 = arith.constant 16 : i32
      %mul3A_69 = arith.muli %scan3A_67, %mul3A_68 : i32
      %swap3A_70 = arith.index_cast %mul3A_69 : i32 to index
      %swap3A_71 = tpu.vector_load %arg14[%swap3A_70] {strides = array<i32>} : memref<28816xf32, #tpu.memory_space<vmem>>, vector<16xf32>,
      tpu.vector_store %arg14[%swap3A_70], %broadcast_in_dim3A_3 {strides = array<i32>} : memref<28816xf32, #tpu.memory_space<vmem>>, vector<16xf32>,
    }
    %scan3A_30 = arith.constant 1801 : i32
    %eq3A = arith.constant 0 : i32
    %eq3A_31 = arith.cmpi eq, %arg1, %eq3A : i32
    %convert_element_type3A = arith.extui %eq3A_31 : i1 to i32
    %cond3A = arith.constant 0 : i32
    %cond3A_32 = arith.cmpi ne, %convert_element_type3A, %cond3A : i32
    scf.if %cond3A_32 {
      "tpu.region"() ({
        %run_scoped3A = tpu.sem_alloc : memref<!tpu.dma_semaphore, #tpu.memory_space<semaphore_mem>>
        tpu.enqueue_dma source(%arg14 : memref<28816xf32, #tpu.memory_space<vmem>>) target(%arg15 : memref<28816xf32, #tpu.memory_space<vmem_shared>>) target_semaphore(%run_scoped3A : memref<!tpu.dma_semaphore, #tpu.memory_space<semaphore_mem>>)
        tpu.wait_dma2 semaphore(%run_scoped3A : memref<!tpu.dma_semaphore, #tpu.memory_space<semaphore_mem>>) src(%arg14 : memref<28816xf32, #tpu.memory_space<vmem>>) dst(%arg15 : memref<28816xf32, #tpu.memory_space<vmem_shared>>)
        tpu.yield
      }) : () -> ()
    } else {
    }
    %barrier3A = arith.constant 0 : index
    tpu.barrier barrier_id(%barrier3A)
    %scan3A_33 = arith.constant 0 : i32
    %scan3A_34 = arith.constant 0 : i32
    %scan3A_35 = arith.constant 16 : i32
    %scan3A_36 = arith.addi %scan3A_34, %scan3A_35 : i32
    %scan3A_37 = arith.constant 1 : i32
    scf.for %scan3A_67 = %scan3A_34 to %scan3A_36 step %scan3A_37  : i32 {
      %mul3A_68 = arith.constant 2 : i32
      %mul3A_69 = arith.muli %mul3A_68, %scan3A_67 : i32
      %mul3A_70 = arith.constant 8192 : i32
      %mul3A_71 = arith.muli %mul3A_69, %mul3A_70 : i32
      %add3A_72 = arith.addi %mul3A_2, %mul3A_71 : i32
      %dma_wait3A = tpu.memref_slice %arg2[%add3A_72] : memref<8388608xf32, #tpu.memory_space<hbm>> -> memref<8192xf32, #tpu.memory_space<hbm>>
      %dma_wait3A_73 = tpu.memref_slice %arg2[%add3A_72] : memref<8388608xf32, #tpu.memory_space<hbm>> -> memref<8192xf32, #tpu.memory_space<hbm>>
      tpu.wait_dma2 semaphore(%arg16 : memref<!tpu.dma_semaphore, #tpu.memory_space<semaphore_mem>>) src(%dma_wait3A_73 : memref<8192xf32, #tpu.memory_space<hbm>>) dst(%arg7 : memref<8192xf32, #tpu.memory_space<vmem>>)
      %dma_wait3A_74 = tpu.memref_slice %arg3[%add3A_72] : memref<8388608xi32, #tpu.memory_space<hbm>> -> memref<8192xi32, #tpu.memory_space<hbm>>
      %dma_wait3A_75 = tpu.memref_slice %arg3[%add3A_72] : memref<8388608xi32, #tpu.memory_space<hbm>> -> memref<8192xi32, #tpu.memory_space<hbm>>
      tpu.wait_dma2 semaphore(%arg16 : memref<!tpu.dma_semaphore, #tpu.memory_space<semaphore_mem>>) src(%dma_wait3A_75 : memref<8192xi32, #tpu.memory_space<hbm>>) dst(%arg8 : memref<8192xi32, #tpu.memory_space<vmem>>)
      %add3A_76 = arith.constant 1 : i32
      %add3A_77 = arith.addi %mul3A_69, %add3A_76 : i32
      %mul3A_78 = arith.constant 8192 : i32
      %mul3A_79 = arith.muli %add3A_77, %mul3A_78 : i32
      %add3A_80 = arith.addi %mul3A_2, %mul3A_79 : i32
      %dma_start3A_81 = tpu.memref_slice %arg2[%add3A_80] : memref<8388608xf32, #tpu.memory_space<hbm>> -> memref<8192xf32, #tpu.memory_space<hbm>>
      %dma_start3A_82 = tpu.memref_slice %arg2[%add3A_80] : memref<8388608xf32, #tpu.memory_space<hbm>> -> memref<8192xf32, #tpu.memory_space<hbm>>
      tpu.enqueue_dma source(%dma_start3A_82 : memref<8192xf32, #tpu.memory_space<hbm>>) target(%arg9 : memref<8192xf32, #tpu.memory_space<vmem>>) target_semaphore(%arg17 : memref<!tpu.dma_semaphore, #tpu.memory_space<semaphore_mem>>)
      %dma_start3A_83 = tpu.memref_slice %arg3[%add3A_80] : memref<8388608xi32, #tpu.memory_space<hbm>> -> memref<8192xi32, #tpu.memory_space<hbm>>
      %dma_start3A_84 = tpu.memref_slice %arg3[%add3A_80] : memref<8388608xi32, #tpu.memory_space<hbm>> -> memref<8192xi32, #tpu.memory_space<hbm>>
      tpu.enqueue_dma source(%dma_start3A_84 : memref<8192xi32, #tpu.memory_space<hbm>>) target(%arg10 : memref<8192xi32, #tpu.memory_space<vmem>>) target_semaphore(%arg17 : memref<!tpu.dma_semaphore, #tpu.memory_space<semaphore_mem>>)
      %gt3A = arith.constant 0 : i32
      %gt3A_85 = arith.cmpi sgt, %scan3A_67, %gt3A : i32
      %convert_element_type3A_86 = arith.extui %gt3A_85 : i1 to i32
      %cond3A_87 = arith.constant 0 : i32
      %cond3A_88 = arith.cmpi ne, %convert_element_type3A_86, %cond3A_87 : i32
      scf.if %cond3A_88 {
        %scan3A_124 = arith.constant 0 : i32
        %scan3A_125 = arith.constant 0 : i32
        %scan3A_126 = arith.constant 48 : i32
        %scan3A_127 = arith.addi %scan3A_125, %scan3A_126 : i32
        %scan3A_128 = arith.constant 1 : i32
        scf.for %scan3A_130 = %scan3A_125 to %scan3A_127 step %scan3A_128  : i32 {
          %dma_wait3A_131 = arith.constant 0 : i32
          %dma_wait3A_132 = tpu.memref_slice %arg11[%scan3A_130, %dma_wait3A_131] : memref<64x128xi32, #tpu.memory_space<vmem>> -> memref<1x128xi32, #tpu.memory_space<vmem>>
          %dma_wait3A_133 = tpu.memref_squeeze %dma_wait3A_132 : memref<1x128xi32, #tpu.memory_space<vmem>> -> memref<128xi32, #tpu.memory_space<vmem>>
          %dma_wait3A_134 = arith.constant 0 : i32
          %dma_wait3A_135 = tpu.memref_slice %arg15[%dma_wait3A_134] : memref<28816xf32, #tpu.memory_space<vmem_shared>> -> memref<28816xf32, #tpu.memory_space<vmem_shared>>
          tpu.wait_indirect_dma semaphore(%arg18 : memref<!tpu.dma_semaphore, #tpu.memory_space<semaphore_mem>>) src(%arg13 : memref<128xf32, #tpu.memory_space<vmem>>) dst(%dma_wait3A_135 : memref<28816xf32, #tpu.memory_space<vmem_shared>>)
        }
        %scan3A_129 = arith.constant 48 : i32
      } else {
      }
      %scan3A_89 = arith.constant 0 : i32
      %scan3A_90 = arith.constant 0 : i32
      %scan3A_91 = arith.constant 6 : i32
      %scan3A_92 = arith.addi %scan3A_90, %scan3A_91 : i32
      %scan3A_93 = arith.constant 1 : i32
      scf.for %scan3A_124 = %scan3A_90 to %scan3A_92 step %scan3A_93  : i32 {
        %mul3A_125 = arith.constant 64 : i32
        %mul3A_126 = arith.muli %scan3A_124, %mul3A_125 : i32
        %add3A_127 = arith.constant 1 : i32
        %add3A_128 = arith.addi %scan3A_124, %add3A_127 : i32
        %mul3A_129 = arith.constant 64 : i32
        %mul3A_130 = arith.muli %add3A_128, %mul3A_129 : i32
        %parallel_loop3A_131 = arith.constant 1 : i32
        scf.for %parallel_loop3A_144 = %mul3A_126 to %mul3A_130 step %parallel_loop3A_131  : i32 {
          %parallel_loop3A_145 = arith.constant 16 : i32
          %parallel_loop3A_146 = arith.muli %parallel_loop3A_144, %parallel_loop3A_145 : i32
          %parallel_loop3A_147 = arith.index_cast %parallel_loop3A_146 : i32 to index
          %parallel_loop3A_148 = tpu.vector_load %arg7[%parallel_loop3A_147] {strides = array<i32>} : memref<8192xf32, #tpu.memory_space<vmem>>, vector<16xf32>,
          %parallel_loop3A_149 = arith.constant 16 : i32
          %parallel_loop3A_150 = arith.muli %parallel_loop3A_144, %parallel_loop3A_149 : i32
          %parallel_loop3A_151 = arith.index_cast %parallel_loop3A_150 : i32 to index
          %parallel_loop3A_152 = tpu.vector_load %arg8[%parallel_loop3A_151] {strides = array<i32>} : memref<8192xi32, #tpu.memory_space<vmem>>, vector<16xi32>,
          %parallel_loop3A_153 = arith.constant 0.000000e+00 : f32
          %parallel_loop3A_154 = vector.broadcast %parallel_loop3A_153 : f32 to vector<16xf32>
          %parallel_loop3A_155 = arith.maximumf %parallel_loop3A_148, %parallel_loop3A_154 : vector<16xf32>
          %parallel_loop3A_156 = arith.constant 0.999998986 : f32
          %parallel_loop3A_157 = vector.broadcast %parallel_loop3A_156 : f32 to vector<16xf32>
          %parallel_loop3A_158 = arith.minimumf %parallel_loop3A_155, %parallel_loop3A_157 : vector<16xf32>
          %parallel_loop3A_159 = arith.constant 1.000000e+00 : f32
          %parallel_loop3A_160 = vector.broadcast %parallel_loop3A_159 : f32 to vector<16xf32>
          %parallel_loop3A_161 = arith.subf %parallel_loop3A_160, %parallel_loop3A_158 : vector<16xf32>
          %parallel_loop3A_162 = arith.constant 5.000000e-01 : f32
          %parallel_loop3A_163 = vector.broadcast %parallel_loop3A_162 : f32 to vector<16xf32>
          %parallel_loop3A_164 = arith.mulf %parallel_loop3A_163, %parallel_loop3A_161 : vector<16xf32>
          %parallel_loop3A_165 = tpu.bitcast %parallel_loop3A_161 : vector<16xf32> -> vector<16xi32>
          %parallel_loop3A_166 = arith.constant 1 : i32
          %parallel_loop3A_167 = vector.broadcast %parallel_loop3A_166 : i32 to vector<16xi32>
          %parallel_loop3A_168 = arith.shrsi %parallel_loop3A_165, %parallel_loop3A_167 : vector<16xi32>
          %parallel_loop3A_169 = arith.constant 1597463007 : i32
          %parallel_loop3A_170 = vector.broadcast %parallel_loop3A_169 : i32 to vector<16xi32>
          %parallel_loop3A_171 = arith.subi %parallel_loop3A_170, %parallel_loop3A_168 : vector<16xi32>
          %parallel_loop3A_172 = tpu.bitcast %parallel_loop3A_171 : vector<16xi32> -> vector<16xf32>
          %parallel_loop3A_173 = arith.mulf %parallel_loop3A_164, %parallel_loop3A_172 : vector<16xf32>
          %parallel_loop3A_174 = arith.mulf %parallel_loop3A_173, %parallel_loop3A_172 : vector<16xf32>
          %parallel_loop3A_175 = arith.constant 1.500000e+00 : f32
          %parallel_loop3A_176 = vector.broadcast %parallel_loop3A_175 : f32 to vector<16xf32>
          %parallel_loop3A_177 = arith.subf %parallel_loop3A_176, %parallel_loop3A_174 : vector<16xf32>
          %parallel_loop3A_178 = arith.mulf %parallel_loop3A_172, %parallel_loop3A_177 : vector<16xf32>
          %parallel_loop3A_179 = arith.mulf %parallel_loop3A_164, %parallel_loop3A_178 : vector<16xf32>
          %parallel_loop3A_180 = arith.mulf %parallel_loop3A_179, %parallel_loop3A_178 : vector<16xf32>
          %parallel_loop3A_181 = arith.constant 1.500000e+00 : f32
          %parallel_loop3A_182 = vector.broadcast %parallel_loop3A_181 : f32 to vector<16xf32>
          %parallel_loop3A_183 = arith.subf %parallel_loop3A_182, %parallel_loop3A_180 : vector<16xf32>
          %parallel_loop3A_184 = arith.mulf %parallel_loop3A_178, %parallel_loop3A_183 : vector<16xf32>
          %parallel_loop3A_185 = arith.mulf %parallel_loop3A_164, %parallel_loop3A_184 : vector<16xf32>
          %parallel_loop3A_186 = arith.mulf %parallel_loop3A_185, %parallel_loop3A_184 : vector<16xf32>
          %parallel_loop3A_187 = arith.constant 1.500000e+00 : f32
          %parallel_loop3A_188 = vector.broadcast %parallel_loop3A_187 : f32 to vector<16xf32>
          %parallel_loop3A_189 = arith.subf %parallel_loop3A_188, %parallel_loop3A_186 : vector<16xf32>
          %parallel_loop3A_190 = arith.mulf %parallel_loop3A_184, %parallel_loop3A_189 : vector<16xf32>
          %parallel_loop3A_191 = arith.mulf %parallel_loop3A_161, %parallel_loop3A_190 : vector<16xf32>
          %parallel_loop3A_192 = arith.constant -0.723354101 : f32
          %parallel_loop3A_193 = vector.broadcast %parallel_loop3A_192 : f32 to vector<16xf32>
          %parallel_loop3A_194 = arith.mulf %parallel_loop3A_193, %parallel_loop3A_158 : vector<16xf32>
          %parallel_loop3A_195 = arith.constant 3.821680e+00 : f32
          %parallel_loop3A_196 = vector.broadcast %parallel_loop3A_195 : f32 to vector<16xf32>
          %parallel_loop3A_197 = arith.addf %parallel_loop3A_194, %parallel_loop3A_196 : vector<16xf32>
          %parallel_loop3A_198 = arith.mulf %parallel_loop3A_197, %parallel_loop3A_158 : vector<16xf32>
          %parallel_loop3A_199 = arith.constant -9.79077434 : f32
          %parallel_loop3A_200 = vector.broadcast %parallel_loop3A_199 : f32 to vector<16xf32>
          %parallel_loop3A_201 = arith.addf %parallel_loop3A_198, %parallel_loop3A_200 : vector<16xf32>
          %parallel_loop3A_202 = arith.mulf %parallel_loop3A_201, %parallel_loop3A_158 : vector<16xf32>
          %parallel_loop3A_203 = arith.constant 17.6997433 : f32
          %parallel_loop3A_204 = vector.broadcast %parallel_loop3A_203 : f32 to vector<16xf32>
          %parallel_loop3A_205 = arith.addf %parallel_loop3A_202, %parallel_loop3A_204 : vector<16xf32>
          %parallel_loop3A_206 = arith.mulf %parallel_loop3A_205, %parallel_loop3A_158 : vector<16xf32>
          %parallel_loop3A_207 = arith.constant -28.7477589 : f32
          %parallel_loop3A_208 = vector.broadcast %parallel_loop3A_207 : f32 to vector<16xf32>
          %parallel_loop3A_209 = arith.addf %parallel_loop3A_206, %parallel_loop3A_208 : vector<16xf32>
          %parallel_loop3A_210 = arith.mulf %parallel_loop3A_209, %parallel_loop3A_158 : vector<16xf32>
          %parallel_loop3A_211 = arith.constant 50.981205 : f32
          %parallel_loop3A_212 = vector.broadcast %parallel_loop3A_211 : f32 to vector<16xf32>
          %parallel_loop3A_213 = arith.addf %parallel_loop3A_210, %parallel_loop3A_212 : vector<16xf32>
          %parallel_loop3A_214 = arith.mulf %parallel_loop3A_213, %parallel_loop3A_158 : vector<16xf32>
          %parallel_loop3A_215 = arith.constant -122.956055 : f32
          %parallel_loop3A_216 = vector.broadcast %parallel_loop3A_215 : f32 to vector<16xf32>
          %parallel_loop3A_217 = arith.addf %parallel_loop3A_214, %parallel_loop3A_216 : vector<16xf32>
          %parallel_loop3A_218 = arith.mulf %parallel_loop3A_217, %parallel_loop3A_158 : vector<16xf32>
          %parallel_loop3A_219 = arith.constant 9.000000e+02 : f32
          %parallel_loop3A_220 = vector.broadcast %parallel_loop3A_219 : f32 to vector<16xf32>
          %parallel_loop3A_221 = arith.addf %parallel_loop3A_218, %parallel_loop3A_220 : vector<16xf32>
          %parallel_loop3A_222 = arith.mulf %parallel_loop3A_191, %parallel_loop3A_221 : vector<16xf32>
          %parallel_loop3A_223 = arith.constant 5.000000e-01 : f32
          %parallel_loop3A_224 = vector.broadcast %parallel_loop3A_223 : f32 to vector<16xf32>
          %parallel_loop3A_225 = arith.addf %parallel_loop3A_222, %parallel_loop3A_224 : vector<16xf32>
          %parallel_loop3A_226 = arith.fptosi %parallel_loop3A_225 : vector<16xf32> to vector<16xi32>
          %parallel_loop3A_227 = arith.constant 0 : i32
          %parallel_loop3A_228 = vector.broadcast %parallel_loop3A_227 : i32 to vector<16xi32>
          %parallel_loop3A_229 = arith.maxsi %parallel_loop3A_226, %parallel_loop3A_228 : vector<16xi32>
          %parallel_loop3A_230 = arith.constant 1800 : i32
          %parallel_loop3A_231 = vector.broadcast %parallel_loop3A_230 : i32 to vector<16xi32>
          %parallel_loop3A_232 = arith.minsi %parallel_loop3A_229, %parallel_loop3A_231 : vector<16xi32>
          %parallel_loop3A_233 = arith.constant 1801 : i32
          %parallel_loop3A_234 = vector.broadcast %parallel_loop3A_233 : i32 to vector<16xi32>
          %parallel_loop3A_235 = arith.muli %parallel_loop3A_152, %parallel_loop3A_234 : vector<16xi32>
          %parallel_loop3A_236 = arith.addi %parallel_loop3A_235, %parallel_loop3A_232 : vector<16xi32>
          %parallel_loop3A_237 = arith.constant 3 : i32
          %parallel_loop3A_238 = arith.shrsi %parallel_loop3A_144, %parallel_loop3A_237 : i32
          %parallel_loop3A_239 = arith.constant 7 : i32
          %parallel_loop3A_240 = arith.andi %parallel_loop3A_144, %parallel_loop3A_239 : i32
          %parallel_loop3A_241 = arith.constant 16 : i32
          %parallel_loop3A_242 = arith.muli %parallel_loop3A_240, %parallel_loop3A_241 : i32
          %parallel_loop3A_243 = arith.index_cast %parallel_loop3A_238 : i32 to index
          %parallel_loop3A_244 = arith.index_cast %parallel_loop3A_242 : i32 to index
          %parallel_loop3A_245 = tpu.vector_load %arg11[%parallel_loop3A_243, %parallel_loop3A_244] {strides = array<i32>} : memref<64x128xi32, #tpu.memory_space<vmem>>, vector<16xi32>,
          tpu.vector_store %arg11[%parallel_loop3A_243, %parallel_loop3A_244], %parallel_loop3A_236 {strides = array<i32>} : memref<64x128xi32, #tpu.memory_space<vmem>>, vector<16xi32>,
        } {sc.loop_unroll_factor = 16 : i64, sc.parallel_access}
        %mul3A_132 = arith.constant 8 : i32
        %mul3A_133 = arith.muli %scan3A_124, %mul3A_132 : i32
        %add3A_134 = arith.constant 8 : i32
        %add3A_135 = arith.addi %mul3A_133, %add3A_134 : i32
        %while3A = arith.constant 0 : i32
        %while3A_136 = arith.subi %add3A_135, %mul3A_133 : i32
        %while3A_137 = arith.addi %mul3A_133, %while3A_136 : i32
        %while3A_138 = arith.constant 1 : i32
        %while3A_139 = arith.divsi %while3A_136, %while3A_138 : i32
        %while3A_140 = arith.muli %while3A_139, %while3A_138 : i32
        %while3A_141 = arith.addi %mul3A_133, %while3A_140 : i32
        %while3A_142 = arith.constant 1 : i32
        scf.for %while3A_144 = %mul3A_133 to %while3A_141 step %while3A_142  : i32 {
          %dma_start3A_145 = arith.constant 0 : i32
          %dma_start3A_146 = tpu.memref_slice %arg11[%while3A_144, %dma_start3A_145] : memref<64x128xi32, #tpu.memory_space<vmem>> -> memref<1x128xi32, #tpu.memory_space<vmem>>
          %dma_start3A_147 = tpu.memref_squeeze %dma_start3A_146 : memref<1x128xi32, #tpu.memory_space<vmem>> -> memref<128xi32, #tpu.memory_space<vmem>>
          %dma_start3A_148 = arith.constant 0 : i32
          %dma_start3A_149 = tpu.memref_slice %arg15[%dma_start3A_148] : memref<28816xf32, #tpu.memory_space<vmem_shared>> -> memref<28816xf32, #tpu.memory_space<vmem_shared>>
          tpu.enqueue_indirect_dma source(%arg13 : memref<128xf32, #tpu.memory_space<vmem>>) target(%dma_start3A_149 : memref<28816xf32, #tpu.memory_space<vmem_shared>>) offsets(%dma_start3A_147 : memref<128xi32, #tpu.memory_space<vmem>>) semaphore(%arg18 : memref<!tpu.dma_semaphore, #tpu.memory_space<semaphore_mem>>) {add = true}
        }
        %while3A_143 = arith.constant 1 : i32
        scf.for %while3A_144 = %while3A_141 to %while3A_137 step %while3A_143  : i32 {
          %dma_start3A_145 = arith.constant 0 : i32
          %dma_start3A_146 = tpu.memref_slice %arg11[%while3A_144, %dma_start3A_145] : memref<64x128xi32, #tpu.memory_space<vmem>> -> memref<1x128xi32, #tpu.memory_space<vmem>>
          %dma_start3A_147 = tpu.memref_squeeze %dma_start3A_146 : memref<1x128xi32, #tpu.memory_space<vmem>> -> memref<128xi32, #tpu.memory_space<vmem>>
          %dma_start3A_148 = arith.constant 0 : i32
          %dma_start3A_149 = tpu.memref_slice %arg15[%dma_start3A_148] : memref<28816xf32, #tpu.memory_space<vmem_shared>> -> memref<28816xf32, #tpu.memory_space<vmem_shared>>
          tpu.enqueue_indirect_dma source(%arg13 : memref<128xf32, #tpu.memory_space<vmem>>) target(%dma_start3A_149 : memref<28816xf32, #tpu.memory_space<vmem_shared>>) offsets(%dma_start3A_147 : memref<128xi32, #tpu.memory_space<vmem>>) semaphore(%arg18 : memref<!tpu.dma_semaphore, #tpu.memory_space<semaphore_mem>>) {add = true}
        }
      }
      %scan3A_94 = arith.constant 6 : i32
      %parallel_loop3A = arith.constant 384 : i32
      %parallel_loop3A_95 = arith.constant 512 : i32
      %parallel_loop3A_96 = arith.constant 1 : i32
      scf.for %parallel_loop3A_124 = %parallel_loop3A to %parallel_loop3A_95 step %parallel_loop3A_96  : i32 {
        %parallel_loop3A_125 = arith.constant 16 : i32
        %parallel_loop3A_126 = arith.muli %parallel_loop3A_124, %parallel_loop3A_125 : i32
        %parallel_loop3A_127 = arith.index_cast %parallel_loop3A_126 : i32 to index
        %parallel_loop3A_128 = tpu.vector_load %arg7[%parallel_loop3A_127] {strides = array<i32>} : memref<8192xf32, #tpu.memory_space<vmem>>, vector<16xf32>,
        %parallel_loop3A_129 = arith.constant 16 : i32
        %parallel_loop3A_130 = arith.muli %parallel_loop3A_124, %parallel_loop3A_129 : i32
        %parallel_loop3A_131 = arith.index_cast %parallel_loop3A_130 : i32 to index
        %parallel_loop3A_132 = tpu.vector_load %arg8[%parallel_loop3A_131] {strides = array<i32>} : memref<8192xi32, #tpu.memory_space<vmem>>, vector<16xi32>,
        %parallel_loop3A_133 = arith.constant 0.000000e+00 : f32
        %parallel_loop3A_134 = vector.broadcast %parallel_loop3A_133 : f32 to vector<16xf32>
        %parallel_loop3A_135 = arith.maximumf %parallel_loop3A_128, %parallel_loop3A_134 : vector<16xf32>
        %parallel_loop3A_136 = arith.constant 0.999998986 : f32
        %parallel_loop3A_137 = vector.broadcast %parallel_loop3A_136 : f32 to vector<16xf32>
        %parallel_loop3A_138 = arith.minimumf %parallel_loop3A_135, %parallel_loop3A_137 : vector<16xf32>
        %parallel_loop3A_139 = arith.constant 1.000000e+00 : f32
        %parallel_loop3A_140 = vector.broadcast %parallel_loop3A_139 : f32 to vector<16xf32>
        %parallel_loop3A_141 = arith.subf %parallel_loop3A_140, %parallel_loop3A_138 : vector<16xf32>
        %parallel_loop3A_142 = arith.constant 5.000000e-01 : f32
        %parallel_loop3A_143 = vector.broadcast %parallel_loop3A_142 : f32 to vector<16xf32>
        %parallel_loop3A_144 = arith.mulf %parallel_loop3A_143, %parallel_loop3A_141 : vector<16xf32>
        %parallel_loop3A_145 = tpu.bitcast %parallel_loop3A_141 : vector<16xf32> -> vector<16xi32>
        %parallel_loop3A_146 = arith.constant 1 : i32
        %parallel_loop3A_147 = vector.broadcast %parallel_loop3A_146 : i32 to vector<16xi32>
        %parallel_loop3A_148 = arith.shrsi %parallel_loop3A_145, %parallel_loop3A_147 : vector<16xi32>
        %parallel_loop3A_149 = arith.constant 1597463007 : i32
        %parallel_loop3A_150 = vector.broadcast %parallel_loop3A_149 : i32 to vector<16xi32>
        %parallel_loop3A_151 = arith.subi %parallel_loop3A_150, %parallel_loop3A_148 : vector<16xi32>
        %parallel_loop3A_152 = tpu.bitcast %parallel_loop3A_151 : vector<16xi32> -> vector<16xf32>
        %parallel_loop3A_153 = arith.mulf %parallel_loop3A_144, %parallel_loop3A_152 : vector<16xf32>
        %parallel_loop3A_154 = arith.mulf %parallel_loop3A_153, %parallel_loop3A_152 : vector<16xf32>
        %parallel_loop3A_155 = arith.constant 1.500000e+00 : f32
        %parallel_loop3A_156 = vector.broadcast %parallel_loop3A_155 : f32 to vector<16xf32>
        %parallel_loop3A_157 = arith.subf %parallel_loop3A_156, %parallel_loop3A_154 : vector<16xf32>
        %parallel_loop3A_158 = arith.mulf %parallel_loop3A_152, %parallel_loop3A_157 : vector<16xf32>
        %parallel_loop3A_159 = arith.mulf %parallel_loop3A_144, %parallel_loop3A_158 : vector<16xf32>
        %parallel_loop3A_160 = arith.mulf %parallel_loop3A_159, %parallel_loop3A_158 : vector<16xf32>
        %parallel_loop3A_161 = arith.constant 1.500000e+00 : f32
        %parallel_loop3A_162 = vector.broadcast %parallel_loop3A_161 : f32 to vector<16xf32>
        %parallel_loop3A_163 = arith.subf %parallel_loop3A_162, %parallel_loop3A_160 : vector<16xf32>
        %parallel_loop3A_164 = arith.mulf %parallel_loop3A_158, %parallel_loop3A_163 : vector<16xf32>
        %parallel_loop3A_165 = arith.mulf %parallel_loop3A_144, %parallel_loop3A_164 : vector<16xf32>
        %parallel_loop3A_166 = arith.mulf %parallel_loop3A_165, %parallel_loop3A_164 : vector<16xf32>
        %parallel_loop3A_167 = arith.constant 1.500000e+00 : f32
        %parallel_loop3A_168 = vector.broadcast %parallel_loop3A_167 : f32 to vector<16xf32>
        %parallel_loop3A_169 = arith.subf %parallel_loop3A_168, %parallel_loop3A_166 : vector<16xf32>
        %parallel_loop3A_170 = arith.mulf %parallel_loop3A_164, %parallel_loop3A_169 : vector<16xf32>
        %parallel_loop3A_171 = arith.mulf %parallel_loop3A_141, %parallel_loop3A_170 : vector<16xf32>
        %parallel_loop3A_172 = arith.constant -0.723354101 : f32
        %parallel_loop3A_173 = vector.broadcast %parallel_loop3A_172 : f32 to vector<16xf32>
        %parallel_loop3A_174 = arith.mulf %parallel_loop3A_173, %parallel_loop3A_138 : vector<16xf32>
        %parallel_loop3A_175 = arith.constant 3.821680e+00 : f32
        %parallel_loop3A_176 = vector.broadcast %parallel_loop3A_175 : f32 to vector<16xf32>
        %parallel_loop3A_177 = arith.addf %parallel_loop3A_174, %parallel_loop3A_176 : vector<16xf32>
        %parallel_loop3A_178 = arith.mulf %parallel_loop3A_177, %parallel_loop3A_138 : vector<16xf32>
        %parallel_loop3A_179 = arith.constant -9.79077434 : f32
        %parallel_loop3A_180 = vector.broadcast %parallel_loop3A_179 : f32 to vector<16xf32>
        %parallel_loop3A_181 = arith.addf %parallel_loop3A_178, %parallel_loop3A_180 : vector<16xf32>
        %parallel_loop3A_182 = arith.mulf %parallel_loop3A_181, %parallel_loop3A_138 : vector<16xf32>
        %parallel_loop3A_183 = arith.constant 17.6997433 : f32
        %parallel_loop3A_184 = vector.broadcast %parallel_loop3A_183 : f32 to vector<16xf32>
        %parallel_loop3A_185 = arith.addf %parallel_loop3A_182, %parallel_loop3A_184 : vector<16xf32>
        %parallel_loop3A_186 = arith.mulf %parallel_loop3A_185, %parallel_loop3A_138 : vector<16xf32>
        %parallel_loop3A_187 = arith.constant -28.7477589 : f32
        %parallel_loop3A_188 = vector.broadcast %parallel_loop3A_187 : f32 to vector<16xf32>
        %parallel_loop3A_189 = arith.addf %parallel_loop3A_186, %parallel_loop3A_188 : vector<16xf32>
        %parallel_loop3A_190 = arith.mulf %parallel_loop3A_189, %parallel_loop3A_138 : vector<16xf32>
        %parallel_loop3A_191 = arith.constant 50.981205 : f32
        %parallel_loop3A_192 = vector.broadcast %parallel_loop3A_191 : f32 to vector<16xf32>
        %parallel_loop3A_193 = arith.addf %parallel_loop3A_190, %parallel_loop3A_192 : vector<16xf32>
        %parallel_loop3A_194 = arith.mulf %parallel_loop3A_193, %parallel_loop3A_138 : vector<16xf32>
        %parallel_loop3A_195 = arith.constant -122.956055 : f32
        %parallel_loop3A_196 = vector.broadcast %parallel_loop3A_195 : f32 to vector<16xf32>
        %parallel_loop3A_197 = arith.addf %parallel_loop3A_194, %parallel_loop3A_196 : vector<16xf32>
        %parallel_loop3A_198 = arith.mulf %parallel_loop3A_197, %parallel_loop3A_138 : vector<16xf32>
        %parallel_loop3A_199 = arith.constant 9.000000e+02 : f32
        %parallel_loop3A_200 = vector.broadcast %parallel_loop3A_199 : f32 to vector<16xf32>
        %parallel_loop3A_201 = arith.addf %parallel_loop3A_198, %parallel_loop3A_200 : vector<16xf32>
        %parallel_loop3A_202 = arith.mulf %parallel_loop3A_171, %parallel_loop3A_201 : vector<16xf32>
        %parallel_loop3A_203 = arith.constant 5.000000e-01 : f32
        %parallel_loop3A_204 = vector.broadcast %parallel_loop3A_203 : f32 to vector<16xf32>
        %parallel_loop3A_205 = arith.addf %parallel_loop3A_202, %parallel_loop3A_204 : vector<16xf32>
        %parallel_loop3A_206 = arith.fptosi %parallel_loop3A_205 : vector<16xf32> to vector<16xi32>
        %parallel_loop3A_207 = arith.constant 0 : i32
        %parallel_loop3A_208 = vector.broadcast %parallel_loop3A_207 : i32 to vector<16xi32>
        %parallel_loop3A_209 = arith.maxsi %parallel_loop3A_206, %parallel_loop3A_208 : vector<16xi32>
        %parallel_loop3A_210 = arith.constant 1800 : i32
        %parallel_loop3A_211 = vector.broadcast %parallel_loop3A_210 : i32 to vector<16xi32>
        %parallel_loop3A_212 = arith.minsi %parallel_loop3A_209, %parallel_loop3A_211 : vector<16xi32>
        %parallel_loop3A_213 = arith.constant 1801 : i32
        %parallel_loop3A_214 = vector.broadcast %parallel_loop3A_213 : i32 to vector<16xi32>
        %parallel_loop3A_215 = arith.muli %parallel_loop3A_132, %parallel_loop3A_214 : vector<16xi32>
        %parallel_loop3A_216 = arith.addi %parallel_loop3A_215, %parallel_loop3A_212 : vector<16xi32>
        tpu.vector_store_idx %arg14[%parallel_loop3A_216], %broadcast_in_dim3A_5 {add = true} : memref<28816xf32, #tpu.memory_space<vmem>>[vector<16xi32>], vector<16xf32>,
      } {sc.loop_unroll_factor = 16 : i64, sc.parallel_access}
      %add3A_97 = arith.constant 1 : i32
      %add3A_98 = arith.addi %mul3A_69, %add3A_97 : i32
      %mul3A_99 = arith.constant 8192 : i32
      %mul3A_100 = arith.muli %add3A_98, %mul3A_99 : i32
      %add3A_101 = arith.addi %mul3A_2, %mul3A_100 : i32
      %dma_wait3A_102 = tpu.memref_slice %arg2[%add3A_101] : memref<8388608xf32, #tpu.memory_space<hbm>> -> memref<8192xf32, #tpu.memory_space<hbm>>
      %dma_wait3A_103 = tpu.memref_slice %arg2[%add3A_101] : memref<8388608xf32, #tpu.memory_space<hbm>> -> memref<8192xf32, #tpu.memory_space<hbm>>
      tpu.wait_dma2 semaphore(%arg17 : memref<!tpu.dma_semaphore, #tpu.memory_space<semaphore_mem>>) src(%dma_wait3A_103 : memref<8192xf32, #tpu.memory_space<hbm>>) dst(%arg9 : memref<8192xf32, #tpu.memory_space<vmem>>)
      %dma_wait3A_104 = tpu.memref_slice %arg3[%add3A_101] : memref<8388608xi32, #tpu.memory_space<hbm>> -> memref<8192xi32, #tpu.memory_space<hbm>>
      %dma_wait3A_105 = tpu.memref_slice %arg3[%add3A_101] : memref<8388608xi32, #tpu.memory_space<hbm>> -> memref<8192xi32, #tpu.memory_space<hbm>>
      tpu.wait_dma2 semaphore(%arg17 : memref<!tpu.dma_semaphore, #tpu.memory_space<semaphore_mem>>) src(%dma_wait3A_105 : memref<8192xi32, #tpu.memory_space<hbm>>) dst(%arg10 : memref<8192xi32, #tpu.memory_space<vmem>>)
      %lt3A = arith.constant 15 : i32
      %lt3A_106 = arith.cmpi slt, %scan3A_67, %lt3A : i32
      %convert_element_type3A_107 = arith.extui %lt3A_106 : i1 to i32
      %cond3A_108 = arith.constant 0 : i32
      %cond3A_109 = arith.cmpi ne, %convert_element_type3A_107, %cond3A_108 : i32
      scf.if %cond3A_109 {
        %add3A_124 = arith.constant 2 : i32
        %add3A_125 = arith.addi %mul3A_69, %add3A_124 : i32
        %mul3A_126 = arith.constant 8192 : i32
        %mul3A_127 = arith.muli %add3A_125, %mul3A_126 : i32
        %add3A_128 = arith.addi %mul3A_2, %mul3A_127 : i32
        %dma_start3A_129 = tpu.memref_slice %arg2[%add3A_128] : memref<8388608xf32, #tpu.memory_space<hbm>> -> memref<8192xf32, #tpu.memory_space<hbm>>
        %dma_start3A_130 = tpu.memref_slice %arg2[%add3A_128] : memref<8388608xf32, #tpu.memory_space<hbm>> -> memref<8192xf32, #tpu.memory_space<hbm>>
        tpu.enqueue_dma source(%dma_start3A_130 : memref<8192xf32, #tpu.memory_space<hbm>>) target(%arg7 : memref<8192xf32, #tpu.memory_space<vmem>>) target_semaphore(%arg16 : memref<!tpu.dma_semaphore, #tpu.memory_space<semaphore_mem>>)
        %dma_start3A_131 = tpu.memref_slice %arg3[%add3A_128] : memref<8388608xi32, #tpu.memory_space<hbm>> -> memref<8192xi32, #tpu.memory_space<hbm>>
        %dma_start3A_132 = tpu.memref_slice %arg3[%add3A_128] : memref<8388608xi32, #tpu.memory_space<hbm>> -> memref<8192xi32, #tpu.memory_space<hbm>>
        tpu.enqueue_dma source(%dma_start3A_132 : memref<8192xi32, #tpu.memory_space<hbm>>) target(%arg8 : memref<8192xi32, #tpu.memory_space<vmem>>) target_semaphore(%arg16 : memref<!tpu.dma_semaphore, #tpu.memory_space<semaphore_mem>>)
      } else {
      }
      %gt3A_110 = arith.constant 0 : i32
      %gt3A_111 = arith.cmpi sgt, %scan3A_67, %gt3A_110 : i32
      %convert_element_type3A_112 = arith.extui %gt3A_111 : i1 to i32
      %cond3A_113 = arith.constant 0 : i32
      %cond3A_114 = arith.cmpi ne, %convert_element_type3A_112, %cond3A_113 : i32
      scf.if %cond3A_114 {
        %scan3A_124 = arith.constant 0 : i32
        %scan3A_125 = arith.constant 0 : i32
        %scan3A_126 = arith.constant 48 : i32
        %scan3A_127 = arith.addi %scan3A_125, %scan3A_126 : i32
        %scan3A_128 = arith.constant 1 : i32
        scf.for %scan3A_130 = %scan3A_125 to %scan3A_127 step %scan3A_128  : i32 {
          %dma_wait3A_131 = arith.constant 0 : i32
          %dma_wait3A_132 = tpu.memref_slice %arg12[%scan3A_130, %dma_wait3A_131] : memref<64x128xi32, #tpu.memory_space<vmem>> -> memref<1x128xi32, #tpu.memory_space<vmem>>
          %dma_wait3A_133 = tpu.memref_squeeze %dma_wait3A_132 : memref<1x128xi32, #tpu.memory_space<vmem>> -> memref<128xi32, #tpu.memory_space<vmem>>
          %dma_wait3A_134 = arith.constant 0 : i32
          %dma_wait3A_135 = tpu.memref_slice %arg15[%dma_wait3A_134] : memref<28816xf32, #tpu.memory_space<vmem_shared>> -> memref<28816xf32, #tpu.memory_space<vmem_shared>>
          tpu.wait_indirect_dma semaphore(%arg19 : memref<!tpu.dma_semaphore, #tpu.memory_space<semaphore_mem>>) src(%arg13 : memref<128xf32, #tpu.memory_space<vmem>>) dst(%dma_wait3A_135 : memref<28816xf32, #tpu.memory_space<vmem_shared>>)
        }
        %scan3A_129 = arith.constant 48 : i32
      } else {
      }
      %scan3A_115 = arith.constant 0 : i32
      %scan3A_116 = arith.constant 0 : i32
      %scan3A_117 = arith.constant 6 : i32
      %scan3A_118 = arith.addi %scan3A_116, %scan3A_117 : i32
      %scan3A_119 = arith.constant 1 : i32
      scf.for %scan3A_124 = %scan3A_116 to %scan3A_118 step %scan3A_119  : i32 {
        %mul3A_125 = arith.constant 64 : i32
        %mul3A_126 = arith.muli %scan3A_124, %mul3A_125 : i32
        %add3A_127 = arith.constant 1 : i32
        %add3A_128 = arith.addi %scan3A_124, %add3A_127 : i32
        %mul3A_129 = arith.constant 64 : i32
        %mul3A_130 = arith.muli %add3A_128, %mul3A_129 : i32
        %parallel_loop3A_131 = arith.constant 1 : i32
        scf.for %parallel_loop3A_144 = %mul3A_126 to %mul3A_130 step %parallel_loop3A_131  : i32 {
          %parallel_loop3A_145 = arith.constant 16 : i32
          %parallel_loop3A_146 = arith.muli %parallel_loop3A_144, %parallel_loop3A_145 : i32
          %parallel_loop3A_147 = arith.index_cast %parallel_loop3A_146 : i32 to index
          %parallel_loop3A_148 = tpu.vector_load %arg9[%parallel_loop3A_147] {strides = array<i32>} : memref<8192xf32, #tpu.memory_space<vmem>>, vector<16xf32>,
          %parallel_loop3A_149 = arith.constant 16 : i32
          %parallel_loop3A_150 = arith.muli %parallel_loop3A_144, %parallel_loop3A_149 : i32
          %parallel_loop3A_151 = arith.index_cast %parallel_loop3A_150 : i32 to index
          %parallel_loop3A_152 = tpu.vector_load %arg10[%parallel_loop3A_151] {strides = array<i32>} : memref<8192xi32, #tpu.memory_space<vmem>>, vector<16xi32>,
          %parallel_loop3A_153 = arith.constant 0.000000e+00 : f32
          %parallel_loop3A_154 = vector.broadcast %parallel_loop3A_153 : f32 to vector<16xf32>
          %parallel_loop3A_155 = arith.maximumf %parallel_loop3A_148, %parallel_loop3A_154 : vector<16xf32>
          %parallel_loop3A_156 = arith.constant 0.999998986 : f32
          %parallel_loop3A_157 = vector.broadcast %parallel_loop3A_156 : f32 to vector<16xf32>
          %parallel_loop3A_158 = arith.minimumf %parallel_loop3A_155, %parallel_loop3A_157 : vector<16xf32>
          %parallel_loop3A_159 = arith.constant 1.000000e+00 : f32
          %parallel_loop3A_160 = vector.broadcast %parallel_loop3A_159 : f32 to vector<16xf32>
          %parallel_loop3A_161 = arith.subf %parallel_loop3A_160, %parallel_loop3A_158 : vector<16xf32>
          %parallel_loop3A_162 = arith.constant 5.000000e-01 : f32
          %parallel_loop3A_163 = vector.broadcast %parallel_loop3A_162 : f32 to vector<16xf32>
          %parallel_loop3A_164 = arith.mulf %parallel_loop3A_163, %parallel_loop3A_161 : vector<16xf32>
          %parallel_loop3A_165 = tpu.bitcast %parallel_loop3A_161 : vector<16xf32> -> vector<16xi32>
          %parallel_loop3A_166 = arith.constant 1 : i32
          %parallel_loop3A_167 = vector.broadcast %parallel_loop3A_166 : i32 to vector<16xi32>
          %parallel_loop3A_168 = arith.shrsi %parallel_loop3A_165, %parallel_loop3A_167 : vector<16xi32>
          %parallel_loop3A_169 = arith.constant 1597463007 : i32
          %parallel_loop3A_170 = vector.broadcast %parallel_loop3A_169 : i32 to vector<16xi32>
          %parallel_loop3A_171 = arith.subi %parallel_loop3A_170, %parallel_loop3A_168 : vector<16xi32>
          %parallel_loop3A_172 = tpu.bitcast %parallel_loop3A_171 : vector<16xi32> -> vector<16xf32>
          %parallel_loop3A_173 = arith.mulf %parallel_loop3A_164, %parallel_loop3A_172 : vector<16xf32>
          %parallel_loop3A_174 = arith.mulf %parallel_loop3A_173, %parallel_loop3A_172 : vector<16xf32>
          %parallel_loop3A_175 = arith.constant 1.500000e+00 : f32
          %parallel_loop3A_176 = vector.broadcast %parallel_loop3A_175 : f32 to vector<16xf32>
          %parallel_loop3A_177 = arith.subf %parallel_loop3A_176, %parallel_loop3A_174 : vector<16xf32>
          %parallel_loop3A_178 = arith.mulf %parallel_loop3A_172, %parallel_loop3A_177 : vector<16xf32>
          %parallel_loop3A_179 = arith.mulf %parallel_loop3A_164, %parallel_loop3A_178 : vector<16xf32>
          %parallel_loop3A_180 = arith.mulf %parallel_loop3A_179, %parallel_loop3A_178 : vector<16xf32>
          %parallel_loop3A_181 = arith.constant 1.500000e+00 : f32
          %parallel_loop3A_182 = vector.broadcast %parallel_loop3A_181 : f32 to vector<16xf32>
          %parallel_loop3A_183 = arith.subf %parallel_loop3A_182, %parallel_loop3A_180 : vector<16xf32>
          %parallel_loop3A_184 = arith.mulf %parallel_loop3A_178, %parallel_loop3A_183 : vector<16xf32>
          %parallel_loop3A_185 = arith.mulf %parallel_loop3A_164, %parallel_loop3A_184 : vector<16xf32>
          %parallel_loop3A_186 = arith.mulf %parallel_loop3A_185, %parallel_loop3A_184 : vector<16xf32>
          %parallel_loop3A_187 = arith.constant 1.500000e+00 : f32
          %parallel_loop3A_188 = vector.broadcast %parallel_loop3A_187 : f32 to vector<16xf32>
          %parallel_loop3A_189 = arith.subf %parallel_loop3A_188, %parallel_loop3A_186 : vector<16xf32>
          %parallel_loop3A_190 = arith.mulf %parallel_loop3A_184, %parallel_loop3A_189 : vector<16xf32>
          %parallel_loop3A_191 = arith.mulf %parallel_loop3A_161, %parallel_loop3A_190 : vector<16xf32>
          %parallel_loop3A_192 = arith.constant -0.723354101 : f32
          %parallel_loop3A_193 = vector.broadcast %parallel_loop3A_192 : f32 to vector<16xf32>
          %parallel_loop3A_194 = arith.mulf %parallel_loop3A_193, %parallel_loop3A_158 : vector<16xf32>
          %parallel_loop3A_195 = arith.constant 3.821680e+00 : f32
          %parallel_loop3A_196 = vector.broadcast %parallel_loop3A_195 : f32 to vector<16xf32>
          %parallel_loop3A_197 = arith.addf %parallel_loop3A_194, %parallel_loop3A_196 : vector<16xf32>
          %parallel_loop3A_198 = arith.mulf %parallel_loop3A_197, %parallel_loop3A_158 : vector<16xf32>
          %parallel_loop3A_199 = arith.constant -9.79077434 : f32
          %parallel_loop3A_200 = vector.broadcast %parallel_loop3A_199 : f32 to vector<16xf32>
          %parallel_loop3A_201 = arith.addf %parallel_loop3A_198, %parallel_loop3A_200 : vector<16xf32>
          %parallel_loop3A_202 = arith.mulf %parallel_loop3A_201, %parallel_loop3A_158 : vector<16xf32>
          %parallel_loop3A_203 = arith.constant 17.6997433 : f32
          %parallel_loop3A_204 = vector.broadcast %parallel_loop3A_203 : f32 to vector<16xf32>
          %parallel_loop3A_205 = arith.addf %parallel_loop3A_202, %parallel_loop3A_204 : vector<16xf32>
          %parallel_loop3A_206 = arith.mulf %parallel_loop3A_205, %parallel_loop3A_158 : vector<16xf32>
          %parallel_loop3A_207 = arith.constant -28.7477589 : f32
          %parallel_loop3A_208 = vector.broadcast %parallel_loop3A_207 : f32 to vector<16xf32>
          %parallel_loop3A_209 = arith.addf %parallel_loop3A_206, %parallel_loop3A_208 : vector<16xf32>
          %parallel_loop3A_210 = arith.mulf %parallel_loop3A_209, %parallel_loop3A_158 : vector<16xf32>
          %parallel_loop3A_211 = arith.constant 50.981205 : f32
          %parallel_loop3A_212 = vector.broadcast %parallel_loop3A_211 : f32 to vector<16xf32>
          %parallel_loop3A_213 = arith.addf %parallel_loop3A_210, %parallel_loop3A_212 : vector<16xf32>
          %parallel_loop3A_214 = arith.mulf %parallel_loop3A_213, %parallel_loop3A_158 : vector<16xf32>
          %parallel_loop3A_215 = arith.constant -122.956055 : f32
          %parallel_loop3A_216 = vector.broadcast %parallel_loop3A_215 : f32 to vector<16xf32>
          %parallel_loop3A_217 = arith.addf %parallel_loop3A_214, %parallel_loop3A_216 : vector<16xf32>
          %parallel_loop3A_218 = arith.mulf %parallel_loop3A_217, %parallel_loop3A_158 : vector<16xf32>
          %parallel_loop3A_219 = arith.constant 9.000000e+02 : f32
          %parallel_loop3A_220 = vector.broadcast %parallel_loop3A_219 : f32 to vector<16xf32>
          %parallel_loop3A_221 = arith.addf %parallel_loop3A_218, %parallel_loop3A_220 : vector<16xf32>
          %parallel_loop3A_222 = arith.mulf %parallel_loop3A_191, %parallel_loop3A_221 : vector<16xf32>
          %parallel_loop3A_223 = arith.constant 5.000000e-01 : f32
          %parallel_loop3A_224 = vector.broadcast %parallel_loop3A_223 : f32 to vector<16xf32>
          %parallel_loop3A_225 = arith.addf %parallel_loop3A_222, %parallel_loop3A_224 : vector<16xf32>
          %parallel_loop3A_226 = arith.fptosi %parallel_loop3A_225 : vector<16xf32> to vector<16xi32>
          %parallel_loop3A_227 = arith.constant 0 : i32
          %parallel_loop3A_228 = vector.broadcast %parallel_loop3A_227 : i32 to vector<16xi32>
          %parallel_loop3A_229 = arith.maxsi %parallel_loop3A_226, %parallel_loop3A_228 : vector<16xi32>
          %parallel_loop3A_230 = arith.constant 1800 : i32
          %parallel_loop3A_231 = vector.broadcast %parallel_loop3A_230 : i32 to vector<16xi32>
          %parallel_loop3A_232 = arith.minsi %parallel_loop3A_229, %parallel_loop3A_231 : vector<16xi32>
          %parallel_loop3A_233 = arith.constant 1801 : i32
          %parallel_loop3A_234 = vector.broadcast %parallel_loop3A_233 : i32 to vector<16xi32>
          %parallel_loop3A_235 = arith.muli %parallel_loop3A_152, %parallel_loop3A_234 : vector<16xi32>
          %parallel_loop3A_236 = arith.addi %parallel_loop3A_235, %parallel_loop3A_232 : vector<16xi32>
          %parallel_loop3A_237 = arith.constant 3 : i32
          %parallel_loop3A_238 = arith.shrsi %parallel_loop3A_144, %parallel_loop3A_237 : i32
          %parallel_loop3A_239 = arith.constant 7 : i32
          %parallel_loop3A_240 = arith.andi %parallel_loop3A_144, %parallel_loop3A_239 : i32
          %parallel_loop3A_241 = arith.constant 16 : i32
          %parallel_loop3A_242 = arith.muli %parallel_loop3A_240, %parallel_loop3A_241 : i32
          %parallel_loop3A_243 = arith.index_cast %parallel_loop3A_238 : i32 to index
          %parallel_loop3A_244 = arith.index_cast %parallel_loop3A_242 : i32 to index
          %parallel_loop3A_245 = tpu.vector_load %arg12[%parallel_loop3A_243, %parallel_loop3A_244] {strides = array<i32>} : memref<64x128xi32, #tpu.memory_space<vmem>>, vector<16xi32>,
          tpu.vector_store %arg12[%parallel_loop3A_243, %parallel_loop3A_244], %parallel_loop3A_236 {strides = array<i32>} : memref<64x128xi32, #tpu.memory_space<vmem>>, vector<16xi32>,
        } {sc.loop_unroll_factor = 16 : i64, sc.parallel_access}
        %mul3A_132 = arith.constant 8 : i32
        %mul3A_133 = arith.muli %scan3A_124, %mul3A_132 : i32
        %add3A_134 = arith.constant 8 : i32
        %add3A_135 = arith.addi %mul3A_133, %add3A_134 : i32
        %while3A = arith.constant 0 : i32
        %while3A_136 = arith.subi %add3A_135, %mul3A_133 : i32
        %while3A_137 = arith.addi %mul3A_133, %while3A_136 : i32
        %while3A_138 = arith.constant 1 : i32
        %while3A_139 = arith.divsi %while3A_136, %while3A_138 : i32
        %while3A_140 = arith.muli %while3A_139, %while3A_138 : i32
        %while3A_141 = arith.addi %mul3A_133, %while3A_140 : i32
        %while3A_142 = arith.constant 1 : i32
        scf.for %while3A_144 = %mul3A_133 to %while3A_141 step %while3A_142  : i32 {
          %dma_start3A_145 = arith.constant 0 : i32
          %dma_start3A_146 = tpu.memref_slice %arg12[%while3A_144, %dma_start3A_145] : memref<64x128xi32, #tpu.memory_space<vmem>> -> memref<1x128xi32, #tpu.memory_space<vmem>>
          %dma_start3A_147 = tpu.memref_squeeze %dma_start3A_146 : memref<1x128xi32, #tpu.memory_space<vmem>> -> memref<128xi32, #tpu.memory_space<vmem>>
          %dma_start3A_148 = arith.constant 0 : i32
          %dma_start3A_149 = tpu.memref_slice %arg15[%dma_start3A_148] : memref<28816xf32, #tpu.memory_space<vmem_shared>> -> memref<28816xf32, #tpu.memory_space<vmem_shared>>
          tpu.enqueue_indirect_dma source(%arg13 : memref<128xf32, #tpu.memory_space<vmem>>) target(%dma_start3A_149 : memref<28816xf32, #tpu.memory_space<vmem_shared>>) offsets(%dma_start3A_147 : memref<128xi32, #tpu.memory_space<vmem>>) semaphore(%arg19 : memref<!tpu.dma_semaphore, #tpu.memory_space<semaphore_mem>>) {add = true}
        }
        %while3A_143 = arith.constant 1 : i32
        scf.for %while3A_144 = %while3A_141 to %while3A_137 step %while3A_143  : i32 {
          %dma_start3A_145 = arith.constant 0 : i32
          %dma_start3A_146 = tpu.memref_slice %arg12[%while3A_144, %dma_start3A_145] : memref<64x128xi32, #tpu.memory_space<vmem>> -> memref<1x128xi32, #tpu.memory_space<vmem>>
          %dma_start3A_147 = tpu.memref_squeeze %dma_start3A_146 : memref<1x128xi32, #tpu.memory_space<vmem>> -> memref<128xi32, #tpu.memory_space<vmem>>
          %dma_start3A_148 = arith.constant 0 : i32
          %dma_start3A_149 = tpu.memref_slice %arg15[%dma_start3A_148] : memref<28816xf32, #tpu.memory_space<vmem_shared>> -> memref<28816xf32, #tpu.memory_space<vmem_shared>>
          tpu.enqueue_indirect_dma source(%arg13 : memref<128xf32, #tpu.memory_space<vmem>>) target(%dma_start3A_149 : memref<28816xf32, #tpu.memory_space<vmem_shared>>) offsets(%dma_start3A_147 : memref<128xi32, #tpu.memory_space<vmem>>) semaphore(%arg19 : memref<!tpu.dma_semaphore, #tpu.memory_space<semaphore_mem>>) {add = true}
        }
      }
      %scan3A_120 = arith.constant 6 : i32
      %parallel_loop3A_121 = arith.constant 384 : i32
      %parallel_loop3A_122 = arith.constant 512 : i32
      %parallel_loop3A_123 = arith.constant 1 : i32
      scf.for %parallel_loop3A_124 = %parallel_loop3A_121 to %parallel_loop3A_122 step %parallel_loop3A_123  : i32 {
        %parallel_loop3A_125 = arith.constant 16 : i32
        %parallel_loop3A_126 = arith.muli %parallel_loop3A_124, %parallel_loop3A_125 : i32
        %parallel_loop3A_127 = arith.index_cast %parallel_loop3A_126 : i32 to index
        %parallel_loop3A_128 = tpu.vector_load %arg9[%parallel_loop3A_127] {strides = array<i32>} : memref<8192xf32, #tpu.memory_space<vmem>>, vector<16xf32>,
        %parallel_loop3A_129 = arith.constant 16 : i32
        %parallel_loop3A_130 = arith.muli %parallel_loop3A_124, %parallel_loop3A_129 : i32
        %parallel_loop3A_131 = arith.index_cast %parallel_loop3A_130 : i32 to index
        %parallel_loop3A_132 = tpu.vector_load %arg10[%parallel_loop3A_131] {strides = array<i32>} : memref<8192xi32, #tpu.memory_space<vmem>>, vector<16xi32>,
        %parallel_loop3A_133 = arith.constant 0.000000e+00 : f32
        %parallel_loop3A_134 = vector.broadcast %parallel_loop3A_133 : f32 to vector<16xf32>
        %parallel_loop3A_135 = arith.maximumf %parallel_loop3A_128, %parallel_loop3A_134 : vector<16xf32>
        %parallel_loop3A_136 = arith.constant 0.999998986 : f32
        %parallel_loop3A_137 = vector.broadcast %parallel_loop3A_136 : f32 to vector<16xf32>
        %parallel_loop3A_138 = arith.minimumf %parallel_loop3A_135, %parallel_loop3A_137 : vector<16xf32>
        %parallel_loop3A_139 = arith.constant 1.000000e+00 : f32
        %parallel_loop3A_140 = vector.broadcast %parallel_loop3A_139 : f32 to vector<16xf32>
        %parallel_loop3A_141 = arith.subf %parallel_loop3A_140, %parallel_loop3A_138 : vector<16xf32>
        %parallel_loop3A_142 = arith.constant 5.000000e-01 : f32
        %parallel_loop3A_143 = vector.broadcast %parallel_loop3A_142 : f32 to vector<16xf32>
        %parallel_loop3A_144 = arith.mulf %parallel_loop3A_143, %parallel_loop3A_141 : vector<16xf32>
        %parallel_loop3A_145 = tpu.bitcast %parallel_loop3A_141 : vector<16xf32> -> vector<16xi32>
        %parallel_loop3A_146 = arith.constant 1 : i32
        %parallel_loop3A_147 = vector.broadcast %parallel_loop3A_146 : i32 to vector<16xi32>
        %parallel_loop3A_148 = arith.shrsi %parallel_loop3A_145, %parallel_loop3A_147 : vector<16xi32>
        %parallel_loop3A_149 = arith.constant 1597463007 : i32
        %parallel_loop3A_150 = vector.broadcast %parallel_loop3A_149 : i32 to vector<16xi32>
        %parallel_loop3A_151 = arith.subi %parallel_loop3A_150, %parallel_loop3A_148 : vector<16xi32>
        %parallel_loop3A_152 = tpu.bitcast %parallel_loop3A_151 : vector<16xi32> -> vector<16xf32>
        %parallel_loop3A_153 = arith.mulf %parallel_loop3A_144, %parallel_loop3A_152 : vector<16xf32>
        %parallel_loop3A_154 = arith.mulf %parallel_loop3A_153, %parallel_loop3A_152 : vector<16xf32>
        %parallel_loop3A_155 = arith.constant 1.500000e+00 : f32
        %parallel_loop3A_156 = vector.broadcast %parallel_loop3A_155 : f32 to vector<16xf32>
        %parallel_loop3A_157 = arith.subf %parallel_loop3A_156, %parallel_loop3A_154 : vector<16xf32>
        %parallel_loop3A_158 = arith.mulf %parallel_loop3A_152, %parallel_loop3A_157 : vector<16xf32>
        %parallel_loop3A_159 = arith.mulf %parallel_loop3A_144, %parallel_loop3A_158 : vector<16xf32>
        %parallel_loop3A_160 = arith.mulf %parallel_loop3A_159, %parallel_loop3A_158 : vector<16xf32>
        %parallel_loop3A_161 = arith.constant 1.500000e+00 : f32
        %parallel_loop3A_162 = vector.broadcast %parallel_loop3A_161 : f32 to vector<16xf32>
        %parallel_loop3A_163 = arith.subf %parallel_loop3A_162, %parallel_loop3A_160 : vector<16xf32>
        %parallel_loop3A_164 = arith.mulf %parallel_loop3A_158, %parallel_loop3A_163 : vector<16xf32>
        %parallel_loop3A_165 = arith.mulf %parallel_loop3A_144, %parallel_loop3A_164 : vector<16xf32>
        %parallel_loop3A_166 = arith.mulf %parallel_loop3A_165, %parallel_loop3A_164 : vector<16xf32>
        %parallel_loop3A_167 = arith.constant 1.500000e+00 : f32
        %parallel_loop3A_168 = vector.broadcast %parallel_loop3A_167 : f32 to vector<16xf32>
        %parallel_loop3A_169 = arith.subf %parallel_loop3A_168, %parallel_loop3A_166 : vector<16xf32>
        %parallel_loop3A_170 = arith.mulf %parallel_loop3A_164, %parallel_loop3A_169 : vector<16xf32>
        %parallel_loop3A_171 = arith.mulf %parallel_loop3A_141, %parallel_loop3A_170 : vector<16xf32>
        %parallel_loop3A_172 = arith.constant -0.723354101 : f32
        %parallel_loop3A_173 = vector.broadcast %parallel_loop3A_172 : f32 to vector<16xf32>
        %parallel_loop3A_174 = arith.mulf %parallel_loop3A_173, %parallel_loop3A_138 : vector<16xf32>
        %parallel_loop3A_175 = arith.constant 3.821680e+00 : f32
        %parallel_loop3A_176 = vector.broadcast %parallel_loop3A_175 : f32 to vector<16xf32>
        %parallel_loop3A_177 = arith.addf %parallel_loop3A_174, %parallel_loop3A_176 : vector<16xf32>
        %parallel_loop3A_178 = arith.mulf %parallel_loop3A_177, %parallel_loop3A_138 : vector<16xf32>
        %parallel_loop3A_179 = arith.constant -9.79077434 : f32
        %parallel_loop3A_180 = vector.broadcast %parallel_loop3A_179 : f32 to vector<16xf32>
        %parallel_loop3A_181 = arith.addf %parallel_loop3A_178, %parallel_loop3A_180 : vector<16xf32>
        %parallel_loop3A_182 = arith.mulf %parallel_loop3A_181, %parallel_loop3A_138 : vector<16xf32>
        %parallel_loop3A_183 = arith.constant 17.6997433 : f32
        %parallel_loop3A_184 = vector.broadcast %parallel_loop3A_183 : f32 to vector<16xf32>
        %parallel_loop3A_185 = arith.addf %parallel_loop3A_182, %parallel_loop3A_184 : vector<16xf32>
        %parallel_loop3A_186 = arith.mulf %parallel_loop3A_185, %parallel_loop3A_138 : vector<16xf32>
        %parallel_loop3A_187 = arith.constant -28.7477589 : f32
        %parallel_loop3A_188 = vector.broadcast %parallel_loop3A_187 : f32 to vector<16xf32>
        %parallel_loop3A_189 = arith.addf %parallel_loop3A_186, %parallel_loop3A_188 : vector<16xf32>
        %parallel_loop3A_190 = arith.mulf %parallel_loop3A_189, %parallel_loop3A_138 : vector<16xf32>
        %parallel_loop3A_191 = arith.constant 50.981205 : f32
        %parallel_loop3A_192 = vector.broadcast %parallel_loop3A_191 : f32 to vector<16xf32>
        %parallel_loop3A_193 = arith.addf %parallel_loop3A_190, %parallel_loop3A_192 : vector<16xf32>
        %parallel_loop3A_194 = arith.mulf %parallel_loop3A_193, %parallel_loop3A_138 : vector<16xf32>
        %parallel_loop3A_195 = arith.constant -122.956055 : f32
        %parallel_loop3A_196 = vector.broadcast %parallel_loop3A_195 : f32 to vector<16xf32>
        %parallel_loop3A_197 = arith.addf %parallel_loop3A_194, %parallel_loop3A_196 : vector<16xf32>
        %parallel_loop3A_198 = arith.mulf %parallel_loop3A_197, %parallel_loop3A_138 : vector<16xf32>
        %parallel_loop3A_199 = arith.constant 9.000000e+02 : f32
        %parallel_loop3A_200 = vector.broadcast %parallel_loop3A_199 : f32 to vector<16xf32>
        %parallel_loop3A_201 = arith.addf %parallel_loop3A_198, %parallel_loop3A_200 : vector<16xf32>
        %parallel_loop3A_202 = arith.mulf %parallel_loop3A_171, %parallel_loop3A_201 : vector<16xf32>
        %parallel_loop3A_203 = arith.constant 5.000000e-01 : f32
        %parallel_loop3A_204 = vector.broadcast %parallel_loop3A_203 : f32 to vector<16xf32>
        %parallel_loop3A_205 = arith.addf %parallel_loop3A_202, %parallel_loop3A_204 : vector<16xf32>
        %parallel_loop3A_206 = arith.fptosi %parallel_loop3A_205 : vector<16xf32> to vector<16xi32>
        %parallel_loop3A_207 = arith.constant 0 : i32
        %parallel_loop3A_208 = vector.broadcast %parallel_loop3A_207 : i32 to vector<16xi32>
        %parallel_loop3A_209 = arith.maxsi %parallel_loop3A_206, %parallel_loop3A_208 : vector<16xi32>
        %parallel_loop3A_210 = arith.constant 1800 : i32
        %parallel_loop3A_211 = vector.broadcast %parallel_loop3A_210 : i32 to vector<16xi32>
        %parallel_loop3A_212 = arith.minsi %parallel_loop3A_209, %parallel_loop3A_211 : vector<16xi32>
        %parallel_loop3A_213 = arith.constant 1801 : i32
        %parallel_loop3A_214 = vector.broadcast %parallel_loop3A_213 : i32 to vector<16xi32>
        %parallel_loop3A_215 = arith.muli %parallel_loop3A_132, %parallel_loop3A_214 : vector<16xi32>
        %parallel_loop3A_216 = arith.addi %parallel_loop3A_215, %parallel_loop3A_212 : vector<16xi32>
        tpu.vector_store_idx %arg14[%parallel_loop3A_216], %broadcast_in_dim3A_5 {add = true} : memref<28816xf32, #tpu.memory_space<vmem>>[vector<16xi32>], vector<16xf32>,
      } {sc.loop_unroll_factor = 16 : i64, sc.parallel_access}
    }
    %scan3A_38 = arith.constant 16 : i32
    %scan3A_39 = arith.constant 0 : i32
    %scan3A_40 = arith.constant 0 : i32
    %scan3A_41 = arith.constant 48 : i32
    %scan3A_42 = arith.addi %scan3A_40, %scan3A_41 : i32
    %scan3A_43 = arith.constant 1 : i32
    scf.for %scan3A_67 = %scan3A_40 to %scan3A_42 step %scan3A_43  : i32 {
      %dma_wait3A = arith.constant 0 : i32
      %dma_wait3A_68 = tpu.memref_slice %arg11[%scan3A_67, %dma_wait3A] : memref<64x128xi32, #tpu.memory_space<vmem>> -> memref<1x128xi32, #tpu.memory_space<vmem>>
      %dma_wait3A_69 = tpu.memref_squeeze %dma_wait3A_68 : memref<1x128xi32, #tpu.memory_space<vmem>> -> memref<128xi32, #tpu.memory_space<vmem>>
      %dma_wait3A_70 = arith.constant 0 : i32
      %dma_wait3A_71 = tpu.memref_slice %arg15[%dma_wait3A_70] : memref<28816xf32, #tpu.memory_space<vmem_shared>> -> memref<28816xf32, #tpu.memory_space<vmem_shared>>
      tpu.wait_indirect_dma semaphore(%arg18 : memref<!tpu.dma_semaphore, #tpu.memory_space<semaphore_mem>>) src(%arg13 : memref<128xf32, #tpu.memory_space<vmem>>) dst(%dma_wait3A_71 : memref<28816xf32, #tpu.memory_space<vmem_shared>>)
    }
    %scan3A_44 = arith.constant 48 : i32
    %scan3A_45 = arith.constant 0 : i32
    %scan3A_46 = arith.constant 0 : i32
    %scan3A_47 = arith.constant 48 : i32
    %scan3A_48 = arith.addi %scan3A_46, %scan3A_47 : i32
    %scan3A_49 = arith.constant 1 : i32
    scf.for %scan3A_67 = %scan3A_46 to %scan3A_48 step %scan3A_49  : i32 {
      %dma_wait3A = arith.constant 0 : i32
      %dma_wait3A_68 = tpu.memref_slice %arg12[%scan3A_67, %dma_wait3A] : memref<64x128xi32, #tpu.memory_space<vmem>> -> memref<1x128xi32, #tpu.memory_space<vmem>>
      %dma_wait3A_69 = tpu.memref_squeeze %dma_wait3A_68 : memref<1x128xi32, #tpu.memory_space<vmem>> -> memref<128xi32, #tpu.memory_space<vmem>>
      %dma_wait3A_70 = arith.constant 0 : i32
      %dma_wait3A_71 = tpu.memref_slice %arg15[%dma_wait3A_70] : memref<28816xf32, #tpu.memory_space<vmem_shared>> -> memref<28816xf32, #tpu.memory_space<vmem_shared>>
      tpu.wait_indirect_dma semaphore(%arg19 : memref<!tpu.dma_semaphore, #tpu.memory_space<semaphore_mem>>) src(%arg13 : memref<128xf32, #tpu.memory_space<vmem>>) dst(%dma_wait3A_71 : memref<28816xf32, #tpu.memory_space<vmem_shared>>)
    }
    %scan3A_50 = arith.constant 48 : i32
    "tpu.region"() ({
      %run_scoped3A = tpu.sem_alloc : memref<!tpu.dma_semaphore, #tpu.memory_space<semaphore_mem>>
      %dma_start3A_67 = arith.constant 0 : i32
      %dma_start3A_68 = tpu.memref_slice %arg4[%add3A, %dma_start3A_67] : memref<32x28816xf32, #tpu.memory_space<hbm>> -> memref<1x28816xf32, #tpu.memory_space<hbm>>
      %dma_start3A_69 = tpu.memref_squeeze %dma_start3A_68 : memref<1x28816xf32, #tpu.memory_space<hbm>> -> memref<28816xf32, #tpu.memory_space<hbm>>
      %dma_start3A_70 = arith.constant 0 : i32
      %dma_start3A_71 = tpu.memref_slice %arg4[%add3A, %dma_start3A_70] : memref<32x28816xf32, #tpu.memory_space<hbm>> -> memref<1x28816xf32, #tpu.memory_space<hbm>>
      %dma_start3A_72 = tpu.memref_squeeze %dma_start3A_71 : memref<1x28816xf32, #tpu.memory_space<hbm>> -> memref<28816xf32, #tpu.memory_space<hbm>>
      tpu.enqueue_dma source(%arg14 : memref<28816xf32, #tpu.memory_space<vmem>>) target(%dma_start3A_72 : memref<28816xf32, #tpu.memory_space<hbm>>) target_semaphore(%run_scoped3A : memref<!tpu.dma_semaphore, #tpu.memory_space<semaphore_mem>>)
      %dma_wait3A = arith.constant 0 : i32
      %dma_wait3A_73 = tpu.memref_slice %arg4[%add3A, %dma_wait3A] : memref<32x28816xf32, #tpu.memory_space<hbm>> -> memref<1x28816xf32, #tpu.memory_space<hbm>>
      %dma_wait3A_74 = tpu.memref_squeeze %dma_wait3A_73 : memref<1x28816xf32, #tpu.memory_space<hbm>> -> memref<28816xf32, #tpu.memory_space<hbm>>
      %dma_wait3A_75 = arith.constant 0 : i32
      %dma_wait3A_76 = tpu.memref_slice %arg4[%add3A, %dma_wait3A_75] : memref<32x28816xf32, #tpu.memory_space<hbm>> -> memref<1x28816xf32, #tpu.memory_space<hbm>>
      %dma_wait3A_77 = tpu.memref_squeeze %dma_wait3A_76 : memref<1x28816xf32, #tpu.memory_space<hbm>> -> memref<28816xf32, #tpu.memory_space<hbm>>
      tpu.wait_dma2 semaphore(%run_scoped3A : memref<!tpu.dma_semaphore, #tpu.memory_space<semaphore_mem>>) src(%arg14 : memref<28816xf32, #tpu.memory_space<vmem>>) dst(%dma_wait3A_77 : memref<28816xf32, #tpu.memory_space<hbm>>)
      tpu.yield
    }) : () -> ()
    %barrier3A_51 = arith.constant 0 : index
    tpu.barrier barrier_id(%barrier3A_51)
    %eq3A_52 = arith.constant 0 : i32
    %eq3A_53 = arith.cmpi eq, %arg1, %eq3A_52 : i32
    %eq3A_54 = arith.constant 0 : i32
    %eq3A_55 = arith.cmpi eq, %arg0, %eq3A_54 : i32
    %and3A = arith.andi %eq3A_53, %eq3A_55 : i1
    %convert_element_type3A_56 = arith.extui %and3A : i1 to i32
    %cond3A_57 = arith.constant 0 : i32
    %cond3A_58 = arith.cmpi ne, %convert_element_type3A_56, %cond3A_57 : i32
    scf.if %cond3A_58 {
      "tpu.region"() ({
        %run_scoped3A = tpu.sem_alloc : memref<!tpu.dma_semaphore, #tpu.memory_space<semaphore_mem>>
        tpu.enqueue_dma source(%arg15 : memref<28816xf32, #tpu.memory_space<vmem_shared>>) target(%arg5 : memref<28816xf32, #tpu.memory_space<hbm>>) target_semaphore(%run_scoped3A : memref<!tpu.dma_semaphore, #tpu.memory_space<semaphore_mem>>)
        tpu.wait_dma2 semaphore(%run_scoped3A : memref<!tpu.dma_semaphore, #tpu.memory_space<semaphore_mem>>) src(%arg15 : memref<28816xf32, #tpu.memory_space<vmem_shared>>) dst(%arg5 : memref<28816xf32, #tpu.memory_space<hbm>>)
        tpu.yield
      }) : () -> ()
    } else {
    }
    %eq3A_59 = arith.constant 0 : i32
    %eq3A_60 = arith.cmpi eq, %arg1, %eq3A_59 : i32
    %eq3A_61 = arith.constant 1 : i32
    %eq3A_62 = arith.cmpi eq, %arg0, %eq3A_61 : i32
    %and3A_63 = arith.andi %eq3A_60, %eq3A_62 : i1
    %convert_element_type3A_64 = arith.extui %and3A_63 : i1 to i32
    %cond3A_65 = arith.constant 0 : i32
    %cond3A_66 = arith.cmpi ne, %convert_element_type3A_64, %cond3A_65 : i32
    scf.if %cond3A_66 {
      "tpu.region"() ({
        %run_scoped3A = tpu.sem_alloc : memref<!tpu.dma_semaphore, #tpu.memory_space<semaphore_mem>>
        tpu.enqueue_dma source(%arg15 : memref<28816xf32, #tpu.memory_space<vmem_shared>>) target(%arg6 : memref<28816xf32, #tpu.memory_space<hbm>>) target_semaphore(%run_scoped3A : memref<!tpu.dma_semaphore, #tpu.memory_space<semaphore_mem>>)
        tpu.wait_dma2 semaphore(%run_scoped3A : memref<!tpu.dma_semaphore, #tpu.memory_space<semaphore_mem>>) src(%arg15 : memref<28816xf32, #tpu.memory_space<vmem_shared>>) dst(%arg6 : memref<28816xf32, #tpu.memory_space<hbm>>)
        tpu.yield
      }) : () -> ()
    } else {
    }
    return
  }
}

module attributes {stable_mosaic.version = 14 : i64} {
  func.func @_finish_tc(%arg0: memref<34x16x1801xf32, #tpu.memory_space<vmem>>, %arg1: memref<16x1801xf32, #tpu.memory_space<vmem>>, %arg2: memref<16x1xf32, #tpu.memory_space<vmem>>, %arg3: memref<16x1xf32, #tpu.memory_space<vmem>>, %arg4: memref<1x1xf32, #tpu.memory_space<vmem>>) attributes {dimension_semantics = [], scalar_prefetch = 0 : i64, scratch_operands = 0 : i64, tpu.core_type = #tpu.core_type<tc>} {
    %get3A = arith.constant 0 : index
    %get3A_0 = arith.constant 0 : index
    %get3A_1 = arith.constant 0 : index
    %get3A_2 = vector.load %arg0[%get3A, %get3A_0, %get3A_1] : memref<34x16x1801xf32, #tpu.memory_space<vmem>>, vector<34x16x1801xf32>
    %reduce_sum3A = arith.constant dense<0.000000e+00> : vector<16x1801xf32>
    %reduce_sum3A_3 = vector.multi_reduction <add>, %get3A_2, %reduce_sum3A [0] : vector<34x16x1801xf32> to vector<16x1801xf32>
    %reduce_sum3A_4 = arith.constant dense<0.000000e+00> : vector<16xf32>
    %reduce_sum3A_5 = vector.multi_reduction <add>, %reduce_sum3A_3, %reduce_sum3A_4 [1] : vector<16x1801xf32> to vector<16xf32>
    %broadcast_in_dim3A = vector.shape_cast %reduce_sum3A_5 : vector<16xf32> to vector<16x1xf32>
    %eq3A = arith.constant 0.000000e+00 : f32
    %eq3A_6 = vector.broadcast %eq3A : f32 to vector<16x1xf32>
    %eq3A_7 = arith.cmpf oeq, %broadcast_in_dim3A, %eq3A_6 : vector<16x1xf32>
    %jit3A = arith.constant 1.000000e+00 : f32
    %broadcast_in_dim3A_8 = vector.broadcast %jit3A : f32 to vector<16x1xf32>
    %select_n3A = arith.select %eq3A_7, %broadcast_in_dim3A_8, %broadcast_in_dim3A : vector<16x1xi1>, vector<16x1xf32>
    %div3A = vector.broadcast %select_n3A : vector<16x1xf32> to vector<16x1801xf32>
    %div3A_9 = arith.divf %reduce_sum3A_3, %div3A : vector<16x1801xf32>
    %get3A_10 = arith.constant 0 : index
    %get3A_11 = arith.constant 0 : index
    %get3A_12 = vector.load %arg1[%get3A_10, %get3A_11] : memref<16x1801xf32, #tpu.memory_space<vmem>>, vector<16x1801xf32>
    %sub3A = arith.subf %div3A_9, %get3A_12 : vector<16x1801xf32>
    %broadcast_in_dim3A_13 = arith.constant 0.000000e+00 : f32
    %broadcast_in_dim3A_14 = vector.broadcast %broadcast_in_dim3A_13 : f32 to vector<16x1xf32>
    %slice3A = vector.extract_strided_slice %sub3A {offsets = [0, 0], sizes = [16, 1800], strides = [1, 1]} : vector<16x1801xf32> to vector<16x1800xf32>
    %concatenate3A = tpu.concatenate %broadcast_in_dim3A_14, %slice3A in 1 : vector<16x1xf32>, vector<16x1800xf32> -> vector<16x1801xf32>
    %add3A = arith.addf %sub3A, %concatenate3A : vector<16x1801xf32>
    %broadcast_in_dim3A_15 = arith.constant 0.000000e+00 : f32
    %broadcast_in_dim3A_16 = vector.broadcast %broadcast_in_dim3A_15 : f32 to vector<16x2xf32>
    %slice3A_17 = vector.extract_strided_slice %add3A {offsets = [0, 0], sizes = [16, 1799], strides = [1, 1]} : vector<16x1801xf32> to vector<16x1799xf32>
    %concatenate3A_18 = tpu.concatenate %broadcast_in_dim3A_16, %slice3A_17 in 1 : vector<16x2xf32>, vector<16x1799xf32> -> vector<16x1801xf32>
    %add3A_19 = arith.addf %add3A, %concatenate3A_18 : vector<16x1801xf32>
    %broadcast_in_dim3A_20 = arith.constant 0.000000e+00 : f32
    %broadcast_in_dim3A_21 = vector.broadcast %broadcast_in_dim3A_20 : f32 to vector<16x4xf32>
    %slice3A_22 = vector.extract_strided_slice %add3A_19 {offsets = [0, 0], sizes = [16, 1797], strides = [1, 1]} : vector<16x1801xf32> to vector<16x1797xf32>
    %concatenate3A_23 = tpu.concatenate %broadcast_in_dim3A_21, %slice3A_22 in 1 : vector<16x4xf32>, vector<16x1797xf32> -> vector<16x1801xf32>
    %add3A_24 = arith.addf %add3A_19, %concatenate3A_23 : vector<16x1801xf32>
    %broadcast_in_dim3A_25 = arith.constant 0.000000e+00 : f32
    %broadcast_in_dim3A_26 = vector.broadcast %broadcast_in_dim3A_25 : f32 to vector<16x8xf32>
    %slice3A_27 = vector.extract_strided_slice %add3A_24 {offsets = [0, 0], sizes = [16, 1793], strides = [1, 1]} : vector<16x1801xf32> to vector<16x1793xf32>
    %concatenate3A_28 = tpu.concatenate %broadcast_in_dim3A_26, %slice3A_27 in 1 : vector<16x8xf32>, vector<16x1793xf32> -> vector<16x1801xf32>
    %add3A_29 = arith.addf %add3A_24, %concatenate3A_28 : vector<16x1801xf32>
    %broadcast_in_dim3A_30 = arith.constant 0.000000e+00 : f32
    %broadcast_in_dim3A_31 = vector.broadcast %broadcast_in_dim3A_30 : f32 to vector<16x16xf32>
    %slice3A_32 = vector.extract_strided_slice %add3A_29 {offsets = [0, 0], sizes = [16, 1785], strides = [1, 1]} : vector<16x1801xf32> to vector<16x1785xf32>
    %concatenate3A_33 = tpu.concatenate %broadcast_in_dim3A_31, %slice3A_32 in 1 : vector<16x16xf32>, vector<16x1785xf32> -> vector<16x1801xf32>
    %add3A_34 = arith.addf %add3A_29, %concatenate3A_33 : vector<16x1801xf32>
    %broadcast_in_dim3A_35 = arith.constant 0.000000e+00 : f32
    %broadcast_in_dim3A_36 = vector.broadcast %broadcast_in_dim3A_35 : f32 to vector<16x32xf32>
    %slice3A_37 = vector.extract_strided_slice %add3A_34 {offsets = [0, 0], sizes = [16, 1769], strides = [1, 1]} : vector<16x1801xf32> to vector<16x1769xf32>
    %concatenate3A_38 = tpu.concatenate %broadcast_in_dim3A_36, %slice3A_37 in 1 : vector<16x32xf32>, vector<16x1769xf32> -> vector<16x1801xf32>
    %add3A_39 = arith.addf %add3A_34, %concatenate3A_38 : vector<16x1801xf32>
    %broadcast_in_dim3A_40 = arith.constant 0.000000e+00 : f32
    %broadcast_in_dim3A_41 = vector.broadcast %broadcast_in_dim3A_40 : f32 to vector<16x64xf32>
    %slice3A_42 = vector.extract_strided_slice %add3A_39 {offsets = [0, 0], sizes = [16, 1737], strides = [1, 1]} : vector<16x1801xf32> to vector<16x1737xf32>
    %concatenate3A_43 = tpu.concatenate %broadcast_in_dim3A_41, %slice3A_42 in 1 : vector<16x64xf32>, vector<16x1737xf32> -> vector<16x1801xf32>
    %add3A_44 = arith.addf %add3A_39, %concatenate3A_43 : vector<16x1801xf32>
    %broadcast_in_dim3A_45 = arith.constant 0.000000e+00 : f32
    %broadcast_in_dim3A_46 = vector.broadcast %broadcast_in_dim3A_45 : f32 to vector<16x128xf32>
    %slice3A_47 = vector.extract_strided_slice %add3A_44 {offsets = [0, 0], sizes = [16, 1673], strides = [1, 1]} : vector<16x1801xf32> to vector<16x1673xf32>
    %concatenate3A_48 = tpu.concatenate %broadcast_in_dim3A_46, %slice3A_47 in 1 : vector<16x128xf32>, vector<16x1673xf32> -> vector<16x1801xf32>
    %add3A_49 = arith.addf %add3A_44, %concatenate3A_48 : vector<16x1801xf32>
    %broadcast_in_dim3A_50 = arith.constant 0.000000e+00 : f32
    %broadcast_in_dim3A_51 = vector.broadcast %broadcast_in_dim3A_50 : f32 to vector<16x256xf32>
    %slice3A_52 = vector.extract_strided_slice %add3A_49 {offsets = [0, 0], sizes = [16, 1545], strides = [1, 1]} : vector<16x1801xf32> to vector<16x1545xf32>
    %concatenate3A_53 = tpu.concatenate %broadcast_in_dim3A_51, %slice3A_52 in 1 : vector<16x256xf32>, vector<16x1545xf32> -> vector<16x1801xf32>
    %add3A_54 = arith.addf %add3A_49, %concatenate3A_53 : vector<16x1801xf32>
    %broadcast_in_dim3A_55 = arith.constant 0.000000e+00 : f32
    %broadcast_in_dim3A_56 = vector.broadcast %broadcast_in_dim3A_55 : f32 to vector<16x512xf32>
    %slice3A_57 = vector.extract_strided_slice %add3A_54 {offsets = [0, 0], sizes = [16, 1289], strides = [1, 1]} : vector<16x1801xf32> to vector<16x1289xf32>
    %concatenate3A_58 = tpu.concatenate %broadcast_in_dim3A_56, %slice3A_57 in 1 : vector<16x512xf32>, vector<16x1289xf32> -> vector<16x1801xf32>
    %add3A_59 = arith.addf %add3A_54, %concatenate3A_58 : vector<16x1801xf32>
    %broadcast_in_dim3A_60 = arith.constant 0.000000e+00 : f32
    %broadcast_in_dim3A_61 = vector.broadcast %broadcast_in_dim3A_60 : f32 to vector<16x1024xf32>
    %slice3A_62 = vector.extract_strided_slice %add3A_59 {offsets = [0, 0], sizes = [16, 777], strides = [1, 1]} : vector<16x1801xf32> to vector<16x777xf32>
    %concatenate3A_63 = tpu.concatenate %broadcast_in_dim3A_61, %slice3A_62 in 1 : vector<16x1024xf32>, vector<16x777xf32> -> vector<16x1801xf32>
    %add3A_64 = arith.addf %add3A_59, %concatenate3A_63 : vector<16x1801xf32>
    %abs3A = math.absf %add3A_64 : vector<16x1801xf32>
    %reduce_sum3A_65 = arith.constant dense<0.000000e+00> : vector<16xf32>
    %reduce_sum3A_66 = vector.multi_reduction <add>, %abs3A, %reduce_sum3A_65 [1] : vector<16x1801xf32> to vector<16xf32>
    %broadcast_in_dim3A_67 = vector.shape_cast %reduce_sum3A_66 : vector<16xf32> to vector<16x1xf32>
    %mul3A = arith.constant 1.000000e-01 : f32
    %mul3A_68 = vector.broadcast %mul3A : f32 to vector<16x1xf32>
    %mul3A_69 = arith.mulf %broadcast_in_dim3A_67, %mul3A_68 : vector<16x1xf32>
    %get3A_70 = arith.constant 0 : index
    %get3A_71 = arith.constant 0 : index
    %get3A_72 = vector.load %arg2[%get3A_70, %get3A_71] : memref<16x1xf32, #tpu.memory_space<vmem>>, vector<16x1xf32>
    %get3A_73 = arith.constant 0 : index
    %get3A_74 = arith.constant 0 : index
    %get3A_75 = vector.load %arg3[%get3A_73, %get3A_74] : memref<16x1xf32, #tpu.memory_space<vmem>>, vector<16x1xf32>
    %mul3A_76 = arith.mulf %get3A_72, %get3A_75 : vector<16x1xf32>
    %mul3A_77 = arith.mulf %mul3A_69, %mul3A_76 : vector<16x1xf32>
    %reduce_sum3A_78 = vector.shape_cast %mul3A_77 : vector<16x1xf32> to vector<1x16x1xf32>
    %reduce_sum3A_79 = arith.constant dense<0.000000e+00> : vector<1xf32>
    %reduce_sum3A_80 = vector.multi_reduction <add>, %reduce_sum3A_78, %reduce_sum3A_79 [1, 2] : vector<1x16x1xf32> to vector<1xf32>
    %reduce_sum3A_81 = vector.shape_cast %reduce_sum3A_80 : vector<1xf32> to vector<1x1x1xf32>
    %reduce_sum3A_82 = vector.extract %reduce_sum3A_81[0, 0, 0] : f32 from vector<1x1x1xf32>
    %reduce_sum3A_83 = vector.shape_cast %mul3A_76 : vector<16x1xf32> to vector<1x16x1xf32>
    %reduce_sum3A_84 = arith.constant dense<0.000000e+00> : vector<1xf32>
    %reduce_sum3A_85 = vector.multi_reduction <add>, %reduce_sum3A_83, %reduce_sum3A_84 [1, 2] : vector<1x16x1xf32> to vector<1xf32>
    %reduce_sum3A_86 = vector.shape_cast %reduce_sum3A_85 : vector<1xf32> to vector<1x1x1xf32>
    %reduce_sum3A_87 = vector.extract %reduce_sum3A_86[0, 0, 0] : f32 from vector<1x1x1xf32>
    %add3A_88 = arith.constant 9.99999974E-6 : f32
    %add3A_89 = arith.addf %reduce_sum3A_87, %add3A_88 : f32
    %div3A_90 = arith.divf %reduce_sum3A_82, %add3A_89 : f32
    %reshape3A = vector.broadcast %div3A_90 : f32 to vector<1x1xf32>
    %swap3A = arith.constant 0 : index
    %swap3A_91 = arith.constant 0 : index
    %swap3A_92 = vector.load %arg4[%swap3A, %swap3A_91] : memref<1x1xf32, #tpu.memory_space<vmem>>, vector<1x1xf32>
    tpu.vector_store %arg4[%swap3A, %swap3A_91], %reshape3A {strides = array<i32>} : memref<1x1xf32, #tpu.memory_space<vmem>>, vector<1x1xf32>,
    return
  }
}

</mosaic_0001>

<sc_bundles>
// kernel: kernel.4.cloned.1.call-start
scs
__scs_entry_jumppad:
0x0: {  	(pc) =	sbr.rel $0x88, $3  }
0x1: {  	(tag) =	ssettag $0x0;
	lr =	simm.s32 $0x1  }
0x2: {  	[smem:$0x3F9C] =	sst lr;
	_ =	strace $0xD0000000  }
0x3: {  	_ = 	snop  }
0x4: {  	_ = 	snop  }
0x5: {  	_ = 	snop  }
0x6: {  	_ = 	snop  }
0x7: {  	_ = 	snop  }
__scs_overlays_trampoline_lowered:
0x8: {  	[smem:$0x3FAB] =	sst s0  }
0x9: {  	[smem:$0x3FAC] =	sst s1  }
0xa: {  	[smem:$0x3FAD] =	sst s2  }
0xb: {  	[smem:$0x3FAE] =	sst s3  }
0xc: {  	[smem:$0x3FAF] =	sst s4  }
0xd: {  	[smem:$0x3FB0] =	sst s5  }
0xe: {  	[smem:$0x3FB1] =	sst s6  }
0xf: {  	[smem:$0x3FB2] =	sst s7  }
0x10: {  	[smem:$0x3FB3] =	sst s8  }
0x11: {  	[smem:$0x3FB4] =	sst s9;
	s0 =	simm.s32 @!p0 $0x0  }
0x12: {  	s1 =	sld [smem:$0x3F9A];
	s0 =	simm.s32 @p0 $0x1  }
0x13: {  	[smem:$0x3FB5] =	sst s0;
	s0 =	simm.s32 @!p1 $0x0  }
0x14: {  	s2 =	sld [smem:$0x3F99];
	s0 =	simm.s32 @p1 $0x1  }
0x15: {  	[smem:$0x3FB6] =	sst s0;
	s0 =	simm.s32 @!p2 $0x0  }
0x16: {  	s3 =	sld [smem:$0x3FDB];
	s0 =	simm.s32 @p2 $0x1  }
0x17: {  	s4 =	simm.s32 $0x1BF5;
	[smem:$0x3FB8] =	sst s0  }
0x18: {  	s0 =	sld [smem:$0x3F9B];
	_ =	swait.ge [sflag:s4], $0x0  }
0x19: {  	s7 =	sld [smem:$0x3F9C]  }
0x1a: {  	s8 =	sadd.s32 $0xFFFFE003, lr  }
0x1b: {  	s9 =	sadd.s32 $0xFFFFFEF7, lr;
	s5 =	simm.s32 $0xFFFFFFFF;
	p2 =	slt.u32 s8, $0xFFFFF086  }
0x1c: {  	p1 =	slt.u32 s9, $0xF7A;
	s5 =	simm.s32 @!p2 $0x0  }
0x1d: {  	s5 =	simm.s32 @p1 $0x1;
	p0 =	seq.s32 s7, s2  }
0x1e: {  	s7 =	smul.u32 @!p0 $0xF7A, s2;
	p2 =	seq.s32 @!p0 s5, $0x0  }
0x1f: {  	s9 =	smul.u32 $0xF7A, s1;
	s8 =	simm.s32 @!p0 $0x1BF5;
	p2 =	por !p2, p0  }
0x20: {  	[sflag:s8] =	ssyncset.s32 @!p0 $0xFFFFF086;
	s6 =	sadd.s32 @!p0 s3, s7;
	s7 =	simm.s32 @!p0 $0x108  }
0x21: {  	s3 =	sadd.s32 s3, s9;
	s6 =	sadd.s32 @!p0 $0x88, s6;
	s7 =	simm.s32 @p2 $0x1082  }
0x22: {  	[simem:s7], [sflag:s8] =	dma.local @!p0 [hbm:s6], $0xF7A  }
0x23: {  	s9 =	sor.u32 $0xD0000000, s2;
	s6 =	simm.s32 $0x108;
	_ =	swait.ge @!p0 [sflag:s8], $0x0  }
0x24: {  	s3 =	sadd.s32 $0x88, s3;
	s6 =	simm.s32 @!p1 $0x1082;
	[sflag:s4] =	ssyncset.s32 $0xFFFFF086  }
0x25: {  	[simem:s6], [sflag:s4] =	dma.local [hbm:s3], $0xF7A  }
0x26: {  	[smem:$0x3F9C] =	sst s1;
	(tag) =	ssettag s2;
	_ =	strace s9  }
0x27: {  	s1 =	sld [smem:$0x3FAC]  }
0x28: {  	s2 =	sld [smem:$0x3FAD]  }
0x29: {  	s4 =	sld [smem:$0x3FAF]  }
0x2a: {  	p0 =	seq.s32 s5, $0x0;
	s5 =	sld [smem:$0x3FB0]  }
0x2b: {  	s6 =	sld [smem:$0x3FB1]  }
0x2c: {  	s7 =	sld [smem:$0x3FB2]  }
0x2d: {  	s3 =	simm.s32 $0x108;
	s8 =	sld [smem:$0x3FB3]  }
0x2e: {  	s3 =	simm.s32 @!p0 $0x1082;
	s9 =	sld [smem:$0x3FB4]  }
0x2f: {  	lr =	sadd.s32 s0, s3;
	s0 =	sld [smem:$0x3FAB]  }
0x30: {  	s3 =	sld [smem:$0x3FAE]  }
0x31: {  	[smem:$0x3FB7] =	sst s10  }
0x32: {  	s10 =	sld [smem:$0x3FB5];
	_ =	sdelay $0x3  }
0x33: {  	p0 =	seq.s32 s10, $0x1;
	s10 =	sld [smem:$0x3FB7];
	_ =	sdelay $0x3  }
0x34: {  	[smem:$0x3FB7] =	sst s10  }
0x35: {  	s10 =	sld [smem:$0x3FB6];
	_ =	sdelay $0x3  }
0x36: {  	p1 =	seq.s32 s10, $0x1;
	s10 =	sld [smem:$0x3FB7];
	_ =	sdelay $0x3  }
0x37: {  	[smem:$0x3FB7] =	sst s10  }
0x38: {  	s10 =	sld [smem:$0x3FB8]  }
0x39: {  	_ = 	snop;
	(pc) =	sbr.ind lr, $3  }
0x3a: {  	_ = 	snop  }
0x3b: {  	_ = 	snop  }
0x3c: {  	p2 =	seq.s32 s10, $0x1;
	s10 =	sld [smem:$0x3FB7]  }
0x3d: {  	_ =	shalt  }
0x3e: {  	_ =	shalt  }
0x3f: {  	_ =	shalt  }
0x40: {  	_ =	shalt  }
0x41: {  	_ =	shalt  }
0x42: {  	_ =	shalt  }
0x43: {  	_ =	shalt  }
0x44: {  	_ =	shalt  }
0x45: {  	_ =	shalt  }
0x46: {  	_ =	shalt  }
0x47: {  	_ =	shalt  }
0x48: {  	_ =	shalt  }
0x49: {  	_ =	shalt  }
0x4a: {  	_ =	shalt  }
0x4b: {  	_ =	shalt  }
0x4c: {  	_ =	shalt  }
0x4d: {  	_ =	shalt  }
0x4e: {  	_ =	shalt  }
0x4f: {  	_ =	shalt  }
0x50: {  	_ =	shalt  }
0x51: {  	_ =	shalt  }
0x52: {  	_ =	shalt  }
0x53: {  	_ =	shalt  }
0x54: {  	_ =	shalt  }
0x55: {  	_ =	shalt  }
0x56: {  	_ =	shalt  }
0x57: {  	_ =	shalt  }
0x58: {  	_ =	shalt  }
0x59: {  	_ =	shalt  }
0x5a: {  	_ =	shalt  }
0x5b: {  	_ =	shalt  }
0x5c: {  	_ =	shalt  }
0x5d: {  	_ =	shalt  }
0x5e: {  	_ =	shalt  }
0x5f: {  	_ =	shalt  }
0x60: {  	_ =	shalt  }
0x61: {  	_ =	shalt  }
0x62: {  	_ =	shalt  }
0x63: {  	_ =	shalt  }
0x64: {  	_ =	shalt  }
0x65: {  	_ =	shalt  }
0x66: {  	_ =	shalt  }
0x67: {  	_ =	shalt  }
0x68: {  	_ =	shalt  }
0x69: {  	_ =	shalt  }
0x6a: {  	_ =	shalt  }
0x6b: {  	_ =	shalt  }
0x6c: {  	_ =	shalt  }
0x6d: {  	_ =	shalt  }
0x6e: {  	_ =	shalt  }
0x6f: {  	_ =	shalt  }
0x70: {  	_ =	shalt  }
0x71: {  	_ =	shalt  }
0x72: {  	_ =	shalt  }
0x73: {  	_ =	shalt  }
0x74: {  	_ =	shalt  }
0x75: {  	_ =	shalt  }
0x76: {  	_ =	shalt  }
0x77: {  	_ =	shalt  }
0x78: {  	_ =	shalt  }
0x79: {  	_ =	shalt  }
0x7a: {  	_ =	shalt  }
0x7b: {  	_ =	shalt  }
0x7c: {  	_ =	shalt  }
0x7d: {  	_ =	shalt  }
0x7e: {  	_ =	shalt  }
0x7f: {  	_ =	shalt  }
0x80: {  	_ =	shalt  }
0x81: {  	_ =	shalt  }
0x82: {  	_ =	shalt  }
0x83: {  	_ =	shalt  }
0x84: {  	_ =	shalt  }
0x85: {  	_ =	shalt  }
0x86: {  	_ =	shalt  }
0x87: {  	_ =	shalt  }
.Lfunc_end0:
.L_simem_size_0:
called_computation_lowered:
.L_overlay_start_0:
0x88: {  	s2 =	sld [smem:$0x3FD9]  }
0x89: {  	s3 =	sld [smem:$0x3FFE];
	_ =	sdelay $0x1  }
0x8a: {  	s1 =	srdreg.scid  }
0x8b: {  	s0 =	sand.u32 $0x1, s1  }
0x8c: {  	s17 =	sshll.u32 s0, $0xA;
	s2 =	sadd.s32 s3, s2  }
0x8d: {  	s2 =	sadd.s32 s2, s17  }
0x8e: {  	[smem:$0x3FC3] =	sst s2  }
0x8f: {  	_ = 	snop  }
0x90: {  	s2 =	sld [smem:$0x3FC9]  }
0x91: {  	s18 =	sld [smem:$0x3FC8];
	(tm) =	ssettm $0x1  }
0x92: {  	s4 =	sld [smem:$0x3FFB];
	_ =	sdelay $0x3  }
0x93: {  	_ =	strace s4  }
0x94: {  	s4 =	sld [smem:$0x3FFC];
	_ =	sdelay $0x3  }
0x95: {  	_ =	strace s4  }
0x96: {  	s4 =	sld [smem:$0x3FFD];
	_ =	sdelay $0x3  }
0x97: {  	_ =	strace s4  }
0x98: {  	_ =	strace $0x8FFFFFFF  }
0x99: {  	s19 =	sld [smem:$0x3FDB];
	_ =	sdelay $0x1  }
0x9a: {  	s5 =	simm.s32 $_scs_section_size  }
0x9b: {  	s6 =	simm.s32 $_size__tile_overlayer_lowered;
	s7 =	simm.s32 $_tile_overlayer_lowered  }
0x9c: {  	s22 =	simm.s32 $0x1BFF;
	s21 =	sshll.u32 s7, $0x1;
	s4 =	sadd.s32 s5, s19  }
0x9d: {  	s8 =	simm.s32 $0x0;
	s20 =	sshll.u32 s6, $0x1;
	s6 =	sadd.s32 s21, s4  }
0x9e: {  	[timem:s8], [sflag:s22] =	dma.local [hbm:s6], s20  }
0x9f: {  	_ =	swait.ge [sflag:s22], s20  }
0xa0: {  	s5 =	ssub.s32 $0x0, s20;
	[sflag:s22] =	ssyncset.done $0x0  }
0xa1: {  	[sflag:s22] =	ssyncadd.s32 s5;
	_ =	sdelay $0x1  }
0xa2: {  	s23 =	simm.s32 $0x1B8B  }
0xa3: {  	_ =	swait.ge [sflag:s23], $0x1  }
0xa4: {  	[sflag:s23] =	ssyncset.done $0x0  }
0xa5: {  	s25 =	simm.s32 $0x1B8E;
	s24 =	sld [smem:$0x3FFE];
	[sflag:s23] =	ssyncadd.s32 $0xFFFFFFFF  }
0xa6: {  	s26 =	simm.s32 $execute0_lowered;
	[smem:$0x3FD2] =	sst s25  }
0xa7: {  	s6 =	sshll.u32 s26, $0x1;
	_ =	strace $0x80000046;
	[dreg:$0x1] =	wrdreg $0xFFFFFFFF  }
0xa8: {  	s28 =	simm.s32 $_size_execute0_lowered;
	s4 =	sadd.s32 s4, s6;
	[dreg:$0x0] =	wrdreg $0x0  }
0xa9: {  	s6 =	sshll.u32 s28, $0x1;
	[dreg:$0x2] =	wrdreg s4  }
0xaa: {  	[dreg:$0x3] =	wrdreg s6  }
0xab: {  	[dreg:$0x4] =	wrdreg $0xC0  }
0xac: {  	_ =	task [dreg:s8], $0x5FFFF  }
0xad: {  	[dreg:$0x1] =	wrdreg $0xFFFFFFFF  }
0xae: {  	[dreg:$0x0] =	wrdreg $0x60  }
0xaf: {  	[dreg:$0x2] =	wrdreg s2  }
0xb0: {  	[dreg:$0x3] =	wrdreg s18  }
0xb1: {  	[dreg:$0x4] =	wrdreg s24  }
0xb2: {  	[dreg:$0x5] =	wrdreg $0x131800  }
0xb3: {  	[dreg:$0x6] =	wrdreg $0x9  }
0xb4: {  	_ =	task.clear_ibuf [dreg:s8], $0x7FFFF;
	_ =	strace $0x90000046  }
0xb5: {  	s29 =	simm.s32 $0x9;
	_ =	strace $0x80000048  }
0xb6: {  	_ =	swait.ge [sflag:s29], $0x1  }
0xb7: {  	[sflag:s29] =	ssyncadd.s32 $0xFFFFFFFF  }
0xb8: {  	_ =	strace $0x90000048  }
0xb9: {  	_ =	sfence  }
0xba: {  	s30 =	sld [smem:$0x0];
	_ =	sdelay $0x2  }
0xbb: {  	s31 =	sshll.u32 s1, $0xD;
	s1 =	sshrl.u32 s1, $0x2  }
0xbc: {  	s3 =	sand.u32 $0x4000, s31;
	s1 =	sadd.s32 s1, s30  }
0xbd: {  	s0 =	sor.u32 s3, s0;
	s1 =	sshll.u32 s1, $0x11  }
0xbe: {  	s0 =	sor.u32 s1, s0  }
0xbf: {  	s0 =	sadd.s32 $0x8F2B, s0  }
0xc0: {  	[sflag:s0] =	ssyncadd.remote.s32 $0x1  }
0xc1: {  	_ =	sfence.sel $0xFFFF  }
0xc2: {  	[dreg:$0x0] =	wrdreg $0xFFFFFFFF;
	(pc) =	sbr.abs _section_cstart, $3  }
0xc3: {  	[dreg:$0x1] =	wrdreg $0xFFFFFFFF  }
0xc4: {  	_ =	task.clear_ibuf [dreg:s8], $0x2FFFF;
	_ =	strace $0x9FFFFFFF  }
0xc5: {  	(tm) =	ssettm $0x7FFFFFFF  }
tec
execute0_lowered:
.L_overlay_start_1:
0x0: {  	(tag) =	ssettag $0x1  }
0x1: {  	s2 =	rddreg [dreg:$0x1]  }
0x2: {  	s0 =	srdreg.scid;
	s6 =	rddreg [dreg:$0x2]  }
0x3: {  	s10 =	stileid.u32;
	s4 =	rddreg [dreg:$0x3]  }
0x4: {  	s15 =	simm.s32 $0x1;
	s16 =	simm.s32 $0x4000;
	s17 =	simm.s32 $0x6000  }
0x5: {  	s18 =	simm.s32 $0x80;
	s19 =	simm.s32 $0xC000;
	s20 =	simm.s32 $0xC080  }
0x6: {  	s21 =	simm.s32 $0x2;
	s22 =	simm.s32 $0x3;
	s23 =	simm.s32 $0x4  }
0x7: {  	s25 =	simm.s32 $0x5;
	s1 =	sand.u32 $0x1, s0;
	s0 =	rddreg [dreg:$0x0]  }
0x8: {  	s8 =	sshll.u32 s10, $0x7;
	s26 =	sadd.s32 $0x1D600, s6;
	p0 =	seq.s32 s10, $0x0  }
0x9: {  	s3 =	sshll.u32 s1, $0x4;
	s8 =	sand.u32 $0x380, s8;
	s28 =	ssub.s32 $0x2, s1  }
0xa: {  	p1 =	seq.s32 s1, $0x1;
	s1 =	sor.u32 s1, s10;
	s3 =	sor.u32 s10, s3  }
0xb: {  	s29 =	sshrl.u32 s28, $0x1;
	p0 =	por !p0, !p1;
	p2 =	sne.s32 s1, $0x0  }
0xc: {  	s5 =	sshrl.u32 s3, $0x3;
	s9 =	sshll.u32 s3, $0xF;
	p1 =	por !p0, !p0  }
0xd: {  	p0 =	sne.s32 s10, $0x0;
	s7 =	smul.u32 $0x38800, s5;
	s5 =	simm.s32 $0x0  }
0xe: {  	s30 =	sadd.s32 s0, s9;
	s31 =	sadd.s32 s2, s9;
	[smem:$0x7FF] =	sst s5  }
0xf: {  	s7 =	sor.u32 s8, s7;
	_ =	strace $0x80000047;
	[dreg:$0x5] =	wrdreg s26  }
0x10: {  	s8 =	sshll.u32 s3, $0x12;
	[dreg:$0x7] =	wrdreg s30;
	s7 =	sshrl.u32 s7, $0x3  }
0x11: {  	[dreg:$0x8] =	wrdreg s31;
	s7 =	sadd.s32 s7, s6;
	s6 =	sadd.s32 $0x1E600, s6  }
0x12: {  	s26 =	simm.s32 $0x0;
	[dreg:$0x6] =	wrdreg s6;
	s6 =	ssub.s32 s28, s29  }
0x13: {  	v24 =	vimm.f32 $1.000000000e+00;
	s11 =	sor.u32 $0x4000, s8;
	s12 =	sadd.s32 $0x1200, s7;
	s13 =	smax.u32 s6, $0x1  }
.LBB2_1:
0x14: {  	s1 =	rddreg [dreg:$0x7]  }
0x15: {  	[tilespmem:s5], [sflag:$0x1] =	stream.linear.gather [hbm4b:s1+s5], $0x2000, $0x38;
	[tilespmem:$0x13890] =	vst v63  }
0x16: {  	s31 =	rddreg [dreg:$0x8];
	s3 =	simm.s32 $0x2000  }
0x17: {  	[tilespmem:s3], [sflag:$0x1] =	stream.linear.gather [hbm4b:s31+s5], $0x2000, $0x38;
	[tilespmem:$0x13890] =	vst v63  }
0x18: {  	[tilespmem:$0xC000] =	vst v24  }
0x19: {  	[tilespmem:$0xC010] =	vst v24  }
0x1a: {  	[tilespmem:$0xC020] =	vst v24  }
0x1b: {  	[tilespmem:$0xC030] =	vst v24  }
0x1c: {  	[tilespmem:$0xC040] =	vst v24  }
0x1d: {  	[tilespmem:$0xC050] =	vst v24  }
0x1e: {  	[tilespmem:$0xC060] =	vst v24  }
0x1f: {  	v0 =	vimm.f32 $0.0e+00;
	s1 =	simm.s32 $0x40;
	s3 =	simm.s32 $0x0;
	[tilespmem:$0xC070] =	vst v24  }
.LBB2_2:
0x20: {  	p3 =	sne.s32 s1, $0x1C200;
	[tilespmem:s3+$0xC080] =	vst v0;
	s3 =	smov.u32 s1;
	s1 =	sadd.s32 $0x40, s1  }
.Ltmp0:
0x21: {  	(pc) =	sbr.rel @p3 .LBB2_2-.Ltmp0, $2  }
0x22: {  	_ =	sdelay $0x2  }
0x23: {  	s3 =	sshra.s32 s3, $0x2  }
0x24: {  	[tilespmem:s3+$0xC080] =	vst v0;
	s1 =	simm.s32 @!p0 $0xC080  }
0x25: {  	[spmem:s4] =	stream.linear.scatter @!p0 [tilespmem:s1], [sflag:$0x5], $0x7100, $0x38;
	[tilespmem:$0x13890] =	vst v63  }
0x26: {  	s1 =	simm.s32 @!p0 $0x5  }
0x27: {  	_ =	swait.ge @!p0 [sflag:s1], $0x7100  }
0x28: {  	[sflag:s1] =	ssyncset.done @!p0 $0x0  }
0x29: {  	[sflag:s1] =	ssyncadd.s32 @!p0 $0xFFFF8F00  }
0x2a: {  	s28 =	simm.s32 $0x0;
	[bflag:$0x0] =	sbarrier.arrive $0xFFFF  }
.LBB2_4:
0x2b: {  	_ =	swait.ge [sflag:s15], $0x2000  }
0x2c: {  	s29 =	sshll.u32 s28, $0xE;
	[sflag:s15] =	ssyncset.done $0x0  }
0x2d: {  	s1 =	sor.u32 s29, s8;
	[sflag:s15] =	ssyncadd.s32 $0xFFFFE000  }
0x2e: {  	s1 =	sshrl.u32 s1, $0x3;
	_ =	swait.ge [sflag:s15], $0x2000  }
0x2f: {  	p3 =	seq.s32 s28, $0x0;
	s1 =	sor.u32 $0x400, s1;
	[sflag:s15] =	ssyncset.done $0x0  }
.Ltmp1:
0x30: {  	s3 =	sadd.s32 s0, s1;
	[sflag:s15] =	ssyncadd.s32 $0xFFFFE000;
	(pc) =	sbr.rel @p3 .LBB2_8-.Ltmp1, $4  }
0x31: {  	[tilespmem:s16], [sflag:$0x2] =	stream.linear.gather [hbm4b:s3+s5], $0x2000, $0x38;
	[tilespmem:$0x13890] =	vst v63  }
0x32: {  	s1 =	sadd.s32 s2, s1  }
0x33: {  	[tilespmem:s17], [sflag:$0x2] =	stream.linear.gather [hbm4b:s1+s5], $0x2000, $0x38;
	[tilespmem:$0x13890] =	vst v63  }
0x34: {  	s1 =	simm.s32 $0x30  }
0x35: {  	_ =	swait.ge [sflag:s22], $0x80  }
0x36: {  	s1 =	sadd.s32 $0xFFFFFFFF, s1;
	[sflag:s22] =	ssyncset.done $0x0  }
.LBB2_6:
0x37: {  	p3 =	sne.s32 s1, $0x1;
	s1 =	sadd.s32 $0xFFFFFFFF, s1;
	[sflag:s22] =	ssyncadd.s32 $0xFFFFFF80  }
.Ltmp2:
0x38: {  	(pc) =	sbr.rel @p3 .LBB2_6-.Ltmp2, $3  }
0x39: {  	_ =	sdelay $0x1  }
0x3a: {  	_ =	swait.ge [sflag:s22], $0x80  }
0x3b: {  	[sflag:s22] =	ssyncset.done $0x0  }
0x3c: {  	[sflag:s22] =	ssyncadd.s32 $0xFFFFFF80  }
.LBB2_8:
0x3d: {  	s14 =	simm.s32 $0x0  }
0x3e: {  	s1 =	simm.s32 $0x8080;
	s10 =	simm.s32 $0x2080;
	s3 =	simm.s32 $0x80  }
.LBB2_9:
0x3f: {  	v0 =	vld [tilespmem:s3+$0x70]  }
0x40: {  	v1 =	vld [tilespmem:s3+$0xFFFFFF90]  }
0x41: {  	v3 =	vld [tilespmem:s3+$0xFFFFFFB0]  }
0x42: {  	v4 =	vld [tilespmem:s3+$0xFFFFFFC0]  }
0x43: {  	v5 =	vld [tilespmem:s3+$0xFFFFFFD0]  }
0x44: {  	v6 =	vld [tilespmem:s3+$0xFFFFFFE0]  }
0x45: {  	v10 =	vld [tilespmem:s3+$0x20]  }
0x46: {  	v2 =	vld [tilespmem:s3+$0xFFFFFFA0]  }
0x47: {  	v7 =	vld [tilespmem:s3+$0x10];
	v0 =	vmax.f32 v0, $0.0e+00  }
0x48: {  	v1 =	vmax.f32 v1, $0.0e+00;
	v3 =	vmax.f32 v3, $0.0e+00;
	v4 =	vmax.f32 v4, $0.0e+00  }
0x49: {  	v5 =	vmax.f32 v5, $0.0e+00;
	v6 =	vmax.f32 v6, $0.0e+00;
	v28 =	vmin.f32 v1, $9.999989860e-01;
	v1 =	vld [tilespmem:s3+$0xFFFFFFF0]  }
0x4a: {  	v10 =	vmax.f32 v10, $0.0e+00;
	v21 =	vmin.f32 v0, $9.999989860e-01;
	v25 =	vmin.f32 v3, $9.999989860e-01;
	v3 =	vld [tilespmem:s3+$0x40]  }
0x4b: {  	v0 =	vmax.f32 v2, $0.0e+00;
	v22 =	vmin.f32 v4, $9.999989860e-01;
	v24 =	vmin.f32 v5, $9.999989860e-01;
	v5 =	vld [tilespmem:s3+$0x60]  }
0x4c: {  	v23 =	vmin.f32 v6, $9.999989860e-01;
	v6 =	vmax.f32 v7, $0.0e+00;
	v7 =	vld [tilespmem:s3+$0xFFFFFF80];
	v34 =	vsub.f32 $1.000000000e+00, v21  }
0x4d: {  	v17 =	vmin.f32 v10, $9.999989860e-01;
	v29 =	vmin.f32 v0, $9.999989860e-01;
	v0 =	vld [tilespmem:s3+$0x0];
	v9 =	vmul.f32 $7.233541010e-01, v21  }
0x4e: {  	v11 =	vld [tilespmem:s3+$0x30];
	v2 =	vsub.f32 $1.000000000e+00, v28;
	v14 =	vmul.f32 $5.000000000e-01, v34;
	v8 =	vshra.s32 v34, $0x1  }
0x4f: {  	v16 =	vmin.f32 v6, $9.999989860e-01;
	v9 =	vsub.f32 $3.821680070e+00, v9;
	v8 =	vsub.s32 $0x5F3759DF, v8  }
0x50: {  	v31 =	vmul.f32 $5.000000000e-01, v2;
	v12 =	vmul.f32 v8, v14;
	v1 =	vmax.f32 v1, $0.0e+00  }
0x51: {  	v9 =	vmul.f32 v9, v21;
	v10 =	vmax.f32 v5, $0.0e+00;
	v7 =	vmax.f32 v7, $0.0e+00  }
0x52: {  	v0 =	vmax.f32 v0, $0.0e+00;
	v27 =	vmin.f32 v1, $9.999989860e-01;
	v1 =	vmax.f32 v3, $0.0e+00  }
0x53: {  	v13 =	vld [tilespmem:s3+$0x50];
	v3 =	vmin.f32 v10, $9.999989860e-01;
	v10 =	vsub.f32 $1.000000000e+00, v22;
	v4 =	vmul.f32 v8, v12  }
0x54: {  	v30 =	vmin.f32 v7, $9.999989860e-01;
	v26 =	vmin.f32 v0, $9.999989860e-01;
	v0 =	vmax.f32 v11, $0.0e+00  }
0x55: {  	v44 =	vmul.f32 $5.000000000e-01, v10;
	v49 =	vshra.s32 v10, $0x1;
	v4 =	vsub.f32 $1.500000000e+00, v4  }
0x56: {  	v9 =	vadd.f32 $-9.790774340e+00, v9;
	v5 =	vmin.f32 v0, $9.999989860e-01;
	v49 =	vsub.s32 $0x5F3759DF, v49  }
0x57: {  	[tilespmem:$0x1FFE0] =	vst v2;
	v0 =	vmovc v2;
	v2 =	vsub.f32 $1.000000000e+00, v29;
	v62 =	vmul.f32 v49, v44;
	v11 =	vmul.f32 v8, v4  }
0x58: {  	v8 =	vmul.f32 v9, v21;
	v9 =	vmax.f32 v13, $0.0e+00;
	v4 =	vmin.f32 v1, $9.999989860e-01  }
0x59: {  	v1 =	vsub.f32 $1.000000000e+00, v30;
	v46 =	vshra.s32 v0, $0x1;
	v7 =	vmin.f32 v9, $9.999989860e-01  }
0x5a: {  	v9 =	vsub.f32 $1.000000000e+00, v25;
	v33 =	vmul.f32 $5.000000000e-01, v2;
	v19 =	vsub.f32 $1.000000000e+00, v4  }
0x5b: {  	v47 =	vshra.s32 v2, $0x1;
	v46 =	vsub.s32 $0x5F3759DF, v46;
	v62 =	vmul.f32 v49, v62  }
0x5c: {  	v6 =	vmul.f32 v11, v14;
	v8 =	vadd.f32 $1.769974330e+01, v8;
	v32 =	vmul.f32 $5.000000000e-01, v1  }
0x5d: {  	v45 =	vshra.s32 v1, $0x1;
	v47 =	vsub.s32 $0x5F3759DF, v47;
	v59 =	vmul.f32 v46, v31  }
0x5e: {  	v39 =	vmul.f32 $5.000000000e-01, v9;
	v48 =	vshra.s32 v9, $0x1;
	v41 =	vmul.f32 $5.000000000e-01, v19  }
0x5f: {  	v57 =	vshra.s32 v19, $0x1;
	v45 =	vsub.s32 $0x5F3759DF, v45;
	v60 =	vmul.f32 v47, v33  }
0x60: {  	v62 =	vsub.f32 $1.500000000e+00, v62;
	v12 =	vmul.f32 v6, v11;
	v8 =	vmul.f32 v8, v21  }
0x61: {  	v6 =	vsub.f32 $1.000000000e+00, v16;
	v58 =	vmul.f32 v45, v32;
	v48 =	vsub.s32 $0x5F3759DF, v48  }
0x62: {  	v59 =	vmul.f32 v46, v59;
	v57 =	vsub.s32 $0x5F3759DF, v57;
	v61 =	vmul.f32 v48, v39  }
0x63: {  	v60 =	vmul.f32 v47, v60;
	v49 =	vmul.f32 v49, v62;
	v12 =	vsub.f32 $1.500000000e+00, v12  }
0x64: {  	v0 =	vmul.f32 v57, v41;
	v13 =	vadd.f32 $-2.874775890e+01, v8;
	v8 =	vsub.f32 $1.000000000e+00, v17  }
0x65: {  	v54 =	vshra.s32 v6, $0x1;
	v58 =	vmul.f32 v45, v58;
	v59 =	vsub.f32 $1.500000000e+00, v59  }
0x66: {  	v61 =	vmul.f32 v48, v61;
	v60 =	vsub.f32 $1.500000000e+00, v60;
	v0 =	vmul.f32 v57, v0  }
0x67: {  	v35 =	vmul.f32 v12, v11;
	v15 =	vmul.f32 v13, v21;
	v11 =	vsub.f32 $1.000000000e+00, v24  }
0x68: {  	v12 =	vsub.f32 $1.000000000e+00, v23;
	v13 =	vsub.f32 $1.000000000e+00, v27;
	v42 =	vmul.f32 $5.000000000e-01, v8  }
0x69: {  	v55 =	vshra.s32 v8, $0x1;
	v58 =	vsub.f32 $1.500000000e+00, v58;
	v46 =	vmul.f32 v46, v59  }
0x6a: {  	v61 =	vsub.f32 $1.500000000e+00, v61;
	v47 =	vmul.f32 v47, v60;
	v55 =	vsub.s32 $0x5F3759DF, v55  }
0x6b: {  	v0 =	vsub.f32 $1.500000000e+00, v0;
	v14 =	vmul.f32 v35, v14;
	v18 =	vadd.f32 $5.098120500e+01, v15  }
0x6c: {  	v15 =	vsub.f32 $1.000000000e+00, v26;
	v50 =	vshra.s32 v11, $0x1;
	v58 =	vmul.f32 v45, v58  }
0x6d: {  	v51 =	vshra.s32 v12, $0x1;
	v62 =	vmul.f32 v55, v42;
	v48 =	vmul.f32 v48, v61  }
0x6e: {  	[tilespmem:$0x1FFF0] =	vst v2;
	v50 =	vsub.s32 $0x5F3759DF, v50;
	v2 =	vmul.f32 v57, v0;
	v0 =	vmul.f32 v47, v33  }
0x6f: {  	v14 =	vmul.f32 v14, v35;
	v20 =	vmul.f32 v18, v21;
	v18 =	vsub.f32 $1.000000000e+00, v5  }
0x70: {  	v53 =	vshra.s32 v15, $0x1;
	v62 =	vmul.f32 v55, v62;
	v57 =	vmul.f32 v58, v32  }
0x71: {  	[tilespmem:$0x1FFD0] =	vst v1;
	v1 =	vmul.f32 v48, v39;
	v0 =	vmul.f32 v0, v47;
	v36 =	vsub.f32 $1.500000000e+00, v14  }
0x72: {  	v37 =	vadd.f32 $-1.229560550e+02, v20;
	v43 =	vmul.f32 $5.000000000e-01, v18;
	v57 =	vmul.f32 v57, v58  }
0x73: {  	v20 =	vsub.f32 $1.000000000e+00, v7;
	v1 =	vmul.f32 v1, v48;
	v36 =	vmul.f32 v36, v35  }
0x74: {  	v0 =	vsub.f32 $1.500000000e+00, v0;
	v21 =	vmul.f32 v37, v21;
	v35 =	vmul.f32 $5.000000000e-01, v11  }
0x75: {  	v53 =	vsub.s32 $0x5F3759DF, v53;
	v37 =	vmul.f32 $5.000000000e-01, v15;
	v40 =	vmul.f32 $5.000000000e-01, v20  }
0x76: {  	v57 =	vsub.f32 $1.500000000e+00, v57;
	v0 =	vmul.f32 v0, v47;
	v38 =	vmul.f32 v36, v34  }
0x77: {  	v1 =	vsub.f32 $1.500000000e+00, v1;
	v34 =	vmul.f32 $5.000000000e-01, v12;
	v36 =	vmul.f32 $5.000000000e-01, v13  }
0x78: {  	v21 =	vadd.f32 $9.000000000e+02, v21;
	v63 =	vmul.f32 v50, v35;
	v60 =	vmul.f32 v53, v37  }
0x79: {  	v52 =	vshra.s32 v13, $0x1;
	v57 =	vmul.f32 v57, v58;
	v1 =	vmul.f32 v1, v48  }
0x7a: {  	v51 =	vsub.s32 $0x5F3759DF, v51;
	v33 =	vmul.f32 v0, v33;
	v21 =	vmul.f32 v38, v21  }
0x7b: {  	v52 =	vsub.s32 $0x5F3759DF, v52;
	v38 =	vmul.f32 $5.000000000e-01, v6;
	v45 =	vmul.f32 v51, v34  }
0x7c: {  	v54 =	vsub.s32 $0x5F3759DF, v54;
	v59 =	vmul.f32 v52, v36;
	v63 =	vmul.f32 v50, v63  }
0x7d: {  	v56 =	vshra.s32 v18, $0x1;
	v60 =	vmul.f32 v53, v60;
	v32 =	vmul.f32 v57, v32  }
0x7e: {  	v56 =	vsub.s32 $0x5F3759DF, v56;
	v39 =	vmul.f32 v1, v39;
	v33 =	vmul.f32 v33, v0  }
0x7f: {  	v61 =	vmul.f32 v54, v38;
	v45 =	vmul.f32 v51, v45;
	v63 =	vsub.f32 $1.500000000e+00, v63  }
0x80: {  	v59 =	vmul.f32 v52, v59;
	v60 =	vsub.f32 $1.500000000e+00, v60;
	v32 =	vmul.f32 v32, v57  }
0x81: {  	v39 =	vmul.f32 v39, v1;
	v45 =	vsub.f32 $1.500000000e+00, v45;
	v50 =	vmul.f32 v50, v63  }
0x82: {  	v59 =	vsub.f32 $1.500000000e+00, v59;
	v63 =	vmul.f32 v56, v43;
	v61 =	vmul.f32 v54, v61  }
0x83: {  	v14 =	vsub.f32 $1.000000000e+00, v3;
	v53 =	vmul.f32 v53, v60;
	v51 =	vmul.f32 v51, v45  }
0x84: {  	v60 =	vsub.f32 $1.500000000e+00, v62;
	v52 =	vmul.f32 v52, v59;
	v63 =	vmul.f32 v56, v63  }
0x85: {  	v59 =	vshra.s32 v20, $0x1;
	v61 =	vsub.f32 $1.500000000e+00, v61;
	v45 =	vmul.f32 $5.000000000e-01, v14  }
0x86: {  	v55 =	vmul.f32 v55, v60;
	v59 =	vsub.s32 $0x5F3759DF, v59;
	v62 =	vsub.f32 $1.500000000e+00, v63  }
0x87: {  	v54 =	vmul.f32 v54, v61;
	v61 =	vshra.s32 v14, $0x1;
	v60 =	vmul.f32 v59, v40  }
0x88: {  	v63 =	vmul.f32 v46, v31;
	v48 =	vmul.f32 v51, v34;
	v61 =	vsub.s32 $0x5F3759DF, v61  }
0x89: {  	v21 =	vadd.f32 $5.000000000e-01, v21;
	v56 =	vmul.f32 v56, v62;
	v62 =	vmul.f32 v61, v45  }
0x8a: {  	v60 =	vmul.f32 v59, v60;
	v63 =	vmul.f32 v63, v46  }
0x8b: {  	v33 =	vsub.f32 $1.500000000e+00, v33;
	v21 =	vtrunc.f32 v21;
	v48 =	vmul.f32 v48, v51  }
0x8c: {  	v62 =	vmul.f32 v61, v62;
	v60 =	vsub.f32 $1.500000000e+00, v60;
	v63 =	vsub.f32 $1.500000000e+00, v63  }
0x8d: {  	v33 =	vmul.f32 v33, v0;
	v21 =	vcvt.f32.s32 v21;
	v48 =	vsub.f32 $1.500000000e+00, v48  }
0x8e: {  	v62 =	vsub.f32 $1.500000000e+00, v62;
	v59 =	vmul.f32 v59, v60;
	v46 =	vmul.f32 v63, v46  }
0x8f: {  	v63 =	vmul.f32 v50, v35;
	v48 =	vmul.f32 v48, v51  }
0x90: {  	v60 =	vmul.f32 v61, v62;
	v62 =	vmul.f32 v49, v44  }
0x91: {  	v47 =	vmul.f32 v63, v50;
	v61 =	vmul.f32 v52, v36  }
0x92: {  	v63 =	vmul.f32 v54, v38;
	v58 =	vmul.f32 v62, v49  }
0x93: {  	v62 =	vmul.f32 v53, v37;
	v61 =	vmul.f32 v61, v52  }
0x94: {  	v47 =	vsub.f32 $1.500000000e+00, v47;
	v51 =	vmul.f32 v63, v54;
	v58 =	vsub.f32 $1.500000000e+00, v58  }
0x95: {  	v31 =	vmul.f32 v46, v31;
	v62 =	vmul.f32 v62, v53;
	v61 =	vsub.f32 $1.500000000e+00, v61  }
0x96: {  	v47 =	vmul.f32 v47, v50;
	v51 =	vsub.f32 $1.500000000e+00, v51;
	v49 =	vmul.f32 v58, v49  }
0x97: {  	v50 =	vmul.f32 v61, v52;
	v61 =	vmul.f32 v55, v42  }
0x98: {  	v58 =	vmul.f32 v56, v43;
	v51 =	vmul.f32 v51, v54  }
0x99: {  	v63 =	vsub.f32 $1.500000000e+00, v62;
	v54 =	vmul.f32 v59, v40;
	v62 =	vmul.f32 v60, v45  }
0x9a: {  	v35 =	vmul.f32 v47, v35;
	v52 =	vmul.f32 v61, v55  }
0x9b: {  	v53 =	vmul.f32 v63, v53;
	v61 =	vmul.f32 v2, v41  }
0x9c: {  	v58 =	vmul.f32 v58, v56;
	v54 =	vmul.f32 v54, v59;
	v52 =	vsub.f32 $1.500000000e+00, v52  }
0x9d: {  	v32 =	vsub.f32 $1.500000000e+00, v32;
	v63 =	vmul.f32 v31, v46;
	v61 =	vmul.f32 v61, v2  }
0x9e: {  	v35 =	vmul.f32 v35, v47;
	v54 =	vsub.f32 $1.500000000e+00, v54;
	v52 =	vmul.f32 v52, v55  }
0x9f: {  	v55 =	vsub.f32 $1.500000000e+00, v58;
	v58 =	vsub.f32 $1.500000000e+00, v61;
	v61 =	vmul.f32 v62, v60  }
0xa0: {  	v54 =	vmul.f32 v54, v59;
	v59 =	vmul.f32 v49, v44  }
0xa1: {  	v31 =	vmul.f32 v32, v57;
	v57 =	vsub.f32 $1.500000000e+00, v35;
	v55 =	vmul.f32 v55, v56  }
0xa2: {  	v2 =	vmul.f32 v58, v2;
	v62 =	vsub.f32 $1.500000000e+00, v61;
	v61 =	vmul.f32 v59, v49  }
0xa3: {  	v58 =	vmul.f32 $7.233541010e-01, v28;
	v59 =	vmul.f32 v50, v36  }
0xa4: {  	v0 =	vsub.f32 $1.500000000e+00, v39;
	v36 =	vmul.f32 v57, v47;
	v42 =	vmul.f32 v52, v42  }
0xa5: {  	v40 =	vmul.f32 v54, v40;
	v56 =	vmul.f32 v62, v60  }
0xa6: {  	v60 =	vsub.f32 $1.500000000e+00, v63;
	v62 =	vmul.f32 v48, v34;
	v34 =	vmul.f32 v0, v1  }
0xa7: {  	v63 =	vsub.f32 $1.500000000e+00, v61;
	v0 =	vmul.f32 $7.233541010e-01, v30;
	v61 =	vmul.f32 $7.233541010e-01, v29  }
0xa8: {  	v43 =	vmul.f32 v55, v43;
	v11 =	vmul.f32 v36, v11  }
0xa9: {  	v32 =	vmul.f32 v60, v46;
	v1 =	vmul.f32 v62, v48  }
0xaa: {  	v35 =	vmul.f32 v63, v49;
	v60 =	vmul.f32 v53, v37  }
0xab: {  	v0 =	vsub.f32 $3.821680070e+00, v0;
	v46 =	vmul.f32 v59, v50;
	v63 =	vmul.f32 v51, v38  }
0xac: {  	v39 =	vsub.f32 $3.821680070e+00, v61;
	v43 =	vmul.f32 v43, v55;
	v45 =	vmul.f32 v56, v45  }
0xad: {  	v9 =	vmul.f32 v34, v9;
	v1 =	vsub.f32 $1.500000000e+00, v1;
	v62 =	vmul.f32 v60, v53  }
0xae: {  	v0 =	vmul.f32 v0, v30;
	v46 =	vsub.f32 $1.500000000e+00, v46;
	v49 =	vmul.f32 v63, v51  }
0xaf: {  	v43 =	vsub.f32 $1.500000000e+00, v43;
	v60 =	vmul.f32 v40, v54;
	v45 =	vmul.f32 v45, v56  }
0xb0: {  	v10 =	vmul.f32 v35, v10;
	v37 =	vmul.f32 v1, v48;
	v1 =	vsub.f32 $3.821680070e+00, v58  }
0xb1: {  	v44 =	vsub.f32 $1.500000000e+00, v62;
	v38 =	vmul.f32 v46, v50;
	v48 =	vmul.f32 v39, v29  }
0xb2: {  	v0 =	vadd.f32 $-9.790774340e+00, v0;
	v50 =	vmul.f32 v42, v52;
	v58 =	vmul.f32 v2, v41  }
0xb3: {  	v43 =	vmul.f32 v43, v55;
	v62 =	vsub.f32 $1.500000000e+00, v60;
	v60 =	vmul.f32 $7.233541010e-01, v3  }
0xb4: {  	v63 =	vsub.f32 $1.500000000e+00, v45;
	v1 =	vmul.f32 v1, v28;
	v39 =	vmul.f32 v44, v53  }
0xb5: {  	vm0 =	vgt.s32 v21, $0x0;
	v0 =	vmul.f32 v0, v30;
	v59 =	vmul.f32 v58, v2  }
0xb6: {  	v46 =	vadd.f32 $-9.790774340e+00, v48;
	v55 =	vmul.f32 v63, v56;
	v56 =	vmul.f32 $7.233541010e-01, v24  }
0xb7: {  	v44 =	vsub.f32 $1.500000000e+00, v49;
	v58 =	vmul.f32 $7.233541010e-01, v17;
	v12 =	vmul.f32 v37, v12  }
0xb8: {  	v57 =	vsub.f32 $1.500000000e+00, v50;
	v13 =	vmul.f32 v38, v13;
	v18 =	vmul.f32 v43, v18  }
0xb9: {  	v1 =	vadd.f32 $-9.790774340e+00, v1;
	v46 =	vmul.f32 v46, v29;
	v42 =	vmul.f32 v44, v51  }
0xba: {  	v0 =	vadd.f32 $1.769974330e+01, v0;
	v41 =	vmul.f32 v57, v52;
	v52 =	vmul.f32 v62, v54  }
0xbb: {  	v57 =	vmul.f32 $7.233541010e-01, v26;
	v47 =	vsub.f32 $3.821680070e+00, v56;
	v15 =	vmul.f32 v39, v15  }
0xbc: {  	v21 =	vnsel vm0, $0x0, v21;
	v14 =	vmul.f32 v55, v14;
	v1 =	vmul.f32 v1, v28  }
0xbd: {  	v53 =	vadd.f32 $1.769974330e+01, v46;
	v0 =	vmul.f32 v0, v30;
	v47 =	vmul.f32 v47, v24  }
0xbe: {  	v46 =	vsub.f32 $1.500000000e+00, v59;
	v59 =	vmul.f32 $7.233541010e-01, v5;
	v6 =	vmul.f32 v42, v6  }
0xbf: {  	v8 =	vmul.f32 v41, v8;
	v20 =	vmul.f32 v52, v20;
	v1 =	vadd.f32 $1.769974330e+01, v1  }
0xc0: {  	v44 =	vmul.f32 v53, v29;
	v0 =	vadd.f32 $-2.874775890e+01, v0;
	v61 =	vmul.f32 v46, v2  }
0xc1: {  	v2 =	vmul.f32 $7.233541010e-01, v25;
	v53 =	vmul.f32 $7.233541010e-01, v22;
	v47 =	vadd.f32 $-9.790774340e+00, v47  }
0xc2: {  	v1 =	vmul.f32 v1, v28;
	v44 =	vadd.f32 $-2.874775890e+01, v44;
	v0 =	vmul.f32 v0, v30  }
0xc3: {  	v2 =	vsub.f32 $3.821680070e+00, v2;
	v46 =	vsub.f32 $3.821680070e+00, v53;
	v47 =	vmul.f32 v47, v24  }
0xc4: {  	v1 =	vadd.f32 $-2.874775890e+01, v1;
	v44 =	vmul.f32 v44, v29;
	v0 =	vadd.f32 $5.098120500e+01, v0  }
0xc5: {  	v2 =	vmul.f32 v2, v25;
	v46 =	vmul.f32 v46, v22;
	v47 =	vadd.f32 $1.769974330e+01, v47  }
0xc6: {  	v1 =	vmul.f32 v1, v28;
	v0 =	vmul.f32 v0, v30;
	v44 =	vadd.f32 $5.098120500e+01, v44  }
0xc7: {  	v2 =	vadd.f32 $-9.790774340e+00, v2;
	v46 =	vadd.f32 $-9.790774340e+00, v46;
	v47 =	vmul.f32 v47, v24  }
0xc8: {  	v1 =	vadd.f32 $5.098120500e+01, v1;
	v0 =	vadd.f32 $-1.229560550e+02, v0;
	v54 =	vmul.f32 v44, v29  }
0xc9: {  	v2 =	vmul.f32 v2, v25;
	v46 =	vmul.f32 v46, v22;
	v47 =	vadd.f32 $-2.874775890e+01, v47  }
0xca: {  	v1 =	vmul.f32 v1, v28;
	v30 =	vmul.f32 v0, v30;
	v48 =	vadd.f32 $-1.229560550e+02, v54  }
0xcb: {  	v0 =	vmul.f32 $7.233541010e-01, v23;
	v2 =	vadd.f32 $1.769974330e+01, v2;
	v46 =	vadd.f32 $1.769974330e+01, v46  }
0xcc: {  	v47 =	vmul.f32 v47, v24;
	v1 =	vadd.f32 $-1.229560550e+02, v1;
	v29 =	vmul.f32 v48, v29  }
0xcd: {  	v0 =	vsub.f32 $3.821680070e+00, v0;
	v48 =	vsub.f32 $3.821680070e+00, v57;
	v2 =	vmul.f32 v2, v25  }
0xce: {  	v46 =	vmul.f32 v46, v22;
	v47 =	vadd.f32 $5.098120500e+01, v47;
	v28 =	vmul.f32 v1, v28  }
0xcf: {  	v30 =	vadd.f32 $9.000000000e+02, v30;
	v1 =	vmul.f32 $7.233541010e-01, v27;
	v0 =	vmul.f32 v0, v23  }
0xd0: {  	v48 =	vmul.f32 v48, v26;
	v2 =	vadd.f32 $-2.874775890e+01, v2;
	v46 =	vadd.f32 $-2.874775890e+01, v46  }
0xd1: {  	v47 =	vmul.f32 v47, v24;
	v29 =	vadd.f32 $9.000000000e+02, v29;
	v1 =	vsub.f32 $3.821680070e+00, v1  }
0xd2: {  	v19 =	vmul.f32 v61, v19;
	v0 =	vadd.f32 $-9.790774340e+00, v0;
	v48 =	vadd.f32 $-9.790774340e+00, v48  }
0xd3: {  	v2 =	vmul.f32 v2, v25;
	v46 =	vmul.f32 v46, v22;
	v47 =	vadd.f32 $-1.229560550e+02, v47  }
0xd4: {  	v28 =	vadd.f32 $9.000000000e+02, v28;
	v1 =	vmul.f32 v1, v27;
	v0 =	vmul.f32 v0, v23  }
0xd5: {  	v48 =	vmul.f32 v48, v26;
	v2 =	vadd.f32 $5.098120500e+01, v2;
	v46 =	vadd.f32 $5.098120500e+01, v46  }
0xd6: {  	v24 =	vmul.f32 v47, v24;
	v47 =	vsub.f32 $3.821680070e+00, v59;
	v1 =	vadd.f32 $-9.790774340e+00, v1  }
0xd7: {  	v0 =	vadd.f32 $1.769974330e+01, v0;
	v48 =	vadd.f32 $1.769974330e+01, v48;
	v2 =	vmul.f32 v2, v25  }
0xd8: {  	v46 =	vmul.f32 v46, v22;
	v47 =	vmul.f32 v47, v5;
	v24 =	vadd.f32 $9.000000000e+02, v24  }
0xd9: {  	v1 =	vmul.f32 v1, v27;
	v0 =	vmul.f32 v0, v23;
	v2 =	vadd.f32 $-1.229560550e+02, v2  }
0xda: {  	v48 =	vmul.f32 v48, v26;
	v46 =	vadd.f32 $-1.229560550e+02, v46;
	v47 =	vadd.f32 $-9.790774340e+00, v47  }
0xdb: {  	v11 =	vmul.f32 v11, v24;
	v1 =	vadd.f32 $1.769974330e+01, v1;
	v0 =	vadd.f32 $-2.874775890e+01, v0  }
0xdc: {  	v48 =	vadd.f32 $-2.874775890e+01, v48;
	v2 =	vmul.f32 v2, v25;
	v25 =	vmul.f32 $7.233541010e-01, v16  }
0xdd: {  	v22 =	vmul.f32 v46, v22;
	v46 =	vsub.f32 $3.821680070e+00, v58;
	v47 =	vmul.f32 v47, v5  }
0xde: {  	v11 =	vadd.f32 $5.000000000e-01, v11;
	v1 =	vmul.f32 v1, v27;
	v0 =	vmul.f32 v0, v23  }
0xdf: {  	v48 =	vmul.f32 v48, v26;
	v25 =	vsub.f32 $3.821680070e+00, v25;
	v46 =	vmul.f32 v46, v17  }
0xe0: {  	v47 =	vadd.f32 $1.769974330e+01, v47;
	v2 =	vadd.f32 $9.000000000e+02, v2;
	v11 =	vtrunc.f32 v11  }
0xe1: {  	v22 =	vadd.f32 $9.000000000e+02, v22;
	v11 =	vcvt.f32.s32 v11;
	v1 =	vadd.f32 $-2.874775890e+01, v1  }
0xe2: {  	v0 =	vadd.f32 $5.098120500e+01, v0;
	v48 =	vadd.f32 $5.098120500e+01, v48;
	v25 =	vmul.f32 v25, v16  }
0xe3: {  	v46 =	vadd.f32 $-9.790774340e+00, v46;
	v47 =	vmul.f32 v47, v5;
	v2 =	vmul.f32 v9, v2  }
0xe4: {  	v9 =	vmul.f32 v10, v22;
	vm5 =	vgt.s32 v11, $0x0;
	v1 =	vmul.f32 v1, v27  }
0xe5: {  	v0 =	vmul.f32 v0, v23;
	v48 =	vmul.f32 v48, v26;
	v25 =	vadd.f32 $-9.790774340e+00, v25  }
0xe6: {  	v46 =	vmul.f32 v46, v17;
	v47 =	vadd.f32 $-2.874775890e+01, v47;
	v2 =	vadd.f32 $5.000000000e-01, v2  }
0xe7: {  	v9 =	vadd.f32 $5.000000000e-01, v9;
	v11 =	vnsel vm5, $0x0, v11;
	v25 =	vmul.f32 v25, v16  }
0xe8: {  	v1 =	vadd.f32 $5.098120500e+01, v1;
	v47 =	vmul.f32 v47, v5;
	v2 =	vtrunc.f32 v2  }
0xe9: {  	v0 =	vadd.f32 $-1.229560550e+02, v0;
	v9 =	vtrunc.f32 v9;
	v2 =	vcvt.f32.s32 v2  }
0xea: {  	v48 =	vadd.f32 $-1.229560550e+02, v48;
	v9 =	vcvt.f32.s32 v9;
	v1 =	vmul.f32 v1, v27  }
0xeb: {  	v46 =	vadd.f32 $1.769974330e+01, v46;
	v0 =	vmul.f32 v0, v23;
	v23 =	vmul.f32 $7.233541010e-01, v4  }
0xec: {  	v26 =	vmul.f32 v48, v26;
	v48 =	vsub.f32 $3.821680070e+00, v60;
	v25 =	vadd.f32 $1.769974330e+01, v25  }
0xed: {  	v46 =	vmul.f32 v46, v17;
	v47 =	vadd.f32 $5.098120500e+01, v47;
	vm3 =	vgt.s32 v2, $0x0  }
0xee: {  	vm4 =	vgt.s32 v9, $0x0;
	v1 =	vadd.f32 $-1.229560550e+02, v1;
	v23 =	vsub.f32 $3.821680070e+00, v23  }
0xef: {  	v48 =	vmul.f32 v48, v3;
	v25 =	vmul.f32 v25, v16;
	v46 =	vadd.f32 $-2.874775890e+01, v46  }
0xf0: {  	v47 =	vmul.f32 v47, v5;
	v0 =	vadd.f32 $9.000000000e+02, v0;
	v1 =	vmul.f32 v1, v27  }
0xf1: {  	v26 =	vadd.f32 $9.000000000e+02, v26;
	v27 =	vmul.f32 $7.233541010e-01, v7;
	v23 =	vmul.f32 v23, v4  }
0xf2: {  	v48 =	vadd.f32 $-9.790774340e+00, v48;
	v25 =	vadd.f32 $-2.874775890e+01, v25;
	v46 =	vmul.f32 v46, v17  }
0xf3: {  	v47 =	vadd.f32 $-1.229560550e+02, v47;
	v0 =	vmul.f32 v12, v0;
	v27 =	vsub.f32 $3.821680070e+00, v27  }
0xf4: {  	v23 =	vadd.f32 $-9.790774340e+00, v23;
	v48 =	vmul.f32 v48, v3;
	v25 =	vmul.f32 v25, v16  }
0xf5: {  	v46 =	vadd.f32 $5.098120500e+01, v46;
	v5 =	vmul.f32 v47, v5;
	v1 =	vadd.f32 $9.000000000e+02, v1  }
0xf6: {  	v0 =	vadd.f32 $5.000000000e-01, v0;
	v27 =	vmul.f32 v27, v7;
	v23 =	vmul.f32 v23, v4  }
0xf7: {  	v48 =	vadd.f32 $1.769974330e+01, v48;
	v25 =	vadd.f32 $5.098120500e+01, v25;
	v46 =	vmul.f32 v46, v17  }
0xf8: {  	v5 =	vadd.f32 $9.000000000e+02, v5;
	v1 =	vmul.f32 v13, v1;
	v0 =	vtrunc.f32 v0  }
0xf9: {  	v13 =	vmul.f32 v15, v26;
	v0 =	vcvt.f32.s32 v0;
	v27 =	vadd.f32 $-9.790774340e+00, v27  }
0xfa: {  	v23 =	vadd.f32 $1.769974330e+01, v23;
	v48 =	vmul.f32 v48, v3;
	v25 =	vmul.f32 v25, v16  }
0xfb: {  	v15 =	vld [tilespmem:s10+$0x70];
	v46 =	vadd.f32 $-1.229560550e+02, v46;
	v5 =	vmul.f32 v18, v5;
	v27 =	vmul.f32 v27, v7  }
0xfc: {  	v1 =	vadd.f32 $5.000000000e-01, v1;
	v13 =	vadd.f32 $5.000000000e-01, v13;
	v23 =	vmul.f32 v23, v4  }
0xfd: {  	vm6 =	vgt.s32 v0, $0x0;
	v48 =	vadd.f32 $-2.874775890e+01, v48;
	v27 =	vadd.f32 $1.769974330e+01, v27  }
0xfe: {  	v25 =	vadd.f32 $-1.229560550e+02, v25;
	v17 =	vmul.f32 v46, v17;
	v23 =	vadd.f32 $-2.874775890e+01, v23  }
0xff: {  	v5 =	vadd.f32 $5.000000000e-01, v5;
	v1 =	vtrunc.f32 v1;
	v27 =	vmul.f32 v27, v7  }
0x100: {  	v13 =	vtrunc.f32 v13;
	v15 =	vmul.u32 $0x709, v15;
	v23 =	vmul.f32 v23, v4  }
0x101: {  	v1 =	vcvt.f32.s32 v1;
	v13 =	vcvt.f32.s32 v13;
	v27 =	vadd.f32 $-2.874775890e+01, v27  }
0x102: {  	v18 =	vld [tilespmem:s10+$0xFFFFFFA0];
	v48 =	vmul.f32 v48, v3;
	v16 =	vmul.f32 v25, v16;
	v23 =	vadd.f32 $5.098120500e+01, v23  }
0x103: {  	v17 =	vadd.f32 $9.000000000e+02, v17;
	v5 =	vtrunc.f32 v5;
	v27 =	vmul.f32 v27, v7  }
0x104: {  	vm7 =	vgt.s32 v1, $0x0;
	v48 =	vadd.f32 $5.098120500e+01, v48;
	v23 =	vmul.f32 v23, v4  }
0x105: {  	vm9 =	vgt.s32 v13, $0x0;
	v16 =	vadd.f32 $9.000000000e+02, v16;
	v27 =	vadd.f32 $5.098120500e+01, v27  }
0x106: {  	v8 =	vmul.f32 v8, v17;
	v48 =	vmul.f32 v48, v3;
	v23 =	vadd.f32 $-1.229560550e+02, v23  }
0x107: {  	v40 =	vmul.u32 $0x709, v18;
	v17 =	vld [tilespmem:s10+$0xFFFFFF80];
	v6 =	vmul.f32 v6, v16;
	v27 =	vmul.f32 v27, v7  }
0x108: {  	v8 =	vadd.f32 $5.000000000e-01, v8;
	v16 =	vmin.u32 v21, $0x708;
	v4 =	vmul.f32 v23, v4;
	v23 =	vld [tilespmem:$0x1FFD0]  }
0x109: {  	v15 =	vadd.s32 v15, v16;
	v6 =	vadd.f32 $5.000000000e-01, v6;
	v25 =	vadd.f32 $-1.229560550e+02, v27  }
0x10a: {  	v16 =	vld [tilespmem:s10+$0xFFFFFF90];
	v8 =	vtrunc.f32 v8;
	v27 =	vadd.f32 $-1.229560550e+02, v48;
	v4 =	vadd.f32 $9.000000000e+02, v4  }
0x10b: {  	v21 =	vcvt.f32.s32 v8;
	v8 =	vnsel vm6, $0x0, v0;
	v7 =	vmul.f32 v25, v7;
	v25 =	vld [tilespmem:$0x1FFE0]  }
0x10c: {  	v36 =	vmul.u32 $0x709, v17;
	v3 =	vmul.f32 v27, v3;
	v27 =	vld [tilespmem:$0x1FFF0];
	v4 =	vmul.f32 v19, v4  }
0x10d: {  	v6 =	vtrunc.f32 v6;
	v19 =	vld [tilespmem:s10+$0xFFFFFFB0];
	v23 =	vmul.f32 v31, v23;
	v7 =	vadd.f32 $9.000000000e+02, v7  }
0x10e: {  	v6 =	vcvt.f32.s32 v6;
	v3 =	vadd.f32 $9.000000000e+02, v3;
	v4 =	vadd.f32 $5.000000000e-01, v4  }
0x10f: {  	vm11 =	vgt.s32 v21, $0x0;
	v23 =	vmul.f32 v23, v30;
	v7 =	vmul.f32 v20, v7  }
0x110: {  	v39 =	vmul.u32 $0x709, v16;
	v3 =	vmul.f32 v14, v3;
	v4 =	vtrunc.f32 v4  }
0x111: {  	vm10 =	vgt.s32 v6, $0x0;
	v25 =	vmul.f32 v32, v25;
	v27 =	vmul.f32 v33, v27  }
0x112: {  	v23 =	vadd.f32 $5.000000000e-01, v23;
	v24 =	vcvt.f32.s32 v4;
	v18 =	vmul.u32 $0x709, v19  }
0x113: {  	v22 =	vld [tilespmem:s10+$0xFFFFFFD0];
	v7 =	vadd.f32 $5.000000000e-01, v7;
	v25 =	vmul.f32 v25, v28;
	v27 =	vmul.f32 v27, v29  }
0x114: {  	v20 =	vld [tilespmem:s10+$0xFFFFFFC0];
	v3 =	vadd.f32 $5.000000000e-01, v3;
	v14 =	vtrunc.f32 v23;
	v23 =	vcvt.f32.s32 v5  }
0x115: {  	v62 =	vld [tilespmem:s10+$0x20];
	vm13 =	vgt.s32 v24, $0x0;
	v5 =	vnsel vm10, $0x0, v6;
	v7 =	vtrunc.f32 v7  }
0x116: {  	v61 =	vld [tilespmem:s10+$0x10];
	v14 =	vcvt.f32.s32 v14;
	v3 =	vtrunc.f32 v3;
	v10 =	vadd.f32 $5.000000000e-01, v25  }
0x117: {  	v28 =	vld [tilespmem:s10+$0xFFFFFFF0];
	v12 =	vadd.f32 $5.000000000e-01, v27;
	v26 =	vcvt.f32.s32 v7;
	v27 =	vcvt.f32.s32 v3  }
0x118: {  	v29 =	vld [tilespmem:s10+$0x0];
	vm12 =	vgt.s32 v23, $0x0;
	v7 =	vnsel vm9, $0x0, v13;
	v3 =	vnsel vm11, $0x0, v21  }
0x119: {  	v25 =	vld [tilespmem:s10+$0xFFFFFFE0];
	v19 =	vmul.u32 $0x709, v20;
	v20 =	vmul.u32 $0x709, v22;
	vm15 =	vgt.s32 v14, $0x0  }
0x11a: {  	v13 =	vld [tilespmem:s10+$0x40];
	v4 =	vnsel vm12, $0x0, v23;
	v10 =	vtrunc.f32 v10;
	v12 =	vtrunc.f32 v12  }
0x11b: {  	v14 =	vnsel vm15, $0x0, v14;
	vm14 =	vgt.s32 v26, $0x0;
	vm15 =	vgt.s32 v27, $0x0  }
0x11c: {  	s7 =	sshll.u32 s14, $0x6;
	v63 =	vld [tilespmem:s10+$0x30];
	v10 =	vcvt.f32.s32 v10;
	v12 =	vcvt.f32.s32 v12;
	v0 =	vnsel vm15, $0x0, v27  }
0x11d: {  	s6 =	sadd.s32 $0x40, s7;
	s7 =	sadd.s32 $0x10, s7;
	v21 =	vld [tilespmem:s10+$0x50];
	v37 =	vmul.u32 $0x709, v28;
	v35 =	vmul.u32 $0x709, v29;
	v29 =	vmul.u32 $0x709, v61  }
0x11e: {  	p3 =	slt.u32 s7, s6;
	v23 =	vld [tilespmem:s10+$0x60];
	v27 =	vmul.u32 $0x709, v62;
	v14 =	vmin.u32 v14, $0x708;
	vm1 =	vgt.s32 v10, $0x0  }
.Ltmp3:
0x11f: {  	vm2 =	vgt.s32 v12, $0x0;
	v38 =	vmul.u32 $0x709, v25;
	v25 =	vmul.u32 $0x709, v13;
	(pc) =	sbr.rel @!p3 .LBB2_11-.Ltmp3, $4  }
0x120: {  	v30 =	vnsel vm1, $0x0, v10;
	v31 =	vnsel vm2, $0x0, v12;
	v12 =	vnsel vm3, $0x0, v2  }
0x121: {  	v10 =	vnsel vm4, $0x0, v9;
	v9 =	vnsel vm7, $0x0, v1;
	v2 =	vnsel vm13, $0x0, v24  }
0x122: {  	s9 =	sadd.s32 $0x100, s3;
	v1 =	vnsel vm14, $0x0, v26;
	v26 =	vmul.u32 $0x709, v63;
	v24 =	vmul.u32 $0x709, v21  }
0x123: {  	s24 =	smov.u32 s1;
	s31 =	smov.u32 s10;
	s30 =	smov.u32 s1;
	[tilespmem:s1+$0x70] =	vst v15;
	v23 =	vmul.u32 $0x709, v23;
	v15 =	vmin.u32 v30, $0x708;
	v13 =	vmin.u32 v31, $0x708  }
.LBB2_10:
0x124: {  	v6 =	vmin.u32 v8, $0x708  }
0x125: {  	v5 =	vmin.u32 v5, $0x708;
	[tilespmem:$0x1FD40] =	vst v6  }
0x126: {  	v3 =	vmin.u32 v3, $0x708;
	[tilespmem:$0x1FEC0] =	vst v5  }
0x127: {  	v2 =	vmin.u32 v2, $0x708;
	[tilespmem:$0x1FEF0] =	vst v3  }
0x128: {  	v16 =	vld [tilespmem:s9+$0x70];
	v1 =	vmin.u32 v1, $0x708;
	[tilespmem:$0x1FF40] =	vst v2  }
0x129: {  	v17 =	vld [tilespmem:s9+$0xFFFFFF90];
	v0 =	vmin.u32 v0, $0x708;
	[tilespmem:$0x1FF60] =	vst v1  }
0x12a: {  	v6 =	vmin.u32 v9, $0x708;
	[tilespmem:$0x1FF80] =	vst v0  }
0x12b: {  	v12 =	vmin.u32 v12, $0x708;
	v3 =	vmin.u32 v4, $0x708;
	[tilespmem:$0x1FD60] =	vst v6;
	v6 =	vmin.u32 v7, $0x708;
	v7 =	vld [tilespmem:s9+$0xFFFFFFA0]  }
0x12c: {  	v10 =	vmin.u32 v10, $0x708;
	v11 =	vmin.u32 v11, $0x708;
	v0 =	vld [tilespmem:s9+$0xFFFFFFC0];
	[tilespmem:$0x1FF20] =	vst v3;
	v1 =	vadd.s32 v36, v14  }
0x12d: {  	v5 =	vld [tilespmem:s9+$0xFFFFFFD0];
	[tilespmem:$0x1FE90] =	vst v6;
	v2 =	vadd.s32 v39, v15;
	v4 =	vadd.s32 v40, v13;
	v8 =	vmax.f32 v16, $0.0e+00  }
0x12e: {  	v3 =	vld [tilespmem:s9+$0xFFFFFFB0];
	v9 =	vadd.s32 v19, v10;
	[tilespmem:s24+$0xFFFFFF80] =	vst v1;
	v10 =	vmax.f32 v17, $0.0e+00;
	v8 =	vmin.f32 v8, $9.999989860e-01  }
0x12f: {  	v1 =	vadd.s32 v18, v12;
	v12 =	vld [tilespmem:s9+$0xFFFFFFE0];
	[tilespmem:s24+$0xFFFFFF90] =	vst v2;
	v42 =	vmin.f32 v10, $9.999989860e-01;
	v10 =	vsub.f32 $1.000000000e+00, v8  }
0x130: {  	v2 =	vadd.s32 v20, v11;
	[tilespmem:s24+$0xFFFFFFA0] =	vst v4;
	v4 =	vld [tilespmem:s9+$0x0];
	v6 =	vmax.f32 v7, $0.0e+00;
	v13 =	vmul.f32 $7.233541010e-01, v8  }
0x131: {  	v7 =	vld [tilespmem:s9+$0xFFFFFFF0];
	v31 =	vmin.f32 v6, $9.999989860e-01;
	v6 =	vmul.f32 $5.000000000e-01, v10;
	v11 =	vshra.s32 v10, $0x1  }
0x132: {  	[tilespmem:s24+$0xFFFFFFC0] =	vst v9;
	v9 =	vld [tilespmem:s9+$0x20];
	v11 =	vsub.s32 $0x5F3759DF, v11  }
0x133: {  	[tilespmem:s24+$0xFFFFFFB0] =	vst v1;
	v1 =	vld [tilespmem:s9+$0x10];
	v13 =	vsub.f32 $3.821680070e+00, v13;
	v14 =	vmul.f32 v11, v6  }
0x134: {  	v0 =	vmax.f32 v0, $0.0e+00;
	v5 =	vmax.f32 v5, $0.0e+00;
	v3 =	vmax.f32 v3, $0.0e+00  }
0x135: {  	v54 =	vmin.f32 v3, $9.999989860e-01;
	v3 =	vld [tilespmem:s9+$0x40];
	v13 =	vmul.f32 v13, v8;
	v14 =	vmul.f32 v11, v14  }
0x136: {  	[tilespmem:s24+$0xFFFFFFD0] =	vst v2;
	v57 =	vmin.f32 v0, $9.999989860e-01;
	v2 =	vmax.f32 v12, $0.0e+00;
	v0 =	vmax.f32 v7, $0.0e+00;
	v7 =	vld [tilespmem:s9+$0x50]  }
0x137: {  	v12 =	vld [tilespmem:s9+$0x30];
	v4 =	vmax.f32 v4, $0.0e+00;
	v13 =	vadd.f32 $-9.790774340e+00, v13;
	v14 =	vsub.f32 $1.500000000e+00, v14  }
0x138: {  	v9 =	vmax.f32 v9, $0.0e+00;
	v34 =	vmin.f32 v2, $9.999989860e-01;
	v1 =	vmax.f32 v1, $0.0e+00  }
0x139: {  	[tilespmem:$0x1FD70] =	vst v37;
	v37 =	vmin.f32 v4, $9.999989860e-01;
	v4 =	vmul.f32 v11, v14;
	v11 =	vmul.f32 v13, v8  }
0x13a: {  	[tilespmem:$0x1FF30] =	vst v26;
	v26 =	vmin.f32 v9, $9.999989860e-01;
	v53 =	vmin.f32 v1, $9.999989860e-01;
	v3 =	vmax.f32 v3, $0.0e+00  }
0x13b: {  	v1 =	vmax.f32 v7, $0.0e+00;
	v7 =	vmul.f32 v4, v6;
	v9 =	vadd.f32 $1.769974330e+01, v11  }
0x13c: {  	v45 =	vmin.f32 v0, $9.999989860e-01;
	v56 =	vmin.f32 v3, $9.999989860e-01;
	v0 =	vmax.f32 v12, $0.0e+00  }
0x13d: {  	v2 =	vld [tilespmem:s9+$0x60];
	v52 =	vmin.f32 v0, $9.999989860e-01;
	v0 =	vmul.f32 v7, v4;
	v3 =	vmul.f32 v9, v8  }
0x13e: {  	v44 =	vmin.f32 v5, $9.999989860e-01  }
0x13f: {  	v5 =	vld [tilespmem:s9+$0xFFFFFF80];
	v51 =	vmin.f32 v1, $9.999989860e-01;
	v0 =	vsub.f32 $1.500000000e+00, v0;
	v1 =	vadd.f32 $-2.874775890e+01, v3;
	_ =	sdelay $0x1  }
0x140: {  	v0 =	vmul.f32 v0, v4;
	v1 =	vmul.f32 v1, v8  }
0x141: {  	v2 =	vmax.f32 v2, $0.0e+00  }
0x142: {  	v59 =	vmin.f32 v2, $9.999989860e-01;
	v2 =	vmul.f32 v0, v6;
	v1 =	vadd.f32 $5.098120500e+01, v1  }
0x143: {  	v5 =	vmax.f32 v5, $0.0e+00  }
0x144: {  	v62 =	vmin.f32 v5, $9.999989860e-01;
	v2 =	vmul.f32 v2, v0;
	v1 =	vmul.f32 v1, v8  }
0x145: {  	[tilespmem:$0x1FED0] =	vst v29;
	v7 =	vsub.f32 $1.000000000e+00, v62  }
0x146: {  	[tilespmem:$0x1FF50] =	vst v25;
	v2 =	vsub.f32 $1.500000000e+00, v2;
	v1 =	vadd.f32 $-1.229560550e+02, v1  }
0x147: {  	[tilespmem:$0x1FD90] =	vst v7;
	v29 =	vmul.f32 $5.000000000e-01, v7;
	v25 =	vshra.s32 v7, $0x1;
	v7 =	vsub.f32 $1.000000000e+00, v44  }
0x148: {  	v0 =	vmul.f32 v2, v0;
	v2 =	vmul.f32 v1, v8  }
0x149: {  	s31 =	sadd.s32 $0x100, s31;
	v33 =	vshra.s32 v7, $0x1  }
0x14a: {  	[tilespmem:$0x1FDE0] =	vst v7;
	v8 =	vmul.f32 $5.000000000e-01, v7;
	v5 =	vmul.f32 v0, v10;
	v7 =	vadd.f32 $9.000000000e+02, v2;
	v10 =	vld [tilespmem:s31+$0xFFFFFFB0];
	_ =	sdelay $0x1  }
0x14b: {  	v5 =	vmul.f32 v5, v7;
	_ =	sdelay $0x1  }
0x14c: {  	[tilespmem:$0x1FD50] =	vst v38;
	v5 =	vadd.f32 $5.000000000e-01, v5  }
0x14d: {  	[tilespmem:$0x1FB10] =	vst v10;
	v10 =	vld [tilespmem:s31+$0xFFFFFFC0]  }
0x14e: {  	[tilespmem:$0x1FF70] =	vst v24;
	v5 =	vtrunc.f32 v5  }
0x14f: {  	[tilespmem:$0x1FF00] =	vst v27;
	v5 =	vcvt.f32.s32 v5  }
0x150: {  	[tilespmem:$0x1FEA0] =	vst v35  }
0x151: {  	[tilespmem:$0x1FF90] =	vst v23;
	vm0 =	vgt.s32 v5, $0x0  }
0x152: {  	[tilespmem:$0x1FB20] =	vst v10;
	v10 =	vnsel vm0, $0x0, v5;
	v5 =	vld [tilespmem:s31+$0xFFFFFFD0]  }
0x153: {  	v15 =	vsub.f32 $1.000000000e+00, v42;
	[tilespmem:$0x1FA90] =	vst v42  }
0x154: {  	[tilespmem:$0x1FAB0] =	vst v44  }
0x155: {  	[tilespmem:$0x1FDA0] =	vst v15  }
0x156: {  	v23 =	vmul.f32 $7.233541010e-01, v57;
	v24 =	vmul.f32 $5.000000000e-01, v15;
	[tilespmem:$0x1FAA0] =	vst v31  }
0x157: {  	v22 =	vmul.f32 $7.233541010e-01, v54;
	[tilespmem:$0x1FB30] =	vst v5;
	v5 =	vld [tilespmem:s31+$0xFFFFFFE0]  }
0x158: {  	v21 =	vmul.f32 $7.233541010e-01, v44;
	v58 =	vshra.s32 v15, $0x1;
	v23 =	vsub.f32 $3.821680070e+00, v23;
	[tilespmem:$0x1FC00] =	vst v24  }
0x159: {  	v22 =	vsub.f32 $3.821680070e+00, v22;
	[tilespmem:$0x1FB40] =	vst v34;
	v16 =	vsub.f32 $1.000000000e+00, v37;
	v41 =	vmul.f32 $7.233541010e-01, v37  }
0x15a: {  	[tilespmem:$0x1FAC0] =	vst v37;
	v15 =	vsub.f32 $1.000000000e+00, v26;
	v37 =	vmul.f32 $7.233541010e-01, v26;
	v23 =	vmul.f32 v23, v57  }
0x15b: {  	v21 =	vsub.f32 $3.821680070e+00, v21;
	[tilespmem:$0x1FAD0] =	vst v26;
	v22 =	vmul.f32 v22, v54;
	v61 =	vmul.f32 $5.000000000e-01, v16  }
0x15c: {  	v38 =	vshra.s32 v16, $0x1;
	v43 =	vmul.f32 $5.000000000e-01, v15;
	v60 =	vshra.s32 v15, $0x1;
	[tilespmem:$0x1FB70] =	vst v5;
	v5 =	vld [tilespmem:s31+$0xFFFFFFF0]  }
0x15d: {  	[tilespmem:$0x1FE30] =	vst v15;
	v15 =	vsub.s32 $0x5F3759DF, v58;
	v37 =	vsub.f32 $3.821680070e+00, v37;
	v12 =	vsub.f32 $1.000000000e+00, v31  }
0x15e: {  	[tilespmem:$0x1FBC0] =	vst v45;
	v28 =	vmul.f32 $7.233541010e-01, v56;
	v14 =	vsub.f32 $1.000000000e+00, v34;
	v13 =	vsub.f32 $1.000000000e+00, v45  }
0x15f: {  	[tilespmem:$0x1FE10] =	vst v16;
	v47 =	vmul.f32 $5.000000000e-01, v12;
	v17 =	vsub.f32 $1.000000000e+00, v52;
	v27 =	vmul.f32 $7.233541010e-01, v52  }
0x160: {  	[tilespmem:$0x1FBD0] =	vst v56;
	v19 =	vsub.f32 $1.000000000e+00, v59;
	v26 =	vmul.f32 $7.233541010e-01, v59;
	v11 =	vsub.f32 $1.000000000e+00, v57  }
0x161: {  	v48 =	vmul.f32 $5.000000000e-01, v14;
	v35 =	vshra.s32 v14, $0x1;
	v36 =	vshra.s32 v13, $0x1;
	[tilespmem:$0x1FB80] =	vst v5;
	v5 =	vld [tilespmem:s31+$0x0]  }
0x162: {  	[tilespmem:$0x1FC90] =	vst v43;
	v46 =	vmul.f32 $5.000000000e-01, v17;
	v27 =	vsub.f32 $3.821680070e+00, v27;
	v49 =	vmul.f32 $5.000000000e-01, v19  }
0x163: {  	[tilespmem:$0x1FDB0] =	vst v12;
	v40 =	vsub.s32 $0x5F3759DF, v35;
	v35 =	vsub.s32 $0x5F3759DF, v38;
	v30 =	vmul.f32 $5.000000000e-01, v11  }
0x164: {  	[tilespmem:$0x1FDD0] =	vst v11;
	v20 =	vshra.s32 v11, $0x1;
	v9 =	vmul.f32 $5.000000000e-01, v13;
	v11 =	vmul.f32 $7.233541010e-01, v34  }
0x165: {  	[tilespmem:$0x1FC10] =	vst v47;
	v34 =	vmul.f32 $7.233541010e-01, v45;
	v27 =	vmul.f32 v27, v52;
	v3 =	vsub.f32 $1.000000000e+00, v54  }
0x166: {  	v58 =	vsub.s32 $0x5F3759DF, v20;
	v16 =	vsub.s32 $0x5F3759DF, v25;
	v4 =	vmovc v12;
	v12 =	vsub.f32 $1.000000000e+00, v56;
	[tilespmem:$0x1FB90] =	vst v5;
	v5 =	vld [tilespmem:s31+$0x10]  }
0x167: {  	[tilespmem:$0x1FDC0] =	vst v3;
	v32 =	vmul.f32 $5.000000000e-01, v3;
	v18 =	vshra.s32 v3, $0x1;
	v3 =	vmul.f32 $7.233541010e-01, v31  }
0x168: {  	[tilespmem:$0x1FDF0] =	vst v14;
	v31 =	vmul.f32 $7.233541010e-01, v53;
	v55 =	vshra.s32 v4, $0x1;
	v4 =	vsub.f32 $1.000000000e+00, v51  }
0x169: {  	[tilespmem:$0x1FE00] =	vst v13;
	v56 =	vmovc v59;
	v59 =	vsub.s32 $0x5F3759DF, v33;
	v33 =	vsub.s32 $0x5F3759DF, v36;
	v6 =	vsub.f32 $1.000000000e+00, v53  }
0x16a: {  	[tilespmem:$0x1FE40] =	vst v17;
	v13 =	vshra.s32 v12, $0x1;
	v14 =	vsub.s32 $0x5F3759DF, v55;
	v55 =	vsub.s32 $0x5F3759DF, v18;
	v0 =	vld [tilespmem:s31+$0xFFFFFF80]  }
0x16b: {  	v50 =	vmul.f32 $5.000000000e-01, v4;
	v36 =	vsub.s32 $0x5F3759DF, v13;
	v13 =	vmul.f32 v14, v47;
	[tilespmem:$0x1FBA0] =	vst v5;
	v5 =	vld [tilespmem:s31+$0x20]  }
0x16c: {  	[tilespmem:$0x1FCA0] =	vst v46;
	v31 =	vsub.f32 $3.821680070e+00, v31;
	v47 =	vmul.f32 v55, v32;
	v63 =	vmul.f32 $5.000000000e-01, v6  }
0x16d: {  	[tilespmem:$0x1FE20] =	vst v6;
	v39 =	vshra.s32 v6, $0x1;
	v6 =	vshra.s32 v17, $0x1;
	v17 =	vmul.f32 $5.000000000e-01, v12  }
0x16e: {  	[tilespmem:$0x1FE50] =	vst v12;
	v31 =	vmul.f32 v31, v53;
	v38 =	vsub.s32 $0x5F3759DF, v39;
	v13 =	vmul.f32 v14, v13;
	v7 =	vld [tilespmem:s31+$0x70]  }
0x16f: {  	v39 =	vsub.s32 $0x5F3759DF, v60;
	v60 =	vmul.f32 v55, v47;
	v12 =	vmul.f32 v38, v63;
	[tilespmem:$0x1FAE0] =	vst v0;
	v0 =	vld [tilespmem:s31+$0xFFFFFF90]  }
0x170: {  	v45 =	vsub.s32 $0x5F3759DF, v6;
	v6 =	vmul.f32 v36, v17;
	v47 =	vsub.f32 $1.500000000e+00, v13;
	[tilespmem:$0x1FBB0] =	vst v5;
	v5 =	vld [tilespmem:s31+$0x30]  }
0x171: {  	[tilespmem:$0x1FC30] =	vst v30;
	v60 =	vsub.f32 $1.500000000e+00, v60;
	v1 =	vmul.f32 $7.233541010e-01, v62;
	v12 =	vmul.f32 v38, v12  }
0x172: {  	[tilespmem:$0x1FC20] =	vst v32;
	v32 =	vsub.f32 $3.821680070e+00, v41;
	v6 =	vmul.f32 v36, v6;
	v47 =	vmul.f32 v14, v47  }
0x173: {  	[tilespmem:$0x1FE60] =	vst v4;
	v55 =	vmul.f32 v55, v60;
	v2 =	vshra.s32 v4, $0x1;
	v4 =	vmul.f32 $7.233541010e-01, v42  }
0x174: {  	v6 =	vsub.f32 $1.500000000e+00, v6;
	v42 =	vsub.s32 $0x5F3759DF, v2;
	v2 =	vmul.f32 v15, v24;
	[tilespmem:$0x1FAF0] =	vst v0;
	v0 =	vld [tilespmem:s31+$0xFFFFFFA0]  }
0x175: {  	v24 =	vsub.f32 $3.821680070e+00, v4;
	v4 =	vmul.f32 v35, v61;
	v7 =	vmul.u32 $0x709, v7;
	[tilespmem:$0x1FCE0] =	vst v5;
	v5 =	vld [tilespmem:s31+$0x40]  }
0x176: {  	[tilespmem:$0x1FC60] =	vst v9;
	v36 =	vmul.f32 v36, v6;
	v2 =	vmul.f32 v15, v2;
	v10 =	vmin.u32 v10, $0x708  }
0x177: {  	s24 =	sadd.s32 $0x100, s24;
	[tilespmem:$0x1FC40] =	vst v8;
	v4 =	vmul.f32 v35, v4;
	v10 =	vadd.s32 v7, v10;
	v7 =	vmul.f32 v58, v30  }
0x178: {  	v30 =	vsub.f32 $3.821680070e+00, v11;
	v11 =	vmul.f32 v42, v50;
	[tilespmem:s24+$0x70] =	vst v10;
	v10 =	vmul.f32 v59, v8  }
0x179: {  	v14 =	vadd.f32 $-9.790774340e+00, v23;
	v8 =	vmul.f32 v33, v9;
	v9 =	vmul.f32 v45, v46;
	[tilespmem:$0x1FB00] =	vst v0  }
0x17a: {  	v46 =	vsub.f32 $1.500000000e+00, v2;
	v7 =	vmul.f32 v58, v7;
	v0 =	vshra.s32 v19, $0x1;
	[tilespmem:$0x1FD00] =	vst v5;
	v5 =	vld [tilespmem:s31+$0x50]  }
0x17b: {  	[tilespmem:$0x1FE70] =	vst v19;
	v11 =	vmul.f32 v42, v11;
	v44 =	vsub.s32 $0x5F3759DF, v0;
	v0 =	vmul.f32 v16, v29  }
0x17c: {  	[tilespmem:$0x1FBF0] =	vst v29;
	v2 =	vld [tilespmem:$0x1FAD0];
	v19 =	vsub.f32 $3.821680070e+00, v3;
	v3 =	vmul.f32 v40, v48;
	v10 =	vmul.f32 v59, v10  }
0x17d: {  	[tilespmem:$0x1FC80] =	vst v63;
	v12 =	vsub.f32 $1.500000000e+00, v12;
	v6 =	vld [tilespmem:$0x1FB10];
	v8 =	vmul.f32 v33, v8;
	v0 =	vmul.f32 v16, v0  }
0x17e: {  	[tilespmem:$0x1FCB0] =	vst v17;
	v9 =	vmul.f32 v45, v9;
	v46 =	vmul.f32 v15, v46;
	v17 =	vsub.f32 $1.500000000e+00, v7;
	v7 =	vld [tilespmem:$0x1FAA0]  }
0x17f: {  	v63 =	vmovc v43;
	v29 =	vsub.f32 $3.821680070e+00, v1;
	[tilespmem:$0x1FD10] =	vst v5;
	v5 =	vmul.f32 v39, v43;
	v43 =	vsub.f32 $1.500000000e+00, v0;
	v0 =	vld [tilespmem:$0x1FB40]  }
0x180: {  	v1 =	vld [tilespmem:s31+$0x60];
	v3 =	vmul.f32 v40, v3;
	v20 =	vsub.f32 $1.500000000e+00, v10;
	v18 =	vsub.f32 $1.500000000e+00, v8  }
0x181: {  	v10 =	vld [tilespmem:$0x1FAB0];
	v8 =	vsub.f32 $1.500000000e+00, v4;
	v37 =	vmul.f32 v37, v2;
	v58 =	vmul.f32 v58, v17  }
0x182: {  	v9 =	vsub.f32 $1.500000000e+00, v9;
	v59 =	vmul.f32 v59, v20;
	v18 =	vmul.f32 v33, v18  }
0x183: {  	[tilespmem:$0x1FCC0] =	vst v50;
	v4 =	vld [tilespmem:$0x1FAC0];
	v50 =	vsub.f32 $1.500000000e+00, v3;
	v20 =	vmul.f32 v35, v8;
	v19 =	vmul.f32 v19, v7  }
0x184: {  	v6 =	vmul.u32 $0x709, v6;
	v35 =	vmul.f32 v45, v9;
	v30 =	vmul.f32 v30, v0  }
0x185: {  	v8 =	vld [tilespmem:$0x1FAE0];
	[tilespmem:$0x1FD30] =	vst v1;
	v1 =	vmul.f32 v44, v49;
	v60 =	vmul.f32 v40, v50;
	v15 =	vadd.f32 $-9.790774340e+00, v19  }
0x186: {  	v21 =	vmul.f32 v21, v10;
	v19 =	vadd.f32 $-9.790774340e+00, v22;
	v22 =	vadd.f32 $-9.790774340e+00, v30  }
0x187: {  	[tilespmem:$0x1FFA0] =	vst v6;
	v6 =	vmul.f32 v15, v7;
	v30 =	vadd.f32 $-9.790774340e+00, v31;
	v31 =	vadd.f32 $-9.790774340e+00, v27;
	v27 =	vmovc v7;
	v7 =	vld [tilespmem:$0x1FB20]  }
0x188: {  	v11 =	vsub.f32 $1.500000000e+00, v11;
	v50 =	vmul.f32 v38, v12;
	v32 =	vmul.f32 v32, v4  }
0x189: {  	v1 =	vmul.f32 v44, v1;
	v21 =	vadd.f32 $-9.790774340e+00, v21;
	v5 =	vmul.f32 v39, v5  }
0x18a: {  	v17 =	vadd.f32 $-9.790774340e+00, v32;
	v32 =	vadd.f32 $-9.790774340e+00, v37;
	v8 =	vmul.u32 $0x709, v8  }
0x18b: {  	v38 =	vmul.f32 v42, v11;
	v1 =	vsub.f32 $1.500000000e+00, v1;
	v5 =	vsub.f32 $1.500000000e+00, v5  }
0x18c: {  	[tilespmem:$0x1FE80] =	vst v8;
	v8 =	vmul.f32 v19, v54;
	v11 =	vmul.f32 v21, v10;
	v9 =	vmul.u32 $0x709, v7  }
0x18d: {  	v45 =	vmovc v57;
	v33 =	vmul.f32 v39, v5;
	v39 =	vmul.f32 v44, v1;
	v44 =	vmov v54  }
0x18e: {  	v54 =	vmovc v10;
	v10 =	vmul.f32 v32, v2;
	[tilespmem:$0x1FFB0] =	vst v9;
	v9 =	vmul.f32 v14, v57;
	v57 =	vmov v2;
	v2 =	vld [tilespmem:$0x1FBF0]  }
0x18f: {  	v13 =	vld [tilespmem:$0x1FBC0];
	_ =	sdelay $0x1  }
0x190: {  	v43 =	vmul.f32 v16, v43  }
0x191: {  	v34 =	vsub.f32 $3.821680070e+00, v34;
	v41 =	vld [tilespmem:$0x1FA90]  }
0x192: {  	v19 =	vmul.f32 v43, v2;
	v2 =	vld [tilespmem:$0x1FC20]  }
0x193: {  	[tilespmem:$0x1FB50] =	vst v53;
	v34 =	vmul.f32 v34, v13;
	v3 =	vmov v53;
	v53 =	vld [tilespmem:$0x1FBD0];
	_ =	sdelay $0x1  }
0x194: {  	v28 =	vsub.f32 $3.821680070e+00, v28;
	v23 =	vadd.f32 $-9.790774340e+00, v34  }
0x195: {  	v26 =	vsub.f32 $3.821680070e+00, v26;
	v24 =	vmul.f32 v24, v41;
	v29 =	vmul.f32 v29, v62  }
0x196: {  	v14 =	vmul.f32 v23, v13;
	v23 =	vmul.f32 v55, v2;
	v2 =	vld [tilespmem:$0x1FC40]  }
0x197: {  	v26 =	vmul.f32 v26, v56;
	v28 =	vmul.f32 v28, v53  }
0x198: {  	v16 =	vadd.f32 $-9.790774340e+00, v29;
	v29 =	vadd.f32 $-9.790774340e+00, v24  }
0x199: {  	v24 =	vadd.f32 $-9.790774340e+00, v28;
	v28 =	vadd.f32 $-9.790774340e+00, v26  }
0x19a: {  	v15 =	vadd.f32 $1.769974330e+01, v6;
	v6 =	vmul.f32 v17, v4;
	v12 =	vmul.f32 v22, v0  }
0x19b: {  	v0 =	vmov v4;
	v4 =	vmul.f32 v28, v56;
	v28 =	vmul.f32 v59, v2;
	v2 =	vld [tilespmem:$0x1FC80];
	_ =	sdelay $0x3  }
0x19c: {  	v5 =	vld [tilespmem:$0x1FAF0]  }
0x19d: {  	v25 =	vmul.f32 $7.233541010e-01, v51;
	v34 =	vmul.f32 v50, v2;
	v2 =	vld [tilespmem:$0x1FCA0]  }
0x19e: {  	v21 =	vld [tilespmem:$0x1FC00]  }
0x19f: {  	v25 =	vsub.f32 $3.821680070e+00, v25;
	_ =	sdelay $0x1  }
0x1a0: {  	v25 =	vmul.f32 v25, v51;
	v1 =	vmul.f32 v16, v62  }
0x1a1: {  	[tilespmem:$0x1FB60] =	vst v52;
	v16 =	vmul.f32 v31, v52;
	v5 =	vmul.u32 $0x709, v5;
	v52 =	vmul.f32 v35, v2;
	v2 =	vld [tilespmem:$0x1FCB0]  }
0x1a2: {  	v25 =	vadd.f32 $-9.790774340e+00, v25;
	v21 =	vmul.f32 v46, v21  }
0x1a3: {  	[tilespmem:$0x1FD20] =	vst v5;
	v5 =	vld [tilespmem:$0x1FB00]  }
0x1a4: {  	v17 =	vmul.f32 v25, v51;
	v21 =	vmul.f32 v21, v46;
	v22 =	vld [tilespmem:$0x1FC10]  }
0x1a5: {  	v11 =	vadd.f32 $1.769974330e+01, v11;
	v32 =	vmul.f32 v20, v61;
	v7 =	vmul.f32 v30, v3  }
0x1a6: {  	v37 =	vmovc v13;
	v8 =	vadd.f32 $1.769974330e+01, v8;
	v3 =	vmul.f32 v24, v53;
	v13 =	vmovc v53;
	v53 =	vmul.f32 v36, v2;
	v2 =	vld [tilespmem:$0x1FCC0]  }
0x1a7: {  	[tilespmem:$0x1FC70] =	vst v61;
	v11 =	vmul.f32 v11, v54;
	v1 =	vadd.f32 $1.769974330e+01, v1;
	v61 =	vmul.f32 v33, v63  }
0x1a8: {  	v26 =	vmovc v62;
	v15 =	vmul.f32 v15, v27;
	v24 =	vld [tilespmem:$0x1FC30];
	v30 =	vadd.f32 $1.769974330e+01, v6;
	v5 =	vmul.u32 $0x709, v5  }
0x1a9: {  	v21 =	vsub.f32 $1.500000000e+00, v21;
	v1 =	vmul.f32 v1, v26;
	v22 =	vmul.f32 v47, v22  }
0x1aa: {  	v3 =	vadd.f32 $1.769974330e+01, v3;
	v30 =	vmul.f32 v30, v0;
	[tilespmem:$0x1FCF0] =	vst v5;
	v5 =	vmul.f32 v29, v41  }
0x1ab: {  	[tilespmem:$0x1FC50] =	vst v48;
	v10 =	vadd.f32 $1.769974330e+01, v10;
	v29 =	vmul.f32 v60, v48;
	v48 =	vmul.f32 v38, v2  }
0x1ac: {  	v9 =	vadd.f32 $1.769974330e+01, v9;
	v22 =	vmul.f32 v22, v47;
	v3 =	vmul.f32 v3, v13  }
0x1ad: {  	v14 =	vadd.f32 $1.769974330e+01, v14;
	v25 =	vmul.f32 v58, v24;
	v40 =	vmul.f32 v48, v38;
	v48 =	vld [tilespmem:$0x1FB50]  }
0x1ae: {  	v42 =	vmovc v27;
	v7 =	vadd.f32 $1.769974330e+01, v7;
	v24 =	vmul.f32 v39, v49;
	v27 =	vmul.f32 v9, v45  }
0x1af: {  	v22 =	vsub.f32 $1.500000000e+00, v22;
	v14 =	vmul.f32 v14, v37;
	v37 =	vmul.f32 v10, v57  }
0x1b0: {  	v9 =	vmul.f32 v21, v46;
	v25 =	vmul.f32 v25, v58;
	v5 =	vadd.f32 $1.769974330e+01, v5  }
0x1b1: {  	v21 =	vadd.f32 $-2.874775890e+01, v30;
	v24 =	vmul.f32 v24, v39;
	v10 =	vmul.f32 v22, v47  }
0x1b2: {  	v13 =	vadd.f32 $-2.874775890e+01, v27;
	v5 =	vmul.f32 v5, v41;
	v7 =	vmul.f32 v7, v48  }
0x1b3: {  	v14 =	vadd.f32 $-2.874775890e+01, v14;
	v19 =	vmul.f32 v19, v43;
	v25 =	vsub.f32 $1.500000000e+00, v25  }
0x1b4: {  	v63 =	vmul.f32 v53, v36;
	v53 =	vmovc v54;
	v54 =	vmovc v0;
	v0 =	vadd.f32 $-2.874775890e+01, v1;
	v1 =	vadd.f32 $-2.874775890e+01, v5  }
0x1b5: {  	v24 =	vsub.f32 $1.500000000e+00, v24;
	v23 =	vmul.f32 v23, v55;
	v62 =	vmul.f32 v52, v35;
	v52 =	vmovc v26  }
0x1b6: {  	v0 =	vmul.f32 v0, v52;
	v1 =	vmul.f32 v1, v41;
	v22 =	vadd.f32 $-2.874775890e+01, v7;
	v7 =	vmovc v52;
	v52 =	vld [tilespmem:$0x1FBC0]  }
0x1b7: {  	v19 =	vsub.f32 $1.500000000e+00, v19;
	v23 =	vsub.f32 $1.500000000e+00, v23;
	v5 =	vld [tilespmem:$0x1FBD0]  }
0x1b8: {  	v58 =	vmul.f32 v25, v58;
	v39 =	vmul.f32 v24, v39;
	v47 =	vadd.f32 $5.098120500e+01, v1;
	v1 =	vld [tilespmem:$0x1FBF0]  }
0x1b9: {  	v19 =	vmul.f32 v19, v43;
	v55 =	vmul.f32 v23, v55;
	v23 =	vadd.f32 $-2.874775890e+01, v37  }
0x1ba: {  	v26 =	vmul.f32 v8, v44;
	v24 =	vadd.f32 $5.098120500e+01, v0;
	v0 =	vmul.f32 v13, v45  }
0x1bb: {  	v25 =	vadd.f32 $-2.874775890e+01, v3;
	v8 =	vmovc v57;
	v13 =	vmul.f32 v14, v52;
	v14 =	vmul.f32 v21, v54  }
0x1bc: {  	v21 =	vmul.f32 v22, v48;
	v22 =	vmul.f32 v23, v8  }
0x1bd: {  	v23 =	vadd.f32 $5.098120500e+01, v0;
	v0 =	vmul.f32 v25, v5;
	v25 =	vmul.f32 v19, v1;
	v1 =	vld [tilespmem:$0x1FC00];
	_ =	sdelay $0x4  }
0x1be: {  	v27 =	vmul.f32 v9, v1;
	v1 =	vld [tilespmem:$0x1FC10]  }
0x1bf: {  	v28 =	vmul.f32 v28, v59;
	_ =	sdelay $0x1  }
0x1c0: {  	v28 =	vsub.f32 $1.500000000e+00, v28;
	_ =	sdelay $0x1  }
0x1c1: {  	v59 =	vmul.f32 v28, v59;
	v28 =	vmul.f32 v10, v1;
	v1 =	vld [tilespmem:$0x1FC20]  }
0x1c2: {  	v29 =	vmul.f32 v29, v60;
	_ =	sdelay $0x1  }
0x1c3: {  	v29 =	vsub.f32 $1.500000000e+00, v29  }
0x1c4: {  	v6 =	vld [tilespmem:$0x1FC60]  }
0x1c5: {  	v60 =	vmul.f32 v29, v60;
	v29 =	vmul.f32 v55, v1;
	v1 =	vld [tilespmem:$0x1FC30];
	_ =	sdelay $0x3  }
0x1c6: {  	v31 =	vmul.f32 v18, v6  }
0x1c7: {  	v30 =	vmul.f32 v58, v1;
	v1 =	vld [tilespmem:$0x1FC40]  }
0x1c8: {  	v31 =	vmul.f32 v31, v18;
	v3 =	vld [tilespmem:$0x1FB70];
	_ =	sdelay $0x1  }
0x1c9: {  	v31 =	vsub.f32 $1.500000000e+00, v31;
	_ =	sdelay $0x1  }
0x1ca: {  	v18 =	vmul.f32 v31, v18;
	v31 =	vmul.f32 v59, v1;
	v1 =	vld [tilespmem:$0x1FC50]  }
0x1cb: {  	v32 =	vmul.f32 v32, v20;
	v46 =	vmul.u32 $0x709, v3;
	v3 =	vld [tilespmem:$0x1FB80];
	_ =	sdelay $0x1  }
0x1cc: {  	v32 =	vsub.f32 $1.500000000e+00, v32;
	_ =	sdelay $0x1  }
0x1cd: {  	v20 =	vmul.f32 v32, v20;
	v32 =	vmul.f32 v60, v1;
	v1 =	vld [tilespmem:$0x1FC60]  }
0x1ce: {  	v3 =	vmul.u32 $0x709, v3;
	v34 =	vmul.f32 v34, v50;
	_ =	sdelay $0x1  }
0x1cf: {  	[tilespmem:$0x1FD80] =	vst v3;
	v3 =	vld [tilespmem:$0x1FB90];
	v34 =	vsub.f32 $1.500000000e+00, v34  }
0x1d0: {  	v2 =	vld [tilespmem:$0x1FB30]  }
0x1d1: {  	v50 =	vmul.f32 v34, v50;
	v34 =	vmul.f32 v18, v1;
	v1 =	vld [tilespmem:$0x1FC70];
	_ =	sdelay $0x3  }
0x1d2: {  	v3 =	vmul.u32 $0x709, v3  }
0x1d3: {  	v6 =	vmul.u32 $0x709, v2;
	v37 =	vmul.f32 v20, v1;
	v1 =	vld [tilespmem:$0x1FC80]  }
0x1d4: {  	[tilespmem:$0x1FEB0] =	vst v3;
	v3 =	vld [tilespmem:$0x1FBA0]  }
0x1d5: {  	v61 =	vmul.f32 v61, v33;
	[tilespmem:$0x1FFC0] =	vst v6;
	v6 =	vld [tilespmem:$0x1FB40]  }
0x1d6: {  	v17 =	vadd.f32 $1.769974330e+01, v17  }
0x1d7: {  	v4 =	vadd.f32 $1.769974330e+01, v4;
	v61 =	vsub.f32 $1.500000000e+00, v61  }
0x1d8: {  	[tilespmem:$0x1FBE0] =	vst v51;
	v17 =	vmul.f32 v17, v51;
	v12 =	vadd.f32 $1.769974330e+01, v12;
	v51 =	vmul.f32 v50, v1;
	v1 =	vld [tilespmem:$0x1FC90]  }
0x1d9: {  	v4 =	vmul.f32 v4, v56;
	v33 =	vmul.f32 v61, v33;
	v22 =	vadd.f32 $5.098120500e+01, v22  }
0x1da: {  	v3 =	vmul.u32 $0x709, v3;
	v40 =	vsub.f32 $1.500000000e+00, v40;
	v12 =	vmul.f32 v12, v6  }
0x1db: {  	[tilespmem:$0x1FCD0] =	vst v49;
	v16 =	vadd.f32 $1.769974330e+01, v16;
	v49 =	vld [tilespmem:$0x1FB60];
	v25 =	vmul.f32 v25, v19;
	v22 =	vmul.f32 v22, v8  }
0x1dc: {  	v62 =	vsub.f32 $1.500000000e+00, v62;
	[tilespmem:$0x1FEE0] =	vst v3;
	v3 =	vld [tilespmem:$0x1FBB0];
	v38 =	vmul.f32 v40, v38;
	v12 =	vadd.f32 $-2.874775890e+01, v12  }
0x1dd: {  	v25 =	vsub.f32 $1.500000000e+00, v25;
	v22 =	vadd.f32 $-1.229560550e+02, v22;
	v61 =	vmul.f32 v33, v1;
	v1 =	vld [tilespmem:$0x1FCA0]  }
0x1de: {  	v43 =	vmovc v6;
	v12 =	vmul.f32 v12, v6;
	v6 =	vadd.f32 $5.098120500e+01, v0;
	v0 =	vld [tilespmem:$0x1FCC0];
	v40 =	vmul.f32 v51, v50;
	v51 =	vmovc v8  }
0x1df: {  	v2 =	vadd.f32 $-2.874775890e+01, v15;
	v25 =	vmul.f32 v25, v19;
	v19 =	vmul.f32 v22, v51;
	v22 =	vld [tilespmem:$0x1FD90]  }
0x1e0: {  	v17 =	vadd.f32 $-2.874775890e+01, v17;
	v16 =	vmul.f32 v16, v49;
	v57 =	vmovc v56;
	v56 =	vld [tilespmem:$0x1FBE0];
	v35 =	vmul.f32 v62, v35  }
0x1e1: {  	v11 =	vadd.f32 $-2.874775890e+01, v11;
	v3 =	vmul.u32 $0x709, v3;
	v2 =	vmul.f32 v2, v42  }
0x1e2: {  	v16 =	vadd.f32 $-2.874775890e+01, v16;
	v63 =	vsub.f32 $1.500000000e+00, v63;
	v62 =	vmul.f32 v35, v1;
	v1 =	vld [tilespmem:$0x1FCB0]  }
0x1e3: {  	[tilespmem:$0x1FF10] =	vst v3;
	v3 =	vadd.f32 $5.098120500e+01, v2;
	v2 =	vmul.f32 v38, v0;
	v0 =	vld [tilespmem:$0x1FCD0];
	v27 =	vmul.f32 v27, v9  }
0x1e4: {  	v16 =	vmul.f32 v16, v49;
	v15 =	vadd.f32 $-2.874775890e+01, v26;
	v22 =	vmul.f32 v25, v22;
	v25 =	vld [tilespmem:$0x1FDA0]  }
0x1e5: {  	v17 =	vmul.f32 v17, v56;
	v36 =	vmul.f32 v63, v36;
	v27 =	vsub.f32 $1.500000000e+00, v27  }
0x1e6: {  	v11 =	vmul.f32 v11, v53;
	v15 =	vmul.f32 v15, v44  }
0x1e7: {  	v9 =	vmul.f32 v27, v9;
	v63 =	vmul.f32 v36, v1  }
0x1e8: {  	v1 =	vmul.f32 v39, v0;
	v0 =	vmul.f32 v28, v10  }
0x1e9: {  	v26 =	vadd.f32 $-2.874775890e+01, v4;
	v15 =	vadd.f32 $5.098120500e+01, v15;
	v9 =	vmul.f32 v9, v25;
	v25 =	vld [tilespmem:$0x1FDB0]  }
0x1ea: {  	v4 =	vmul.f32 v47, v41;
	v24 =	vmul.f32 v24, v7;
	v0 =	vsub.f32 $1.500000000e+00, v0  }
0x1eb: {  	v11 =	vadd.f32 $5.098120500e+01, v11;
	v26 =	vmul.f32 v26, v57;
	v15 =	vmul.f32 v15, v44  }
0x1ec: {  	v24 =	vadd.f32 $-1.229560550e+02, v24;
	v29 =	vmul.f32 v29, v55;
	v10 =	vmul.f32 v0, v10  }
0x1ed: {  	v15 =	vadd.f32 $-1.229560550e+02, v15;
	v30 =	vmul.f32 v30, v58;
	v31 =	vmul.f32 v31, v59  }
0x1ee: {  	v24 =	vmul.f32 v24, v7;
	v29 =	vsub.f32 $1.500000000e+00, v29;
	v10 =	vmul.f32 v10, v25;
	v25 =	vld [tilespmem:$0x1FDC0]  }
0x1ef: {  	v7 =	vmul.f32 v15, v44;
	v30 =	vsub.f32 $1.500000000e+00, v30;
	v31 =	vsub.f32 $1.500000000e+00, v31  }
0x1f0: {  	v26 =	vadd.f32 $5.098120500e+01, v26;
	v15 =	vld [tilespmem:$0x1FD60];
	v23 =	vmul.f32 v23, v45;
	v27 =	vmul.f32 v29, v55  }
0x1f1: {  	v21 =	vadd.f32 $5.098120500e+01, v21;
	v29 =	vmul.f32 v30, v58;
	v30 =	vmul.f32 v31, v59;
	v59 =	vld [tilespmem:$0x1FD70]  }
0x1f2: {  	v11 =	vmul.f32 v11, v53;
	v4 =	vadd.f32 $-1.229560550e+02, v4;
	v26 =	vmul.f32 v26, v57  }
0x1f3: {  	v21 =	vmul.f32 v21, v48;
	v23 =	vadd.f32 $-1.229560550e+02, v23;
	v25 =	vmul.f32 v27, v25;
	v27 =	vld [tilespmem:$0x1FDE0]  }
0x1f4: {  	v11 =	vadd.f32 $-1.229560550e+02, v11;
	v4 =	vmul.f32 v4, v41;
	v3 =	vmul.f32 v3, v42  }
0x1f5: {  	v26 =	vadd.f32 $-1.229560550e+02, v26;
	v21 =	vadd.f32 $-1.229560550e+02, v21;
	v23 =	vmul.f32 v23, v45  }
0x1f6: {  	v3 =	vadd.f32 $-1.229560550e+02, v3;
	v15 =	vadd.s32 v59, v15;
	v34 =	vmul.f32 v34, v18  }
0x1f7: {  	v47 =	vmovc v53;
	[tilespmem:s30+$0xFFFFFFF0] =	vst v15;
	v15 =	vmul.f32 v21, v48;
	v21 =	vadd.f32 $9.000000000e+02, v23;
	v23 =	vmul.f32 v26, v57;
	v26 =	vld [tilespmem:$0x1FDD0]  }
0x1f8: {  	v11 =	vmul.f32 v11, v47;
	v27 =	vmul.f32 v30, v27;
	v30 =	vld [tilespmem:$0x1FE00]  }
0x1f9: {  	v4 =	vadd.f32 $9.000000000e+02, v4;
	v3 =	vmul.f32 v3, v42;
	v34 =	vsub.f32 $1.500000000e+00, v34  }
0x1fa: {  	v12 =	vadd.f32 $5.098120500e+01, v12;
	v13 =	vadd.f32 $5.098120500e+01, v13;
	v32 =	vmul.f32 v32, v60  }
0x1fb: {  	v14 =	vadd.f32 $5.098120500e+01, v14;
	v18 =	vmul.f32 v34, v18;
	v37 =	vmul.f32 v37, v20  }
0x1fc: {  	v12 =	vmul.f32 v12, v43;
	v32 =	vsub.f32 $1.500000000e+00, v32;
	v26 =	vmul.f32 v29, v26;
	v29 =	vld [tilespmem:$0x1FDF0]  }
0x1fd: {  	v13 =	vmul.f32 v13, v52;
	v37 =	vsub.f32 $1.500000000e+00, v37;
	v18 =	vmul.f32 v18, v30;
	v30 =	vld [tilespmem:$0x1FE10]  }
0x1fe: {  	v3 =	vadd.f32 $9.000000000e+02, v3;
	v14 =	vmul.f32 v14, v54;
	v31 =	vmul.f32 v32, v60  }
0x1ff: {  	v12 =	vadd.f32 $-1.229560550e+02, v12;
	v20 =	vmul.f32 v37, v20;
	v4 =	vmul.f32 v9, v4;
	v9 =	vld [tilespmem:$0x1FE90]  }
0x200: {  	v13 =	vadd.f32 $-1.229560550e+02, v13;
	v61 =	vmul.f32 v61, v33;
	v3 =	vmul.f32 v10, v3;
	v10 =	vld [tilespmem:$0x1FEA0]  }
0x201: {  	v14 =	vadd.f32 $-1.229560550e+02, v14;
	v12 =	vmul.f32 v12, v43;
	v29 =	vmul.f32 v31, v29;
	v31 =	vld [tilespmem:$0x1FE30]  }
0x202: {  	v13 =	vmul.f32 v13, v52;
	v61 =	vsub.f32 $1.500000000e+00, v61;
	v20 =	vmul.f32 v20, v30;
	v30 =	vld [tilespmem:$0x1FE20]  }
0x203: {  	v11 =	vadd.f32 $9.000000000e+02, v11;
	v14 =	vmul.f32 v14, v54;
	v40 =	vsub.f32 $1.500000000e+00, v40  }
0x204: {  	v12 =	vadd.f32 $9.000000000e+02, v12;
	v13 =	vadd.f32 $9.000000000e+02, v13;
	v33 =	vmul.f32 v61, v33  }
0x205: {  	v14 =	vadd.f32 $9.000000000e+02, v14;
	v60 =	vmul.f32 v40, v50;
	v9 =	vadd.s32 v10, v9  }
0x206: {  	v55 =	vld [tilespmem:$0x1FD40];
	v15 =	vadd.f32 $9.000000000e+02, v15;
	v31 =	vmul.f32 v33, v31;
	[tilespmem:s30+$0x0] =	vst v9;
	v9 =	vmul.f32 v27, v11  }
0x207: {  	v58 =	vld [tilespmem:$0x1FD50];
	v19 =	vadd.f32 $9.000000000e+02, v19;
	v11 =	vmul.f32 v29, v12;
	v30 =	vmul.f32 v60, v30  }
0x208: {  	v12 =	vmul.f32 v18, v13;
	v18 =	vld [tilespmem:$0x1FEC0];
	v13 =	vmul.f32 v20, v14  }
0x209: {  	v14 =	vmul.f32 v30, v15;
	v15 =	vmul.f32 v31, v19;
	v19 =	vld [tilespmem:$0x1FED0]  }
0x20a: {  	v16 =	vadd.f32 $5.098120500e+01, v16  }
0x20b: {  	v17 =	vadd.f32 $5.098120500e+01, v17;
	v53 =	vmov v5;
	v6 =	vmul.f32 v6, v5;
	v5 =	vld [tilespmem:$0x1FD80]  }
0x20c: {  	v16 =	vmul.f32 v16, v49  }
0x20d: {  	v17 =	vmul.f32 v17, v56;
	v37 =	vadd.s32 v58, v55  }
0x20e: {  	v16 =	vadd.f32 $-1.229560550e+02, v16;
	v18 =	vadd.s32 v19, v18;
	v19 =	vld [tilespmem:$0x1FEE0]  }
0x20f: {  	v17 =	vadd.f32 $-1.229560550e+02, v17  }
0x210: {  	v16 =	vmul.f32 v16, v49;
	[tilespmem:s30+$0xFFFFFFE0] =	vst v37;
	v37 =	vmov v5;
	v5 =	vld [tilespmem:$0x1FEB0]  }
0x211: {  	v17 =	vmul.f32 v17, v56;
	v61 =	vld [tilespmem:$0x1FE50]  }
0x212: {  	v16 =	vadd.f32 $9.000000000e+02, v16;
	[tilespmem:s30+$0x10] =	vst v18;
	v18 =	vld [tilespmem:$0x1FEF0]  }
0x213: {  	v17 =	vadd.f32 $9.000000000e+02, v17;
	v63 =	vmul.f32 v63, v36;
	v1 =	vmul.f32 v1, v39;
	v29 =	vmovc v19;
	v19 =	vld [tilespmem:$0x1FF00]  }
0x214: {  	v24 =	vadd.f32 $9.000000000e+02, v24;
	v6 =	vadd.f32 $-1.229560550e+02, v6;
	v62 =	vmul.f32 v62, v35;
	v28 =	vld [tilespmem:$0x1FCE0]  }
0x215: {  	v2 =	vmul.f32 v2, v38;
	v63 =	vsub.f32 $1.500000000e+00, v63;
	v1 =	vsub.f32 $1.500000000e+00, v1;
	v0 =	vld [tilespmem:$0x1FD00]  }
0x216: {  	v6 =	vmul.f32 v6, v53;
	v22 =	vmul.f32 v22, v24;
	v62 =	vsub.f32 $1.500000000e+00, v62;
	v60 =	vld [tilespmem:$0x1FE40]  }
0x217: {  	v2 =	vsub.f32 $1.500000000e+00, v2;
	v63 =	vmul.f32 v63, v36;
	v50 =	vmul.f32 v1, v39;
	v1 =	vld [tilespmem:$0x1FD30]  }
0x218: {  	v62 =	vmul.f32 v62, v35;
	v35 =	vmovc v5;
	v5 =	vadd.f32 $5.000000000e-01, v22;
	v18 =	vadd.s32 v19, v18;
	v19 =	vld [tilespmem:$0x1FF10]  }
0x219: {  	v7 =	vadd.f32 $9.000000000e+02, v7;
	v6 =	vadd.f32 $9.000000000e+02, v6;
	v33 =	vmul.f32 v63, v61;
	v63 =	vld [tilespmem:$0x1FE70]  }
0x21a: {  	v2 =	vmul.f32 v2, v38;
	v5 =	vtrunc.f32 v5;
	v8 =	vmul.u32 $0x709, v0;
	v0 =	vld [tilespmem:$0x1FD10]  }
0x21b: {  	v4 =	vadd.f32 $5.000000000e-01, v4;
	v5 =	vcvt.f32.s32 v5;
	v32 =	vmul.f32 v62, v60;
	v62 =	vld [tilespmem:$0x1FE60]  }
0x21c: {  	v23 =	vadd.f32 $9.000000000e+02, v23;
	v3 =	vadd.f32 $5.000000000e-01, v3;
	v6 =	vmul.f32 v33, v6;
	[tilespmem:s30+$0x20] =	vst v18;
	v18 =	vld [tilespmem:$0x1FF20]  }
0x21d: {  	v28 =	vmul.u32 $0x709, v28;
	v4 =	vtrunc.f32 v4;
	vm0 =	vgt.s32 v5, $0x0;
	v27 =	vmovc v19;
	v19 =	vld [tilespmem:$0x1FF30]  }
0x21e: {  	v3 =	vtrunc.f32 v3;
	v6 =	vadd.f32 $5.000000000e-01, v6;
	v7 =	vmul.f32 v25, v7  }
0x21f: {  	v1 =	vmul.u32 $0x709, v1;
	v10 =	vmul.f32 v26, v21;
	v3 =	vcvt.f32.s32 v3  }
0x220: {  	v34 =	vmul.f32 v50, v63;
	v0 =	vmul.u32 $0x709, v0;
	v6 =	vtrunc.f32 v6  }
0x221: {  	v7 =	vadd.f32 $5.000000000e-01, v7;
	v10 =	vadd.f32 $5.000000000e-01, v10;
	vm2 =	vgt.s32 v3, $0x0  }
0x222: {  	v6 =	vcvt.f32.s32 v6;
	v2 =	vmul.f32 v2, v62;
	v18 =	vadd.s32 v19, v18;
	v19 =	vld [tilespmem:$0x1FF50]  }
0x223: {  	v24 =	vmovc v0;
	v0 =	vcvt.f32.s32 v4;
	v22 =	vnsel vm2, $0x0, v3;
	v7 =	vtrunc.f32 v7;
	[tilespmem:s30+$0x30] =	vst v18;
	v18 =	vld [tilespmem:$0x1FF40]  }
0x224: {  	v9 =	vadd.f32 $5.000000000e-01, v9;
	v2 =	vmul.f32 v2, v17;
	v17 =	vmul.f32 v34, v23  }
0x225: {  	v10 =	vtrunc.f32 v10;
	v11 =	vadd.f32 $5.000000000e-01, v11;
	v13 =	vadd.f32 $5.000000000e-01, v13  }
0x226: {  	vm12 =	vgt.s32 v6, $0x0;
	v9 =	vtrunc.f32 v9;
	v17 =	vadd.f32 $5.000000000e-01, v17  }
0x227: {  	v11 =	vtrunc.f32 v11;
	v13 =	vtrunc.f32 v13;
	v14 =	vadd.f32 $5.000000000e-01, v14  }
0x228: {  	v25 =	vmovc v8;
	v15 =	vadd.f32 $5.000000000e-01, v15;
	v8 =	vtrunc.f32 v17;
	v17 =	vld [tilespmem:$0x1FF60];
	v18 =	vadd.s32 v19, v18  }
0x229: {  	vm1 =	vgt.s32 v0, $0x0;
	v13 =	vcvt.f32.s32 v13;
	v14 =	vtrunc.f32 v14;
	[tilespmem:s30+$0x40] =	vst v18;
	v18 =	vld [tilespmem:$0x1FF70]  }
0x22a: {  	v12 =	vadd.f32 $5.000000000e-01, v12;
	v15 =	vtrunc.f32 v15;
	v16 =	vmul.f32 v32, v16  }
0x22b: {  	v21 =	vnsel vm1, $0x0, v0;
	v14 =	vcvt.f32.s32 v14;
	v15 =	vcvt.f32.s32 v15  }
0x22c: {  	v12 =	vtrunc.f32 v12;
	v20 =	vnsel vm0, $0x0, v5;
	v16 =	vadd.f32 $5.000000000e-01, v16  }
0x22d: {  	vm8 =	vgt.s32 v13, $0x0;
	vm9 =	vgt.s32 v14, $0x0;
	vm10 =	vgt.s32 v15, $0x0  }
0x22e: {  	v4 =	vld [tilespmem:$0x1FF80];
	v5 =	vnsel vm9, $0x0, v14;
	v16 =	vtrunc.f32 v16;
	v17 =	vadd.s32 v18, v17  }
0x22f: {  	v3 =	vnsel vm10, $0x0, v15;
	v23 =	vmovc v1;
	v1 =	vcvt.f32.s32 v7;
	v7 =	vcvt.f32.s32 v10;
	[tilespmem:s30+$0x50] =	vst v17;
	v17 =	vld [tilespmem:$0x1FF90]  }
0x230: {  	v14 =	vmin.u32 v20, $0x708;
	v15 =	vmin.u32 v21, $0x708;
	v16 =	vcvt.f32.s32 v16  }
0x231: {  	v2 =	vadd.f32 $5.000000000e-01, v2;
	vm3 =	vgt.s32 v1, $0x0;
	vm4 =	vgt.s32 v7, $0x0  }
0x232: {  	vm11 =	vgt.s32 v16, $0x0;
	v10 =	vnsel vm4, $0x0, v7;
	v19 =	vcvt.f32.s32 v8  }
0x233: {  	s7 =	sadd.s32 $0x10, s7;
	v7 =	vnsel vm8, $0x0, v13;
	v13 =	vmin.u32 v22, $0x708;
	v2 =	vtrunc.f32 v2  }
0x234: {  	p3 =	slt.u32 s7, s6;
	v40 =	vld [tilespmem:$0x1FCF0];
	vm14 =	vgt.s32 v19, $0x0;
	v18 =	vcvt.f32.s32 v2;
	v4 =	vadd.s32 v17, v4  }
.Ltmp4:
0x235: {  	v39 =	vld [tilespmem:$0x1FD20];
	v0 =	vnsel vm14, $0x0, v19;
	v2 =	vnsel vm12, $0x0, v6;
	[tilespmem:s30+$0x60] =	vst v4;
	v4 =	vcvt.f32.s32 v9;
	(pc) =	sbr.rel @p3 .LBB2_10-.Ltmp4, $4  }
0x236: {  	v36 =	vld [tilespmem:$0x1FE80];
	vm13 =	vgt.s32 v18, $0x0;
	v17 =	vcvt.f32.s32 v12;
	v9 =	vcvt.f32.s32 v11  }
0x237: {  	v20 =	vld [tilespmem:$0x1FFC0];
	v12 =	vnsel vm3, $0x0, v1;
	v1 =	vnsel vm13, $0x0, v18;
	vm5 =	vgt.s32 v4, $0x0  }
0x238: {  	v19 =	vld [tilespmem:$0x1FFB0];
	vm7 =	vgt.s32 v17, $0x0;
	vm6 =	vgt.s32 v9, $0x0;
	v11 =	vnsel vm5, $0x0, v4  }
0x239: {  	s9 =	sadd.s32 $0x100, s9;
	v38 =	vmovc v46;
	v26 =	vmovc v28;
	v18 =	vld [tilespmem:$0x1FFA0];
	s30 =	smov.u32 s24;
	v8 =	vnsel vm6, $0x0, v9;
	v9 =	vnsel vm7, $0x0, v17;
	v4 =	vnsel vm11, $0x0, v16  }
.LBB2_11:
0x23a: {  	v56 =	vadd.s32 v39, v15  }
0x23b: {  	v58 =	vadd.s32 v40, v13;
	[tilespmem:s24+$0xFFFFFF90] =	vst v56  }
0x23c: {  	v9 =	vmin.u32 v9, $0x708;
	v6 =	vadd.s32 v36, v14;
	[tilespmem:s24+$0xFFFFFFA0] =	vst v58  }
0x23d: {  	v7 =	vmin.u32 v7, $0x708;
	v61 =	vadd.s32 v37, v9;
	[tilespmem:s24+$0xFFFFFF80] =	vst v6  }
0x23e: {  	v5 =	vmin.u32 v5, $0x708;
	v62 =	vadd.s32 v35, v7;
	[tilespmem:s30+$0xFFFFFFF0] =	vst v61  }
0x23f: {  	v3 =	vmin.u32 v3, $0x708;
	v5 =	vadd.s32 v29, v5;
	[tilespmem:s30+$0x0] =	vst v62  }
0x240: {  	v4 =	vmin.u32 v4, $0x708;
	v3 =	vadd.s32 v27, v3;
	[tilespmem:s30+$0x10] =	vst v5  }
0x241: {  	v2 =	vmin.u32 v2, $0x708;
	v63 =	vadd.s32 v26, v4;
	[tilespmem:s30+$0x20] =	vst v3  }
0x242: {  	v1 =	vmin.u32 v1, $0x708;
	v2 =	vadd.s32 v25, v2;
	[tilespmem:s30+$0x30] =	vst v63  }
0x243: {  	v0 =	vmin.u32 v0, $0x708;
	v1 =	vadd.s32 v24, v1;
	[tilespmem:s30+$0x40] =	vst v2  }
0x244: {  	v11 =	vmin.u32 v11, $0x708;
	v0 =	vadd.s32 v23, v0;
	[tilespmem:s30+$0x50] =	vst v1  }
0x245: {  	v10 =	vmin.u32 v10, $0x708;
	v60 =	vadd.s32 v20, v11;
	[tilespmem:s30+$0x60] =	vst v0  }
0x246: {  	v57 =	vmin.u32 v12, $0x708;
	v10 =	vadd.s32 v19, v10;
	[tilespmem:s24+$0xFFFFFFD0] =	vst v60  }
0x247: {  	v59 =	vmin.u32 v8, $0x708;
	s6 =	sshll.u32 s14, $0xC;
	v6 =	vadd.s32 v18, v57;
	[tilespmem:s24+$0xFFFFFFC0] =	vst v10  }
0x248: {  	s6 =	sshra.s32 s6, $0x2;
	[tilespmem:s24+$0xFFFFFFB0] =	vst v6;
	v6 =	vadd.s32 v38, v59  }
0x249: {  	s7 =	sadd.s32 $0x8000, s6;
	[tilespmem:s30+$0xFFFFFFE0] =	vst v6  }
0x24a: {  	[spmem:s4] =	stream.indirect.scatter.add.f32 [tilespmem:s19], [sflag:$0x3], $0x1, s7, s18, $0xb8;
	[tilespmem:$0x13890] =	vst v63  }
0x24b: {  	s30 =	sadd.s32 $0x8080, s6  }
0x24c: {  	[spmem:s4] =	stream.indirect.scatter.add.f32 [tilespmem:s19], [sflag:$0x3], $0x1, s30, s18, $0xb8;
	[tilespmem:$0x13890] =	vst v63  }
0x24d: {  	s31 =	sadd.s32 $0x8100, s6  }
0x24e: {  	[spmem:s4] =	stream.indirect.scatter.add.f32 [tilespmem:s19], [sflag:$0x3], $0x1, s31, s18, $0xb8;
	[tilespmem:$0x13890] =	vst v63  }
0x24f: {  	s9 =	sadd.s32 $0x8180, s6  }
0x250: {  	[spmem:s4] =	stream.indirect.scatter.add.f32 [tilespmem:s19], [sflag:$0x3], $0x1, s9, s18, $0xb8;
	[tilespmem:$0x13890] =	vst v63  }
0x251: {  	s14 =	sadd.s32 $0x1, s14;
	s24 =	sadd.s32 $0x8200, s6  }
0x252: {  	[spmem:s4] =	stream.indirect.scatter.add.f32 [tilespmem:s19], [sflag:$0x3], $0x1, s24, s18, $0xb8;
	[tilespmem:$0x13890] =	vst v63  }
0x253: {  	p3 =	sne.s32 s14, $0x6;
	s30 =	sadd.s32 $0x8280, s6  }
0x254: {  	[spmem:s4] =	stream.indirect.scatter.add.f32 [tilespmem:s19], [sflag:$0x3], $0x1, s30, s18, $0xb8;
	[tilespmem:$0x13890] =	vst v63  }
.Ltmp5:
0x255: {  	_ = 	snop;
	(pc) =	sbr.rel @p3 .LBB2_9-.Ltmp5, $4  }
0x256: {  	s1 =	sadd.s32 $0x400, s1;
	s31 =	sadd.s32 $0x8300, s6  }
0x257: {  	[spmem:s4] =	stream.indirect.scatter.add.f32 [tilespmem:s19], [sflag:$0x3], $0x1, s31, s18, $0xb8;
	[tilespmem:$0x13890] =	vst v63  }
0x258: {  	s10 =	sadd.s32 $0x400, s10;
	s3 =	sadd.s32 $0x400, s3;
	s6 =	sadd.s32 $0x8380, s6  }
0x259: {  	[spmem:s4] =	stream.indirect.scatter.add.f32 [tilespmem:s19], [sflag:$0x3], $0x1, s6, s18, $0xb8;
	[tilespmem:$0x13890] =	vst v63  }
0x25a: {  	s1 =	simm.s32 $0x18F0  }
0x25b: {  	v0 =	vld [tilespmem:s1+$0x0]  }
0x25c: {  	v1 =	vld [tilespmem:s1+$0xFFFFFF20]  }
0x25d: {  	v3 =	vld [tilespmem:s1+$0xFFFFFF40]  }
0x25e: {  	v4 =	vld [tilespmem:s1+$0xFFFFFF50]  }
0x25f: {  	v5 =	vld [tilespmem:s1+$0xFFFFFF60]  }
0x260: {  	v6 =	vld [tilespmem:s1+$0xFFFFFF70]  }
0x261: {  	v10 =	vld [tilespmem:s1+$0xFFFFFFB0]  }
0x262: {  	v2 =	vld [tilespmem:s1+$0xFFFFFF30]  }
0x263: {  	v7 =	vld [tilespmem:s1+$0xFFFFFFA0];
	v0 =	vmax.f32 v0, $0.0e+00  }
0x264: {  	v1 =	vmax.f32 v1, $0.0e+00;
	v3 =	vmax.f32 v3, $0.0e+00;
	v4 =	vmax.f32 v4, $0.0e+00  }
0x265: {  	v5 =	vmax.f32 v5, $0.0e+00;
	v6 =	vmax.f32 v6, $0.0e+00;
	v28 =	vmin.f32 v1, $9.999989860e-01;
	v1 =	vld [tilespmem:s1+$0xFFFFFF80]  }
0x266: {  	v10 =	vmax.f32 v10, $0.0e+00;
	v21 =	vmin.f32 v0, $9.999989860e-01;
	v25 =	vmin.f32 v3, $9.999989860e-01;
	v3 =	vld [tilespmem:s1+$0xFFFFFFD0]  }
0x267: {  	v0 =	vmax.f32 v2, $0.0e+00;
	v22 =	vmin.f32 v4, $9.999989860e-01;
	v24 =	vmin.f32 v5, $9.999989860e-01;
	v5 =	vld [tilespmem:s1+$0xFFFFFFF0]  }
0x268: {  	v23 =	vmin.f32 v6, $9.999989860e-01;
	v6 =	vmax.f32 v7, $0.0e+00;
	v7 =	vld [tilespmem:s1+$0xFFFFFF10];
	v34 =	vsub.f32 $1.000000000e+00, v21  }
0x269: {  	v17 =	vmin.f32 v10, $9.999989860e-01;
	v29 =	vmin.f32 v0, $9.999989860e-01;
	v0 =	vld [tilespmem:s1+$0xFFFFFF90];
	v9 =	vmul.f32 $7.233541010e-01, v21  }
0x26a: {  	v11 =	vld [tilespmem:s1+$0xFFFFFFC0];
	v2 =	vsub.f32 $1.000000000e+00, v28;
	v14 =	vmul.f32 $5.000000000e-01, v34;
	v8 =	vshra.s32 v34, $0x1  }
0x26b: {  	v16 =	vmin.f32 v6, $9.999989860e-01;
	v9 =	vsub.f32 $3.821680070e+00, v9;
	v8 =	vsub.s32 $0x5F3759DF, v8  }
0x26c: {  	v31 =	vmul.f32 $5.000000000e-01, v2;
	v12 =	vmul.f32 v8, v14;
	v1 =	vmax.f32 v1, $0.0e+00  }
0x26d: {  	v9 =	vmul.f32 v9, v21;
	v10 =	vmax.f32 v5, $0.0e+00;
	v7 =	vmax.f32 v7, $0.0e+00  }
0x26e: {  	v0 =	vmax.f32 v0, $0.0e+00;
	v27 =	vmin.f32 v1, $9.999989860e-01;
	v1 =	vmax.f32 v3, $0.0e+00  }
0x26f: {  	v13 =	vld [tilespmem:s1+$0xFFFFFFE0];
	v3 =	vmin.f32 v10, $9.999989860e-01;
	v10 =	vsub.f32 $1.000000000e+00, v22;
	v4 =	vmul.f32 v8, v12  }
0x270: {  	v30 =	vmin.f32 v7, $9.999989860e-01;
	v26 =	vmin.f32 v0, $9.999989860e-01;
	v0 =	vmax.f32 v11, $0.0e+00  }
0x271: {  	v44 =	vmul.f32 $5.000000000e-01, v10;
	v49 =	vshra.s32 v10, $0x1;
	v4 =	vsub.f32 $1.500000000e+00, v4  }
0x272: {  	v9 =	vadd.f32 $-9.790774340e+00, v9;
	v5 =	vmin.f32 v0, $9.999989860e-01;
	v49 =	vsub.s32 $0x5F3759DF, v49  }
0x273: {  	[tilespmem:$0x1FA70] =	vst v2;
	v0 =	vmovc v2;
	v2 =	vsub.f32 $1.000000000e+00, v29;
	v62 =	vmul.f32 v49, v44;
	v11 =	vmul.f32 v8, v4  }
0x274: {  	v8 =	vmul.f32 v9, v21;
	v9 =	vmax.f32 v13, $0.0e+00;
	v4 =	vmin.f32 v1, $9.999989860e-01  }
0x275: {  	v1 =	vsub.f32 $1.000000000e+00, v30;
	v46 =	vshra.s32 v0, $0x1;
	v7 =	vmin.f32 v9, $9.999989860e-01  }
0x276: {  	v9 =	vsub.f32 $1.000000000e+00, v25;
	v33 =	vmul.f32 $5.000000000e-01, v2;
	v19 =	vsub.f32 $1.000000000e+00, v4  }
0x277: {  	v47 =	vshra.s32 v2, $0x1;
	v46 =	vsub.s32 $0x5F3759DF, v46;
	v62 =	vmul.f32 v49, v62  }
0x278: {  	v6 =	vmul.f32 v11, v14;
	v8 =	vadd.f32 $1.769974330e+01, v8;
	v32 =	vmul.f32 $5.000000000e-01, v1  }
0x279: {  	v45 =	vshra.s32 v1, $0x1;
	v47 =	vsub.s32 $0x5F3759DF, v47;
	v59 =	vmul.f32 v46, v31  }
0x27a: {  	v39 =	vmul.f32 $5.000000000e-01, v9;
	v48 =	vshra.s32 v9, $0x1;
	v41 =	vmul.f32 $5.000000000e-01, v19  }
0x27b: {  	v57 =	vshra.s32 v19, $0x1;
	v45 =	vsub.s32 $0x5F3759DF, v45;
	v60 =	vmul.f32 v47, v33  }
0x27c: {  	v62 =	vsub.f32 $1.500000000e+00, v62;
	v12 =	vmul.f32 v6, v11;
	v8 =	vmul.f32 v8, v21  }
0x27d: {  	v6 =	vsub.f32 $1.000000000e+00, v16;
	v58 =	vmul.f32 v45, v32;
	v48 =	vsub.s32 $0x5F3759DF, v48  }
0x27e: {  	v59 =	vmul.f32 v46, v59;
	v57 =	vsub.s32 $0x5F3759DF, v57;
	v61 =	vmul.f32 v48, v39  }
0x27f: {  	v60 =	vmul.f32 v47, v60;
	v49 =	vmul.f32 v49, v62;
	v12 =	vsub.f32 $1.500000000e+00, v12  }
0x280: {  	v0 =	vmul.f32 v57, v41;
	v13 =	vadd.f32 $-2.874775890e+01, v8;
	v8 =	vsub.f32 $1.000000000e+00, v17  }
0x281: {  	v54 =	vshra.s32 v6, $0x1;
	v58 =	vmul.f32 v45, v58;
	v59 =	vsub.f32 $1.500000000e+00, v59  }
0x282: {  	v61 =	vmul.f32 v48, v61;
	v60 =	vsub.f32 $1.500000000e+00, v60;
	v0 =	vmul.f32 v57, v0  }
0x283: {  	v35 =	vmul.f32 v12, v11;
	v15 =	vmul.f32 v13, v21;
	v11 =	vsub.f32 $1.000000000e+00, v24  }
0x284: {  	v12 =	vsub.f32 $1.000000000e+00, v23;
	v13 =	vsub.f32 $1.000000000e+00, v27;
	v42 =	vmul.f32 $5.000000000e-01, v8  }
0x285: {  	v55 =	vshra.s32 v8, $0x1;
	v58 =	vsub.f32 $1.500000000e+00, v58;
	v46 =	vmul.f32 v46, v59  }
0x286: {  	v61 =	vsub.f32 $1.500000000e+00, v61;
	v47 =	vmul.f32 v47, v60;
	v55 =	vsub.s32 $0x5F3759DF, v55  }
0x287: {  	v0 =	vsub.f32 $1.500000000e+00, v0;
	v14 =	vmul.f32 v35, v14;
	v18 =	vadd.f32 $5.098120500e+01, v15  }
0x288: {  	v15 =	vsub.f32 $1.000000000e+00, v26;
	v50 =	vshra.s32 v11, $0x1;
	v58 =	vmul.f32 v45, v58  }
0x289: {  	v51 =	vshra.s32 v12, $0x1;
	v62 =	vmul.f32 v55, v42;
	v48 =	vmul.f32 v48, v61  }
0x28a: {  	[tilespmem:$0x1FA80] =	vst v2;
	v50 =	vsub.s32 $0x5F3759DF, v50;
	v2 =	vmul.f32 v57, v0;
	v0 =	vmul.f32 v47, v33  }
0x28b: {  	v14 =	vmul.f32 v14, v35;
	v20 =	vmul.f32 v18, v21;
	v18 =	vsub.f32 $1.000000000e+00, v5  }
0x28c: {  	v53 =	vshra.s32 v15, $0x1;
	v62 =	vmul.f32 v55, v62;
	v57 =	vmul.f32 v58, v32  }
0x28d: {  	[tilespmem:$0x1FA60] =	vst v1;
	v1 =	vmul.f32 v48, v39;
	v0 =	vmul.f32 v0, v47;
	v36 =	vsub.f32 $1.500000000e+00, v14  }
0x28e: {  	v37 =	vadd.f32 $-1.229560550e+02, v20;
	v43 =	vmul.f32 $5.000000000e-01, v18;
	v57 =	vmul.f32 v57, v58  }
0x28f: {  	v20 =	vsub.f32 $1.000000000e+00, v7;
	v1 =	vmul.f32 v1, v48;
	v36 =	vmul.f32 v36, v35  }
0x290: {  	v0 =	vsub.f32 $1.500000000e+00, v0;
	v21 =	vmul.f32 v37, v21;
	v35 =	vmul.f32 $5.000000000e-01, v11  }
0x291: {  	v53 =	vsub.s32 $0x5F3759DF, v53;
	v37 =	vmul.f32 $5.000000000e-01, v15;
	v40 =	vmul.f32 $5.000000000e-01, v20  }
0x292: {  	v57 =	vsub.f32 $1.500000000e+00, v57;
	v0 =	vmul.f32 v0, v47;
	v38 =	vmul.f32 v36, v34  }
0x293: {  	v1 =	vsub.f32 $1.500000000e+00, v1;
	v34 =	vmul.f32 $5.000000000e-01, v12;
	v36 =	vmul.f32 $5.000000000e-01, v13  }
0x294: {  	v21 =	vadd.f32 $9.000000000e+02, v21;
	v63 =	vmul.f32 v50, v35;
	v60 =	vmul.f32 v53, v37  }
0x295: {  	v52 =	vshra.s32 v13, $0x1;
	v57 =	vmul.f32 v57, v58;
	v1 =	vmul.f32 v1, v48  }
0x296: {  	v51 =	vsub.s32 $0x5F3759DF, v51;
	v33 =	vmul.f32 v0, v33;
	v21 =	vmul.f32 v38, v21  }
0x297: {  	v52 =	vsub.s32 $0x5F3759DF, v52;
	v38 =	vmul.f32 $5.000000000e-01, v6;
	v45 =	vmul.f32 v51, v34  }
0x298: {  	v54 =	vsub.s32 $0x5F3759DF, v54;
	v59 =	vmul.f32 v52, v36;
	v63 =	vmul.f32 v50, v63  }
0x299: {  	v56 =	vshra.s32 v18, $0x1;
	v60 =	vmul.f32 v53, v60;
	v32 =	vmul.f32 v57, v32  }
0x29a: {  	v56 =	vsub.s32 $0x5F3759DF, v56;
	v39 =	vmul.f32 v1, v39;
	v33 =	vmul.f32 v33, v0  }
0x29b: {  	v61 =	vmul.f32 v54, v38;
	v45 =	vmul.f32 v51, v45;
	v63 =	vsub.f32 $1.500000000e+00, v63  }
0x29c: {  	v59 =	vmul.f32 v52, v59;
	v60 =	vsub.f32 $1.500000000e+00, v60;
	v32 =	vmul.f32 v32, v57  }
0x29d: {  	v39 =	vmul.f32 v39, v1;
	v45 =	vsub.f32 $1.500000000e+00, v45;
	v50 =	vmul.f32 v50, v63  }
0x29e: {  	v59 =	vsub.f32 $1.500000000e+00, v59;
	v63 =	vmul.f32 v56, v43;
	v61 =	vmul.f32 v54, v61  }
0x29f: {  	v14 =	vsub.f32 $1.000000000e+00, v3;
	v53 =	vmul.f32 v53, v60;
	v51 =	vmul.f32 v51, v45  }
0x2a0: {  	v60 =	vsub.f32 $1.500000000e+00, v62;
	v52 =	vmul.f32 v52, v59;
	v63 =	vmul.f32 v56, v63  }
0x2a1: {  	v59 =	vshra.s32 v20, $0x1;
	v61 =	vsub.f32 $1.500000000e+00, v61;
	v45 =	vmul.f32 $5.000000000e-01, v14  }
0x2a2: {  	v55 =	vmul.f32 v55, v60;
	v59 =	vsub.s32 $0x5F3759DF, v59;
	v62 =	vsub.f32 $1.500000000e+00, v63  }
0x2a3: {  	v54 =	vmul.f32 v54, v61;
	v61 =	vshra.s32 v14, $0x1;
	v60 =	vmul.f32 v59, v40  }
0x2a4: {  	v63 =	vmul.f32 v46, v31;
	v48 =	vmul.f32 v51, v34;
	v61 =	vsub.s32 $0x5F3759DF, v61  }
0x2a5: {  	v21 =	vadd.f32 $5.000000000e-01, v21;
	v56 =	vmul.f32 v56, v62;
	v62 =	vmul.f32 v61, v45  }
0x2a6: {  	v60 =	vmul.f32 v59, v60;
	v63 =	vmul.f32 v63, v46  }
0x2a7: {  	v33 =	vsub.f32 $1.500000000e+00, v33;
	v21 =	vtrunc.f32 v21;
	v48 =	vmul.f32 v48, v51  }
0x2a8: {  	v62 =	vmul.f32 v61, v62;
	v60 =	vsub.f32 $1.500000000e+00, v60;
	v63 =	vsub.f32 $1.500000000e+00, v63  }
0x2a9: {  	v33 =	vmul.f32 v33, v0;
	v21 =	vcvt.f32.s32 v21;
	v48 =	vsub.f32 $1.500000000e+00, v48  }
0x2aa: {  	v62 =	vsub.f32 $1.500000000e+00, v62;
	v59 =	vmul.f32 v59, v60;
	v46 =	vmul.f32 v63, v46  }
0x2ab: {  	v63 =	vmul.f32 v50, v35;
	v48 =	vmul.f32 v48, v51  }
0x2ac: {  	v60 =	vmul.f32 v61, v62;
	v62 =	vmul.f32 v49, v44  }
0x2ad: {  	v47 =	vmul.f32 v63, v50;
	v61 =	vmul.f32 v52, v36  }
0x2ae: {  	v63 =	vmul.f32 v54, v38;
	v58 =	vmul.f32 v62, v49  }
0x2af: {  	v62 =	vmul.f32 v53, v37;
	v61 =	vmul.f32 v61, v52  }
0x2b0: {  	v47 =	vsub.f32 $1.500000000e+00, v47;
	v51 =	vmul.f32 v63, v54;
	v58 =	vsub.f32 $1.500000000e+00, v58  }
0x2b1: {  	v31 =	vmul.f32 v46, v31;
	v62 =	vmul.f32 v62, v53;
	v61 =	vsub.f32 $1.500000000e+00, v61  }
0x2b2: {  	v47 =	vmul.f32 v47, v50;
	v51 =	vsub.f32 $1.500000000e+00, v51;
	v49 =	vmul.f32 v58, v49  }
0x2b3: {  	v50 =	vmul.f32 v61, v52;
	v61 =	vmul.f32 v55, v42  }
0x2b4: {  	v58 =	vmul.f32 v56, v43;
	v51 =	vmul.f32 v51, v54  }
0x2b5: {  	v63 =	vsub.f32 $1.500000000e+00, v62;
	v54 =	vmul.f32 v59, v40;
	v62 =	vmul.f32 v60, v45  }
0x2b6: {  	v35 =	vmul.f32 v47, v35;
	v52 =	vmul.f32 v61, v55  }
0x2b7: {  	v53 =	vmul.f32 v63, v53;
	v61 =	vmul.f32 v2, v41  }
0x2b8: {  	v58 =	vmul.f32 v58, v56;
	v54 =	vmul.f32 v54, v59;
	v52 =	vsub.f32 $1.500000000e+00, v52  }
0x2b9: {  	v32 =	vsub.f32 $1.500000000e+00, v32;
	v63 =	vmul.f32 v31, v46;
	v61 =	vmul.f32 v61, v2  }
0x2ba: {  	v35 =	vmul.f32 v35, v47;
	v54 =	vsub.f32 $1.500000000e+00, v54;
	v52 =	vmul.f32 v52, v55  }
0x2bb: {  	v55 =	vsub.f32 $1.500000000e+00, v58;
	v58 =	vsub.f32 $1.500000000e+00, v61;
	v61 =	vmul.f32 v62, v60  }
0x2bc: {  	v54 =	vmul.f32 v54, v59;
	v59 =	vmul.f32 v49, v44  }
0x2bd: {  	v31 =	vmul.f32 v32, v57;
	v57 =	vsub.f32 $1.500000000e+00, v35;
	v55 =	vmul.f32 v55, v56  }
0x2be: {  	v2 =	vmul.f32 v58, v2;
	v62 =	vsub.f32 $1.500000000e+00, v61;
	v61 =	vmul.f32 v59, v49  }
0x2bf: {  	v58 =	vmul.f32 $7.233541010e-01, v28;
	v59 =	vmul.f32 v50, v36  }
0x2c0: {  	v0 =	vsub.f32 $1.500000000e+00, v39;
	v36 =	vmul.f32 v57, v47;
	v42 =	vmul.f32 v52, v42  }
0x2c1: {  	v40 =	vmul.f32 v54, v40;
	v56 =	vmul.f32 v62, v60  }
0x2c2: {  	v60 =	vsub.f32 $1.500000000e+00, v63;
	v62 =	vmul.f32 v48, v34;
	v34 =	vmul.f32 v0, v1  }
0x2c3: {  	v63 =	vsub.f32 $1.500000000e+00, v61;
	v0 =	vmul.f32 $7.233541010e-01, v30;
	v61 =	vmul.f32 $7.233541010e-01, v29  }
0x2c4: {  	v43 =	vmul.f32 v55, v43;
	v11 =	vmul.f32 v36, v11  }
0x2c5: {  	v32 =	vmul.f32 v60, v46;
	v1 =	vmul.f32 v62, v48  }
0x2c6: {  	v35 =	vmul.f32 v63, v49;
	v60 =	vmul.f32 v53, v37  }
0x2c7: {  	v46 =	vmul.f32 v59, v50;
	v63 =	vmul.f32 v51, v38  }
0x2c8: {  	v0 =	vsub.f32 $3.821680070e+00, v0;
	v43 =	vmul.f32 v43, v55;
	v45 =	vmul.f32 v56, v45  }
0x2c9: {  	v39 =	vsub.f32 $3.821680070e+00, v61;
	v9 =	vmul.f32 v34, v9;
	v62 =	vmul.f32 v60, v53  }
0x2ca: {  	v1 =	vsub.f32 $1.500000000e+00, v1;
	v0 =	vmul.f32 v0, v30;
	v49 =	vmul.f32 v63, v51  }
0x2cb: {  	v46 =	vsub.f32 $1.500000000e+00, v46;
	v60 =	vmul.f32 v40, v54;
	v45 =	vmul.f32 v45, v56  }
0x2cc: {  	v43 =	vsub.f32 $1.500000000e+00, v43;
	v10 =	vmul.f32 v35, v10;
	v37 =	vmul.f32 v1, v48  }
0x2cd: {  	v1 =	vsub.f32 $3.821680070e+00, v58;
	v44 =	vsub.f32 $1.500000000e+00, v62;
	v38 =	vmul.f32 v46, v50  }
0x2ce: {  	v48 =	vmul.f32 v39, v29;
	v0 =	vadd.f32 $-9.790774340e+00, v0;
	v50 =	vmul.f32 v42, v52  }
0x2cf: {  	v58 =	vmul.f32 v2, v41;
	v43 =	vmul.f32 v43, v55;
	v62 =	vsub.f32 $1.500000000e+00, v60  }
0x2d0: {  	v63 =	vsub.f32 $1.500000000e+00, v45;
	v60 =	vmul.f32 $7.233541010e-01, v3;
	v1 =	vmul.f32 v1, v28  }
0x2d1: {  	v39 =	vmul.f32 v44, v53;
	v0 =	vmul.f32 v0, v30  }
0x2d2: {  	v46 =	vadd.f32 $-9.790774340e+00, v48;
	v59 =	vmul.f32 v58, v2;
	v55 =	vmul.f32 v63, v56  }
0x2d3: {  	v44 =	vsub.f32 $1.500000000e+00, v49;
	v56 =	vmul.f32 $7.233541010e-01, v24;
	v58 =	vmul.f32 $7.233541010e-01, v17  }
0x2d4: {  	v57 =	vsub.f32 $1.500000000e+00, v50;
	v12 =	vmul.f32 v37, v12;
	v13 =	vmul.f32 v38, v13  }
0x2d5: {  	vm0 =	vgt.s32 v21, $0x0;
	v18 =	vmul.f32 v43, v18;
	v46 =	vmul.f32 v46, v29  }
0x2d6: {  	v1 =	vadd.f32 $-9.790774340e+00, v1;
	v42 =	vmul.f32 v44, v51;
	v41 =	vmul.f32 v57, v52  }
0x2d7: {  	v0 =	vadd.f32 $1.769974330e+01, v0;
	v52 =	vmul.f32 v62, v54;
	v57 =	vmul.f32 $7.233541010e-01, v26  }
0x2d8: {  	v47 =	vsub.f32 $3.821680070e+00, v56;
	v15 =	vmul.f32 v39, v15;
	v14 =	vmul.f32 v55, v14  }
0x2d9: {  	v1 =	vmul.f32 v1, v28;
	v53 =	vadd.f32 $1.769974330e+01, v46;
	v0 =	vmul.f32 v0, v30  }
0x2da: {  	v46 =	vsub.f32 $1.500000000e+00, v59;
	v47 =	vmul.f32 v47, v24;
	v59 =	vmul.f32 $7.233541010e-01, v5  }
0x2db: {  	v21 =	vnsel vm0, $0x0, v21;
	v6 =	vmul.f32 v42, v6;
	v8 =	vmul.f32 v41, v8  }
0x2dc: {  	v20 =	vmul.f32 v52, v20;
	v1 =	vadd.f32 $1.769974330e+01, v1;
	v44 =	vmul.f32 v53, v29  }
0x2dd: {  	v0 =	vadd.f32 $-2.874775890e+01, v0;
	v61 =	vmul.f32 v46, v2;
	v2 =	vmul.f32 $7.233541010e-01, v25  }
0x2de: {  	v53 =	vmul.f32 $7.233541010e-01, v22;
	v47 =	vadd.f32 $-9.790774340e+00, v47;
	v1 =	vmul.f32 v1, v28  }
0x2df: {  	v44 =	vadd.f32 $-2.874775890e+01, v44;
	v0 =	vmul.f32 v0, v30;
	v2 =	vsub.f32 $3.821680070e+00, v2  }
0x2e0: {  	v46 =	vsub.f32 $3.821680070e+00, v53;
	v47 =	vmul.f32 v47, v24;
	v19 =	vmul.f32 v61, v19  }
0x2e1: {  	v1 =	vadd.f32 $-2.874775890e+01, v1;
	v44 =	vmul.f32 v44, v29;
	v0 =	vadd.f32 $5.098120500e+01, v0  }
0x2e2: {  	v2 =	vmul.f32 v2, v25;
	v46 =	vmul.f32 v46, v22;
	v47 =	vadd.f32 $1.769974330e+01, v47  }
0x2e3: {  	v1 =	vmul.f32 v1, v28;
	v0 =	vmul.f32 v0, v30;
	v44 =	vadd.f32 $5.098120500e+01, v44  }
0x2e4: {  	v2 =	vadd.f32 $-9.790774340e+00, v2;
	v46 =	vadd.f32 $-9.790774340e+00, v46;
	v47 =	vmul.f32 v47, v24  }
0x2e5: {  	v1 =	vadd.f32 $5.098120500e+01, v1;
	v0 =	vadd.f32 $-1.229560550e+02, v0;
	v54 =	vmul.f32 v44, v29  }
0x2e6: {  	v2 =	vmul.f32 v2, v25;
	v46 =	vmul.f32 v46, v22;
	v47 =	vadd.f32 $-2.874775890e+01, v47  }
0x2e7: {  	v1 =	vmul.f32 v1, v28;
	v30 =	vmul.f32 v0, v30;
	v48 =	vadd.f32 $-1.229560550e+02, v54  }
0x2e8: {  	v0 =	vmul.f32 $7.233541010e-01, v23;
	v2 =	vadd.f32 $1.769974330e+01, v2;
	v46 =	vadd.f32 $1.769974330e+01, v46  }
0x2e9: {  	v47 =	vmul.f32 v47, v24;
	v1 =	vadd.f32 $-1.229560550e+02, v1;
	v29 =	vmul.f32 v48, v29  }
0x2ea: {  	v0 =	vsub.f32 $3.821680070e+00, v0;
	v48 =	vsub.f32 $3.821680070e+00, v57;
	v2 =	vmul.f32 v2, v25  }
0x2eb: {  	v46 =	vmul.f32 v46, v22;
	v47 =	vadd.f32 $5.098120500e+01, v47;
	v28 =	vmul.f32 v1, v28  }
0x2ec: {  	v30 =	vadd.f32 $9.000000000e+02, v30;
	v1 =	vmul.f32 $7.233541010e-01, v27;
	v0 =	vmul.f32 v0, v23  }
0x2ed: {  	v48 =	vmul.f32 v48, v26;
	v2 =	vadd.f32 $-2.874775890e+01, v2;
	v46 =	vadd.f32 $-2.874775890e+01, v46  }
0x2ee: {  	v47 =	vmul.f32 v47, v24;
	v29 =	vadd.f32 $9.000000000e+02, v29;
	v1 =	vsub.f32 $3.821680070e+00, v1  }
0x2ef: {  	v0 =	vadd.f32 $-9.790774340e+00, v0;
	v48 =	vadd.f32 $-9.790774340e+00, v48;
	v2 =	vmul.f32 v2, v25  }
0x2f0: {  	v46 =	vmul.f32 v46, v22;
	v47 =	vadd.f32 $-1.229560550e+02, v47;
	v1 =	vmul.f32 v1, v27  }
0x2f1: {  	v0 =	vmul.f32 v0, v23;
	v48 =	vmul.f32 v48, v26;
	v2 =	vadd.f32 $5.098120500e+01, v2  }
0x2f2: {  	v46 =	vadd.f32 $5.098120500e+01, v46;
	v24 =	vmul.f32 v47, v24;
	v47 =	vsub.f32 $3.821680070e+00, v59  }
0x2f3: {  	v1 =	vadd.f32 $-9.790774340e+00, v1;
	v0 =	vadd.f32 $1.769974330e+01, v0;
	v2 =	vmul.f32 v2, v25  }
0x2f4: {  	v48 =	vadd.f32 $1.769974330e+01, v48;
	v46 =	vmul.f32 v46, v22;
	v47 =	vmul.f32 v47, v5  }
0x2f5: {  	v24 =	vadd.f32 $9.000000000e+02, v24;
	v1 =	vmul.f32 v1, v27;
	v0 =	vmul.f32 v0, v23  }
0x2f6: {  	v48 =	vmul.f32 v48, v26;
	v2 =	vadd.f32 $-1.229560550e+02, v2;
	v46 =	vadd.f32 $-1.229560550e+02, v46  }
0x2f7: {  	v47 =	vadd.f32 $-9.790774340e+00, v47;
	v11 =	vmul.f32 v11, v24;
	v1 =	vadd.f32 $1.769974330e+01, v1  }
0x2f8: {  	v0 =	vadd.f32 $-2.874775890e+01, v0;
	v48 =	vadd.f32 $-2.874775890e+01, v48;
	v2 =	vmul.f32 v2, v25  }
0x2f9: {  	v25 =	vmul.f32 $7.233541010e-01, v16;
	v22 =	vmul.f32 v46, v22;
	v46 =	vsub.f32 $3.821680070e+00, v58  }
0x2fa: {  	v47 =	vmul.f32 v47, v5;
	v11 =	vadd.f32 $5.000000000e-01, v11;
	v1 =	vmul.f32 v1, v27  }
0x2fb: {  	v0 =	vmul.f32 v0, v23;
	v48 =	vmul.f32 v48, v26;
	v25 =	vsub.f32 $3.821680070e+00, v25  }
0x2fc: {  	v46 =	vmul.f32 v46, v17;
	v47 =	vadd.f32 $1.769974330e+01, v47;
	v2 =	vadd.f32 $9.000000000e+02, v2  }
0x2fd: {  	v22 =	vadd.f32 $9.000000000e+02, v22;
	v11 =	vtrunc.f32 v11;
	v1 =	vadd.f32 $-2.874775890e+01, v1  }
0x2fe: {  	v0 =	vadd.f32 $5.098120500e+01, v0;
	v25 =	vmul.f32 v25, v16;
	v47 =	vmul.f32 v47, v5  }
0x2ff: {  	v48 =	vadd.f32 $5.098120500e+01, v48;
	v2 =	vmul.f32 v9, v2;
	v9 =	vmul.f32 v10, v22  }
0x300: {  	v46 =	vadd.f32 $-9.790774340e+00, v46;
	v1 =	vmul.f32 v1, v27;
	v0 =	vmul.f32 v0, v23  }
0x301: {  	v48 =	vmul.f32 v48, v26;
	v25 =	vadd.f32 $-9.790774340e+00, v25;
	v47 =	vadd.f32 $-2.874775890e+01, v47  }
0x302: {  	v46 =	vmul.f32 v46, v17;
	v2 =	vadd.f32 $5.000000000e-01, v2;
	v9 =	vadd.f32 $5.000000000e-01, v9  }
0x303: {  	v1 =	vadd.f32 $5.098120500e+01, v1;
	v25 =	vmul.f32 v25, v16;
	v47 =	vmul.f32 v47, v5  }
0x304: {  	v0 =	vadd.f32 $-1.229560550e+02, v0;
	v2 =	vtrunc.f32 v2;
	v9 =	vtrunc.f32 v9  }
0x305: {  	v48 =	vadd.f32 $-1.229560550e+02, v48;
	v2 =	vcvt.f32.s32 v2;
	v9 =	vcvt.f32.s32 v9  }
0x306: {  	v46 =	vadd.f32 $1.769974330e+01, v46;
	v1 =	vmul.f32 v1, v27;
	v0 =	vmul.f32 v0, v23  }
0x307: {  	v28 =	vadd.f32 $9.000000000e+02, v28;
	v23 =	vmul.f32 $7.233541010e-01, v4;
	v26 =	vmul.f32 v48, v26  }
0x308: {  	v48 =	vsub.f32 $3.821680070e+00, v60;
	v25 =	vadd.f32 $1.769974330e+01, v25;
	v46 =	vmul.f32 v46, v17  }
0x309: {  	v47 =	vadd.f32 $5.098120500e+01, v47;
	vm3 =	vgt.s32 v2, $0x0;
	vm4 =	vgt.s32 v9, $0x0  }
0x30a: {  	v1 =	vadd.f32 $-1.229560550e+02, v1;
	v23 =	vsub.f32 $3.821680070e+00, v23;
	v48 =	vmul.f32 v48, v3  }
0x30b: {  	v25 =	vmul.f32 v25, v16;
	v46 =	vadd.f32 $-2.874775890e+01, v46;
	v47 =	vmul.f32 v47, v5  }
0x30c: {  	v0 =	vadd.f32 $9.000000000e+02, v0;
	v26 =	vadd.f32 $9.000000000e+02, v26;
	v1 =	vmul.f32 v1, v27  }
0x30d: {  	v27 =	vmul.f32 $7.233541010e-01, v7;
	v23 =	vmul.f32 v23, v4;
	v48 =	vadd.f32 $-9.790774340e+00, v48  }
0x30e: {  	v25 =	vadd.f32 $-2.874775890e+01, v25;
	v46 =	vmul.f32 v46, v17;
	v47 =	vadd.f32 $-1.229560550e+02, v47  }
0x30f: {  	v0 =	vmul.f32 v12, v0;
	v27 =	vsub.f32 $3.821680070e+00, v27;
	v23 =	vadd.f32 $-9.790774340e+00, v23  }
0x310: {  	v48 =	vmul.f32 v48, v3;
	v25 =	vmul.f32 v25, v16;
	v46 =	vadd.f32 $5.098120500e+01, v46  }
0x311: {  	v5 =	vmul.f32 v47, v5;
	v1 =	vadd.f32 $9.000000000e+02, v1;
	v0 =	vadd.f32 $5.000000000e-01, v0  }
0x312: {  	v27 =	vmul.f32 v27, v7;
	v23 =	vmul.f32 v23, v4;
	v48 =	vadd.f32 $1.769974330e+01, v48  }
0x313: {  	v25 =	vadd.f32 $5.098120500e+01, v25;
	v46 =	vmul.f32 v46, v17;
	v1 =	vmul.f32 v13, v1  }
0x314: {  	v5 =	vadd.f32 $9.000000000e+02, v5;
	v13 =	vmul.f32 v15, v26;
	v0 =	vtrunc.f32 v0  }
0x315: {  	s3 =	simm.s32 $0x38F0;
	v0 =	vcvt.f32.s32 v0;
	v27 =	vadd.f32 $-9.790774340e+00, v27;
	v23 =	vadd.f32 $1.769974330e+01, v23  }
0x316: {  	v15 =	vld [tilespmem:s3+$0x0];
	v48 =	vmul.f32 v48, v3;
	v25 =	vmul.f32 v25, v16;
	v46 =	vadd.f32 $-1.229560550e+02, v46  }
0x317: {  	v5 =	vmul.f32 v18, v5;
	v1 =	vadd.f32 $5.000000000e-01, v1;
	v13 =	vadd.f32 $5.000000000e-01, v13  }
0x318: {  	v26 =	vld [tilespmem:s3+$0xFFFFFF70];
	vm6 =	vgt.s32 v0, $0x0;
	v27 =	vmul.f32 v27, v7;
	v23 =	vmul.f32 v23, v4  }
0x319: {  	v48 =	vadd.f32 $-2.874775890e+01, v48;
	v25 =	vadd.f32 $-1.229560550e+02, v25;
	v17 =	vmul.f32 v46, v17  }
0x31a: {  	v5 =	vadd.f32 $5.000000000e-01, v5;
	v1 =	vtrunc.f32 v1;
	v13 =	vtrunc.f32 v13  }
0x31b: {  	v15 =	vmul.u32 $0x709, v15;
	v1 =	vcvt.f32.s32 v1;
	v27 =	vadd.f32 $1.769974330e+01, v27  }
0x31c: {  	v18 =	vld [tilespmem:s3+$0xFFFFFF30];
	v13 =	vcvt.f32.s32 v13;
	v23 =	vadd.f32 $-2.874775890e+01, v23;
	v48 =	vmul.f32 v48, v3  }
0x31d: {  	v39 =	vmul.u32 $0x709, v26;
	v16 =	vmul.f32 v25, v16;
	v27 =	vmul.f32 v27, v7  }
0x31e: {  	v17 =	vadd.f32 $9.000000000e+02, v17;
	v5 =	vtrunc.f32 v5;
	v23 =	vmul.f32 v23, v4  }
0x31f: {  	v24 =	vcvt.f32.s32 v5;
	vm7 =	vgt.s32 v1, $0x0;
	v27 =	vadd.f32 $-2.874775890e+01, v27  }
0x320: {  	vm9 =	vgt.s32 v13, $0x0;
	v16 =	vadd.f32 $9.000000000e+02, v16;
	v23 =	vadd.f32 $5.098120500e+01, v23  }
0x321: {  	v18 =	vmul.u32 $0x709, v18;
	v8 =	vmul.f32 v8, v17;
	v27 =	vmul.f32 v27, v7  }
0x322: {  	v48 =	vadd.f32 $5.098120500e+01, v48;
	v6 =	vmul.f32 v6, v16;
	v23 =	vmul.f32 v23, v4  }
0x323: {  	v8 =	vadd.f32 $5.000000000e-01, v8;
	v16 =	vmin.u32 v21, $0x708;
	v27 =	vadd.f32 $5.098120500e+01, v27  }
0x324: {  	v48 =	vmul.f32 v48, v3;
	v21 =	vld [tilespmem:s3+$0xFFFFFF50];
	v15 =	vadd.s32 v15, v16;
	v23 =	vadd.f32 $-1.229560550e+02, v23  }
0x325: {  	v16 =	vld [tilespmem:s3+$0xFFFFFF20];
	v6 =	vadd.f32 $5.000000000e-01, v6;
	v8 =	vtrunc.f32 v8;
	v27 =	vmul.f32 v27, v7  }
0x326: {  	vm12 =	vgt.s32 v24, $0x0;
	v22 =	vcvt.f32.s32 v8;
	v4 =	vmul.f32 v23, v4;
	v23 =	vld [tilespmem:$0x1FA60]  }
0x327: {  	v8 =	vnsel vm6, $0x0, v0;
	v6 =	vtrunc.f32 v6;
	v25 =	vadd.f32 $-1.229560550e+02, v27  }
0x328: {  	v6 =	vcvt.f32.s32 v6;
	vm11 =	vgt.s32 v22, $0x0;
	v27 =	vadd.f32 $-1.229560550e+02, v48  }
0x329: {  	v21 =	vmul.u32 $0x709, v21;
	v4 =	vadd.f32 $9.000000000e+02, v4;
	v7 =	vmul.f32 v25, v7;
	v25 =	vld [tilespmem:$0x1FA70]  }
0x32a: {  	v36 =	vmul.u32 $0x709, v16;
	vm10 =	vgt.s32 v6, $0x0;
	v3 =	vmul.f32 v27, v3;
	v27 =	vld [tilespmem:$0x1FA80]  }
0x32b: {  	v5 =	vnsel vm10, $0x0, v6;
	v4 =	vmul.f32 v19, v4;
	v23 =	vmul.f32 v31, v23  }
0x32c: {  	v63 =	vld [tilespmem:s3+$0xFFFFFFB0];
	v19 =	vcvt.f32.s32 v11;
	v11 =	vnsel vm3, $0x0, v2;
	v7 =	vadd.f32 $9.000000000e+02, v7  }
0x32d: {  	v62 =	vld [tilespmem:s3+$0xFFFFFFA0];
	v3 =	vadd.f32 $9.000000000e+02, v3;
	v4 =	vadd.f32 $5.000000000e-01, v4;
	v23 =	vmul.f32 v23, v30  }
0x32e: {  	vm5 =	vgt.s32 v19, $0x0;
	v30 =	vld [tilespmem:s3+$0xFFFFFF90];
	v7 =	vmul.f32 v20, v7;
	v25 =	vmul.f32 v32, v25  }
0x32f: {  	v3 =	vmul.f32 v14, v3;
	v27 =	vmul.f32 v33, v27;
	v23 =	vadd.f32 $5.000000000e-01, v23  }
0x330: {  	v4 =	vtrunc.f32 v4;
	v7 =	vadd.f32 $5.000000000e-01, v7;
	v25 =	vmul.f32 v25, v28  }
0x331: {  	v20 =	vld [tilespmem:s3+$0xFFFFFF40];
	v3 =	vadd.f32 $5.000000000e-01, v3;
	v27 =	vmul.f32 v27, v29;
	v14 =	vtrunc.f32 v23  }
0x332: {  	v33 =	vmul.u32 $0x709, v62;
	v7 =	vtrunc.f32 v7;
	v14 =	vcvt.f32.s32 v14  }
0x333: {  	v3 =	vtrunc.f32 v3;
	v35 =	vmul.u32 $0x709, v30;
	v30 =	vmul.u32 $0x709, v63  }
0x334: {  	v17 =	vld [tilespmem:s3+$0xFFFFFF10];
	v10 =	vadd.f32 $5.000000000e-01, v25;
	v12 =	vadd.f32 $5.000000000e-01, v27;
	v25 =	vcvt.f32.s32 v4  }
0x335: {  	v23 =	vld [tilespmem:s3+$0xFFFFFF60];
	v27 =	vcvt.f32.s32 v7;
	v28 =	vcvt.f32.s32 v3;
	v7 =	vnsel vm9, $0x0, v13  }
0x336: {  	v29 =	vld [tilespmem:s3+$0xFFFFFF80];
	v3 =	vnsel vm11, $0x0, v22;
	v4 =	vnsel vm12, $0x0, v24;
	v20 =	vmul.u32 $0x709, v20  }
0x337: {  	v22 =	vld [tilespmem:s3+$0xFFFFFFE0];
	vm15 =	vgt.s32 v14, $0x0;
	v10 =	vtrunc.f32 v10;
	v12 =	vtrunc.f32 v12  }
0x338: {  	v24 =	vld [tilespmem:s3+$0xFFFFFFF0];
	v14 =	vnsel vm15, $0x0, v14;
	vm13 =	vgt.s32 v25, $0x0;
	v12 =	vcvt.f32.s32 v12  }
0x339: {  	vm14 =	vgt.s32 v27, $0x0;
	vm15 =	vgt.s32 v28, $0x0;
	v10 =	vcvt.f32.s32 v10  }
0x33a: {  	v13 =	vld [tilespmem:s3+$0xFFFFFFD0];
	v2 =	vnsel vm13, $0x0, v25;
	v0 =	vnsel vm15, $0x0, v28;
	vm2 =	vgt.s32 v12, $0x0  }
0x33b: {  	v28 =	vmul.u32 $0x709, v17;
	v61 =	vnsel vm2, $0x0, v12;
	v12 =	vnsel vm5, $0x0, v19;
	v19 =	vld [tilespmem:s3+$0xFFFFFFC0]  }
0x33c: {  	v23 =	vmul.u32 $0x709, v23;
	v38 =	vmul.u32 $0x709, v29;
	v14 =	vmin.u32 v14, $0x708  }
0x33d: {  	vm1 =	vgt.s32 v10, $0x0;
	v26 =	vmul.u32 $0x709, v22;
	v25 =	vmul.u32 $0x709, v24  }
0x33e: {  	v24 =	vimm.f32 $1.000000000e+00;
	v31 =	vnsel vm1, $0x0, v10;
	v10 =	vnsel vm4, $0x0, v9  }
0x33f: {  	v9 =	vnsel vm7, $0x0, v1;
	v1 =	vnsel vm14, $0x0, v27;
	v27 =	vmul.u32 $0x709, v13  }
0x340: {  	s6 =	simm.s32 $0x19F0;
	s1 =	simm.s32 $0x180;
	[tilespmem:v15+s20+$0x0] =	vst.idx.add.f32.msk $0xffff, v24;
	v15 =	vmin.u32 v31, $0x708;
	v13 =	vmin.u32 v61, $0x708;
	v29 =	vmul.u32 $0x709, v19  }
.LBB2_13:
0x341: {  	v16 =	vld [tilespmem:s6+$0x0]  }
0x342: {  	v6 =	vmin.u32 v8, $0x708  }
0x343: {  	v5 =	vmin.u32 v5, $0x708;
	[tilespmem:$0x1F7A0] =	vst v6  }
0x344: {  	v3 =	vmin.u32 v3, $0x708;
	[tilespmem:$0x1F930] =	vst v5  }
0x345: {  	v6 =	vmin.u32 v9, $0x708;
	[tilespmem:$0x1F960] =	vst v3  }
0x346: {  	v3 =	vmin.u32 v4, $0x708;
	[tilespmem:$0x1F7D0] =	vst v6;
	v8 =	vmax.f32 v16, $0.0e+00  }
0x347: {  	v12 =	vmin.u32 v12, $0x708;
	v6 =	vmin.u32 v7, $0x708;
	[tilespmem:$0x1F990] =	vst v3;
	v3 =	vld [tilespmem:s6+$0xFFFFFF40];
	v8 =	vmin.f32 v8, $9.999989860e-01  }
0x348: {  	v17 =	vld [tilespmem:s6+$0xFFFFFF20];
	v0 =	vmin.u32 v0, $0x708;
	[tilespmem:$0x1F900] =	vst v6;
	v6 =	vadd.s32 v23, v12;
	v12 =	vsub.f32 $1.000000000e+00, v8  }
0x349: {  	v2 =	vmin.u32 v2, $0x708;
	v1 =	vmin.u32 v1, $0x708;
	[tilespmem:$0x1FA00] =	vst v0;
	v0 =	vld [tilespmem:s6+$0xFFFFFF50]  }
0x34a: {  	[tilespmem:$0x1F9C0] =	vst v2;
	v7 =	vld [tilespmem:s6+$0xFFFFFF30];
	v2 =	vadd.s32 v36, v15;
	v15 =	vmul.f32 $5.000000000e-01, v12;
	v16 =	vshra.s32 v12, $0x1  }
0x34b: {  	v11 =	vmin.u32 v11, $0x708;
	[tilespmem:$0x1F9E0] =	vst v1;
	v5 =	vld [tilespmem:s6+$0xFFFFFF60];
	v1 =	vadd.s32 v28, v14;
	v16 =	vsub.s32 $0x5F3759DF, v16  }
0x34c: {  	v9 =	vadd.s32 v20, v11;
	v14 =	vld [tilespmem:s6+$0xFFFFFFA0];
	v3 =	vmax.f32 v3, $0.0e+00;
	v20 =	vmul.f32 v16, v15  }
0x34d: {  	v34 =	vmin.f32 v3, $9.999989860e-01;
	v3 =	vld [tilespmem:s6+$0xFFFFFFD0]  }
0x34e: {  	v19 =	vld [tilespmem:s6+$0xFFFFFFC0];
	v11 =	vmax.f32 v17, $0.0e+00;
	v20 =	vmul.f32 v16, v20  }
0x34f: {  	[tilespmem:$0x1F910] =	vst v35;
	v35 =	vmin.f32 v11, $9.999989860e-01;
	v11 =	vld [tilespmem:s6+$0xFFFFFF80];
	v7 =	vmax.f32 v7, $0.0e+00;
	v17 =	vmul.f32 $7.233541010e-01, v8  }
0x350: {  	v5 =	vmax.f32 v5, $0.0e+00;
	v31 =	vmin.f32 v7, $9.999989860e-01;
	v7 =	vld [tilespmem:s6+$0xFFFFFF90];
	v20 =	vsub.f32 $1.500000000e+00, v20  }
0x351: {  	v44 =	vmin.f32 v5, $9.999989860e-01;
	v17 =	vsub.f32 $3.821680070e+00, v17;
	v5 =	vmax.f32 v14, $0.0e+00;
	v14 =	vld [tilespmem:s6+$0xFFFFFF10]  }
0x352: {  	v0 =	vmax.f32 v0, $0.0e+00;
	[tilespmem:v1+s20+$0x0] =	vst.idx.add.f32.msk $0xffff, v24;
	v1 =	vmax.f32 v3, $0.0e+00;
	v3 =	vmul.f32 v16, v20  }
0x353: {  	v56 =	vmin.f32 v0, $9.999989860e-01;
	v17 =	vmul.f32 v17, v8  }
0x354: {  	v51 =	vmin.f32 v5, $9.999989860e-01;
	v0 =	vmax.f32 v11, $0.0e+00;
	v5 =	vmul.f32 v3, v15  }
0x355: {  	[tilespmem:$0x1F9A0] =	vst v29;
	v29 =	vmin.f32 v0, $9.999989860e-01;
	v0 =	vmax.f32 v19, $0.0e+00;
	v17 =	vadd.f32 $-9.790774340e+00, v17  }
0x356: {  	v11 =	vld [tilespmem:s6+$0xFFFFFFE0];
	v7 =	vmax.f32 v7, $0.0e+00;
	v48 =	vmin.f32 v0, $9.999989860e-01;
	v0 =	vmul.f32 v5, v3  }
0x357: {  	v28 =	vmin.f32 v7, $9.999989860e-01;
	v7 =	vmul.f32 v17, v8  }
0x358: {  	v0 =	vsub.f32 $1.500000000e+00, v0  }
0x359: {  	v7 =	vadd.f32 $1.769974330e+01, v7  }
0x35a: {  	[tilespmem:$0x1F7B0] =	vst v39;
	v0 =	vmul.f32 v0, v3  }
0x35b: {  	[tilespmem:v2+s20+$0x0] =	vst.idx.add.f32.msk $0xffff, v24;
	v39 =	vmin.f32 v1, $9.999989860e-01;
	v2 =	vmax.f32 v11, $0.0e+00;
	v1 =	vmul.f32 v7, v8  }
0x35c: {  	v52 =	vmin.f32 v2, $9.999989860e-01;
	v2 =	vmul.f32 v0, v15  }
0x35d: {  	[tilespmem:v9+s20+$0x0] =	vst.idx.add.f32.msk $0xffff, v24;
	v9 =	vmax.f32 v14, $0.0e+00;
	v1 =	vadd.f32 $-2.874775890e+01, v1  }
0x35e: {  	v37 =	vmin.f32 v9, $9.999989860e-01;
	v2 =	vmul.f32 v2, v0  }
0x35f: {  	v5 =	vsub.f32 $1.000000000e+00, v37;
	v1 =	vmul.f32 v1, v8  }
0x360: {  	v2 =	vsub.f32 $1.500000000e+00, v2  }
0x361: {  	[tilespmem:$0x1FA10] =	vst v25;
	v4 =	vadd.s32 v18, v13;
	v23 =	vmul.f32 $5.000000000e-01, v5;
	v1 =	vadd.f32 $5.098120500e+01, v1  }
0x362: {  	v13 =	vld [tilespmem:s6+$0xFFFFFF70];
	[tilespmem:$0x1F800] =	vst v5;
	v25 =	vshra.s32 v5, $0x1;
	v5 =	vsub.f32 $1.000000000e+00, v44;
	v0 =	vmul.f32 v2, v0  }
0x363: {  	[tilespmem:$0x1F970] =	vst v30;
	s3 =	sadd.s32 $0x100, s3;
	v1 =	vmul.f32 v1, v8  }
0x364: {  	[tilespmem:$0x1F850] =	vst v5;
	v30 =	vmul.f32 $5.000000000e-01, v5;
	v59 =	vshra.s32 v5, $0x1;
	v5 =	vmul.f32 v0, v12;
	v0 =	vld [tilespmem:s3+$0xFFFFFF10]  }
0x365: {  	v9 =	vsub.f32 $1.000000000e+00, v31;
	v1 =	vadd.f32 $-1.229560550e+02, v1  }
0x366: {  	v7 =	vsub.f32 $1.000000000e+00, v56  }
0x367: {  	v13 =	vmax.f32 v13, $0.0e+00;
	v11 =	vmov v9;
	v2 =	vmul.f32 v1, v8  }
0x368: {  	v41 =	vmin.f32 v13, $9.999989860e-01;
	v13 =	vld [tilespmem:s6+$0xFFFFFFF0];
	v40 =	vshra.s32 v11, $0x1;
	[tilespmem:$0x1F840] =	vst v7  }
0x369: {  	v11 =	vmul.f32 $5.000000000e-01, v7;
	v42 =	vshra.s32 v7, $0x1;
	v7 =	vadd.f32 $9.000000000e+02, v2;
	[tilespmem:$0x1F5A0] =	vst v0;
	v0 =	vld [tilespmem:s3+$0xFFFFFF20];
	_ =	sdelay $0x1  }
0x36a: {  	[tilespmem:$0x1F7E0] =	vst v38;
	v5 =	vmul.f32 v5, v7  }
0x36b: {  	[tilespmem:$0x1F940] =	vst v33  }
0x36c: {  	[tilespmem:v4+s20+$0x0] =	vst.idx.add.f32.msk $0xffff, v24;
	v5 =	vadd.f32 $5.000000000e-01, v5  }
0x36d: {  	v4 =	vmax.f32 v13, $0.0e+00;
	[tilespmem:$0x1F5B0] =	vst v0;
	v0 =	vld [tilespmem:s3+$0xFFFFFF30]  }
0x36e: {  	[tilespmem:$0x1F9D0] =	vst v27;
	v14 =	vsub.f32 $1.000000000e+00, v41;
	v47 =	vmin.f32 v4, $9.999989860e-01;
	v5 =	vtrunc.f32 v5  }
0x36f: {  	v10 =	vmin.u32 v10, $0x708;
	[tilespmem:v6+s20+$0x0] =	vst.idx.add.f32.msk $0xffff, v24;
	v20 =	vsub.f32 $1.000000000e+00, v47;
	v5 =	vcvt.f32.s32 v5  }
0x370: {  	v10 =	vadd.s32 v21, v10;
	[tilespmem:$0x1F860] =	vst v14  }
0x371: {  	v63 =	vmul.f32 $5.000000000e-01, v14;
	v43 =	vshra.s32 v14, $0x1;
	[tilespmem:$0x1F8E0] =	vst v20;
	vm0 =	vgt.s32 v5, $0x0  }
0x372: {  	v14 =	vmul.f32 $5.000000000e-01, v20;
	[tilespmem:$0x1F5C0] =	vst v0;
	v0 =	vshra.s32 v20, $0x1;
	v20 =	vnsel vm0, $0x0, v5;
	v5 =	vld [tilespmem:s3+$0xFFFFFF60]  }
0x373: {  	[tilespmem:$0x1F9F0] =	vst v26  }
0x374: {  	[tilespmem:$0x1F510] =	vst v35  }
0x375: {  	[tilespmem:$0x1F540] =	vst v44  }
0x376: {  	v21 =	vsub.f32 $1.000000000e+00, v35;
	[tilespmem:v10+s20+$0x0] =	vst.idx.add.f32.msk $0xffff, v24  }
0x377: {  	[tilespmem:$0x1F5F0] =	vst v5;
	v5 =	vld [tilespmem:s3+$0xFFFFFF70]  }
0x378: {  	[tilespmem:$0x1F810] =	vst v21  }
0x379: {  	[tilespmem:$0x1F520] =	vst v31  }
0x37a: {  	[tilespmem:$0x1F530] =	vst v34  }
0x37b: {  	[tilespmem:$0x1F550] =	vst v41  }
0x37c: {  	v46 =	vmul.f32 $5.000000000e-01, v21;
	v4 =	vsub.f32 $1.000000000e+00, v51;
	[tilespmem:$0x1F610] =	vst v5;
	v5 =	vld [tilespmem:s3+$0xFFFFFF80]  }
0x37d: {  	v18 =	vld [tilespmem:s6+$0xFFFFFFB0];
	v6 =	vsub.f32 $1.000000000e+00, v34;
	v26 =	vshra.s32 v21, $0x1;
	v16 =	vsub.f32 $1.000000000e+00, v28;
	[tilespmem:$0x1F820] =	vst v9  }
0x37e: {  	v21 =	vmul.f32 $7.233541010e-01, v56;
	v22 =	vmul.f32 $5.000000000e-01, v9;
	v9 =	vsub.f32 $1.000000000e+00, v39;
	[tilespmem:$0x1F890] =	vst v4  }
0x37f: {  	v53 =	vmul.f32 $5.000000000e-01, v4;
	v45 =	vshra.s32 v4, $0x1;
	[tilespmem:$0x1F880] =	vst v16;
	v54 =	vmul.f32 $5.000000000e-01, v16  }
0x380: {  	v19 =	vshra.s32 v16, $0x1;
	[tilespmem:$0x1F8C0] =	vst v9;
	v16 =	vmul.f32 $5.000000000e-01, v9;
	v4 =	vshra.s32 v9, $0x1;
	v9 =	vld [tilespmem:s3+$0xFFFFFF40]  }
0x381: {  	v21 =	vsub.f32 $3.821680070e+00, v21;
	[tilespmem:$0x1F620] =	vst v5;
	v5 =	vld [tilespmem:s3+$0xFFFFFF90]  }
0x382: {  	v18 =	vmax.f32 v18, $0.0e+00;
	[tilespmem:$0x1F830] =	vst v6;
	v10 =	vsub.f32 $1.000000000e+00, v29  }
0x383: {  	v21 =	vmul.f32 v21, v56;
	[tilespmem:$0x1F580] =	vst v48;
	v17 =	vmin.f32 v18, $9.999989860e-01  }
0x384: {  	v41 =	vmul.f32 $7.233541010e-01, v41;
	[tilespmem:$0x1F560] =	vst v28;
	v13 =	vmul.f32 $5.000000000e-01, v6;
	v36 =	vshra.s32 v10, $0x1;
	v27 =	vmovc v17  }
0x385: {  	v32 =	vmul.f32 $7.233541010e-01, v27;
	v27 =	vmul.f32 $7.233541010e-01, v39;
	v18 =	vsub.s32 $0x5F3759DF, v40;
	[tilespmem:$0x1F5D0] =	vst v9  }
0x386: {  	v58 =	vsub.s32 $0x5F3759DF, v42;
	v42 =	vsub.s32 $0x5F3759DF, v43;
	v9 =	vmul.f32 $7.233541010e-01, v34;
	[tilespmem:$0x1F630] =	vst v5;
	v5 =	vld [tilespmem:s3+$0xFFFFFFA0]  }
0x387: {  	[tilespmem:$0x1F590] =	vst v39;
	v34 =	vmul.f32 $7.233541010e-01, v28;
	v28 =	vmul.f32 $7.233541010e-01, v48;
	v3 =	vmovc v6;
	v6 =	vsub.f32 $1.000000000e+00, v52  }
0x388: {  	[tilespmem:$0x1F870] =	vst v10;
	v38 =	vshra.s32 v3, $0x1;
	v3 =	vmul.f32 $7.233541010e-01, v35;
	v35 =	vsub.s32 $0x5F3759DF, v26  }
0x389: {  	[tilespmem:$0x1F600] =	vst v47;
	v26 =	vmul.f32 $7.233541010e-01, v47;
	v47 =	vsub.s32 $0x5F3759DF, v45;
	v45 =	vsub.s32 $0x5F3759DF, v4  }
0x38a: {  	[tilespmem:$0x1F570] =	vst v17;
	v4 =	vmul.f32 v18, v22;
	v15 =	vsub.f32 $1.000000000e+00, v17;
	v55 =	vsub.s32 $0x5F3759DF, v38  }
0x38b: {  	v17 =	vsub.f32 $1.000000000e+00, v48;
	v50 =	vmul.f32 $5.000000000e-01, v6;
	v40 =	vmul.f32 v55, v13;
	[tilespmem:$0x1F640] =	vst v5;
	v5 =	vld [tilespmem:s3+$0xFFFFFFB0]  }
0x38c: {  	[tilespmem:$0x1F6A0] =	vst v13;
	v43 =	vsub.s32 $0x5F3759DF, v19;
	v13 =	vmul.f32 v47, v53;
	v4 =	vmul.f32 v18, v4  }
0x38d: {  	[tilespmem:$0x1F8A0] =	vst v15;
	v62 =	vmul.f32 $5.000000000e-01, v15;
	v60 =	vshra.s32 v15, $0x1;
	v15 =	vmul.f32 $5.000000000e-01, v17;
	v7 =	vld [tilespmem:s3+$0x0]  }
0x38e: {  	[tilespmem:$0x1F500] =	vst v37;
	v48 =	vsub.s32 $0x5F3759DF, v60;
	v60 =	vmul.f32 v55, v40;
	v40 =	vsub.f32 $1.500000000e+00, v4  }
0x38f: {  	[tilespmem:$0x1F690] =	vst v22;
	v22 =	vsub.f32 $3.821680070e+00, v9;
	v13 =	vmul.f32 v47, v13;
	v12 =	vmul.f32 $5.000000000e-01, v10;
	v10 =	vld [tilespmem:s3+$0xFFFFFF50]  }
0x390: {  	v60 =	vsub.f32 $1.500000000e+00, v60;
	v40 =	vmul.f32 v18, v40;
	v8 =	vshra.s32 v17, $0x1;
	[tilespmem:$0x1F650] =	vst v5;
	v5 =	vld [tilespmem:s3+$0xFFFFFFC0]  }
0x391: {  	[tilespmem:$0x1F730] =	vst v16;
	v1 =	vmul.f32 $7.233541010e-01, v37;
	v57 =	vsub.s32 $0x5F3759DF, v8;
	v8 =	vmul.f32 v58, v11  }
0x392: {  	[tilespmem:$0x1F8D0] =	vst v6;
	v55 =	vmul.f32 v55, v60;
	v2 =	vshra.s32 v6, $0x1;
	v7 =	vmul.u32 $0x709, v7  }
0x393: {  	v6 =	vmul.f32 $7.233541010e-01, v31;
	v39 =	vsub.f32 $3.821680070e+00, v1;
	v1 =	vld [tilespmem:s3+$0xFFFFFFE0];
	v20 =	vmin.u32 v20, $0x708  }
0x394: {  	v49 =	vsub.s32 $0x5F3759DF, v2;
	v2 =	vmul.f32 v35, v46;
	[tilespmem:$0x1F5E0] =	vst v10;
	v61 =	vadd.s32 v7, v20  }
0x395: {  	v8 =	vmul.f32 v58, v8;
	v10 =	vmul.f32 $7.233541010e-01, v44;
	v44 =	vsub.s32 $0x5F3759DF, v36;
	[tilespmem:$0x1F760] =	vst v5;
	v5 =	vld [tilespmem:s3+$0xFFFFFFD0]  }
0x396: {  	v19 =	vsub.f32 $1.500000000e+00, v13;
	[tilespmem:$0x1F6E0] =	vst v12;
	v9 =	vmul.f32 v44, v12;
	v12 =	vmul.f32 v49, v50  }
0x397: {  	[tilespmem:$0x1F8B0] =	vst v17;
	v2 =	vmul.f32 v35, v2;
	v17 =	vsub.f32 $3.821680070e+00, v10;
	v10 =	vmul.f32 v57, v15  }
0x398: {  	v37 =	vsub.s32 $0x5F3759DF, v25;
	[tilespmem:$0x1F780] =	vst v1;
	v12 =	vmul.f32 v49, v12;
	v7 =	vmul.f32 v45, v16  }
0x399: {  	v10 =	vmul.f32 v57, v10;
	[tilespmem:v61+s20+$0x0] =	vst.idx.add.f32.msk $0xffff, v24;
	v24 =	vsub.f32 $3.821680070e+00, v3;
	v3 =	vmul.f32 v42, v63  }
0x39a: {  	v33 =	vsub.f32 $1.500000000e+00, v8;
	v1 =	vld [tilespmem:s3+$0xFFFFFFF0];
	v7 =	vmul.f32 v45, v7;
	[tilespmem:$0x1F770] =	vst v5;
	v5 =	vmul.f32 v43, v54  }
0x39b: {  	[tilespmem:$0x1F750] =	vst v14;
	v36 =	vsub.f32 $1.500000000e+00, v2;
	v13 =	vsub.f32 $1.500000000e+00, v10;
	v3 =	vmul.f32 v42, v3  }
0x39c: {  	[tilespmem:$0x1F670] =	vst v23;
	v8 =	vld [tilespmem:$0x1F540];
	v10 =	vsub.f32 $1.500000000e+00, v7;
	v7 =	vsub.f32 $1.500000000e+00, v12;
	v5 =	vmul.f32 v43, v5  }
0x39d: {  	[tilespmem:$0x1F740] =	vst v50;
	v2 =	vld [tilespmem:$0x1F520];
	v61 =	vsub.s32 $0x5F3759DF, v0;
	v0 =	vmul.f32 v37, v23;
	v16 =	vsub.f32 $1.500000000e+00, v3  }
0x39e: {  	[tilespmem:$0x1F720] =	vst v15;
	v15 =	vld [tilespmem:$0x1F580];
	v23 =	vsub.f32 $3.821680070e+00, v6;
	v6 =	vmul.f32 v48, v62;
	v50 =	vsub.f32 $1.500000000e+00, v5  }
0x39f: {  	v21 =	vadd.f32 $-9.790774340e+00, v21;
	[tilespmem:$0x1F790] =	vst v1;
	v1 =	vmul.f32 v61, v14;
	v14 =	vld [tilespmem:$0x1F550];
	v60 =	vmul.f32 v42, v16  }
0x3a0: {  	v59 =	vsub.s32 $0x5F3759DF, v59;
	v42 =	vmul.f32 v43, v50;
	v43 =	vmul.f32 v49, v7;
	v7 =	vld [tilespmem:$0x1F5D0]  }
0x3a1: {  	[tilespmem:$0x1F6B0] =	vst v11;
	v28 =	vsub.f32 $3.821680070e+00, v28;
	v25 =	vmul.f32 $7.233541010e-01, v52;
	v11 =	vmul.f32 v59, v30  }
0x3a2: {  	v34 =	vsub.f32 $3.821680070e+00, v34;
	v31 =	vmul.f32 $7.233541010e-01, v29;
	v6 =	vmul.f32 v48, v6  }
0x3a3: {  	[tilespmem:$0x1F6C0] =	vst v30;
	v30 =	vsub.f32 $3.821680070e+00, v41;
	v28 =	vmul.f32 v28, v15;
	v23 =	vmul.f32 v23, v2  }
0x3a4: {  	[tilespmem:$0x1F700] =	vst v53;
	v53 =	vld [tilespmem:$0x1F500];
	v58 =	vmul.f32 v58, v33;
	v17 =	vmul.f32 v17, v8;
	v6 =	vsub.f32 $1.500000000e+00, v6  }
0x3a5: {  	v4 =	vadd.f32 $-9.790774340e+00, v23;
	v30 =	vmul.f32 v30, v14;
	v7 =	vmul.u32 $0x709, v7  }
0x3a6: {  	v12 =	vadd.f32 $-9.790774340e+00, v17;
	v0 =	vmul.f32 v37, v0;
	v33 =	vmul.f32 v48, v6;
	v6 =	vld [tilespmem:$0x1F5B0]  }
0x3a7: {  	v17 =	vadd.f32 $-9.790774340e+00, v30;
	v30 =	vadd.f32 $-9.790774340e+00, v28;
	v28 =	vmovc v2;
	[tilespmem:$0x1FA30] =	vst v7;
	v7 =	vmul.f32 v4, v2;
	v2 =	vld [tilespmem:$0x1F5E0]  }
0x3a8: {  	[tilespmem:$0x1F660] =	vst v29;
	v29 =	vmul.f32 $7.233541010e-01, v51;
	v25 =	vsub.f32 $3.821680070e+00, v25;
	v11 =	vmul.f32 v59, v11;
	v20 =	vld [tilespmem:$0x1F560]  }
0x3a9: {  	[tilespmem:$0x1F680] =	vst v46;
	v39 =	vmul.f32 v39, v53;
	v9 =	vmul.f32 v44, v9;
	v46 =	vsub.f32 $1.500000000e+00, v0  }
0x3aa: {  	v41 =	vld [tilespmem:$0x1F510];
	v25 =	vmul.f32 v25, v52;
	v38 =	vsub.f32 $1.500000000e+00, v11;
	v1 =	vmul.f32 v61, v1  }
0x3ab: {  	v11 =	vld [tilespmem:$0x1F660];
	v9 =	vsub.f32 $1.500000000e+00, v9;
	v37 =	vmul.f32 v37, v46;
	v46 =	vmul.f32 v35, v36  }
0x3ac: {  	v36 =	vmul.f32 v45, v10;
	v6 =	vmul.u32 $0x709, v6;
	v10 =	vmul.u32 $0x709, v2;
	v2 =	vld [tilespmem:$0x1F670]  }
0x3ad: {  	v39 =	vadd.f32 $-9.790774340e+00, v39;
	v34 =	vmul.f32 v34, v20;
	v3 =	vld [tilespmem:$0x1F590];
	v1 =	vsub.f32 $1.500000000e+00, v1  }
0x3ae: {  	v31 =	vsub.f32 $3.821680070e+00, v31;
	v59 =	vmul.f32 v59, v38;
	v18 =	vmul.f32 v44, v9;
	[tilespmem:$0x1F8F0] =	vst v6;
	v6 =	vld [tilespmem:$0x1F5C0]  }
0x3af: {  	[tilespmem:$0x1F6F0] =	vst v54;
	v34 =	vadd.f32 $-9.790774340e+00, v34;
	v38 =	vmul.f32 v61, v1;
	v1 =	vmul.f32 v39, v53;
	v5 =	vmovc v52;
	v52 =	vld [tilespmem:$0x1F600]  }
0x3b0: {  	v29 =	vsub.f32 $3.821680070e+00, v29;
	v54 =	vld [tilespmem:$0x1F530];
	v4 =	vmul.f32 v21, v56;
	[tilespmem:$0x1FA40] =	vst v10;
	v10 =	vmul.f32 v12, v8  }
0x3b1: {  	v44 =	vmovc v53;
	v53 =	vmovc v20;
	v21 =	vmov v8;
	v8 =	vmul.f32 v34, v20;
	v20 =	vmul.f32 v37, v2;
	v2 =	vld [tilespmem:$0x1F6A0]  }
0x3b2: {  	v26 =	vsub.f32 $3.821680070e+00, v26;
	v31 =	vmul.f32 v31, v11;
	v9 =	vld [tilespmem:$0x1F5A0];
	v24 =	vmul.f32 v24, v41  }
0x3b3: {  	v27 =	vsub.f32 $3.821680070e+00, v27;
	v29 =	vmul.f32 v29, v51  }
0x3b4: {  	v24 =	vadd.f32 $-9.790774340e+00, v24;
	v23 =	vadd.f32 $-9.790774340e+00, v31;
	v26 =	vmul.f32 v26, v52  }
0x3b5: {  	v31 =	vadd.f32 $-9.790774340e+00, v25;
	v27 =	vmul.f32 v27, v3;
	v22 =	vmul.f32 v22, v54  }
0x3b6: {  	v6 =	vmul.u32 $0x709, v6;
	v25 =	vadd.f32 $-9.790774340e+00, v26;
	v26 =	vmul.f32 v55, v2;
	v2 =	vld [tilespmem:$0x1F6C0]  }
0x3b7: {  	v9 =	vmul.u32 $0x709, v9;
	v22 =	vadd.f32 $-9.790774340e+00, v22  }
0x3b8: {  	v29 =	vadd.f32 $-9.790774340e+00, v29;
	[tilespmem:$0x1FA20] =	vst v6;
	v6 =	vmul.f32 v24, v41  }
0x3b9: {  	[tilespmem:$0x1F9B0] =	vst v9;
	v16 =	vadd.f32 $-9.790774340e+00, v27;
	v9 =	vmul.f32 v22, v54  }
0x3ba: {  	v27 =	vmovc v54;
	v54 =	vmovc v14;
	v12 =	vadd.f32 $1.769974330e+01, v6;
	v6 =	vmul.f32 v17, v14;
	v14 =	vmul.f32 v29, v51  }
0x3bb: {  	v45 =	vmovc v51;
	v51 =	vmov v15;
	v15 =	vmul.f32 v30, v15;
	v30 =	vmul.f32 v59, v2;
	v2 =	vld [tilespmem:$0x1F6F0];
	_ =	sdelay $0x4  }
0x3bc: {  	v34 =	vmul.f32 v42, v2;
	v2 =	vld [tilespmem:$0x1F700];
	_ =	sdelay $0x2  }
0x3bd: {  	v50 =	vmul.f32 v47, v19;
	_ =	sdelay $0x1  }
0x3be: {  	v39 =	vmul.f32 v50, v2;
	v2 =	vld [tilespmem:$0x1F720];
	_ =	sdelay $0x2  }
0x3bf: {  	v0 =	vld [tilespmem:$0x1F570];
	v35 =	vmul.f32 v57, v13  }
0x3c0: {  	v13 =	vmul.f32 v23, v11;
	v23 =	vld [tilespmem:$0x1F690]  }
0x3c1: {  	[tilespmem:$0x1F710] =	vst v62;
	v61 =	vmul.f32 v33, v62;
	v62 =	vmul.f32 v35, v2;
	v2 =	vld [tilespmem:$0x1F730]  }
0x3c2: {  	v32 =	vsub.f32 $3.821680070e+00, v32;
	_ =	sdelay $0x1  }
0x3c3: {  	v32 =	vmul.f32 v32, v0  }
0x3c4: {  	v23 =	vmul.f32 v40, v23;
	v17 =	vmul.f32 v31, v5  }
0x3c5: {  	[tilespmem:$0x1F6D0] =	vst v63;
	v32 =	vadd.f32 $-9.790774340e+00, v32;
	v31 =	vmul.f32 v60, v63;
	v63 =	vmul.f32 v36, v2;
	v2 =	vld [tilespmem:$0x1F740]  }
0x3c6: {  	v13 =	vadd.f32 $1.769974330e+01, v13;
	v19 =	vmov v40  }
0x3c7: {  	v57 =	vmovc v56;
	v1 =	vadd.f32 $1.769974330e+01, v1;
	v23 =	vmul.f32 v23, v19;
	v56 =	vmovc v11;
	v11 =	vmul.f32 v32, v0  }
0x3c8: {  	v47 =	vmovc v0;
	v0 =	vmovc v3;
	v3 =	vmul.f32 v16, v3;
	v7 =	vadd.f32 $1.769974330e+01, v7;
	v4 =	vadd.f32 $1.769974330e+01, v4  }
0x3c9: {  	v13 =	vmul.f32 v13, v56;
	v11 =	vadd.f32 $1.769974330e+01, v11;
	v24 =	vadd.f32 $1.769974330e+01, v6;
	v6 =	vld [tilespmem:$0x1F6B0]  }
0x3ca: {  	v3 =	vadd.f32 $1.769974330e+01, v3;
	v7 =	vmul.f32 v7, v28;
	v48 =	vmul.f32 v43, v2;
	v2 =	vld [tilespmem:$0x1F750]  }
0x3cb: {  	v4 =	vmul.f32 v4, v57;
	v11 =	vmul.f32 v11, v47;
	v14 =	vadd.f32 $1.769974330e+01, v14  }
0x3cc: {  	v49 =	vmovc v5;
	v23 =	vsub.f32 $1.500000000e+00, v23;
	v3 =	vmul.f32 v3, v0;
	v5 =	vmul.f32 v25, v52  }
0x3cd: {  	v16 =	vmovc v37;
	v56 =	vmovc v45;
	v10 =	vadd.f32 $1.769974330e+01, v10;
	v24 =	vmul.f32 v24, v54;
	v14 =	vmul.f32 v14, v45  }
0x3ce: {  	v8 =	vadd.f32 $1.769974330e+01, v8;
	v37 =	vmovc v42;
	v45 =	vmovc v47;
	v29 =	vmul.f32 v58, v6;
	v34 =	vmul.f32 v34, v42  }
0x3cf: {  	v47 =	vmovc v0;
	v0 =	vadd.f32 $-2.874775890e+01, v7;
	v6 =	vld [tilespmem:$0x1F6E0];
	v42 =	vmovc v28;
	v28 =	vmul.f32 v10, v21;
	v25 =	vmul.f32 v38, v2  }
0x3d0: {  	v10 =	vmul.f32 v23, v19;
	v23 =	vadd.f32 $-2.874775890e+01, v24;
	v40 =	vmul.f32 v48, v43  }
0x3d1: {  	v24 =	vadd.f32 $-2.874775890e+01, v3;
	v3 =	vld [tilespmem:$0x1F610];
	v48 =	vmovc v57;
	v57 =	vmovc v21;
	v21 =	vmul.f32 v8, v53;
	v25 =	vmul.f32 v25, v38  }
0x3d2: {  	v1 =	vmul.f32 v1, v44  }
0x3d3: {  	v0 =	vmul.f32 v0, v42;
	v21 =	vadd.f32 $-2.874775890e+01, v21;
	v25 =	vsub.f32 $1.500000000e+00, v25  }
0x3d4: {  	v52 =	vmovc v43;
	v32 =	vmul.f32 v18, v6;
	v34 =	vsub.f32 $1.500000000e+00, v34;
	v43 =	vmovc v44;
	v44 =	vmov v53  }
0x3d5: {  	v38 =	vmul.f32 v25, v38;
	v25 =	vadd.f32 $5.098120500e+01, v0;
	v0 =	vmul.f32 v21, v44  }
0x3d6: {  	v22 =	vld [tilespmem:$0x1F680];
	v32 =	vmul.f32 v32, v18;
	v3 =	vmul.u32 $0x709, v3  }
0x3d7: {  	v1 =	vadd.f32 $-2.874775890e+01, v1;
	v19 =	vmul.f32 v34, v37;
	v34 =	vadd.f32 $5.098120500e+01, v0;
	v0 =	vld [tilespmem:$0x1F6E0]  }
0x3d8: {  	v32 =	vsub.f32 $1.500000000e+00, v32;
	v39 =	vmul.f32 v39, v50;
	[tilespmem:$0x1F7C0] =	vst v3;
	v3 =	vld [tilespmem:$0x1F620]  }
0x3d9: {  	v1 =	vmul.f32 v1, v43  }
0x3da: {  	v20 =	vmul.f32 v20, v16;
	v6 =	vld [tilespmem:$0x1F5F0];
	v18 =	vmul.f32 v32, v18;
	v39 =	vsub.f32 $1.500000000e+00, v39  }
0x3db: {  	v61 =	vmul.f32 v61, v33;
	v2 =	vadd.f32 $-2.874775890e+01, v4;
	v4 =	vadd.f32 $5.098120500e+01, v1;
	v1 =	vld [tilespmem:$0x1F670]  }
0x3dc: {  	v20 =	vsub.f32 $1.500000000e+00, v20;
	v50 =	vmul.f32 v39, v50;
	v39 =	vmul.f32 v18, v0;
	v0 =	vld [tilespmem:$0x1F6F0]  }
0x3dd: {  	v22 =	vmul.f32 v46, v22;
	v3 =	vmul.u32 $0x709, v3  }
0x3de: {  	v61 =	vsub.f32 $1.500000000e+00, v61;
	v9 =	vadd.f32 $1.769974330e+01, v9;
	v8 =	vmul.f32 v20, v16  }
0x3df: {  	v22 =	vmul.f32 v22, v46;
	v6 =	vmul.u32 $0x709, v6;
	[tilespmem:$0x1F7F0] =	vst v3;
	v3 =	vld [tilespmem:$0x1F630];
	v40 =	vsub.f32 $1.500000000e+00, v40  }
0x3e0: {  	v15 =	vadd.f32 $1.769974330e+01, v15;
	v21 =	vmul.f32 v24, v47;
	v24 =	vmul.f32 v8, v1;
	v1 =	vld [tilespmem:$0x1F680]  }
0x3e1: {  	v22 =	vsub.f32 $1.500000000e+00, v22;
	v37 =	vmul.f32 v40, v52;
	v40 =	vmul.f32 v19, v0;
	v0 =	vld [tilespmem:$0x1F700]  }
0x3e2: {  	v33 =	vmul.f32 v61, v33;
	v15 =	vmul.f32 v15, v51;
	v53 =	vmov v51;
	v51 =	vld [tilespmem:$0x1F600]  }
0x3e3: {  	[tilespmem:$0x1FA50] =	vst v6;
	v6 =	vmov v27;
	v27 =	vmul.f32 v9, v27;
	v9 =	vmul.f32 v22, v46  }
0x3e4: {  	v11 =	vadd.f32 $-2.874775890e+01, v11;
	v5 =	vadd.f32 $1.769974330e+01, v5;
	v26 =	vmul.f32 v26, v55  }
0x3e5: {  	v3 =	vmul.u32 $0x709, v3;
	v16 =	vadd.f32 $-2.874775890e+01, v27;
	v27 =	vmul.f32 v9, v1;
	v1 =	vld [tilespmem:$0x1F690]  }
0x3e6: {  	v29 =	vmul.f32 v29, v58;
	v26 =	vsub.f32 $1.500000000e+00, v26;
	v61 =	vmul.f32 v50, v0;
	v0 =	vld [tilespmem:$0x1F710]  }
0x3e7: {  	[tilespmem:$0x1F920] =	vst v3;
	v3 =	vld [tilespmem:$0x1F640];
	v5 =	vmul.f32 v5, v51  }
0x3e8: {  	v11 =	vmul.f32 v11, v45;
	v29 =	vsub.f32 $1.500000000e+00, v29;
	v55 =	vmul.f32 v26, v55  }
0x3e9: {  	v23 =	vmul.f32 v23, v54;
	v62 =	vmul.f32 v62, v35;
	v26 =	vadd.f32 $-2.874775890e+01, v5  }
0x3ea: {  	v22 =	vadd.f32 $-2.874775890e+01, v28;
	v7 =	vmovc v48;
	v2 =	vmul.f32 v2, v48;
	v48 =	vmovc v54;
	v28 =	vmul.f32 v10, v1;
	v1 =	vld [tilespmem:$0x1F6A0]  }
0x3eb: {  	v54 =	vmovc v45;
	v45 =	vmovc v47;
	v47 =	vmov v51;
	v26 =	vmul.f32 v26, v51;
	v51 =	vmul.f32 v33, v0;
	v0 =	vld [tilespmem:$0x1F720]  }
0x3ec: {  	v62 =	vsub.f32 $1.500000000e+00, v62;
	v3 =	vmul.u32 $0x709, v3  }
0x3ed: {  	v58 =	vmul.f32 v29, v58  }
0x3ee: {  	v15 =	vadd.f32 $-2.874775890e+01, v15;
	v30 =	vmul.f32 v30, v59;
	v35 =	vmul.f32 v62, v35;
	[tilespmem:$0x1F950] =	vst v3;
	v3 =	vld [tilespmem:$0x1F650]  }
0x3ef: {  	v63 =	vmul.f32 v63, v36;
	v29 =	vmul.f32 v55, v1;
	v1 =	vld [tilespmem:$0x1F6B0]  }
0x3f0: {  	v30 =	vsub.f32 $1.500000000e+00, v30;
	v46 =	vmovc v53;
	v15 =	vmul.f32 v15, v53;
	v53 =	vmul.f32 v35, v0;
	v0 =	vld [tilespmem:$0x1F730]  }
0x3f1: {  	v63 =	vsub.f32 $1.500000000e+00, v63  }
0x3f2: {  	v59 =	vmul.f32 v30, v59  }
0x3f3: {  	v36 =	vmul.f32 v63, v36;
	v16 =	vmul.f32 v16, v6  }
0x3f4: {  	v3 =	vmul.u32 $0x709, v3;
	v27 =	vmul.f32 v27, v9;
	v29 =	vmul.f32 v29, v55  }
0x3f5: {  	v52 =	vmov v6;
	v30 =	vmul.f32 v58, v1;
	v6 =	vmul.f32 v36, v0;
	v0 =	vld [tilespmem:$0x1F740]  }
0x3f6: {  	v22 =	vmul.f32 v22, v57;
	[tilespmem:$0x1F980] =	vst v3;
	v3 =	vadd.f32 $5.098120500e+01, v2;
	v61 =	vmul.f32 v61, v50  }
0x3f7: {  	v27 =	vsub.f32 $1.500000000e+00, v27;
	v29 =	vsub.f32 $1.500000000e+00, v29;
	v30 =	vmul.f32 v30, v58  }
0x3f8: {  	v25 =	vmul.f32 v25, v42;
	v3 =	vmul.f32 v3, v7;
	v61 =	vsub.f32 $1.500000000e+00, v61  }
0x3f9: {  	v9 =	vmul.f32 v27, v9;
	v27 =	vmul.f32 v29, v55;
	v55 =	vld [tilespmem:$0x1F7B0];
	v30 =	vsub.f32 $1.500000000e+00, v30  }
0x3fa: {  	v25 =	vadd.f32 $-1.229560550e+02, v25;
	v61 =	vmul.f32 v61, v50;
	v50 =	vld [tilespmem:$0x1F7A0];
	v2 =	vmul.f32 v37, v0  }
0x3fb: {  	v29 =	vmul.f32 v30, v58;
	v58 =	vld [tilespmem:$0x1F7E0];
	v63 =	vmul.f32 v53, v35  }
0x3fc: {  	v53 =	vmov v7;
	v7 =	vmul.f32 v25, v42;
	v25 =	vld [tilespmem:$0x1F7D0];
	v2 =	vmul.f32 v2, v37  }
0x3fd: {  	v23 =	vadd.f32 $5.098120500e+01, v23;
	v22 =	vadd.f32 $5.098120500e+01, v22  }
0x3fe: {  	v2 =	vsub.f32 $1.500000000e+00, v2  }
0x3ff: {  	v23 =	vmul.f32 v23, v48;
	v22 =	vmul.f32 v22, v57  }
0x400: {  	v34 =	vmul.f32 v34, v44;
	v2 =	vmul.f32 v2, v37;
	v37 =	vadd.s32 v55, v50  }
0x401: {  	v22 =	vadd.f32 $-1.229560550e+02, v22;
	v25 =	vadd.s32 v58, v25  }
0x402: {  	v23 =	vadd.f32 $-1.229560550e+02, v23;
	v30 =	vadd.f32 $-1.229560550e+02, v34  }
0x403: {  	v20 =	vmul.f32 v22, v57  }
0x404: {  	v22 =	vmul.f32 v23, v48;
	v1 =	vld [tilespmem:$0x1F6C0];
	v23 =	vmul.f32 v30, v44;
	v30 =	vimm.f32 $1.000000000e+00  }
0x405: {  	v31 =	vmul.f32 v31, v60;
	[tilespmem:v37+s20+$0x0] =	vst.idx.add.f32.msk $0xffff, v30;
	v30 =	vimm.f32 $1.000000000e+00  }
0x406: {  	v24 =	vmul.f32 v24, v8;
	v26 =	vadd.f32 $5.098120500e+01, v26;
	[tilespmem:v25+s20+$0x0] =	vst.idx.add.f32.msk $0xffff, v30  }
0x407: {  	v31 =	vsub.f32 $1.500000000e+00, v31;
	v25 =	vld [tilespmem:$0x1F800]  }
0x408: {  	v24 =	vsub.f32 $1.500000000e+00, v24;
	v26 =	vmul.f32 v26, v47  }
0x409: {  	v60 =	vmul.f32 v31, v60  }
0x40a: {  	v24 =	vmul.f32 v24, v8;
	v26 =	vadd.f32 $-1.229560550e+02, v26;
	v31 =	vmul.f32 v59, v1;
	v1 =	vld [tilespmem:$0x1F6D0]  }
0x40b: {  	v0 =	vld [tilespmem:$0x1F750]  }
0x40c: {  	v24 =	vmul.f32 v24, v25;
	v25 =	vmul.f32 v26, v47;
	v26 =	vld [tilespmem:$0x1F810];
	_ =	sdelay $0x2  }
0x40d: {  	v32 =	vmul.f32 v60, v1  }
0x40e: {  	v1 =	vmul.f32 v38, v0;
	v0 =	vmul.f32 v28, v10  }
0x40f: {  	v9 =	vmul.f32 v9, v26;
	v26 =	vld [tilespmem:$0x1F820]  }
0x410: {  	v0 =	vsub.f32 $1.500000000e+00, v0;
	_ =	sdelay $0x1  }
0x411: {  	v17 =	vadd.f32 $1.769974330e+01, v17;
	v12 =	vmul.f32 v12, v41;
	v10 =	vmul.f32 v0, v10;
	_ =	sdelay $0x1  }
0x412: {  	v17 =	vmul.f32 v17, v49;
	v12 =	vadd.f32 $-2.874775890e+01, v12;
	v10 =	vmul.f32 v10, v26;
	v26 =	vld [tilespmem:$0x1F830]  }
0x413: {  	v14 =	vadd.f32 $-2.874775890e+01, v14  }
0x414: {  	v17 =	vadd.f32 $-2.874775890e+01, v17;
	v12 =	vmul.f32 v12, v41  }
0x415: {  	v14 =	vmul.f32 v14, v56  }
0x416: {  	v12 =	vadd.f32 $5.098120500e+01, v12;
	v17 =	vmul.f32 v17, v49  }
0x417: {  	v14 =	vadd.f32 $5.098120500e+01, v14;
	v26 =	vmul.f32 v27, v26;
	v27 =	vld [tilespmem:$0x1F840]  }
0x418: {  	v17 =	vadd.f32 $5.098120500e+01, v17;
	v12 =	vmul.f32 v12, v41  }
0x419: {  	v14 =	vmul.f32 v14, v56  }
0x41a: {  	v17 =	vmul.f32 v17, v49;
	v12 =	vadd.f32 $-1.229560550e+02, v12  }
0x41b: {  	v14 =	vadd.f32 $-1.229560550e+02, v14;
	v5 =	vld [tilespmem:$0x1F660];
	v31 =	vmul.f32 v31, v59  }
0x41c: {  	v17 =	vadd.f32 $-1.229560550e+02, v17;
	v12 =	vmul.f32 v12, v41;
	v27 =	vmul.f32 v29, v27;
	v29 =	vld [tilespmem:$0x1F850]  }
0x41d: {  	v13 =	vadd.f32 $-2.874775890e+01, v13;
	v14 =	vmul.f32 v14, v56;
	v31 =	vsub.f32 $1.500000000e+00, v31  }
0x41e: {  	v11 =	vadd.f32 $5.098120500e+01, v11;
	v12 =	vadd.f32 $9.000000000e+02, v12;
	v17 =	vmul.f32 v17, v49  }
0x41f: {  	v14 =	vadd.f32 $9.000000000e+02, v14;
	v39 =	vmul.f32 v39, v18;
	v31 =	vmul.f32 v31, v59  }
0x420: {  	v17 =	vadd.f32 $9.000000000e+02, v17;
	v15 =	vadd.f32 $5.098120500e+01, v15;
	v4 =	vmul.f32 v4, v43  }
0x421: {  	v13 =	vmul.f32 v13, v5;
	v39 =	vsub.f32 $1.500000000e+00, v39;
	v29 =	vmul.f32 v31, v29;
	v31 =	vld [tilespmem:$0x1F870]  }
0x422: {  	v11 =	vmul.f32 v11, v54;
	v15 =	vmul.f32 v15, v46;
	v7 =	vadd.f32 $9.000000000e+02, v7  }
0x423: {  	v13 =	vadd.f32 $5.098120500e+01, v13;
	v18 =	vmul.f32 v39, v18;
	v9 =	vmul.f32 v9, v12;
	v12 =	vld [tilespmem:$0x1F910]  }
0x424: {  	v16 =	vadd.f32 $5.098120500e+01, v16;
	v40 =	vmul.f32 v40, v19;
	v7 =	vmul.f32 v10, v7;
	v10 =	vld [tilespmem:$0x1F900]  }
0x425: {  	v4 =	vadd.f32 $-1.229560550e+02, v4;
	v13 =	vmul.f32 v13, v5;
	v62 =	vmul.f32 v51, v33;
	v51 =	vmovc v5;
	v5 =	vld [tilespmem:$0x1F7C0]  }
0x426: {  	v11 =	vadd.f32 $-1.229560550e+02, v11;
	v40 =	vsub.f32 $1.500000000e+00, v40;
	v18 =	vmul.f32 v18, v31;
	v31 =	vld [tilespmem:$0x1F880]  }
0x427: {  	v16 =	vmul.f32 v16, v52;
	v13 =	vadd.f32 $-1.229560550e+02, v13;
	v62 =	vsub.f32 $1.500000000e+00, v62  }
0x428: {  	v15 =	vadd.f32 $-1.229560550e+02, v15;
	v4 =	vmul.f32 v4, v43;
	v19 =	vmul.f32 v40, v19  }
0x429: {  	v13 =	vmul.f32 v13, v51;
	v33 =	vmul.f32 v62, v33;
	v62 =	vld [tilespmem:$0x1F8D0];
	v10 =	vadd.s32 v12, v10  }
0x42a: {  	v16 =	vadd.f32 $-1.229560550e+02, v16;
	v11 =	vmul.f32 v11, v54;
	v21 =	vadd.f32 $5.098120500e+01, v21  }
0x42b: {  	v13 =	vadd.f32 $9.000000000e+02, v13;
	v23 =	vadd.f32 $9.000000000e+02, v23;
	v39 =	vmovc v5;
	v5 =	vld [tilespmem:$0x1F7F0];
	v19 =	vmul.f32 v19, v31  }
0x42c: {  	v4 =	vadd.f32 $9.000000000e+02, v4;
	v15 =	vmul.f32 v15, v46;
	v59 =	vld [tilespmem:$0x1F8A0];
	v32 =	vmul.f32 v32, v60  }
0x42d: {  	v30 =	vld [tilespmem:$0x1F860];
	v13 =	vmul.f32 v18, v13;
	v18 =	vmul.f32 v19, v23;
	v19 =	vimm.f32 $1.000000000e+00  }
0x42e: {  	v16 =	vmul.f32 v16, v52;
	v11 =	vadd.f32 $9.000000000e+02, v11;
	v2 =	vmul.f32 v2, v62;
	[tilespmem:v10+s20+$0x0] =	vst.idx.add.f32.msk $0xffff, v19  }
0x42f: {  	v21 =	vmul.f32 v21, v45;
	v63 =	vsub.f32 $1.500000000e+00, v63;
	v32 =	vsub.f32 $1.500000000e+00, v32;
	v19 =	vld [tilespmem:$0x1F940]  }
0x430: {  	v6 =	vmul.f32 v6, v36;
	v2 =	vmul.f32 v2, v17;
	v17 =	vadd.f32 $5.000000000e-01, v18;
	v18 =	vld [tilespmem:$0x1F930]  }
0x431: {  	v21 =	vadd.f32 $-1.229560550e+02, v21;
	v32 =	vmul.f32 v32, v60;
	v60 =	vld [tilespmem:$0x1F8B0];
	v1 =	vmul.f32 v1, v38  }
0x432: {  	v3 =	vadd.f32 $-1.229560550e+02, v3;
	v35 =	vmul.f32 v63, v35;
	v63 =	vld [tilespmem:$0x1F8E0];
	v6 =	vsub.f32 $1.500000000e+00, v6  }
0x433: {  	v20 =	vadd.f32 $9.000000000e+02, v20;
	v21 =	vmul.f32 v21, v45;
	v1 =	vsub.f32 $1.500000000e+00, v1;
	v0 =	vld [tilespmem:$0x1F770]  }
0x434: {  	v22 =	vadd.f32 $9.000000000e+02, v22;
	v3 =	vmul.f32 v3, v53;
	v6 =	vmul.f32 v6, v36;
	v28 =	vld [tilespmem:$0x1F760]  }
0x435: {  	v36 =	vmul.f32 v1, v38;
	v30 =	vmul.f32 v32, v30;
	v18 =	vadd.s32 v19, v18;
	v19 =	vld [tilespmem:$0x1F950]  }
0x436: {  	v15 =	vadd.f32 $9.000000000e+02, v15;
	v1 =	vld [tilespmem:$0x1F790];
	v32 =	vmul.f32 v33, v59;
	v33 =	vmul.f32 v35, v60  }
0x437: {  	v16 =	vadd.f32 $9.000000000e+02, v16;
	v21 =	vadd.f32 $9.000000000e+02, v21;
	v31 =	vld [tilespmem:$0x1F890]  }
0x438: {  	v3 =	vadd.f32 $9.000000000e+02, v3;
	v34 =	vmul.f32 v36, v63;
	v8 =	vmul.u32 $0x709, v0;
	v0 =	vld [tilespmem:$0x1F780]  }
0x439: {  	v2 =	vadd.f32 $5.000000000e-01, v2;
	v4 =	vmul.f32 v24, v4;
	v12 =	vmul.f32 v29, v20;
	v20 =	vld [tilespmem:$0x1F970]  }
0x43a: {  	v28 =	vmul.u32 $0x709, v28;
	v11 =	vmul.f32 v32, v11;
	v15 =	vmul.f32 v33, v15;
	v33 =	vmovc v19;
	v19 =	vld [tilespmem:$0x1F960]  }
0x43b: {  	v38 =	vmovc v5;
	v5 =	vld [tilespmem:$0x1F920];
	v2 =	vtrunc.f32 v2;
	v1 =	vmul.u32 $0x709, v1;
	v4 =	vadd.f32 $5.000000000e-01, v4  }
0x43c: {  	v11 =	vadd.f32 $5.000000000e-01, v11;
	v15 =	vadd.f32 $5.000000000e-01, v15;
	v31 =	vmul.f32 v61, v31;
	v61 =	vld [tilespmem:$0x1F8C0]  }
0x43d: {  	v0 =	vmul.u32 $0x709, v0;
	v24 =	vadd.f32 $9.000000000e+02, v25;
	v4 =	vtrunc.f32 v4  }
0x43e: {  	v11 =	vtrunc.f32 v11;
	v15 =	vtrunc.f32 v15;
	v7 =	vadd.f32 $5.000000000e-01, v7  }
0x43f: {  	v4 =	vcvt.f32.s32 v4;
	v15 =	vcvt.f32.s32 v15;
	v19 =	vadd.s32 v20, v19;
	v20 =	vld [tilespmem:$0x1F980]  }
0x440: {  	v35 =	vmovc v5;
	v9 =	vadd.f32 $5.000000000e-01, v9;
	v7 =	vtrunc.f32 v7;
	v5 =	vmul.f32 v26, v16  }
0x441: {  	vm0 =	vgt.s32 v4, $0x0;
	v16 =	vmul.f32 v30, v22;
	v6 =	vmul.f32 v6, v61  }
0x442: {  	v9 =	vtrunc.f32 v9;
	v7 =	vcvt.f32.s32 v7;
	v5 =	vadd.f32 $5.000000000e-01, v5  }
0x443: {  	v16 =	vadd.f32 $5.000000000e-01, v16;
	v3 =	vmul.f32 v27, v3;
	v6 =	vmul.f32 v6, v21;
	v21 =	vld [tilespmem:$0x1F9A0]  }
0x444: {  	vm11 =	vgt.s32 v15, $0x0;
	v26 =	vmovc v0;
	v0 =	vcvt.f32.s32 v9;
	vm2 =	vgt.s32 v7, $0x0;
	v30 =	vmovc v20;
	v20 =	vld [tilespmem:$0x1F990]  }
0x445: {  	v22 =	vld [tilespmem:$0x1F9D0];
	v5 =	vtrunc.f32 v5;
	v16 =	vtrunc.f32 v16;
	v3 =	vadd.f32 $5.000000000e-01, v3  }
0x446: {  	v9 =	vld [tilespmem:$0x1FA00];
	v10 =	vadd.f32 $5.000000000e-01, v12;
	v12 =	vmul.f32 v34, v24;
	v24 =	vimm.f32 $1.000000000e+00  }
0x447: {  	v25 =	vmovc v1;
	v1 =	vcvt.f32.s32 v5;
	v3 =	vtrunc.f32 v3;
	v13 =	vadd.f32 $5.000000000e-01, v13;
	[tilespmem:v18+s20+$0x0] =	vst.idx.add.f32.msk $0xffff, v24  }
0x448: {  	vm1 =	vgt.s32 v0, $0x0;
	v16 =	vcvt.f32.s32 v16;
	v3 =	vcvt.f32.s32 v3;
	v18 =	vld [tilespmem:$0x1FA10]  }
0x449: {  	vm3 =	vgt.s32 v1, $0x0;
	v13 =	vtrunc.f32 v13;
	v20 =	vadd.s32 v21, v20;
	v21 =	vld [tilespmem:$0x1F9C0]  }
0x44a: {  	vm6 =	vgt.s32 v16, $0x0;
	vm4 =	vgt.s32 v3, $0x0;
	v13 =	vcvt.f32.s32 v13  }
0x44b: {  	v23 =	vnsel vm2, $0x0, v7;
	v12 =	vadd.f32 $5.000000000e-01, v12;
	v14 =	vmul.f32 v31, v14  }
0x44c: {  	vm7 =	vgt.s32 v13, $0x0;
	v10 =	vtrunc.f32 v10;
	v17 =	vtrunc.f32 v17  }
0x44d: {  	v27 =	vmovc v8;
	v8 =	vtrunc.f32 v12;
	v12 =	vld [tilespmem:$0x1F9E0];
	v17 =	vcvt.f32.s32 v17;
	v14 =	vadd.f32 $5.000000000e-01, v14  }
0x44e: {  	v9 =	vadd.s32 v18, v9;
	v18 =	vcvt.f32.s32 v11;
	v21 =	vadd.s32 v22, v21;
	v22 =	vld [tilespmem:$0x1F9F0]  }
0x44f: {  	v36 =	vld [tilespmem:$0x1F8F0];
	v5 =	vcvt.f32.s32 v10;
	v10 =	vnsel vm4, $0x0, v3;
	v6 =	vadd.f32 $5.000000000e-01, v6  }
0x450: {  	v29 =	vmovc v28;
	v28 =	vld [tilespmem:$0x1F9B0];
	vm8 =	vgt.s32 v17, $0x0;
	v14 =	vtrunc.f32 v14;
	vm10 =	vgt.s32 v18, $0x0  }
0x451: {  	v14 =	vcvt.f32.s32 v14;
	v6 =	vtrunc.f32 v6;
	v3 =	vnsel vm10, $0x0, v18;
	v18 =	vld [tilespmem:$0x1FA20]  }
0x452: {  	vm5 =	vgt.s32 v5, $0x0;
	v7 =	vnsel vm8, $0x0, v17;
	v6 =	vcvt.f32.s32 v6;
	[tilespmem:v19+s20+$0x0] =	vst.idx.add.f32.msk $0xffff, v24  }
0x453: {  	s1 =	sadd.s32 $0x10, s1;
	vm9 =	vgt.s32 v14, $0x0;
	[tilespmem:v9+s20+$0x0] =	vst.idx.add.f32.msk $0xffff, v24;
	v19 =	vcvt.f32.s32 v2;
	v12 =	vadd.s32 v22, v12  }
0x454: {  	p3 =	slt.u32 s1, $0x1F0;
	vm12 =	vgt.s32 v6, $0x0;
	v11 =	vnsel vm3, $0x0, v1;
	[tilespmem:v20+s20+$0x0] =	vst.idx.add.f32.msk $0xffff, v24;
	v20 =	vcvt.f32.s32 v8  }
.Ltmp6:
0x455: {  	v9 =	vnsel vm7, $0x0, v13;
	v13 =	vmin.u32 v23, $0x708;
	v23 =	vld [tilespmem:$0x1FA50];
	vm13 =	vgt.s32 v19, $0x0;
	(pc) =	sbr.rel @p3 .LBB2_13-.Ltmp6, $4  }
0x456: {  	v2 =	vnsel vm12, $0x0, v6;
	v1 =	vnsel vm13, $0x0, v19;
	vm14 =	vgt.s32 v20, $0x0;
	[tilespmem:v21+s20+$0x0] =	vst.idx.add.f32.msk $0xffff, v24  }
0x457: {  	v8 =	vnsel vm6, $0x0, v16;
	v22 =	vnsel vm1, $0x0, v0;
	v0 =	vnsel vm14, $0x0, v20;
	v20 =	vld [tilespmem:$0x1FA30]  }
0x458: {  	v21 =	vnsel vm0, $0x0, v4;
	v4 =	vnsel vm11, $0x0, v15;
	v15 =	vmin.u32 v22, $0x708;
	[tilespmem:v12+s20+$0x0] =	vst.idx.add.f32.msk $0xffff, v24  }
0x459: {  	s6 =	sadd.s32 $0x100, s6;
	v12 =	vnsel vm5, $0x0, v5;
	v5 =	vnsel vm9, $0x0, v14;
	v14 =	vmin.u32 v21, $0x708;
	v21 =	vld [tilespmem:$0x1FA40]  }
0x45a: {  	v6 =	vadd.s32 v28, v14  }
0x45b: {  	v62 =	vadd.s32 v36, v15  }
0x45c: {  	v13 =	vadd.s32 v18, v13;
	v12 =	vmin.u32 v12, $0x708  }
0x45d: {  	v8 =	vmin.u32 v8, $0x708;
	v12 =	vadd.s32 v23, v12  }
0x45e: {  	v7 =	vmin.u32 v7, $0x708;
	v8 =	vadd.s32 v39, v8  }
0x45f: {  	v5 =	vmin.u32 v5, $0x708;
	v7 =	vadd.s32 v35, v7;
	[tilespmem:v6+s20+$0x0] =	vst.idx.add.f32.msk $0xffff, v24  }
0x460: {  	v3 =	vmin.u32 v3, $0x708;
	v5 =	vadd.s32 v33, v5;
	[tilespmem:v62+s20+$0x0] =	vst.idx.add.f32.msk $0xffff, v24  }
0x461: {  	v4 =	vmin.u32 v4, $0x708;
	v3 =	vadd.s32 v30, v3;
	[tilespmem:v13+s20+$0x0] =	vst.idx.add.f32.msk $0xffff, v24  }
0x462: {  	v2 =	vmin.u32 v2, $0x708;
	v4 =	vadd.s32 v29, v4;
	[tilespmem:v12+s20+$0x0] =	vst.idx.add.f32.msk $0xffff, v24  }
0x463: {  	v1 =	vmin.u32 v1, $0x708;
	v2 =	vadd.s32 v27, v2;
	[tilespmem:v8+s20+$0x0] =	vst.idx.add.f32.msk $0xffff, v24  }
0x464: {  	v0 =	vmin.u32 v0, $0x708;
	v1 =	vadd.s32 v26, v1;
	[tilespmem:v7+s20+$0x0] =	vst.idx.add.f32.msk $0xffff, v24  }
0x465: {  	v11 =	vmin.u32 v11, $0x708;
	v0 =	vadd.s32 v25, v0;
	[tilespmem:v5+s20+$0x0] =	vst.idx.add.f32.msk $0xffff, v24  }
0x466: {  	v10 =	vmin.u32 v10, $0x708;
	v11 =	vadd.s32 v20, v11;
	[tilespmem:v3+s20+$0x0] =	vst.idx.add.f32.msk $0xffff, v24  }
0x467: {  	v63 =	vmin.u32 v9, $0x708;
	v10 =	vadd.s32 v21, v10;
	[tilespmem:v4+s20+$0x0] =	vst.idx.add.f32.msk $0xffff, v24  }
0x468: {  	v6 =	vadd.s32 v38, v63;
	[tilespmem:v2+s20+$0x0] =	vst.idx.add.f32.msk $0xffff, v24  }
0x469: {  	[tilespmem:v1+s20+$0x0] =	vst.idx.add.f32.msk $0xffff, v24  }
0x46a: {  	[tilespmem:v0+s20+$0x0] =	vst.idx.add.f32.msk $0xffff, v24  }
0x46b: {  	[tilespmem:v11+s20+$0x0] =	vst.idx.add.f32.msk $0xffff, v24  }
0x46c: {  	[tilespmem:v10+s20+$0x0] =	vst.idx.add.f32.msk $0xffff, v24  }
0x46d: {  	[tilespmem:v6+s20+$0x0] =	vst.idx.add.f32.msk $0xffff, v24  }
0x46e: {  	_ =	swait.ge [sflag:s21], $0x2000  }
0x46f: {  	[sflag:s21] =	ssyncset.done $0x0  }
0x470: {  	p3 =	seq.s32 s28, $0xF;
	[sflag:s21] =	ssyncadd.s32 $0xFFFFE000  }
0x471: {  	s1 =	sadd.s32 @!p3 s29, s11;
	_ =	swait.ge [sflag:s21], $0x2000  }
0x472: {  	s1 =	sshrl.u32 @!p3 s1, $0x3;
	[sflag:s21] =	ssyncset.done $0x0  }
0x473: {  	s6 =	simm.s32 @!p3 $0x0;
	s3 =	sadd.s32 @!p3 s0, s1;
	[sflag:s21] =	ssyncadd.s32 $0xFFFFE000  }
0x474: {  	[tilespmem:s6], [sflag:$0x1] =	stream.linear.gather @!p3 [hbm4b:s3+s6], $0x2000, $0x38;
	[tilespmem:$0x13890] =	vst v63  }
0x475: {  	p4 =	seq.s32 @!p3 s28, $0x0;
	s1 =	sadd.s32 @!p3 s2, s1;
	s3 =	simm.s32 @!p3 $0x2000  }
0x476: {  	[tilespmem:s3], [sflag:$0x1] =	stream.linear.gather @!p3 [hbm4b:s1+s6], $0x2000, $0x38;
	[tilespmem:$0x13890] =	vst v63  }
0x477: {  	p3 =	por p3, !p4  }
.Ltmp7:
0x478: {  	_ = 	snop;
	(pc) =	sbr.rel @!p3 .LBB2_18-.Ltmp7, $1  }
0x479: {  	_ =	sdelay $0x3  }
0x47a: {  	_ =	swait.ge [sflag:s23], $0x80  }
0x47b: {  	s1 =	simm.s32 $0x2F;
	[sflag:s23] =	ssyncset.done $0x0  }
.LBB2_16:
0x47c: {  	p3 =	sne.s32 s1, $0x1;
	s1 =	sadd.s32 $0xFFFFFFFF, s1;
	[sflag:s23] =	ssyncadd.s32 $0xFFFFFF80  }
.Ltmp8:
0x47d: {  	(pc) =	sbr.rel @p3 .LBB2_16-.Ltmp8, $3  }
0x47e: {  	_ =	sdelay $0x1  }
0x47f: {  	_ =	swait.ge [sflag:s23], $0x80  }
0x480: {  	[sflag:s23] =	ssyncset.done $0x0  }
0x481: {  	[sflag:s23] =	ssyncadd.s32 $0xFFFFFF80  }
.LBB2_18:
0x482: {  	s14 =	simm.s32 $0x0  }
0x483: {  	s29 =	simm.s32 $0xA080;
	s30 =	simm.s32 $0x6080;
	s3 =	simm.s32 $0x4080  }
.LBB2_19:
0x484: {  	v0 =	vld [tilespmem:s3+$0x70]  }
0x485: {  	v1 =	vld [tilespmem:s3+$0xFFFFFF90]  }
0x486: {  	v3 =	vld [tilespmem:s3+$0xFFFFFFB0]  }
0x487: {  	v4 =	vld [tilespmem:s3+$0xFFFFFFC0]  }
0x488: {  	v5 =	vld [tilespmem:s3+$0xFFFFFFD0]  }
0x489: {  	v6 =	vld [tilespmem:s3+$0xFFFFFFE0]  }
0x48a: {  	v10 =	vld [tilespmem:s3+$0x20]  }
0x48b: {  	v2 =	vld [tilespmem:s3+$0xFFFFFFA0]  }
0x48c: {  	v7 =	vld [tilespmem:s3+$0x10];
	v0 =	vmax.f32 v0, $0.0e+00  }
0x48d: {  	v1 =	vmax.f32 v1, $0.0e+00;
	v3 =	vmax.f32 v3, $0.0e+00;
	v4 =	vmax.f32 v4, $0.0e+00  }
0x48e: {  	v5 =	vmax.f32 v5, $0.0e+00;
	v6 =	vmax.f32 v6, $0.0e+00;
	v28 =	vmin.f32 v1, $9.999989860e-01;
	v1 =	vld [tilespmem:s3+$0xFFFFFFF0]  }
0x48f: {  	v10 =	vmax.f32 v10, $0.0e+00;
	v21 =	vmin.f32 v0, $9.999989860e-01;
	v25 =	vmin.f32 v3, $9.999989860e-01;
	v3 =	vld [tilespmem:s3+$0x40]  }
0x490: {  	v0 =	vmax.f32 v2, $0.0e+00;
	v22 =	vmin.f32 v4, $9.999989860e-01;
	v24 =	vmin.f32 v5, $9.999989860e-01;
	v5 =	vld [tilespmem:s3+$0x60]  }
0x491: {  	v23 =	vmin.f32 v6, $9.999989860e-01;
	v6 =	vmax.f32 v7, $0.0e+00;
	v7 =	vld [tilespmem:s3+$0xFFFFFF80];
	v34 =	vsub.f32 $1.000000000e+00, v21  }
0x492: {  	v17 =	vmin.f32 v10, $9.999989860e-01;
	v29 =	vmin.f32 v0, $9.999989860e-01;
	v0 =	vld [tilespmem:s3+$0x0];
	v9 =	vmul.f32 $7.233541010e-01, v21  }
0x493: {  	v11 =	vld [tilespmem:s3+$0x30];
	v2 =	vsub.f32 $1.000000000e+00, v28;
	v14 =	vmul.f32 $5.000000000e-01, v34;
	v8 =	vshra.s32 v34, $0x1  }
0x494: {  	v16 =	vmin.f32 v6, $9.999989860e-01;
	v9 =	vsub.f32 $3.821680070e+00, v9;
	v8 =	vsub.s32 $0x5F3759DF, v8  }
0x495: {  	v31 =	vmul.f32 $5.000000000e-01, v2;
	v12 =	vmul.f32 v8, v14;
	v1 =	vmax.f32 v1, $0.0e+00  }
0x496: {  	v9 =	vmul.f32 v9, v21;
	v10 =	vmax.f32 v5, $0.0e+00;
	v7 =	vmax.f32 v7, $0.0e+00  }
0x497: {  	v0 =	vmax.f32 v0, $0.0e+00;
	v27 =	vmin.f32 v1, $9.999989860e-01;
	v1 =	vmax.f32 v3, $0.0e+00  }
0x498: {  	v13 =	vld [tilespmem:s3+$0x50];
	v3 =	vmin.f32 v10, $9.999989860e-01;
	v10 =	vsub.f32 $1.000000000e+00, v22;
	v4 =	vmul.f32 v8, v12  }
0x499: {  	v30 =	vmin.f32 v7, $9.999989860e-01;
	v26 =	vmin.f32 v0, $9.999989860e-01;
	v0 =	vmax.f32 v11, $0.0e+00  }
0x49a: {  	v44 =	vmul.f32 $5.000000000e-01, v10;
	v49 =	vshra.s32 v10, $0x1;
	v4 =	vsub.f32 $1.500000000e+00, v4  }
0x49b: {  	v9 =	vadd.f32 $-9.790774340e+00, v9;
	v5 =	vmin.f32 v0, $9.999989860e-01;
	v49 =	vsub.s32 $0x5F3759DF, v49  }
0x49c: {  	[tilespmem:$0x1F4E0] =	vst v2;
	v0 =	vmovc v2;
	v2 =	vsub.f32 $1.000000000e+00, v29;
	v62 =	vmul.f32 v49, v44;
	v11 =	vmul.f32 v8, v4  }
0x49d: {  	v8 =	vmul.f32 v9, v21;
	v9 =	vmax.f32 v13, $0.0e+00;
	v4 =	vmin.f32 v1, $9.999989860e-01  }
0x49e: {  	v1 =	vsub.f32 $1.000000000e+00, v30;
	v46 =	vshra.s32 v0, $0x1;
	v7 =	vmin.f32 v9, $9.999989860e-01  }
0x49f: {  	v9 =	vsub.f32 $1.000000000e+00, v25;
	v33 =	vmul.f32 $5.000000000e-01, v2;
	v19 =	vsub.f32 $1.000000000e+00, v4  }
0x4a0: {  	v47 =	vshra.s32 v2, $0x1;
	v46 =	vsub.s32 $0x5F3759DF, v46;
	v62 =	vmul.f32 v49, v62  }
0x4a1: {  	v6 =	vmul.f32 v11, v14;
	v8 =	vadd.f32 $1.769974330e+01, v8;
	v32 =	vmul.f32 $5.000000000e-01, v1  }
0x4a2: {  	v45 =	vshra.s32 v1, $0x1;
	v47 =	vsub.s32 $0x5F3759DF, v47;
	v59 =	vmul.f32 v46, v31  }
0x4a3: {  	v39 =	vmul.f32 $5.000000000e-01, v9;
	v48 =	vshra.s32 v9, $0x1;
	v41 =	vmul.f32 $5.000000000e-01, v19  }
0x4a4: {  	v57 =	vshra.s32 v19, $0x1;
	v45 =	vsub.s32 $0x5F3759DF, v45;
	v60 =	vmul.f32 v47, v33  }
0x4a5: {  	v62 =	vsub.f32 $1.500000000e+00, v62;
	v12 =	vmul.f32 v6, v11;
	v8 =	vmul.f32 v8, v21  }
0x4a6: {  	v6 =	vsub.f32 $1.000000000e+00, v16;
	v58 =	vmul.f32 v45, v32;
	v48 =	vsub.s32 $0x5F3759DF, v48  }
0x4a7: {  	v59 =	vmul.f32 v46, v59;
	v57 =	vsub.s32 $0x5F3759DF, v57;
	v61 =	vmul.f32 v48, v39  }
0x4a8: {  	v60 =	vmul.f32 v47, v60;
	v49 =	vmul.f32 v49, v62;
	v12 =	vsub.f32 $1.500000000e+00, v12  }
0x4a9: {  	v0 =	vmul.f32 v57, v41;
	v13 =	vadd.f32 $-2.874775890e+01, v8;
	v8 =	vsub.f32 $1.000000000e+00, v17  }
0x4aa: {  	v54 =	vshra.s32 v6, $0x1;
	v58 =	vmul.f32 v45, v58;
	v59 =	vsub.f32 $1.500000000e+00, v59  }
0x4ab: {  	v61 =	vmul.f32 v48, v61;
	v60 =	vsub.f32 $1.500000000e+00, v60;
	v0 =	vmul.f32 v57, v0  }
0x4ac: {  	v35 =	vmul.f32 v12, v11;
	v15 =	vmul.f32 v13, v21;
	v11 =	vsub.f32 $1.000000000e+00, v24  }
0x4ad: {  	v12 =	vsub.f32 $1.000000000e+00, v23;
	v13 =	vsub.f32 $1.000000000e+00, v27;
	v42 =	vmul.f32 $5.000000000e-01, v8  }
0x4ae: {  	v55 =	vshra.s32 v8, $0x1;
	v58 =	vsub.f32 $1.500000000e+00, v58;
	v46 =	vmul.f32 v46, v59  }
0x4af: {  	v61 =	vsub.f32 $1.500000000e+00, v61;
	v47 =	vmul.f32 v47, v60;
	v55 =	vsub.s32 $0x5F3759DF, v55  }
0x4b0: {  	v0 =	vsub.f32 $1.500000000e+00, v0;
	v14 =	vmul.f32 v35, v14;
	v18 =	vadd.f32 $5.098120500e+01, v15  }
0x4b1: {  	v15 =	vsub.f32 $1.000000000e+00, v26;
	v50 =	vshra.s32 v11, $0x1;
	v58 =	vmul.f32 v45, v58  }
0x4b2: {  	v51 =	vshra.s32 v12, $0x1;
	v62 =	vmul.f32 v55, v42;
	v48 =	vmul.f32 v48, v61  }
0x4b3: {  	[tilespmem:$0x1F4F0] =	vst v2;
	v50 =	vsub.s32 $0x5F3759DF, v50;
	v2 =	vmul.f32 v57, v0;
	v0 =	vmul.f32 v47, v33  }
0x4b4: {  	v14 =	vmul.f32 v14, v35;
	v20 =	vmul.f32 v18, v21;
	v18 =	vsub.f32 $1.000000000e+00, v5  }
0x4b5: {  	v53 =	vshra.s32 v15, $0x1;
	v62 =	vmul.f32 v55, v62;
	v57 =	vmul.f32 v58, v32  }
0x4b6: {  	[tilespmem:$0x1F4D0] =	vst v1;
	v1 =	vmul.f32 v48, v39;
	v0 =	vmul.f32 v0, v47;
	v36 =	vsub.f32 $1.500000000e+00, v14  }
0x4b7: {  	v37 =	vadd.f32 $-1.229560550e+02, v20;
	v43 =	vmul.f32 $5.000000000e-01, v18;
	v57 =	vmul.f32 v57, v58  }
0x4b8: {  	v20 =	vsub.f32 $1.000000000e+00, v7;
	v1 =	vmul.f32 v1, v48;
	v36 =	vmul.f32 v36, v35  }
0x4b9: {  	v0 =	vsub.f32 $1.500000000e+00, v0;
	v21 =	vmul.f32 v37, v21;
	v35 =	vmul.f32 $5.000000000e-01, v11  }
0x4ba: {  	v53 =	vsub.s32 $0x5F3759DF, v53;
	v37 =	vmul.f32 $5.000000000e-01, v15;
	v40 =	vmul.f32 $5.000000000e-01, v20  }
0x4bb: {  	v57 =	vsub.f32 $1.500000000e+00, v57;
	v0 =	vmul.f32 v0, v47;
	v38 =	vmul.f32 v36, v34  }
0x4bc: {  	v1 =	vsub.f32 $1.500000000e+00, v1;
	v34 =	vmul.f32 $5.000000000e-01, v12;
	v36 =	vmul.f32 $5.000000000e-01, v13  }
0x4bd: {  	v21 =	vadd.f32 $9.000000000e+02, v21;
	v63 =	vmul.f32 v50, v35;
	v60 =	vmul.f32 v53, v37  }
0x4be: {  	v52 =	vshra.s32 v13, $0x1;
	v57 =	vmul.f32 v57, v58;
	v1 =	vmul.f32 v1, v48  }
0x4bf: {  	v51 =	vsub.s32 $0x5F3759DF, v51;
	v33 =	vmul.f32 v0, v33;
	v21 =	vmul.f32 v38, v21  }
0x4c0: {  	v52 =	vsub.s32 $0x5F3759DF, v52;
	v38 =	vmul.f32 $5.000000000e-01, v6;
	v45 =	vmul.f32 v51, v34  }
0x4c1: {  	v54 =	vsub.s32 $0x5F3759DF, v54;
	v59 =	vmul.f32 v52, v36;
	v63 =	vmul.f32 v50, v63  }
0x4c2: {  	v56 =	vshra.s32 v18, $0x1;
	v60 =	vmul.f32 v53, v60;
	v32 =	vmul.f32 v57, v32  }
0x4c3: {  	v56 =	vsub.s32 $0x5F3759DF, v56;
	v39 =	vmul.f32 v1, v39;
	v33 =	vmul.f32 v33, v0  }
0x4c4: {  	v61 =	vmul.f32 v54, v38;
	v45 =	vmul.f32 v51, v45;
	v63 =	vsub.f32 $1.500000000e+00, v63  }
0x4c5: {  	v59 =	vmul.f32 v52, v59;
	v60 =	vsub.f32 $1.500000000e+00, v60;
	v32 =	vmul.f32 v32, v57  }
0x4c6: {  	v39 =	vmul.f32 v39, v1;
	v45 =	vsub.f32 $1.500000000e+00, v45;
	v50 =	vmul.f32 v50, v63  }
0x4c7: {  	v59 =	vsub.f32 $1.500000000e+00, v59;
	v63 =	vmul.f32 v56, v43;
	v61 =	vmul.f32 v54, v61  }
0x4c8: {  	v14 =	vsub.f32 $1.000000000e+00, v3;
	v53 =	vmul.f32 v53, v60;
	v51 =	vmul.f32 v51, v45  }
0x4c9: {  	v60 =	vsub.f32 $1.500000000e+00, v62;
	v52 =	vmul.f32 v52, v59;
	v63 =	vmul.f32 v56, v63  }
0x4ca: {  	v59 =	vshra.s32 v20, $0x1;
	v61 =	vsub.f32 $1.500000000e+00, v61;
	v45 =	vmul.f32 $5.000000000e-01, v14  }
0x4cb: {  	v55 =	vmul.f32 v55, v60;
	v59 =	vsub.s32 $0x5F3759DF, v59;
	v62 =	vsub.f32 $1.500000000e+00, v63  }
0x4cc: {  	v54 =	vmul.f32 v54, v61;
	v61 =	vshra.s32 v14, $0x1;
	v60 =	vmul.f32 v59, v40  }
0x4cd: {  	v63 =	vmul.f32 v46, v31;
	v48 =	vmul.f32 v51, v34;
	v61 =	vsub.s32 $0x5F3759DF, v61  }
0x4ce: {  	v21 =	vadd.f32 $5.000000000e-01, v21;
	v56 =	vmul.f32 v56, v62;
	v62 =	vmul.f32 v61, v45  }
0x4cf: {  	v60 =	vmul.f32 v59, v60;
	v63 =	vmul.f32 v63, v46  }
0x4d0: {  	v33 =	vsub.f32 $1.500000000e+00, v33;
	v21 =	vtrunc.f32 v21;
	v48 =	vmul.f32 v48, v51  }
0x4d1: {  	v62 =	vmul.f32 v61, v62;
	v60 =	vsub.f32 $1.500000000e+00, v60;
	v63 =	vsub.f32 $1.500000000e+00, v63  }
0x4d2: {  	v33 =	vmul.f32 v33, v0;
	v21 =	vcvt.f32.s32 v21;
	v48 =	vsub.f32 $1.500000000e+00, v48  }
0x4d3: {  	v62 =	vsub.f32 $1.500000000e+00, v62;
	v59 =	vmul.f32 v59, v60;
	v46 =	vmul.f32 v63, v46  }
0x4d4: {  	v63 =	vmul.f32 v50, v35;
	v48 =	vmul.f32 v48, v51  }
0x4d5: {  	v60 =	vmul.f32 v61, v62;
	v62 =	vmul.f32 v49, v44  }
0x4d6: {  	v47 =	vmul.f32 v63, v50;
	v61 =	vmul.f32 v52, v36  }
0x4d7: {  	v63 =	vmul.f32 v54, v38;
	v58 =	vmul.f32 v62, v49  }
0x4d8: {  	v62 =	vmul.f32 v53, v37;
	v61 =	vmul.f32 v61, v52  }
0x4d9: {  	v47 =	vsub.f32 $1.500000000e+00, v47;
	v51 =	vmul.f32 v63, v54;
	v58 =	vsub.f32 $1.500000000e+00, v58  }
0x4da: {  	v31 =	vmul.f32 v46, v31;
	v62 =	vmul.f32 v62, v53;
	v61 =	vsub.f32 $1.500000000e+00, v61  }
0x4db: {  	v47 =	vmul.f32 v47, v50;
	v51 =	vsub.f32 $1.500000000e+00, v51;
	v49 =	vmul.f32 v58, v49  }
0x4dc: {  	v50 =	vmul.f32 v61, v52;
	v61 =	vmul.f32 v55, v42  }
0x4dd: {  	v58 =	vmul.f32 v56, v43;
	v51 =	vmul.f32 v51, v54  }
0x4de: {  	v63 =	vsub.f32 $1.500000000e+00, v62;
	v54 =	vmul.f32 v59, v40;
	v62 =	vmul.f32 v60, v45  }
0x4df: {  	v35 =	vmul.f32 v47, v35;
	v52 =	vmul.f32 v61, v55  }
0x4e0: {  	v53 =	vmul.f32 v63, v53;
	v61 =	vmul.f32 v2, v41  }
0x4e1: {  	v58 =	vmul.f32 v58, v56;
	v54 =	vmul.f32 v54, v59;
	v52 =	vsub.f32 $1.500000000e+00, v52  }
0x4e2: {  	v32 =	vsub.f32 $1.500000000e+00, v32;
	v63 =	vmul.f32 v31, v46;
	v61 =	vmul.f32 v61, v2  }
0x4e3: {  	v35 =	vmul.f32 v35, v47;
	v54 =	vsub.f32 $1.500000000e+00, v54;
	v52 =	vmul.f32 v52, v55  }
0x4e4: {  	v55 =	vsub.f32 $1.500000000e+00, v58;
	v58 =	vsub.f32 $1.500000000e+00, v61;
	v61 =	vmul.f32 v62, v60  }
0x4e5: {  	v54 =	vmul.f32 v54, v59;
	v59 =	vmul.f32 v49, v44  }
0x4e6: {  	v31 =	vmul.f32 v32, v57;
	v57 =	vsub.f32 $1.500000000e+00, v35;
	v55 =	vmul.f32 v55, v56  }
0x4e7: {  	v2 =	vmul.f32 v58, v2;
	v62 =	vsub.f32 $1.500000000e+00, v61;
	v61 =	vmul.f32 v59, v49  }
0x4e8: {  	v58 =	vmul.f32 $7.233541010e-01, v28;
	v59 =	vmul.f32 v50, v36  }
0x4e9: {  	v0 =	vsub.f32 $1.500000000e+00, v39;
	v36 =	vmul.f32 v57, v47;
	v42 =	vmul.f32 v52, v42  }
0x4ea: {  	v40 =	vmul.f32 v54, v40;
	v56 =	vmul.f32 v62, v60  }
0x4eb: {  	v60 =	vsub.f32 $1.500000000e+00, v63;
	v62 =	vmul.f32 v48, v34;
	v34 =	vmul.f32 v0, v1  }
0x4ec: {  	v63 =	vsub.f32 $1.500000000e+00, v61;
	v0 =	vmul.f32 $7.233541010e-01, v30;
	v61 =	vmul.f32 $7.233541010e-01, v29  }
0x4ed: {  	v43 =	vmul.f32 v55, v43;
	v11 =	vmul.f32 v36, v11  }
0x4ee: {  	v32 =	vmul.f32 v60, v46;
	v1 =	vmul.f32 v62, v48  }
0x4ef: {  	v35 =	vmul.f32 v63, v49;
	v60 =	vmul.f32 v53, v37  }
0x4f0: {  	v0 =	vsub.f32 $3.821680070e+00, v0;
	v46 =	vmul.f32 v59, v50;
	v63 =	vmul.f32 v51, v38  }
0x4f1: {  	v39 =	vsub.f32 $3.821680070e+00, v61;
	v43 =	vmul.f32 v43, v55;
	v45 =	vmul.f32 v56, v45  }
0x4f2: {  	v9 =	vmul.f32 v34, v9;
	v1 =	vsub.f32 $1.500000000e+00, v1;
	v62 =	vmul.f32 v60, v53  }
0x4f3: {  	v0 =	vmul.f32 v0, v30;
	v46 =	vsub.f32 $1.500000000e+00, v46;
	v49 =	vmul.f32 v63, v51  }
0x4f4: {  	v43 =	vsub.f32 $1.500000000e+00, v43;
	v60 =	vmul.f32 v40, v54;
	v45 =	vmul.f32 v45, v56  }
0x4f5: {  	v10 =	vmul.f32 v35, v10;
	v37 =	vmul.f32 v1, v48;
	v1 =	vsub.f32 $3.821680070e+00, v58  }
0x4f6: {  	v44 =	vsub.f32 $1.500000000e+00, v62;
	v38 =	vmul.f32 v46, v50;
	v48 =	vmul.f32 v39, v29  }
0x4f7: {  	v0 =	vadd.f32 $-9.790774340e+00, v0;
	v50 =	vmul.f32 v42, v52;
	v58 =	vmul.f32 v2, v41  }
0x4f8: {  	v43 =	vmul.f32 v43, v55;
	v62 =	vsub.f32 $1.500000000e+00, v60;
	v60 =	vmul.f32 $7.233541010e-01, v3  }
0x4f9: {  	v63 =	vsub.f32 $1.500000000e+00, v45;
	v1 =	vmul.f32 v1, v28;
	v39 =	vmul.f32 v44, v53  }
0x4fa: {  	vm0 =	vgt.s32 v21, $0x0;
	v0 =	vmul.f32 v0, v30;
	v59 =	vmul.f32 v58, v2  }
0x4fb: {  	v46 =	vadd.f32 $-9.790774340e+00, v48;
	v55 =	vmul.f32 v63, v56;
	v56 =	vmul.f32 $7.233541010e-01, v24  }
0x4fc: {  	v44 =	vsub.f32 $1.500000000e+00, v49;
	v58 =	vmul.f32 $7.233541010e-01, v17;
	v12 =	vmul.f32 v37, v12  }
0x4fd: {  	v57 =	vsub.f32 $1.500000000e+00, v50;
	v13 =	vmul.f32 v38, v13;
	v18 =	vmul.f32 v43, v18  }
0x4fe: {  	v1 =	vadd.f32 $-9.790774340e+00, v1;
	v46 =	vmul.f32 v46, v29;
	v42 =	vmul.f32 v44, v51  }
0x4ff: {  	v0 =	vadd.f32 $1.769974330e+01, v0;
	v41 =	vmul.f32 v57, v52;
	v52 =	vmul.f32 v62, v54  }
0x500: {  	v57 =	vmul.f32 $7.233541010e-01, v26;
	v47 =	vsub.f32 $3.821680070e+00, v56;
	v15 =	vmul.f32 v39, v15  }
0x501: {  	v21 =	vnsel vm0, $0x0, v21;
	v14 =	vmul.f32 v55, v14;
	v1 =	vmul.f32 v1, v28  }
0x502: {  	v53 =	vadd.f32 $1.769974330e+01, v46;
	v0 =	vmul.f32 v0, v30;
	v47 =	vmul.f32 v47, v24  }
0x503: {  	v46 =	vsub.f32 $1.500000000e+00, v59;
	v59 =	vmul.f32 $7.233541010e-01, v5;
	v6 =	vmul.f32 v42, v6  }
0x504: {  	v8 =	vmul.f32 v41, v8;
	v20 =	vmul.f32 v52, v20;
	v1 =	vadd.f32 $1.769974330e+01, v1  }
0x505: {  	v44 =	vmul.f32 v53, v29;
	v0 =	vadd.f32 $-2.874775890e+01, v0;
	v61 =	vmul.f32 v46, v2  }
0x506: {  	v2 =	vmul.f32 $7.233541010e-01, v25;
	v53 =	vmul.f32 $7.233541010e-01, v22;
	v47 =	vadd.f32 $-9.790774340e+00, v47  }
0x507: {  	v1 =	vmul.f32 v1, v28;
	v44 =	vadd.f32 $-2.874775890e+01, v44;
	v0 =	vmul.f32 v0, v30  }
0x508: {  	v2 =	vsub.f32 $3.821680070e+00, v2;
	v46 =	vsub.f32 $3.821680070e+00, v53;
	v47 =	vmul.f32 v47, v24  }
0x509: {  	v1 =	vadd.f32 $-2.874775890e+01, v1;
	v44 =	vmul.f32 v44, v29;
	v0 =	vadd.f32 $5.098120500e+01, v0  }
0x50a: {  	v2 =	vmul.f32 v2, v25;
	v46 =	vmul.f32 v46, v22;
	v47 =	vadd.f32 $1.769974330e+01, v47  }
0x50b: {  	v1 =	vmul.f32 v1, v28;
	v0 =	vmul.f32 v0, v30;
	v44 =	vadd.f32 $5.098120500e+01, v44  }
0x50c: {  	v2 =	vadd.f32 $-9.790774340e+00, v2;
	v46 =	vadd.f32 $-9.790774340e+00, v46;
	v47 =	vmul.f32 v47, v24  }
0x50d: {  	v1 =	vadd.f32 $5.098120500e+01, v1;
	v0 =	vadd.f32 $-1.229560550e+02, v0;
	v54 =	vmul.f32 v44, v29  }
0x50e: {  	v2 =	vmul.f32 v2, v25;
	v46 =	vmul.f32 v46, v22;
	v47 =	vadd.f32 $-2.874775890e+01, v47  }
0x50f: {  	v1 =	vmul.f32 v1, v28;
	v30 =	vmul.f32 v0, v30;
	v48 =	vadd.f32 $-1.229560550e+02, v54  }
0x510: {  	v0 =	vmul.f32 $7.233541010e-01, v23;
	v2 =	vadd.f32 $1.769974330e+01, v2;
	v46 =	vadd.f32 $1.769974330e+01, v46  }
0x511: {  	v47 =	vmul.f32 v47, v24;
	v1 =	vadd.f32 $-1.229560550e+02, v1;
	v29 =	vmul.f32 v48, v29  }
0x512: {  	v0 =	vsub.f32 $3.821680070e+00, v0;
	v48 =	vsub.f32 $3.821680070e+00, v57;
	v2 =	vmul.f32 v2, v25  }
0x513: {  	v46 =	vmul.f32 v46, v22;
	v47 =	vadd.f32 $5.098120500e+01, v47;
	v28 =	vmul.f32 v1, v28  }
0x514: {  	v30 =	vadd.f32 $9.000000000e+02, v30;
	v1 =	vmul.f32 $7.233541010e-01, v27;
	v0 =	vmul.f32 v0, v23  }
0x515: {  	v48 =	vmul.f32 v48, v26;
	v2 =	vadd.f32 $-2.874775890e+01, v2;
	v46 =	vadd.f32 $-2.874775890e+01, v46  }
0x516: {  	v47 =	vmul.f32 v47, v24;
	v29 =	vadd.f32 $9.000000000e+02, v29;
	v1 =	vsub.f32 $3.821680070e+00, v1  }
0x517: {  	v19 =	vmul.f32 v61, v19;
	v0 =	vadd.f32 $-9.790774340e+00, v0;
	v48 =	vadd.f32 $-9.790774340e+00, v48  }
0x518: {  	v2 =	vmul.f32 v2, v25;
	v46 =	vmul.f32 v46, v22;
	v47 =	vadd.f32 $-1.229560550e+02, v47  }
0x519: {  	v28 =	vadd.f32 $9.000000000e+02, v28;
	v1 =	vmul.f32 v1, v27;
	v0 =	vmul.f32 v0, v23  }
0x51a: {  	v48 =	vmul.f32 v48, v26;
	v2 =	vadd.f32 $5.098120500e+01, v2;
	v46 =	vadd.f32 $5.098120500e+01, v46  }
0x51b: {  	v24 =	vmul.f32 v47, v24;
	v47 =	vsub.f32 $3.821680070e+00, v59;
	v1 =	vadd.f32 $-9.790774340e+00, v1  }
0x51c: {  	v0 =	vadd.f32 $1.769974330e+01, v0;
	v48 =	vadd.f32 $1.769974330e+01, v48;
	v2 =	vmul.f32 v2, v25  }
0x51d: {  	v46 =	vmul.f32 v46, v22;
	v47 =	vmul.f32 v47, v5;
	v24 =	vadd.f32 $9.000000000e+02, v24  }
0x51e: {  	v1 =	vmul.f32 v1, v27;
	v0 =	vmul.f32 v0, v23;
	v2 =	vadd.f32 $-1.229560550e+02, v2  }
0x51f: {  	v48 =	vmul.f32 v48, v26;
	v46 =	vadd.f32 $-1.229560550e+02, v46;
	v47 =	vadd.f32 $-9.790774340e+00, v47  }
0x520: {  	v11 =	vmul.f32 v11, v24;
	v1 =	vadd.f32 $1.769974330e+01, v1;
	v0 =	vadd.f32 $-2.874775890e+01, v0  }
0x521: {  	v48 =	vadd.f32 $-2.874775890e+01, v48;
	v2 =	vmul.f32 v2, v25;
	v25 =	vmul.f32 $7.233541010e-01, v16  }
0x522: {  	v22 =	vmul.f32 v46, v22;
	v46 =	vsub.f32 $3.821680070e+00, v58;
	v47 =	vmul.f32 v47, v5  }
0x523: {  	v11 =	vadd.f32 $5.000000000e-01, v11;
	v1 =	vmul.f32 v1, v27;
	v0 =	vmul.f32 v0, v23  }
0x524: {  	v48 =	vmul.f32 v48, v26;
	v25 =	vsub.f32 $3.821680070e+00, v25;
	v46 =	vmul.f32 v46, v17  }
0x525: {  	v47 =	vadd.f32 $1.769974330e+01, v47;
	v2 =	vadd.f32 $9.000000000e+02, v2;
	v11 =	vtrunc.f32 v11  }
0x526: {  	v22 =	vadd.f32 $9.000000000e+02, v22;
	v11 =	vcvt.f32.s32 v11;
	v1 =	vadd.f32 $-2.874775890e+01, v1  }
0x527: {  	v0 =	vadd.f32 $5.098120500e+01, v0;
	v48 =	vadd.f32 $5.098120500e+01, v48;
	v25 =	vmul.f32 v25, v16  }
0x528: {  	v46 =	vadd.f32 $-9.790774340e+00, v46;
	v47 =	vmul.f32 v47, v5;
	v2 =	vmul.f32 v9, v2  }
0x529: {  	v9 =	vmul.f32 v10, v22;
	vm5 =	vgt.s32 v11, $0x0;
	v1 =	vmul.f32 v1, v27  }
0x52a: {  	v0 =	vmul.f32 v0, v23;
	v48 =	vmul.f32 v48, v26;
	v25 =	vadd.f32 $-9.790774340e+00, v25  }
0x52b: {  	v46 =	vmul.f32 v46, v17;
	v47 =	vadd.f32 $-2.874775890e+01, v47;
	v2 =	vadd.f32 $5.000000000e-01, v2  }
0x52c: {  	v9 =	vadd.f32 $5.000000000e-01, v9;
	v11 =	vnsel vm5, $0x0, v11;
	v25 =	vmul.f32 v25, v16  }
0x52d: {  	v1 =	vadd.f32 $5.098120500e+01, v1;
	v47 =	vmul.f32 v47, v5;
	v2 =	vtrunc.f32 v2  }
0x52e: {  	v0 =	vadd.f32 $-1.229560550e+02, v0;
	v9 =	vtrunc.f32 v9;
	v2 =	vcvt.f32.s32 v2  }
0x52f: {  	v48 =	vadd.f32 $-1.229560550e+02, v48;
	v9 =	vcvt.f32.s32 v9;
	v1 =	vmul.f32 v1, v27  }
0x530: {  	v46 =	vadd.f32 $1.769974330e+01, v46;
	v0 =	vmul.f32 v0, v23;
	v23 =	vmul.f32 $7.233541010e-01, v4  }
0x531: {  	v26 =	vmul.f32 v48, v26;
	v48 =	vsub.f32 $3.821680070e+00, v60;
	v25 =	vadd.f32 $1.769974330e+01, v25  }
0x532: {  	v46 =	vmul.f32 v46, v17;
	v47 =	vadd.f32 $5.098120500e+01, v47;
	vm3 =	vgt.s32 v2, $0x0  }
0x533: {  	vm4 =	vgt.s32 v9, $0x0;
	v1 =	vadd.f32 $-1.229560550e+02, v1;
	v23 =	vsub.f32 $3.821680070e+00, v23  }
0x534: {  	v48 =	vmul.f32 v48, v3;
	v25 =	vmul.f32 v25, v16;
	v46 =	vadd.f32 $-2.874775890e+01, v46  }
0x535: {  	v47 =	vmul.f32 v47, v5;
	v0 =	vadd.f32 $9.000000000e+02, v0;
	v1 =	vmul.f32 v1, v27  }
0x536: {  	v26 =	vadd.f32 $9.000000000e+02, v26;
	v27 =	vmul.f32 $7.233541010e-01, v7;
	v23 =	vmul.f32 v23, v4  }
0x537: {  	v48 =	vadd.f32 $-9.790774340e+00, v48;
	v25 =	vadd.f32 $-2.874775890e+01, v25;
	v46 =	vmul.f32 v46, v17  }
0x538: {  	v47 =	vadd.f32 $-1.229560550e+02, v47;
	v0 =	vmul.f32 v12, v0;
	v27 =	vsub.f32 $3.821680070e+00, v27  }
0x539: {  	v23 =	vadd.f32 $-9.790774340e+00, v23;
	v48 =	vmul.f32 v48, v3;
	v25 =	vmul.f32 v25, v16  }
0x53a: {  	v46 =	vadd.f32 $5.098120500e+01, v46;
	v5 =	vmul.f32 v47, v5;
	v1 =	vadd.f32 $9.000000000e+02, v1  }
0x53b: {  	v0 =	vadd.f32 $5.000000000e-01, v0;
	v27 =	vmul.f32 v27, v7;
	v23 =	vmul.f32 v23, v4  }
0x53c: {  	v48 =	vadd.f32 $1.769974330e+01, v48;
	v25 =	vadd.f32 $5.098120500e+01, v25;
	v46 =	vmul.f32 v46, v17  }
0x53d: {  	v5 =	vadd.f32 $9.000000000e+02, v5;
	v1 =	vmul.f32 v13, v1;
	v0 =	vtrunc.f32 v0  }
0x53e: {  	v13 =	vmul.f32 v15, v26;
	v0 =	vcvt.f32.s32 v0;
	v27 =	vadd.f32 $-9.790774340e+00, v27  }
0x53f: {  	v23 =	vadd.f32 $1.769974330e+01, v23;
	v48 =	vmul.f32 v48, v3;
	v25 =	vmul.f32 v25, v16  }
0x540: {  	v15 =	vld [tilespmem:s30+$0x70];
	v46 =	vadd.f32 $-1.229560550e+02, v46;
	v5 =	vmul.f32 v18, v5;
	v27 =	vmul.f32 v27, v7  }
0x541: {  	v1 =	vadd.f32 $5.000000000e-01, v1;
	v13 =	vadd.f32 $5.000000000e-01, v13;
	v23 =	vmul.f32 v23, v4  }
0x542: {  	vm6 =	vgt.s32 v0, $0x0;
	v48 =	vadd.f32 $-2.874775890e+01, v48;
	v27 =	vadd.f32 $1.769974330e+01, v27  }
0x543: {  	v25 =	vadd.f32 $-1.229560550e+02, v25;
	v17 =	vmul.f32 v46, v17;
	v23 =	vadd.f32 $-2.874775890e+01, v23  }
0x544: {  	v5 =	vadd.f32 $5.000000000e-01, v5;
	v1 =	vtrunc.f32 v1;
	v27 =	vmul.f32 v27, v7  }
0x545: {  	v13 =	vtrunc.f32 v13;
	v15 =	vmul.u32 $0x709, v15;
	v23 =	vmul.f32 v23, v4  }
0x546: {  	v1 =	vcvt.f32.s32 v1;
	v13 =	vcvt.f32.s32 v13;
	v27 =	vadd.f32 $-2.874775890e+01, v27  }
0x547: {  	v18 =	vld [tilespmem:s30+$0xFFFFFFA0];
	v48 =	vmul.f32 v48, v3;
	v16 =	vmul.f32 v25, v16;
	v23 =	vadd.f32 $5.098120500e+01, v23  }
0x548: {  	v17 =	vadd.f32 $9.000000000e+02, v17;
	v5 =	vtrunc.f32 v5;
	v27 =	vmul.f32 v27, v7  }
0x549: {  	vm7 =	vgt.s32 v1, $0x0;
	v48 =	vadd.f32 $5.098120500e+01, v48;
	v23 =	vmul.f32 v23, v4  }
0x54a: {  	vm9 =	vgt.s32 v13, $0x0;
	v16 =	vadd.f32 $9.000000000e+02, v16;
	v27 =	vadd.f32 $5.098120500e+01, v27  }
0x54b: {  	v8 =	vmul.f32 v8, v17;
	v48 =	vmul.f32 v48, v3;
	v23 =	vadd.f32 $-1.229560550e+02, v23  }
0x54c: {  	v40 =	vmul.u32 $0x709, v18;
	v17 =	vld [tilespmem:s30+$0xFFFFFF80];
	v6 =	vmul.f32 v6, v16;
	v27 =	vmul.f32 v27, v7  }
0x54d: {  	v8 =	vadd.f32 $5.000000000e-01, v8;
	v16 =	vmin.u32 v21, $0x708;
	v4 =	vmul.f32 v23, v4;
	v23 =	vld [tilespmem:$0x1F4D0]  }
0x54e: {  	v15 =	vadd.s32 v15, v16;
	v6 =	vadd.f32 $5.000000000e-01, v6;
	v25 =	vadd.f32 $-1.229560550e+02, v27  }
0x54f: {  	v16 =	vld [tilespmem:s30+$0xFFFFFF90];
	v8 =	vtrunc.f32 v8;
	v27 =	vadd.f32 $-1.229560550e+02, v48;
	v4 =	vadd.f32 $9.000000000e+02, v4  }
0x550: {  	v21 =	vcvt.f32.s32 v8;
	v8 =	vnsel vm6, $0x0, v0;
	v7 =	vmul.f32 v25, v7;
	v25 =	vld [tilespmem:$0x1F4E0]  }
0x551: {  	v36 =	vmul.u32 $0x709, v17;
	v3 =	vmul.f32 v27, v3;
	v27 =	vld [tilespmem:$0x1F4F0];
	v4 =	vmul.f32 v19, v4  }
0x552: {  	v6 =	vtrunc.f32 v6;
	v19 =	vld [tilespmem:s30+$0xFFFFFFB0];
	v23 =	vmul.f32 v31, v23;
	v7 =	vadd.f32 $9.000000000e+02, v7  }
0x553: {  	v6 =	vcvt.f32.s32 v6;
	v3 =	vadd.f32 $9.000000000e+02, v3;
	v4 =	vadd.f32 $5.000000000e-01, v4  }
0x554: {  	vm11 =	vgt.s32 v21, $0x0;
	v23 =	vmul.f32 v23, v30;
	v7 =	vmul.f32 v20, v7  }
0x555: {  	v39 =	vmul.u32 $0x709, v16;
	v3 =	vmul.f32 v14, v3;
	v4 =	vtrunc.f32 v4  }
0x556: {  	vm10 =	vgt.s32 v6, $0x0;
	v25 =	vmul.f32 v32, v25;
	v27 =	vmul.f32 v33, v27  }
0x557: {  	v23 =	vadd.f32 $5.000000000e-01, v23;
	v24 =	vcvt.f32.s32 v4;
	v18 =	vmul.u32 $0x709, v19  }
0x558: {  	v22 =	vld [tilespmem:s30+$0xFFFFFFD0];
	v7 =	vadd.f32 $5.000000000e-01, v7;
	v25 =	vmul.f32 v25, v28;
	v27 =	vmul.f32 v27, v29  }
0x559: {  	v20 =	vld [tilespmem:s30+$0xFFFFFFC0];
	v3 =	vadd.f32 $5.000000000e-01, v3;
	v14 =	vtrunc.f32 v23;
	v23 =	vcvt.f32.s32 v5  }
0x55a: {  	v62 =	vld [tilespmem:s30+$0x20];
	vm13 =	vgt.s32 v24, $0x0;
	v5 =	vnsel vm10, $0x0, v6;
	v7 =	vtrunc.f32 v7  }
0x55b: {  	v61 =	vld [tilespmem:s30+$0x10];
	v14 =	vcvt.f32.s32 v14;
	v3 =	vtrunc.f32 v3;
	v10 =	vadd.f32 $5.000000000e-01, v25  }
0x55c: {  	v28 =	vld [tilespmem:s30+$0xFFFFFFF0];
	v12 =	vadd.f32 $5.000000000e-01, v27;
	v26 =	vcvt.f32.s32 v7;
	v27 =	vcvt.f32.s32 v3  }
0x55d: {  	v29 =	vld [tilespmem:s30+$0x0];
	vm12 =	vgt.s32 v23, $0x0;
	v7 =	vnsel vm9, $0x0, v13;
	v3 =	vnsel vm11, $0x0, v21  }
0x55e: {  	v25 =	vld [tilespmem:s30+$0xFFFFFFE0];
	v19 =	vmul.u32 $0x709, v20;
	v20 =	vmul.u32 $0x709, v22;
	vm15 =	vgt.s32 v14, $0x0  }
0x55f: {  	v13 =	vld [tilespmem:s30+$0x40];
	v4 =	vnsel vm12, $0x0, v23;
	v10 =	vtrunc.f32 v10;
	v12 =	vtrunc.f32 v12  }
0x560: {  	v14 =	vnsel vm15, $0x0, v14;
	vm14 =	vgt.s32 v26, $0x0;
	vm15 =	vgt.s32 v27, $0x0  }
0x561: {  	s1 =	sshll.u32 s14, $0x6;
	v63 =	vld [tilespmem:s30+$0x30];
	v10 =	vcvt.f32.s32 v10;
	v12 =	vcvt.f32.s32 v12;
	v0 =	vnsel vm15, $0x0, v27  }
0x562: {  	s6 =	sadd.s32 $0x40, s1;
	s7 =	sadd.s32 $0x10, s1;
	v21 =	vld [tilespmem:s30+$0x50];
	v37 =	vmul.u32 $0x709, v28;
	v35 =	vmul.u32 $0x709, v29;
	v29 =	vmul.u32 $0x709, v61  }
0x563: {  	p3 =	slt.u32 s7, s6;
	v23 =	vld [tilespmem:s30+$0x60];
	v27 =	vmul.u32 $0x709, v62;
	v14 =	vmin.u32 v14, $0x708;
	vm1 =	vgt.s32 v10, $0x0  }
.Ltmp9:
0x564: {  	vm2 =	vgt.s32 v12, $0x0;
	v38 =	vmul.u32 $0x709, v25;
	v25 =	vmul.u32 $0x709, v13;
	(pc) =	sbr.rel @!p3 .LBB2_21-.Ltmp9, $4  }
0x565: {  	v30 =	vnsel vm1, $0x0, v10;
	v31 =	vnsel vm2, $0x0, v12;
	v12 =	vnsel vm3, $0x0, v2  }
0x566: {  	v10 =	vnsel vm4, $0x0, v9;
	v9 =	vnsel vm7, $0x0, v1;
	v2 =	vnsel vm13, $0x0, v24  }
0x567: {  	s9 =	sadd.s32 $0x100, s3;
	v1 =	vnsel vm14, $0x0, v26;
	v26 =	vmul.u32 $0x709, v63;
	v24 =	vmul.u32 $0x709, v21  }
0x568: {  	s10 =	smov.u32 s30;
	s24 =	smov.u32 s29;
	s1 =	smov.u32 s29;
	[tilespmem:s29+$0x70] =	vst v15;
	v23 =	vmul.u32 $0x709, v23;
	v15 =	vmin.u32 v30, $0x708;
	v13 =	vmin.u32 v31, $0x708  }
.LBB2_20:
0x569: {  	v6 =	vmin.u32 v8, $0x708  }
0x56a: {  	v5 =	vmin.u32 v5, $0x708;
	[tilespmem:$0x1F240] =	vst v6  }
0x56b: {  	v3 =	vmin.u32 v3, $0x708;
	[tilespmem:$0x1F3C0] =	vst v5  }
0x56c: {  	v2 =	vmin.u32 v2, $0x708;
	[tilespmem:$0x1F3F0] =	vst v3  }
0x56d: {  	v16 =	vld [tilespmem:s9+$0x70];
	v1 =	vmin.u32 v1, $0x708;
	[tilespmem:$0x1F440] =	vst v2  }
0x56e: {  	v17 =	vld [tilespmem:s9+$0xFFFFFF90];
	v0 =	vmin.u32 v0, $0x708;
	[tilespmem:$0x1F460] =	vst v1  }
0x56f: {  	v6 =	vmin.u32 v9, $0x708;
	[tilespmem:$0x1F480] =	vst v0  }
0x570: {  	v12 =	vmin.u32 v12, $0x708;
	v3 =	vmin.u32 v4, $0x708;
	[tilespmem:$0x1F260] =	vst v6;
	v6 =	vmin.u32 v7, $0x708;
	v7 =	vld [tilespmem:s9+$0xFFFFFFA0]  }
0x571: {  	v10 =	vmin.u32 v10, $0x708;
	v11 =	vmin.u32 v11, $0x708;
	v0 =	vld [tilespmem:s9+$0xFFFFFFC0];
	[tilespmem:$0x1F420] =	vst v3;
	v1 =	vadd.s32 v36, v14  }
0x572: {  	v5 =	vld [tilespmem:s9+$0xFFFFFFD0];
	[tilespmem:$0x1F390] =	vst v6;
	v2 =	vadd.s32 v39, v15;
	v4 =	vadd.s32 v40, v13;
	v8 =	vmax.f32 v16, $0.0e+00  }
0x573: {  	v3 =	vld [tilespmem:s9+$0xFFFFFFB0];
	v9 =	vadd.s32 v19, v10;
	[tilespmem:s1+$0xFFFFFF80] =	vst v1;
	v10 =	vmax.f32 v17, $0.0e+00;
	v8 =	vmin.f32 v8, $9.999989860e-01  }
0x574: {  	v1 =	vadd.s32 v18, v12;
	v12 =	vld [tilespmem:s9+$0xFFFFFFE0];
	[tilespmem:s1+$0xFFFFFF90] =	vst v2;
	v42 =	vmin.f32 v10, $9.999989860e-01;
	v10 =	vsub.f32 $1.000000000e+00, v8  }
0x575: {  	v2 =	vadd.s32 v20, v11;
	[tilespmem:s1+$0xFFFFFFA0] =	vst v4;
	v4 =	vld [tilespmem:s9+$0x0];
	v6 =	vmax.f32 v7, $0.0e+00;
	v13 =	vmul.f32 $7.233541010e-01, v8  }
0x576: {  	v7 =	vld [tilespmem:s9+$0xFFFFFFF0];
	v31 =	vmin.f32 v6, $9.999989860e-01;
	v6 =	vmul.f32 $5.000000000e-01, v10;
	v11 =	vshra.s32 v10, $0x1  }
0x577: {  	[tilespmem:s1+$0xFFFFFFC0] =	vst v9;
	v9 =	vld [tilespmem:s9+$0x20];
	v11 =	vsub.s32 $0x5F3759DF, v11  }
0x578: {  	[tilespmem:s1+$0xFFFFFFB0] =	vst v1;
	v1 =	vld [tilespmem:s9+$0x10];
	v13 =	vsub.f32 $3.821680070e+00, v13;
	v14 =	vmul.f32 v11, v6  }
0x579: {  	v0 =	vmax.f32 v0, $0.0e+00;
	v5 =	vmax.f32 v5, $0.0e+00;
	v3 =	vmax.f32 v3, $0.0e+00  }
0x57a: {  	v54 =	vmin.f32 v3, $9.999989860e-01;
	v3 =	vld [tilespmem:s9+$0x40];
	v13 =	vmul.f32 v13, v8;
	v14 =	vmul.f32 v11, v14  }
0x57b: {  	[tilespmem:s1+$0xFFFFFFD0] =	vst v2;
	v57 =	vmin.f32 v0, $9.999989860e-01;
	v2 =	vmax.f32 v12, $0.0e+00;
	v0 =	vmax.f32 v7, $0.0e+00;
	v7 =	vld [tilespmem:s9+$0x50]  }
0x57c: {  	v12 =	vld [tilespmem:s9+$0x30];
	v4 =	vmax.f32 v4, $0.0e+00;
	v13 =	vadd.f32 $-9.790774340e+00, v13;
	v14 =	vsub.f32 $1.500000000e+00, v14  }
0x57d: {  	v9 =	vmax.f32 v9, $0.0e+00;
	v34 =	vmin.f32 v2, $9.999989860e-01;
	v1 =	vmax.f32 v1, $0.0e+00  }
0x57e: {  	[tilespmem:$0x1F270] =	vst v37;
	v37 =	vmin.f32 v4, $9.999989860e-01;
	v4 =	vmul.f32 v11, v14;
	v11 =	vmul.f32 v13, v8  }
0x57f: {  	[tilespmem:$0x1F430] =	vst v26;
	v26 =	vmin.f32 v9, $9.999989860e-01;
	v53 =	vmin.f32 v1, $9.999989860e-01;
	v3 =	vmax.f32 v3, $0.0e+00  }
0x580: {  	v1 =	vmax.f32 v7, $0.0e+00;
	v7 =	vmul.f32 v4, v6;
	v9 =	vadd.f32 $1.769974330e+01, v11  }
0x581: {  	v45 =	vmin.f32 v0, $9.999989860e-01;
	v56 =	vmin.f32 v3, $9.999989860e-01;
	v0 =	vmax.f32 v12, $0.0e+00  }
0x582: {  	v2 =	vld [tilespmem:s9+$0x60];
	v52 =	vmin.f32 v0, $9.999989860e-01;
	v0 =	vmul.f32 v7, v4;
	v3 =	vmul.f32 v9, v8  }
0x583: {  	v44 =	vmin.f32 v5, $9.999989860e-01  }
0x584: {  	v5 =	vld [tilespmem:s9+$0xFFFFFF80];
	v51 =	vmin.f32 v1, $9.999989860e-01;
	v0 =	vsub.f32 $1.500000000e+00, v0;
	v1 =	vadd.f32 $-2.874775890e+01, v3;
	_ =	sdelay $0x1  }
0x585: {  	v0 =	vmul.f32 v0, v4;
	v1 =	vmul.f32 v1, v8  }
0x586: {  	v2 =	vmax.f32 v2, $0.0e+00  }
0x587: {  	v59 =	vmin.f32 v2, $9.999989860e-01;
	v2 =	vmul.f32 v0, v6;
	v1 =	vadd.f32 $5.098120500e+01, v1  }
0x588: {  	v5 =	vmax.f32 v5, $0.0e+00  }
0x589: {  	v62 =	vmin.f32 v5, $9.999989860e-01;
	v2 =	vmul.f32 v2, v0;
	v1 =	vmul.f32 v1, v8  }
0x58a: {  	[tilespmem:$0x1F3D0] =	vst v29;
	v7 =	vsub.f32 $1.000000000e+00, v62  }
0x58b: {  	[tilespmem:$0x1F450] =	vst v25;
	v2 =	vsub.f32 $1.500000000e+00, v2;
	v1 =	vadd.f32 $-1.229560550e+02, v1  }
0x58c: {  	[tilespmem:$0x1F290] =	vst v7;
	v29 =	vmul.f32 $5.000000000e-01, v7;
	v25 =	vshra.s32 v7, $0x1;
	v7 =	vsub.f32 $1.000000000e+00, v44  }
0x58d: {  	v0 =	vmul.f32 v2, v0;
	v2 =	vmul.f32 v1, v8  }
0x58e: {  	s10 =	sadd.s32 $0x100, s10;
	v33 =	vshra.s32 v7, $0x1  }
0x58f: {  	[tilespmem:$0x1F2E0] =	vst v7;
	v8 =	vmul.f32 $5.000000000e-01, v7;
	v5 =	vmul.f32 v0, v10;
	v7 =	vadd.f32 $9.000000000e+02, v2;
	v10 =	vld [tilespmem:s10+$0xFFFFFFB0];
	_ =	sdelay $0x1  }
0x590: {  	v5 =	vmul.f32 v5, v7;
	_ =	sdelay $0x1  }
0x591: {  	[tilespmem:$0x1F250] =	vst v38;
	v5 =	vadd.f32 $5.000000000e-01, v5  }
0x592: {  	[tilespmem:$0x1F010] =	vst v10;
	v10 =	vld [tilespmem:s10+$0xFFFFFFC0]  }
0x593: {  	[tilespmem:$0x1F470] =	vst v24;
	v5 =	vtrunc.f32 v5  }
0x594: {  	[tilespmem:$0x1F400] =	vst v27;
	v5 =	vcvt.f32.s32 v5  }
0x595: {  	[tilespmem:$0x1F3A0] =	vst v35  }
0x596: {  	[tilespmem:$0x1F490] =	vst v23;
	vm0 =	vgt.s32 v5, $0x0  }
0x597: {  	[tilespmem:$0x1F020] =	vst v10;
	v10 =	vnsel vm0, $0x0, v5;
	v5 =	vld [tilespmem:s10+$0xFFFFFFD0]  }
0x598: {  	v15 =	vsub.f32 $1.000000000e+00, v42;
	[tilespmem:$0x1EF90] =	vst v42  }
0x599: {  	[tilespmem:$0x1EFB0] =	vst v44  }
0x59a: {  	[tilespmem:$0x1F2A0] =	vst v15  }
0x59b: {  	v23 =	vmul.f32 $7.233541010e-01, v57;
	v24 =	vmul.f32 $5.000000000e-01, v15;
	[tilespmem:$0x1EFA0] =	vst v31  }
0x59c: {  	v22 =	vmul.f32 $7.233541010e-01, v54;
	[tilespmem:$0x1F030] =	vst v5;
	v5 =	vld [tilespmem:s10+$0xFFFFFFE0]  }
0x59d: {  	v21 =	vmul.f32 $7.233541010e-01, v44;
	v58 =	vshra.s32 v15, $0x1;
	v23 =	vsub.f32 $3.821680070e+00, v23;
	[tilespmem:$0x1F100] =	vst v24  }
0x59e: {  	v22 =	vsub.f32 $3.821680070e+00, v22;
	[tilespmem:$0x1F040] =	vst v34;
	v16 =	vsub.f32 $1.000000000e+00, v37;
	v41 =	vmul.f32 $7.233541010e-01, v37  }
0x59f: {  	[tilespmem:$0x1EFC0] =	vst v37;
	v15 =	vsub.f32 $1.000000000e+00, v26;
	v37 =	vmul.f32 $7.233541010e-01, v26;
	v23 =	vmul.f32 v23, v57  }
0x5a0: {  	v21 =	vsub.f32 $3.821680070e+00, v21;
	[tilespmem:$0x1EFD0] =	vst v26;
	v22 =	vmul.f32 v22, v54;
	v61 =	vmul.f32 $5.000000000e-01, v16  }
0x5a1: {  	v38 =	vshra.s32 v16, $0x1;
	v43 =	vmul.f32 $5.000000000e-01, v15;
	v60 =	vshra.s32 v15, $0x1;
	[tilespmem:$0x1F070] =	vst v5;
	v5 =	vld [tilespmem:s10+$0xFFFFFFF0]  }
0x5a2: {  	[tilespmem:$0x1F330] =	vst v15;
	v15 =	vsub.s32 $0x5F3759DF, v58;
	v37 =	vsub.f32 $3.821680070e+00, v37;
	v12 =	vsub.f32 $1.000000000e+00, v31  }
0x5a3: {  	[tilespmem:$0x1F0C0] =	vst v45;
	v28 =	vmul.f32 $7.233541010e-01, v56;
	v14 =	vsub.f32 $1.000000000e+00, v34;
	v13 =	vsub.f32 $1.000000000e+00, v45  }
0x5a4: {  	[tilespmem:$0x1F310] =	vst v16;
	v47 =	vmul.f32 $5.000000000e-01, v12;
	v17 =	vsub.f32 $1.000000000e+00, v52;
	v27 =	vmul.f32 $7.233541010e-01, v52  }
0x5a5: {  	[tilespmem:$0x1F0D0] =	vst v56;
	v19 =	vsub.f32 $1.000000000e+00, v59;
	v26 =	vmul.f32 $7.233541010e-01, v59;
	v11 =	vsub.f32 $1.000000000e+00, v57  }
0x5a6: {  	v48 =	vmul.f32 $5.000000000e-01, v14;
	v35 =	vshra.s32 v14, $0x1;
	v36 =	vshra.s32 v13, $0x1;
	[tilespmem:$0x1F080] =	vst v5;
	v5 =	vld [tilespmem:s10+$0x0]  }
0x5a7: {  	[tilespmem:$0x1F190] =	vst v43;
	v46 =	vmul.f32 $5.000000000e-01, v17;
	v27 =	vsub.f32 $3.821680070e+00, v27;
	v49 =	vmul.f32 $5.000000000e-01, v19  }
0x5a8: {  	[tilespmem:$0x1F2B0] =	vst v12;
	v40 =	vsub.s32 $0x5F3759DF, v35;
	v35 =	vsub.s32 $0x5F3759DF, v38;
	v30 =	vmul.f32 $5.000000000e-01, v11  }
0x5a9: {  	[tilespmem:$0x1F2D0] =	vst v11;
	v20 =	vshra.s32 v11, $0x1;
	v9 =	vmul.f32 $5.000000000e-01, v13;
	v11 =	vmul.f32 $7.233541010e-01, v34  }
0x5aa: {  	[tilespmem:$0x1F110] =	vst v47;
	v34 =	vmul.f32 $7.233541010e-01, v45;
	v27 =	vmul.f32 v27, v52;
	v3 =	vsub.f32 $1.000000000e+00, v54  }
0x5ab: {  	v58 =	vsub.s32 $0x5F3759DF, v20;
	v16 =	vsub.s32 $0x5F3759DF, v25;
	v4 =	vmovc v12;
	v12 =	vsub.f32 $1.000000000e+00, v56;
	[tilespmem:$0x1F090] =	vst v5;
	v5 =	vld [tilespmem:s10+$0x10]  }
0x5ac: {  	[tilespmem:$0x1F2C0] =	vst v3;
	v32 =	vmul.f32 $5.000000000e-01, v3;
	v18 =	vshra.s32 v3, $0x1;
	v3 =	vmul.f32 $7.233541010e-01, v31  }
0x5ad: {  	[tilespmem:$0x1F2F0] =	vst v14;
	v31 =	vmul.f32 $7.233541010e-01, v53;
	v55 =	vshra.s32 v4, $0x1;
	v4 =	vsub.f32 $1.000000000e+00, v51  }
0x5ae: {  	[tilespmem:$0x1F300] =	vst v13;
	v56 =	vmovc v59;
	v59 =	vsub.s32 $0x5F3759DF, v33;
	v33 =	vsub.s32 $0x5F3759DF, v36;
	v6 =	vsub.f32 $1.000000000e+00, v53  }
0x5af: {  	[tilespmem:$0x1F340] =	vst v17;
	v13 =	vshra.s32 v12, $0x1;
	v14 =	vsub.s32 $0x5F3759DF, v55;
	v55 =	vsub.s32 $0x5F3759DF, v18;
	v0 =	vld [tilespmem:s10+$0xFFFFFF80]  }
0x5b0: {  	v50 =	vmul.f32 $5.000000000e-01, v4;
	v36 =	vsub.s32 $0x5F3759DF, v13;
	v13 =	vmul.f32 v14, v47;
	[tilespmem:$0x1F0A0] =	vst v5;
	v5 =	vld [tilespmem:s10+$0x20]  }
0x5b1: {  	[tilespmem:$0x1F1A0] =	vst v46;
	v31 =	vsub.f32 $3.821680070e+00, v31;
	v47 =	vmul.f32 v55, v32;
	v63 =	vmul.f32 $5.000000000e-01, v6  }
0x5b2: {  	[tilespmem:$0x1F320] =	vst v6;
	v39 =	vshra.s32 v6, $0x1;
	v6 =	vshra.s32 v17, $0x1;
	v17 =	vmul.f32 $5.000000000e-01, v12  }
0x5b3: {  	[tilespmem:$0x1F350] =	vst v12;
	v31 =	vmul.f32 v31, v53;
	v38 =	vsub.s32 $0x5F3759DF, v39;
	v13 =	vmul.f32 v14, v13;
	v7 =	vld [tilespmem:s10+$0x70]  }
0x5b4: {  	v39 =	vsub.s32 $0x5F3759DF, v60;
	v60 =	vmul.f32 v55, v47;
	v12 =	vmul.f32 v38, v63;
	[tilespmem:$0x1EFE0] =	vst v0;
	v0 =	vld [tilespmem:s10+$0xFFFFFF90]  }
0x5b5: {  	v45 =	vsub.s32 $0x5F3759DF, v6;
	v6 =	vmul.f32 v36, v17;
	v47 =	vsub.f32 $1.500000000e+00, v13;
	[tilespmem:$0x1F0B0] =	vst v5;
	v5 =	vld [tilespmem:s10+$0x30]  }
0x5b6: {  	[tilespmem:$0x1F130] =	vst v30;
	v60 =	vsub.f32 $1.500000000e+00, v60;
	v1 =	vmul.f32 $7.233541010e-01, v62;
	v12 =	vmul.f32 v38, v12  }
0x5b7: {  	[tilespmem:$0x1F120] =	vst v32;
	v32 =	vsub.f32 $3.821680070e+00, v41;
	v6 =	vmul.f32 v36, v6;
	v47 =	vmul.f32 v14, v47  }
0x5b8: {  	[tilespmem:$0x1F360] =	vst v4;
	v55 =	vmul.f32 v55, v60;
	v2 =	vshra.s32 v4, $0x1;
	v4 =	vmul.f32 $7.233541010e-01, v42  }
0x5b9: {  	v6 =	vsub.f32 $1.500000000e+00, v6;
	v42 =	vsub.s32 $0x5F3759DF, v2;
	v2 =	vmul.f32 v15, v24;
	[tilespmem:$0x1EFF0] =	vst v0;
	v0 =	vld [tilespmem:s10+$0xFFFFFFA0]  }
0x5ba: {  	v24 =	vsub.f32 $3.821680070e+00, v4;
	v4 =	vmul.f32 v35, v61;
	v7 =	vmul.u32 $0x709, v7;
	[tilespmem:$0x1F1E0] =	vst v5;
	v5 =	vld [tilespmem:s10+$0x40]  }
0x5bb: {  	[tilespmem:$0x1F160] =	vst v9;
	v36 =	vmul.f32 v36, v6;
	v2 =	vmul.f32 v15, v2;
	v10 =	vmin.u32 v10, $0x708  }
0x5bc: {  	s1 =	sadd.s32 $0x100, s1;
	[tilespmem:$0x1F140] =	vst v8;
	v4 =	vmul.f32 v35, v4;
	v10 =	vadd.s32 v7, v10;
	v7 =	vmul.f32 v58, v30  }
0x5bd: {  	v30 =	vsub.f32 $3.821680070e+00, v11;
	v11 =	vmul.f32 v42, v50;
	[tilespmem:s1+$0x70] =	vst v10;
	v10 =	vmul.f32 v59, v8  }
0x5be: {  	v14 =	vadd.f32 $-9.790774340e+00, v23;
	v8 =	vmul.f32 v33, v9;
	v9 =	vmul.f32 v45, v46;
	[tilespmem:$0x1F000] =	vst v0  }
0x5bf: {  	v46 =	vsub.f32 $1.500000000e+00, v2;
	v7 =	vmul.f32 v58, v7;
	v0 =	vshra.s32 v19, $0x1;
	[tilespmem:$0x1F200] =	vst v5;
	v5 =	vld [tilespmem:s10+$0x50]  }
0x5c0: {  	[tilespmem:$0x1F370] =	vst v19;
	v11 =	vmul.f32 v42, v11;
	v44 =	vsub.s32 $0x5F3759DF, v0;
	v0 =	vmul.f32 v16, v29  }
0x5c1: {  	[tilespmem:$0x1F0F0] =	vst v29;
	v2 =	vld [tilespmem:$0x1EFD0];
	v19 =	vsub.f32 $3.821680070e+00, v3;
	v3 =	vmul.f32 v40, v48;
	v10 =	vmul.f32 v59, v10  }
0x5c2: {  	[tilespmem:$0x1F180] =	vst v63;
	v12 =	vsub.f32 $1.500000000e+00, v12;
	v6 =	vld [tilespmem:$0x1F010];
	v8 =	vmul.f32 v33, v8;
	v0 =	vmul.f32 v16, v0  }
0x5c3: {  	[tilespmem:$0x1F1B0] =	vst v17;
	v9 =	vmul.f32 v45, v9;
	v46 =	vmul.f32 v15, v46;
	v17 =	vsub.f32 $1.500000000e+00, v7;
	v7 =	vld [tilespmem:$0x1EFA0]  }
0x5c4: {  	v63 =	vmovc v43;
	v29 =	vsub.f32 $3.821680070e+00, v1;
	[tilespmem:$0x1F210] =	vst v5;
	v5 =	vmul.f32 v39, v43;
	v43 =	vsub.f32 $1.500000000e+00, v0;
	v0 =	vld [tilespmem:$0x1F040]  }
0x5c5: {  	v1 =	vld [tilespmem:s10+$0x60];
	v3 =	vmul.f32 v40, v3;
	v20 =	vsub.f32 $1.500000000e+00, v10;
	v18 =	vsub.f32 $1.500000000e+00, v8  }
0x5c6: {  	v10 =	vld [tilespmem:$0x1EFB0];
	v8 =	vsub.f32 $1.500000000e+00, v4;
	v37 =	vmul.f32 v37, v2;
	v58 =	vmul.f32 v58, v17  }
0x5c7: {  	v9 =	vsub.f32 $1.500000000e+00, v9;
	v59 =	vmul.f32 v59, v20;
	v18 =	vmul.f32 v33, v18  }
0x5c8: {  	[tilespmem:$0x1F1C0] =	vst v50;
	v4 =	vld [tilespmem:$0x1EFC0];
	v50 =	vsub.f32 $1.500000000e+00, v3;
	v20 =	vmul.f32 v35, v8;
	v19 =	vmul.f32 v19, v7  }
0x5c9: {  	v6 =	vmul.u32 $0x709, v6;
	v35 =	vmul.f32 v45, v9;
	v30 =	vmul.f32 v30, v0  }
0x5ca: {  	v8 =	vld [tilespmem:$0x1EFE0];
	[tilespmem:$0x1F230] =	vst v1;
	v1 =	vmul.f32 v44, v49;
	v60 =	vmul.f32 v40, v50;
	v15 =	vadd.f32 $-9.790774340e+00, v19  }
0x5cb: {  	v21 =	vmul.f32 v21, v10;
	v19 =	vadd.f32 $-9.790774340e+00, v22;
	v22 =	vadd.f32 $-9.790774340e+00, v30  }
0x5cc: {  	[tilespmem:$0x1F4A0] =	vst v6;
	v6 =	vmul.f32 v15, v7;
	v30 =	vadd.f32 $-9.790774340e+00, v31;
	v31 =	vadd.f32 $-9.790774340e+00, v27;
	v27 =	vmovc v7;
	v7 =	vld [tilespmem:$0x1F020]  }
0x5cd: {  	v11 =	vsub.f32 $1.500000000e+00, v11;
	v50 =	vmul.f32 v38, v12;
	v32 =	vmul.f32 v32, v4  }
0x5ce: {  	v1 =	vmul.f32 v44, v1;
	v21 =	vadd.f32 $-9.790774340e+00, v21;
	v5 =	vmul.f32 v39, v5  }
0x5cf: {  	v17 =	vadd.f32 $-9.790774340e+00, v32;
	v32 =	vadd.f32 $-9.790774340e+00, v37;
	v8 =	vmul.u32 $0x709, v8  }
0x5d0: {  	v38 =	vmul.f32 v42, v11;
	v1 =	vsub.f32 $1.500000000e+00, v1;
	v5 =	vsub.f32 $1.500000000e+00, v5  }
0x5d1: {  	[tilespmem:$0x1F380] =	vst v8;
	v8 =	vmul.f32 v19, v54;
	v11 =	vmul.f32 v21, v10;
	v9 =	vmul.u32 $0x709, v7  }
0x5d2: {  	v45 =	vmovc v57;
	v33 =	vmul.f32 v39, v5;
	v39 =	vmul.f32 v44, v1;
	v44 =	vmov v54  }
0x5d3: {  	v54 =	vmovc v10;
	v10 =	vmul.f32 v32, v2;
	[tilespmem:$0x1F4B0] =	vst v9;
	v9 =	vmul.f32 v14, v57;
	v57 =	vmov v2;
	v2 =	vld [tilespmem:$0x1F0F0]  }
0x5d4: {  	v13 =	vld [tilespmem:$0x1F0C0];
	_ =	sdelay $0x1  }
0x5d5: {  	v43 =	vmul.f32 v16, v43  }
0x5d6: {  	v34 =	vsub.f32 $3.821680070e+00, v34;
	v41 =	vld [tilespmem:$0x1EF90]  }
0x5d7: {  	v19 =	vmul.f32 v43, v2;
	v2 =	vld [tilespmem:$0x1F120]  }
0x5d8: {  	[tilespmem:$0x1F050] =	vst v53;
	v34 =	vmul.f32 v34, v13;
	v3 =	vmov v53;
	v53 =	vld [tilespmem:$0x1F0D0];
	_ =	sdelay $0x1  }
0x5d9: {  	v28 =	vsub.f32 $3.821680070e+00, v28;
	v23 =	vadd.f32 $-9.790774340e+00, v34  }
0x5da: {  	v26 =	vsub.f32 $3.821680070e+00, v26;
	v24 =	vmul.f32 v24, v41;
	v29 =	vmul.f32 v29, v62  }
0x5db: {  	v14 =	vmul.f32 v23, v13;
	v23 =	vmul.f32 v55, v2;
	v2 =	vld [tilespmem:$0x1F140]  }
0x5dc: {  	v26 =	vmul.f32 v26, v56;
	v28 =	vmul.f32 v28, v53  }
0x5dd: {  	v16 =	vadd.f32 $-9.790774340e+00, v29;
	v29 =	vadd.f32 $-9.790774340e+00, v24  }
0x5de: {  	v24 =	vadd.f32 $-9.790774340e+00, v28;
	v28 =	vadd.f32 $-9.790774340e+00, v26  }
0x5df: {  	v15 =	vadd.f32 $1.769974330e+01, v6;
	v6 =	vmul.f32 v17, v4;
	v12 =	vmul.f32 v22, v0  }
0x5e0: {  	v0 =	vmov v4;
	v4 =	vmul.f32 v28, v56;
	v28 =	vmul.f32 v59, v2;
	v2 =	vld [tilespmem:$0x1F180];
	_ =	sdelay $0x3  }
0x5e1: {  	v5 =	vld [tilespmem:$0x1EFF0]  }
0x5e2: {  	v25 =	vmul.f32 $7.233541010e-01, v51;
	v34 =	vmul.f32 v50, v2;
	v2 =	vld [tilespmem:$0x1F1A0]  }
0x5e3: {  	v21 =	vld [tilespmem:$0x1F100]  }
0x5e4: {  	v25 =	vsub.f32 $3.821680070e+00, v25;
	_ =	sdelay $0x1  }
0x5e5: {  	v25 =	vmul.f32 v25, v51;
	v1 =	vmul.f32 v16, v62  }
0x5e6: {  	[tilespmem:$0x1F060] =	vst v52;
	v16 =	vmul.f32 v31, v52;
	v5 =	vmul.u32 $0x709, v5;
	v52 =	vmul.f32 v35, v2;
	v2 =	vld [tilespmem:$0x1F1B0]  }
0x5e7: {  	v25 =	vadd.f32 $-9.790774340e+00, v25;
	v21 =	vmul.f32 v46, v21  }
0x5e8: {  	[tilespmem:$0x1F220] =	vst v5;
	v5 =	vld [tilespmem:$0x1F000]  }
0x5e9: {  	v17 =	vmul.f32 v25, v51;
	v21 =	vmul.f32 v21, v46;
	v22 =	vld [tilespmem:$0x1F110]  }
0x5ea: {  	v11 =	vadd.f32 $1.769974330e+01, v11;
	v32 =	vmul.f32 v20, v61;
	v7 =	vmul.f32 v30, v3  }
0x5eb: {  	v37 =	vmovc v13;
	v8 =	vadd.f32 $1.769974330e+01, v8;
	v3 =	vmul.f32 v24, v53;
	v13 =	vmovc v53;
	v53 =	vmul.f32 v36, v2;
	v2 =	vld [tilespmem:$0x1F1C0]  }
0x5ec: {  	[tilespmem:$0x1F170] =	vst v61;
	v11 =	vmul.f32 v11, v54;
	v1 =	vadd.f32 $1.769974330e+01, v1;
	v61 =	vmul.f32 v33, v63  }
0x5ed: {  	v26 =	vmovc v62;
	v15 =	vmul.f32 v15, v27;
	v24 =	vld [tilespmem:$0x1F130];
	v30 =	vadd.f32 $1.769974330e+01, v6;
	v5 =	vmul.u32 $0x709, v5  }
0x5ee: {  	v21 =	vsub.f32 $1.500000000e+00, v21;
	v1 =	vmul.f32 v1, v26;
	v22 =	vmul.f32 v47, v22  }
0x5ef: {  	v3 =	vadd.f32 $1.769974330e+01, v3;
	v30 =	vmul.f32 v30, v0;
	[tilespmem:$0x1F1F0] =	vst v5;
	v5 =	vmul.f32 v29, v41  }
0x5f0: {  	[tilespmem:$0x1F150] =	vst v48;
	v10 =	vadd.f32 $1.769974330e+01, v10;
	v29 =	vmul.f32 v60, v48;
	v48 =	vmul.f32 v38, v2  }
0x5f1: {  	v9 =	vadd.f32 $1.769974330e+01, v9;
	v22 =	vmul.f32 v22, v47;
	v3 =	vmul.f32 v3, v13  }
0x5f2: {  	v14 =	vadd.f32 $1.769974330e+01, v14;
	v25 =	vmul.f32 v58, v24;
	v40 =	vmul.f32 v48, v38;
	v48 =	vld [tilespmem:$0x1F050]  }
0x5f3: {  	v42 =	vmovc v27;
	v7 =	vadd.f32 $1.769974330e+01, v7;
	v24 =	vmul.f32 v39, v49;
	v27 =	vmul.f32 v9, v45  }
0x5f4: {  	v22 =	vsub.f32 $1.500000000e+00, v22;
	v14 =	vmul.f32 v14, v37;
	v37 =	vmul.f32 v10, v57  }
0x5f5: {  	v9 =	vmul.f32 v21, v46;
	v25 =	vmul.f32 v25, v58;
	v5 =	vadd.f32 $1.769974330e+01, v5  }
0x5f6: {  	v21 =	vadd.f32 $-2.874775890e+01, v30;
	v24 =	vmul.f32 v24, v39;
	v10 =	vmul.f32 v22, v47  }
0x5f7: {  	v13 =	vadd.f32 $-2.874775890e+01, v27;
	v5 =	vmul.f32 v5, v41;
	v7 =	vmul.f32 v7, v48  }
0x5f8: {  	v14 =	vadd.f32 $-2.874775890e+01, v14;
	v19 =	vmul.f32 v19, v43;
	v25 =	vsub.f32 $1.500000000e+00, v25  }
0x5f9: {  	v63 =	vmul.f32 v53, v36;
	v53 =	vmovc v54;
	v54 =	vmovc v0;
	v0 =	vadd.f32 $-2.874775890e+01, v1;
	v1 =	vadd.f32 $-2.874775890e+01, v5  }
0x5fa: {  	v24 =	vsub.f32 $1.500000000e+00, v24;
	v23 =	vmul.f32 v23, v55;
	v62 =	vmul.f32 v52, v35;
	v52 =	vmovc v26  }
0x5fb: {  	v0 =	vmul.f32 v0, v52;
	v1 =	vmul.f32 v1, v41;
	v22 =	vadd.f32 $-2.874775890e+01, v7;
	v7 =	vmovc v52;
	v52 =	vld [tilespmem:$0x1F0C0]  }
0x5fc: {  	v19 =	vsub.f32 $1.500000000e+00, v19;
	v23 =	vsub.f32 $1.500000000e+00, v23;
	v5 =	vld [tilespmem:$0x1F0D0]  }
0x5fd: {  	v58 =	vmul.f32 v25, v58;
	v39 =	vmul.f32 v24, v39;
	v47 =	vadd.f32 $5.098120500e+01, v1;
	v1 =	vld [tilespmem:$0x1F0F0]  }
0x5fe: {  	v19 =	vmul.f32 v19, v43;
	v55 =	vmul.f32 v23, v55;
	v23 =	vadd.f32 $-2.874775890e+01, v37  }
0x5ff: {  	v26 =	vmul.f32 v8, v44;
	v24 =	vadd.f32 $5.098120500e+01, v0;
	v0 =	vmul.f32 v13, v45  }
0x600: {  	v25 =	vadd.f32 $-2.874775890e+01, v3;
	v8 =	vmovc v57;
	v13 =	vmul.f32 v14, v52;
	v14 =	vmul.f32 v21, v54  }
0x601: {  	v21 =	vmul.f32 v22, v48;
	v22 =	vmul.f32 v23, v8  }
0x602: {  	v23 =	vadd.f32 $5.098120500e+01, v0;
	v0 =	vmul.f32 v25, v5;
	v25 =	vmul.f32 v19, v1;
	v1 =	vld [tilespmem:$0x1F100];
	_ =	sdelay $0x4  }
0x603: {  	v27 =	vmul.f32 v9, v1;
	v1 =	vld [tilespmem:$0x1F110]  }
0x604: {  	v28 =	vmul.f32 v28, v59;
	_ =	sdelay $0x1  }
0x605: {  	v28 =	vsub.f32 $1.500000000e+00, v28;
	_ =	sdelay $0x1  }
0x606: {  	v59 =	vmul.f32 v28, v59;
	v28 =	vmul.f32 v10, v1;
	v1 =	vld [tilespmem:$0x1F120]  }
0x607: {  	v29 =	vmul.f32 v29, v60;
	_ =	sdelay $0x1  }
0x608: {  	v29 =	vsub.f32 $1.500000000e+00, v29  }
0x609: {  	v6 =	vld [tilespmem:$0x1F160]  }
0x60a: {  	v60 =	vmul.f32 v29, v60;
	v29 =	vmul.f32 v55, v1;
	v1 =	vld [tilespmem:$0x1F130];
	_ =	sdelay $0x3  }
0x60b: {  	v31 =	vmul.f32 v18, v6  }
0x60c: {  	v30 =	vmul.f32 v58, v1;
	v1 =	vld [tilespmem:$0x1F140]  }
0x60d: {  	v31 =	vmul.f32 v31, v18;
	v3 =	vld [tilespmem:$0x1F070];
	_ =	sdelay $0x1  }
0x60e: {  	v31 =	vsub.f32 $1.500000000e+00, v31;
	_ =	sdelay $0x1  }
0x60f: {  	v18 =	vmul.f32 v31, v18;
	v31 =	vmul.f32 v59, v1;
	v1 =	vld [tilespmem:$0x1F150]  }
0x610: {  	v32 =	vmul.f32 v32, v20;
	v46 =	vmul.u32 $0x709, v3;
	v3 =	vld [tilespmem:$0x1F080];
	_ =	sdelay $0x1  }
0x611: {  	v32 =	vsub.f32 $1.500000000e+00, v32;
	_ =	sdelay $0x1  }
0x612: {  	v20 =	vmul.f32 v32, v20;
	v32 =	vmul.f32 v60, v1;
	v1 =	vld [tilespmem:$0x1F160]  }
0x613: {  	v3 =	vmul.u32 $0x709, v3;
	v34 =	vmul.f32 v34, v50;
	_ =	sdelay $0x1  }
0x614: {  	[tilespmem:$0x1F280] =	vst v3;
	v3 =	vld [tilespmem:$0x1F090];
	v34 =	vsub.f32 $1.500000000e+00, v34  }
0x615: {  	v2 =	vld [tilespmem:$0x1F030]  }
0x616: {  	v50 =	vmul.f32 v34, v50;
	v34 =	vmul.f32 v18, v1;
	v1 =	vld [tilespmem:$0x1F170];
	_ =	sdelay $0x3  }
0x617: {  	v3 =	vmul.u32 $0x709, v3  }
0x618: {  	v6 =	vmul.u32 $0x709, v2;
	v37 =	vmul.f32 v20, v1;
	v1 =	vld [tilespmem:$0x1F180]  }
0x619: {  	[tilespmem:$0x1F3B0] =	vst v3;
	v3 =	vld [tilespmem:$0x1F0A0]  }
0x61a: {  	v61 =	vmul.f32 v61, v33;
	[tilespmem:$0x1F4C0] =	vst v6;
	v6 =	vld [tilespmem:$0x1F040]  }
0x61b: {  	v17 =	vadd.f32 $1.769974330e+01, v17  }
0x61c: {  	v4 =	vadd.f32 $1.769974330e+01, v4;
	v61 =	vsub.f32 $1.500000000e+00, v61  }
0x61d: {  	[tilespmem:$0x1F0E0] =	vst v51;
	v17 =	vmul.f32 v17, v51;
	v12 =	vadd.f32 $1.769974330e+01, v12;
	v51 =	vmul.f32 v50, v1;
	v1 =	vld [tilespmem:$0x1F190]  }
0x61e: {  	v4 =	vmul.f32 v4, v56;
	v33 =	vmul.f32 v61, v33;
	v22 =	vadd.f32 $5.098120500e+01, v22  }
0x61f: {  	v3 =	vmul.u32 $0x709, v3;
	v40 =	vsub.f32 $1.500000000e+00, v40;
	v12 =	vmul.f32 v12, v6  }
0x620: {  	[tilespmem:$0x1F1D0] =	vst v49;
	v16 =	vadd.f32 $1.769974330e+01, v16;
	v49 =	vld [tilespmem:$0x1F060];
	v25 =	vmul.f32 v25, v19;
	v22 =	vmul.f32 v22, v8  }
0x621: {  	v62 =	vsub.f32 $1.500000000e+00, v62;
	[tilespmem:$0x1F3E0] =	vst v3;
	v3 =	vld [tilespmem:$0x1F0B0];
	v38 =	vmul.f32 v40, v38;
	v12 =	vadd.f32 $-2.874775890e+01, v12  }
0x622: {  	v25 =	vsub.f32 $1.500000000e+00, v25;
	v22 =	vadd.f32 $-1.229560550e+02, v22;
	v61 =	vmul.f32 v33, v1;
	v1 =	vld [tilespmem:$0x1F1A0]  }
0x623: {  	v43 =	vmovc v6;
	v12 =	vmul.f32 v12, v6;
	v6 =	vadd.f32 $5.098120500e+01, v0;
	v0 =	vld [tilespmem:$0x1F1C0];
	v40 =	vmul.f32 v51, v50;
	v51 =	vmovc v8  }
0x624: {  	v2 =	vadd.f32 $-2.874775890e+01, v15;
	v25 =	vmul.f32 v25, v19;
	v19 =	vmul.f32 v22, v51;
	v22 =	vld [tilespmem:$0x1F290]  }
0x625: {  	v17 =	vadd.f32 $-2.874775890e+01, v17;
	v16 =	vmul.f32 v16, v49;
	v57 =	vmovc v56;
	v56 =	vld [tilespmem:$0x1F0E0];
	v35 =	vmul.f32 v62, v35  }
0x626: {  	v11 =	vadd.f32 $-2.874775890e+01, v11;
	v3 =	vmul.u32 $0x709, v3;
	v2 =	vmul.f32 v2, v42  }
0x627: {  	v16 =	vadd.f32 $-2.874775890e+01, v16;
	v63 =	vsub.f32 $1.500000000e+00, v63;
	v62 =	vmul.f32 v35, v1;
	v1 =	vld [tilespmem:$0x1F1B0]  }
0x628: {  	[tilespmem:$0x1F410] =	vst v3;
	v3 =	vadd.f32 $5.098120500e+01, v2;
	v2 =	vmul.f32 v38, v0;
	v0 =	vld [tilespmem:$0x1F1D0];
	v27 =	vmul.f32 v27, v9  }
0x629: {  	v16 =	vmul.f32 v16, v49;
	v15 =	vadd.f32 $-2.874775890e+01, v26;
	v22 =	vmul.f32 v25, v22;
	v25 =	vld [tilespmem:$0x1F2A0]  }
0x62a: {  	v17 =	vmul.f32 v17, v56;
	v36 =	vmul.f32 v63, v36;
	v27 =	vsub.f32 $1.500000000e+00, v27  }
0x62b: {  	v11 =	vmul.f32 v11, v53;
	v15 =	vmul.f32 v15, v44  }
0x62c: {  	v9 =	vmul.f32 v27, v9;
	v63 =	vmul.f32 v36, v1  }
0x62d: {  	v1 =	vmul.f32 v39, v0;
	v0 =	vmul.f32 v28, v10  }
0x62e: {  	v26 =	vadd.f32 $-2.874775890e+01, v4;
	v15 =	vadd.f32 $5.098120500e+01, v15;
	v9 =	vmul.f32 v9, v25;
	v25 =	vld [tilespmem:$0x1F2B0]  }
0x62f: {  	v4 =	vmul.f32 v47, v41;
	v24 =	vmul.f32 v24, v7;
	v0 =	vsub.f32 $1.500000000e+00, v0  }
0x630: {  	v11 =	vadd.f32 $5.098120500e+01, v11;
	v26 =	vmul.f32 v26, v57;
	v15 =	vmul.f32 v15, v44  }
0x631: {  	v24 =	vadd.f32 $-1.229560550e+02, v24;
	v29 =	vmul.f32 v29, v55;
	v10 =	vmul.f32 v0, v10  }
0x632: {  	v15 =	vadd.f32 $-1.229560550e+02, v15;
	v30 =	vmul.f32 v30, v58;
	v31 =	vmul.f32 v31, v59  }
0x633: {  	v24 =	vmul.f32 v24, v7;
	v29 =	vsub.f32 $1.500000000e+00, v29;
	v10 =	vmul.f32 v10, v25;
	v25 =	vld [tilespmem:$0x1F2C0]  }
0x634: {  	v7 =	vmul.f32 v15, v44;
	v30 =	vsub.f32 $1.500000000e+00, v30;
	v31 =	vsub.f32 $1.500000000e+00, v31  }
0x635: {  	v26 =	vadd.f32 $5.098120500e+01, v26;
	v15 =	vld [tilespmem:$0x1F260];
	v23 =	vmul.f32 v23, v45;
	v27 =	vmul.f32 v29, v55  }
0x636: {  	v21 =	vadd.f32 $5.098120500e+01, v21;
	v29 =	vmul.f32 v30, v58;
	v30 =	vmul.f32 v31, v59;
	v59 =	vld [tilespmem:$0x1F270]  }
0x637: {  	v11 =	vmul.f32 v11, v53;
	v4 =	vadd.f32 $-1.229560550e+02, v4;
	v26 =	vmul.f32 v26, v57  }
0x638: {  	v21 =	vmul.f32 v21, v48;
	v23 =	vadd.f32 $-1.229560550e+02, v23;
	v25 =	vmul.f32 v27, v25;
	v27 =	vld [tilespmem:$0x1F2E0]  }
0x639: {  	v11 =	vadd.f32 $-1.229560550e+02, v11;
	v4 =	vmul.f32 v4, v41;
	v3 =	vmul.f32 v3, v42  }
0x63a: {  	v26 =	vadd.f32 $-1.229560550e+02, v26;
	v21 =	vadd.f32 $-1.229560550e+02, v21;
	v23 =	vmul.f32 v23, v45  }
0x63b: {  	v3 =	vadd.f32 $-1.229560550e+02, v3;
	v15 =	vadd.s32 v59, v15;
	v34 =	vmul.f32 v34, v18  }
0x63c: {  	v47 =	vmovc v53;
	[tilespmem:s24+$0xFFFFFFF0] =	vst v15;
	v15 =	vmul.f32 v21, v48;
	v21 =	vadd.f32 $9.000000000e+02, v23;
	v23 =	vmul.f32 v26, v57;
	v26 =	vld [tilespmem:$0x1F2D0]  }
0x63d: {  	v11 =	vmul.f32 v11, v47;
	v27 =	vmul.f32 v30, v27;
	v30 =	vld [tilespmem:$0x1F300]  }
0x63e: {  	v4 =	vadd.f32 $9.000000000e+02, v4;
	v3 =	vmul.f32 v3, v42;
	v34 =	vsub.f32 $1.500000000e+00, v34  }
0x63f: {  	v12 =	vadd.f32 $5.098120500e+01, v12;
	v13 =	vadd.f32 $5.098120500e+01, v13;
	v32 =	vmul.f32 v32, v60  }
0x640: {  	v14 =	vadd.f32 $5.098120500e+01, v14;
	v18 =	vmul.f32 v34, v18;
	v37 =	vmul.f32 v37, v20  }
0x641: {  	v12 =	vmul.f32 v12, v43;
	v32 =	vsub.f32 $1.500000000e+00, v32;
	v26 =	vmul.f32 v29, v26;
	v29 =	vld [tilespmem:$0x1F2F0]  }
0x642: {  	v13 =	vmul.f32 v13, v52;
	v37 =	vsub.f32 $1.500000000e+00, v37;
	v18 =	vmul.f32 v18, v30;
	v30 =	vld [tilespmem:$0x1F310]  }
0x643: {  	v3 =	vadd.f32 $9.000000000e+02, v3;
	v14 =	vmul.f32 v14, v54;
	v31 =	vmul.f32 v32, v60  }
0x644: {  	v12 =	vadd.f32 $-1.229560550e+02, v12;
	v20 =	vmul.f32 v37, v20;
	v4 =	vmul.f32 v9, v4;
	v9 =	vld [tilespmem:$0x1F390]  }
0x645: {  	v13 =	vadd.f32 $-1.229560550e+02, v13;
	v61 =	vmul.f32 v61, v33;
	v3 =	vmul.f32 v10, v3;
	v10 =	vld [tilespmem:$0x1F3A0]  }
0x646: {  	v14 =	vadd.f32 $-1.229560550e+02, v14;
	v12 =	vmul.f32 v12, v43;
	v29 =	vmul.f32 v31, v29;
	v31 =	vld [tilespmem:$0x1F330]  }
0x647: {  	v13 =	vmul.f32 v13, v52;
	v61 =	vsub.f32 $1.500000000e+00, v61;
	v20 =	vmul.f32 v20, v30;
	v30 =	vld [tilespmem:$0x1F320]  }
0x648: {  	v11 =	vadd.f32 $9.000000000e+02, v11;
	v14 =	vmul.f32 v14, v54;
	v40 =	vsub.f32 $1.500000000e+00, v40  }
0x649: {  	v12 =	vadd.f32 $9.000000000e+02, v12;
	v13 =	vadd.f32 $9.000000000e+02, v13;
	v33 =	vmul.f32 v61, v33  }
0x64a: {  	v14 =	vadd.f32 $9.000000000e+02, v14;
	v60 =	vmul.f32 v40, v50;
	v9 =	vadd.s32 v10, v9  }
0x64b: {  	v55 =	vld [tilespmem:$0x1F240];
	v15 =	vadd.f32 $9.000000000e+02, v15;
	v31 =	vmul.f32 v33, v31;
	[tilespmem:s24+$0x0] =	vst v9;
	v9 =	vmul.f32 v27, v11  }
0x64c: {  	v58 =	vld [tilespmem:$0x1F250];
	v19 =	vadd.f32 $9.000000000e+02, v19;
	v11 =	vmul.f32 v29, v12;
	v30 =	vmul.f32 v60, v30  }
0x64d: {  	v12 =	vmul.f32 v18, v13;
	v18 =	vld [tilespmem:$0x1F3C0];
	v13 =	vmul.f32 v20, v14  }
0x64e: {  	v14 =	vmul.f32 v30, v15;
	v15 =	vmul.f32 v31, v19;
	v19 =	vld [tilespmem:$0x1F3D0]  }
0x64f: {  	v16 =	vadd.f32 $5.098120500e+01, v16  }
0x650: {  	v17 =	vadd.f32 $5.098120500e+01, v17;
	v53 =	vmov v5;
	v6 =	vmul.f32 v6, v5;
	v5 =	vld [tilespmem:$0x1F280]  }
0x651: {  	v16 =	vmul.f32 v16, v49  }
0x652: {  	v17 =	vmul.f32 v17, v56;
	v37 =	vadd.s32 v58, v55  }
0x653: {  	v16 =	vadd.f32 $-1.229560550e+02, v16;
	v18 =	vadd.s32 v19, v18;
	v19 =	vld [tilespmem:$0x1F3E0]  }
0x654: {  	v17 =	vadd.f32 $-1.229560550e+02, v17  }
0x655: {  	v16 =	vmul.f32 v16, v49;
	[tilespmem:s24+$0xFFFFFFE0] =	vst v37;
	v37 =	vmov v5;
	v5 =	vld [tilespmem:$0x1F3B0]  }
0x656: {  	v17 =	vmul.f32 v17, v56;
	v61 =	vld [tilespmem:$0x1F350]  }
0x657: {  	v16 =	vadd.f32 $9.000000000e+02, v16;
	[tilespmem:s24+$0x10] =	vst v18;
	v18 =	vld [tilespmem:$0x1F3F0]  }
0x658: {  	v17 =	vadd.f32 $9.000000000e+02, v17;
	v63 =	vmul.f32 v63, v36;
	v1 =	vmul.f32 v1, v39;
	v29 =	vmovc v19;
	v19 =	vld [tilespmem:$0x1F400]  }
0x659: {  	v24 =	vadd.f32 $9.000000000e+02, v24;
	v6 =	vadd.f32 $-1.229560550e+02, v6;
	v62 =	vmul.f32 v62, v35;
	v28 =	vld [tilespmem:$0x1F1E0]  }
0x65a: {  	v2 =	vmul.f32 v2, v38;
	v63 =	vsub.f32 $1.500000000e+00, v63;
	v1 =	vsub.f32 $1.500000000e+00, v1;
	v0 =	vld [tilespmem:$0x1F200]  }
0x65b: {  	v6 =	vmul.f32 v6, v53;
	v22 =	vmul.f32 v22, v24;
	v62 =	vsub.f32 $1.500000000e+00, v62;
	v60 =	vld [tilespmem:$0x1F340]  }
0x65c: {  	v2 =	vsub.f32 $1.500000000e+00, v2;
	v63 =	vmul.f32 v63, v36;
	v50 =	vmul.f32 v1, v39;
	v1 =	vld [tilespmem:$0x1F230]  }
0x65d: {  	v62 =	vmul.f32 v62, v35;
	v35 =	vmovc v5;
	v5 =	vadd.f32 $5.000000000e-01, v22;
	v18 =	vadd.s32 v19, v18;
	v19 =	vld [tilespmem:$0x1F410]  }
0x65e: {  	v7 =	vadd.f32 $9.000000000e+02, v7;
	v6 =	vadd.f32 $9.000000000e+02, v6;
	v33 =	vmul.f32 v63, v61;
	v63 =	vld [tilespmem:$0x1F370]  }
0x65f: {  	v2 =	vmul.f32 v2, v38;
	v5 =	vtrunc.f32 v5;
	v8 =	vmul.u32 $0x709, v0;
	v0 =	vld [tilespmem:$0x1F210]  }
0x660: {  	v4 =	vadd.f32 $5.000000000e-01, v4;
	v5 =	vcvt.f32.s32 v5;
	v32 =	vmul.f32 v62, v60;
	v62 =	vld [tilespmem:$0x1F360]  }
0x661: {  	v23 =	vadd.f32 $9.000000000e+02, v23;
	v3 =	vadd.f32 $5.000000000e-01, v3;
	v6 =	vmul.f32 v33, v6;
	[tilespmem:s24+$0x20] =	vst v18;
	v18 =	vld [tilespmem:$0x1F420]  }
0x662: {  	v28 =	vmul.u32 $0x709, v28;
	v4 =	vtrunc.f32 v4;
	vm0 =	vgt.s32 v5, $0x0;
	v27 =	vmovc v19;
	v19 =	vld [tilespmem:$0x1F430]  }
0x663: {  	v3 =	vtrunc.f32 v3;
	v6 =	vadd.f32 $5.000000000e-01, v6;
	v7 =	vmul.f32 v25, v7  }
0x664: {  	v1 =	vmul.u32 $0x709, v1;
	v10 =	vmul.f32 v26, v21;
	v3 =	vcvt.f32.s32 v3  }
0x665: {  	v34 =	vmul.f32 v50, v63;
	v0 =	vmul.u32 $0x709, v0;
	v6 =	vtrunc.f32 v6  }
0x666: {  	v7 =	vadd.f32 $5.000000000e-01, v7;
	v10 =	vadd.f32 $5.000000000e-01, v10;
	vm2 =	vgt.s32 v3, $0x0  }
0x667: {  	v6 =	vcvt.f32.s32 v6;
	v2 =	vmul.f32 v2, v62;
	v18 =	vadd.s32 v19, v18;
	v19 =	vld [tilespmem:$0x1F450]  }
0x668: {  	v24 =	vmovc v0;
	v0 =	vcvt.f32.s32 v4;
	v22 =	vnsel vm2, $0x0, v3;
	v7 =	vtrunc.f32 v7;
	[tilespmem:s24+$0x30] =	vst v18;
	v18 =	vld [tilespmem:$0x1F440]  }
0x669: {  	v9 =	vadd.f32 $5.000000000e-01, v9;
	v2 =	vmul.f32 v2, v17;
	v17 =	vmul.f32 v34, v23  }
0x66a: {  	v10 =	vtrunc.f32 v10;
	v11 =	vadd.f32 $5.000000000e-01, v11;
	v13 =	vadd.f32 $5.000000000e-01, v13  }
0x66b: {  	vm12 =	vgt.s32 v6, $0x0;
	v9 =	vtrunc.f32 v9;
	v17 =	vadd.f32 $5.000000000e-01, v17  }
0x66c: {  	v11 =	vtrunc.f32 v11;
	v13 =	vtrunc.f32 v13;
	v14 =	vadd.f32 $5.000000000e-01, v14  }
0x66d: {  	v25 =	vmovc v8;
	v15 =	vadd.f32 $5.000000000e-01, v15;
	v8 =	vtrunc.f32 v17;
	v17 =	vld [tilespmem:$0x1F460];
	v18 =	vadd.s32 v19, v18  }
0x66e: {  	vm1 =	vgt.s32 v0, $0x0;
	v13 =	vcvt.f32.s32 v13;
	v14 =	vtrunc.f32 v14;
	[tilespmem:s24+$0x40] =	vst v18;
	v18 =	vld [tilespmem:$0x1F470]  }
0x66f: {  	v12 =	vadd.f32 $5.000000000e-01, v12;
	v15 =	vtrunc.f32 v15;
	v16 =	vmul.f32 v32, v16  }
0x670: {  	v21 =	vnsel vm1, $0x0, v0;
	v14 =	vcvt.f32.s32 v14;
	v15 =	vcvt.f32.s32 v15  }
0x671: {  	v12 =	vtrunc.f32 v12;
	v20 =	vnsel vm0, $0x0, v5;
	v16 =	vadd.f32 $5.000000000e-01, v16  }
0x672: {  	vm8 =	vgt.s32 v13, $0x0;
	vm9 =	vgt.s32 v14, $0x0;
	vm10 =	vgt.s32 v15, $0x0  }
0x673: {  	v4 =	vld [tilespmem:$0x1F480];
	v5 =	vnsel vm9, $0x0, v14;
	v16 =	vtrunc.f32 v16;
	v17 =	vadd.s32 v18, v17  }
0x674: {  	v3 =	vnsel vm10, $0x0, v15;
	v23 =	vmovc v1;
	v1 =	vcvt.f32.s32 v7;
	v7 =	vcvt.f32.s32 v10;
	[tilespmem:s24+$0x50] =	vst v17;
	v17 =	vld [tilespmem:$0x1F490]  }
0x675: {  	v14 =	vmin.u32 v20, $0x708;
	v15 =	vmin.u32 v21, $0x708;
	v16 =	vcvt.f32.s32 v16  }
0x676: {  	v2 =	vadd.f32 $5.000000000e-01, v2;
	vm3 =	vgt.s32 v1, $0x0;
	vm4 =	vgt.s32 v7, $0x0  }
0x677: {  	vm11 =	vgt.s32 v16, $0x0;
	v10 =	vnsel vm4, $0x0, v7;
	v19 =	vcvt.f32.s32 v8  }
0x678: {  	s7 =	sadd.s32 $0x10, s7;
	v7 =	vnsel vm8, $0x0, v13;
	v13 =	vmin.u32 v22, $0x708;
	v2 =	vtrunc.f32 v2  }
0x679: {  	p3 =	slt.u32 s7, s6;
	v40 =	vld [tilespmem:$0x1F1F0];
	vm14 =	vgt.s32 v19, $0x0;
	v18 =	vcvt.f32.s32 v2;
	v4 =	vadd.s32 v17, v4  }
.Ltmp10:
0x67a: {  	v39 =	vld [tilespmem:$0x1F220];
	v0 =	vnsel vm14, $0x0, v19;
	v2 =	vnsel vm12, $0x0, v6;
	[tilespmem:s24+$0x60] =	vst v4;
	v4 =	vcvt.f32.s32 v9;
	(pc) =	sbr.rel @p3 .LBB2_20-.Ltmp10, $4  }
0x67b: {  	v36 =	vld [tilespmem:$0x1F380];
	vm13 =	vgt.s32 v18, $0x0;
	v17 =	vcvt.f32.s32 v12;
	v9 =	vcvt.f32.s32 v11  }
0x67c: {  	v20 =	vld [tilespmem:$0x1F4C0];
	v12 =	vnsel vm3, $0x0, v1;
	v1 =	vnsel vm13, $0x0, v18;
	vm5 =	vgt.s32 v4, $0x0  }
0x67d: {  	v19 =	vld [tilespmem:$0x1F4B0];
	vm7 =	vgt.s32 v17, $0x0;
	vm6 =	vgt.s32 v9, $0x0;
	v11 =	vnsel vm5, $0x0, v4  }
0x67e: {  	s9 =	sadd.s32 $0x100, s9;
	v38 =	vmovc v46;
	v26 =	vmovc v28;
	v18 =	vld [tilespmem:$0x1F4A0];
	s24 =	smov.u32 s1;
	v8 =	vnsel vm6, $0x0, v9;
	v9 =	vnsel vm7, $0x0, v17;
	v4 =	vnsel vm11, $0x0, v16  }
.LBB2_21:
0x67f: {  	v56 =	vadd.s32 v39, v15  }
0x680: {  	v58 =	vadd.s32 v40, v13;
	[tilespmem:s1+$0xFFFFFF90] =	vst v56  }
0x681: {  	v9 =	vmin.u32 v9, $0x708;
	v6 =	vadd.s32 v36, v14;
	[tilespmem:s1+$0xFFFFFFA0] =	vst v58  }
0x682: {  	v7 =	vmin.u32 v7, $0x708;
	v61 =	vadd.s32 v37, v9;
	[tilespmem:s1+$0xFFFFFF80] =	vst v6  }
0x683: {  	v5 =	vmin.u32 v5, $0x708;
	v62 =	vadd.s32 v35, v7;
	[tilespmem:s24+$0xFFFFFFF0] =	vst v61  }
0x684: {  	v3 =	vmin.u32 v3, $0x708;
	v5 =	vadd.s32 v29, v5;
	[tilespmem:s24+$0x0] =	vst v62  }
0x685: {  	v4 =	vmin.u32 v4, $0x708;
	v3 =	vadd.s32 v27, v3;
	[tilespmem:s24+$0x10] =	vst v5  }
0x686: {  	v2 =	vmin.u32 v2, $0x708;
	v63 =	vadd.s32 v26, v4;
	[tilespmem:s24+$0x20] =	vst v3  }
0x687: {  	v1 =	vmin.u32 v1, $0x708;
	v2 =	vadd.s32 v25, v2;
	[tilespmem:s24+$0x30] =	vst v63  }
0x688: {  	v0 =	vmin.u32 v0, $0x708;
	v1 =	vadd.s32 v24, v1;
	[tilespmem:s24+$0x40] =	vst v2  }
0x689: {  	v11 =	vmin.u32 v11, $0x708;
	v0 =	vadd.s32 v23, v0;
	[tilespmem:s24+$0x50] =	vst v1  }
0x68a: {  	v10 =	vmin.u32 v10, $0x708;
	v60 =	vadd.s32 v20, v11;
	[tilespmem:s24+$0x60] =	vst v0  }
0x68b: {  	v57 =	vmin.u32 v12, $0x708;
	v10 =	vadd.s32 v19, v10;
	[tilespmem:s1+$0xFFFFFFD0] =	vst v60  }
0x68c: {  	v59 =	vmin.u32 v8, $0x708;
	s10 =	sshll.u32 s14, $0xC;
	v6 =	vadd.s32 v18, v57;
	[tilespmem:s1+$0xFFFFFFC0] =	vst v10  }
0x68d: {  	[tilespmem:s1+$0xFFFFFFB0] =	vst v6;
	v6 =	vadd.s32 v38, v59;
	s1 =	sshra.s32 s10, $0x2  }
0x68e: {  	[tilespmem:s24+$0xFFFFFFE0] =	vst v6;
	s6 =	sadd.s32 $0xA000, s1  }
0x68f: {  	[spmem:s4] =	stream.indirect.scatter.add.f32 [tilespmem:s19], [sflag:$0x4], $0x1, s6, s18, $0xb8;
	[tilespmem:$0x13890] =	vst v63  }
0x690: {  	s31 =	sadd.s32 $0xA080, s1  }
0x691: {  	[spmem:s4] =	stream.indirect.scatter.add.f32 [tilespmem:s19], [sflag:$0x4], $0x1, s31, s18, $0xb8;
	[tilespmem:$0x13890] =	vst v63  }
0x692: {  	s7 =	sadd.s32 $0xA100, s1  }
0x693: {  	[spmem:s4] =	stream.indirect.scatter.add.f32 [tilespmem:s19], [sflag:$0x4], $0x1, s7, s18, $0xb8;
	[tilespmem:$0x13890] =	vst v63  }
0x694: {  	s9 =	sadd.s32 $0xA180, s1  }
0x695: {  	[spmem:s4] =	stream.indirect.scatter.add.f32 [tilespmem:s19], [sflag:$0x4], $0x1, s9, s18, $0xb8;
	[tilespmem:$0x13890] =	vst v63  }
0x696: {  	s14 =	sadd.s32 $0x1, s14;
	s10 =	sadd.s32 $0xA200, s1  }
0x697: {  	[spmem:s4] =	stream.indirect.scatter.add.f32 [tilespmem:s19], [sflag:$0x4], $0x1, s10, s18, $0xb8;
	[tilespmem:$0x13890] =	vst v63  }
0x698: {  	p3 =	sne.s32 s14, $0x6;
	s24 =	sadd.s32 $0xA280, s1  }
0x699: {  	[spmem:s4] =	stream.indirect.scatter.add.f32 [tilespmem:s19], [sflag:$0x4], $0x1, s24, s18, $0xb8;
	[tilespmem:$0x13890] =	vst v63  }
.Ltmp11:
0x69a: {  	_ = 	snop;
	(pc) =	sbr.rel @p3 .LBB2_19-.Ltmp11, $4  }
0x69b: {  	s29 =	sadd.s32 $0x400, s29;
	s31 =	sadd.s32 $0xA300, s1  }
0x69c: {  	[spmem:s4] =	stream.indirect.scatter.add.f32 [tilespmem:s19], [sflag:$0x4], $0x1, s31, s18, $0xb8;
	[tilespmem:$0x13890] =	vst v63  }
0x69d: {  	s30 =	sadd.s32 $0x400, s30;
	s3 =	sadd.s32 $0x400, s3;
	s1 =	sadd.s32 $0xA380, s1  }
0x69e: {  	[spmem:s4] =	stream.indirect.scatter.add.f32 [tilespmem:s19], [sflag:$0x4], $0x1, s1, s18, $0xb8;
	[tilespmem:$0x13890] =	vst v63  }
0x69f: {  	s1 =	simm.s32 $0x58F0  }
0x6a0: {  	v0 =	vld [tilespmem:s1+$0x0]  }
0x6a1: {  	v1 =	vld [tilespmem:s1+$0xFFFFFF20]  }
0x6a2: {  	v3 =	vld [tilespmem:s1+$0xFFFFFF40]  }
0x6a3: {  	v4 =	vld [tilespmem:s1+$0xFFFFFF50]  }
0x6a4: {  	v5 =	vld [tilespmem:s1+$0xFFFFFF60]  }
0x6a5: {  	v6 =	vld [tilespmem:s1+$0xFFFFFF70]  }
0x6a6: {  	v10 =	vld [tilespmem:s1+$0xFFFFFFB0]  }
0x6a7: {  	v2 =	vld [tilespmem:s1+$0xFFFFFF30]  }
0x6a8: {  	v7 =	vld [tilespmem:s1+$0xFFFFFFA0];
	v0 =	vmax.f32 v0, $0.0e+00  }
0x6a9: {  	v1 =	vmax.f32 v1, $0.0e+00;
	v3 =	vmax.f32 v3, $0.0e+00;
	v4 =	vmax.f32 v4, $0.0e+00  }
0x6aa: {  	v5 =	vmax.f32 v5, $0.0e+00;
	v6 =	vmax.f32 v6, $0.0e+00;
	v28 =	vmin.f32 v1, $9.999989860e-01;
	v1 =	vld [tilespmem:s1+$0xFFFFFF80]  }
0x6ab: {  	v10 =	vmax.f32 v10, $0.0e+00;
	v21 =	vmin.f32 v0, $9.999989860e-01;
	v25 =	vmin.f32 v3, $9.999989860e-01;
	v3 =	vld [tilespmem:s1+$0xFFFFFFD0]  }
0x6ac: {  	v0 =	vmax.f32 v2, $0.0e+00;
	v22 =	vmin.f32 v4, $9.999989860e-01;
	v24 =	vmin.f32 v5, $9.999989860e-01;
	v5 =	vld [tilespmem:s1+$0xFFFFFFF0]  }
0x6ad: {  	v23 =	vmin.f32 v6, $9.999989860e-01;
	v6 =	vmax.f32 v7, $0.0e+00;
	v7 =	vld [tilespmem:s1+$0xFFFFFF10];
	v34 =	vsub.f32 $1.000000000e+00, v21  }
0x6ae: {  	v17 =	vmin.f32 v10, $9.999989860e-01;
	v29 =	vmin.f32 v0, $9.999989860e-01;
	v0 =	vld [tilespmem:s1+$0xFFFFFF90];
	v9 =	vmul.f32 $7.233541010e-01, v21  }
0x6af: {  	v11 =	vld [tilespmem:s1+$0xFFFFFFC0];
	v2 =	vsub.f32 $1.000000000e+00, v28;
	v14 =	vmul.f32 $5.000000000e-01, v34;
	v8 =	vshra.s32 v34, $0x1  }
0x6b0: {  	v16 =	vmin.f32 v6, $9.999989860e-01;
	v9 =	vsub.f32 $3.821680070e+00, v9;
	v8 =	vsub.s32 $0x5F3759DF, v8  }
0x6b1: {  	v31 =	vmul.f32 $5.000000000e-01, v2;
	v12 =	vmul.f32 v8, v14;
	v1 =	vmax.f32 v1, $0.0e+00  }
0x6b2: {  	v9 =	vmul.f32 v9, v21;
	v10 =	vmax.f32 v5, $0.0e+00;
	v7 =	vmax.f32 v7, $0.0e+00  }
0x6b3: {  	v0 =	vmax.f32 v0, $0.0e+00;
	v27 =	vmin.f32 v1, $9.999989860e-01;
	v1 =	vmax.f32 v3, $0.0e+00  }
0x6b4: {  	v13 =	vld [tilespmem:s1+$0xFFFFFFE0];
	v3 =	vmin.f32 v10, $9.999989860e-01;
	v10 =	vsub.f32 $1.000000000e+00, v22;
	v4 =	vmul.f32 v8, v12  }
0x6b5: {  	v30 =	vmin.f32 v7, $9.999989860e-01;
	v26 =	vmin.f32 v0, $9.999989860e-01;
	v0 =	vmax.f32 v11, $0.0e+00  }
0x6b6: {  	v44 =	vmul.f32 $5.000000000e-01, v10;
	v49 =	vshra.s32 v10, $0x1;
	v4 =	vsub.f32 $1.500000000e+00, v4  }
0x6b7: {  	v9 =	vadd.f32 $-9.790774340e+00, v9;
	v5 =	vmin.f32 v0, $9.999989860e-01;
	v49 =	vsub.s32 $0x5F3759DF, v49  }
0x6b8: {  	[tilespmem:$0x1EF70] =	vst v2;
	v0 =	vmovc v2;
	v2 =	vsub.f32 $1.000000000e+00, v29;
	v62 =	vmul.f32 v49, v44;
	v11 =	vmul.f32 v8, v4  }
0x6b9: {  	v8 =	vmul.f32 v9, v21;
	v9 =	vmax.f32 v13, $0.0e+00;
	v4 =	vmin.f32 v1, $9.999989860e-01  }
0x6ba: {  	v1 =	vsub.f32 $1.000000000e+00, v30;
	v46 =	vshra.s32 v0, $0x1;
	v7 =	vmin.f32 v9, $9.999989860e-01  }
0x6bb: {  	v9 =	vsub.f32 $1.000000000e+00, v25;
	v33 =	vmul.f32 $5.000000000e-01, v2;
	v19 =	vsub.f32 $1.000000000e+00, v4  }
0x6bc: {  	v47 =	vshra.s32 v2, $0x1;
	v46 =	vsub.s32 $0x5F3759DF, v46;
	v62 =	vmul.f32 v49, v62  }
0x6bd: {  	v6 =	vmul.f32 v11, v14;
	v8 =	vadd.f32 $1.769974330e+01, v8;
	v32 =	vmul.f32 $5.000000000e-01, v1  }
0x6be: {  	v45 =	vshra.s32 v1, $0x1;
	v47 =	vsub.s32 $0x5F3759DF, v47;
	v59 =	vmul.f32 v46, v31  }
0x6bf: {  	v39 =	vmul.f32 $5.000000000e-01, v9;
	v48 =	vshra.s32 v9, $0x1;
	v41 =	vmul.f32 $5.000000000e-01, v19  }
0x6c0: {  	v57 =	vshra.s32 v19, $0x1;
	v45 =	vsub.s32 $0x5F3759DF, v45;
	v60 =	vmul.f32 v47, v33  }
0x6c1: {  	v62 =	vsub.f32 $1.500000000e+00, v62;
	v12 =	vmul.f32 v6, v11;
	v8 =	vmul.f32 v8, v21  }
0x6c2: {  	v6 =	vsub.f32 $1.000000000e+00, v16;
	v58 =	vmul.f32 v45, v32;
	v48 =	vsub.s32 $0x5F3759DF, v48  }
0x6c3: {  	v59 =	vmul.f32 v46, v59;
	v57 =	vsub.s32 $0x5F3759DF, v57;
	v61 =	vmul.f32 v48, v39  }
0x6c4: {  	v60 =	vmul.f32 v47, v60;
	v49 =	vmul.f32 v49, v62;
	v12 =	vsub.f32 $1.500000000e+00, v12  }
0x6c5: {  	v0 =	vmul.f32 v57, v41;
	v13 =	vadd.f32 $-2.874775890e+01, v8;
	v8 =	vsub.f32 $1.000000000e+00, v17  }
0x6c6: {  	v54 =	vshra.s32 v6, $0x1;
	v58 =	vmul.f32 v45, v58;
	v59 =	vsub.f32 $1.500000000e+00, v59  }
0x6c7: {  	v61 =	vmul.f32 v48, v61;
	v60 =	vsub.f32 $1.500000000e+00, v60;
	v0 =	vmul.f32 v57, v0  }
0x6c8: {  	v35 =	vmul.f32 v12, v11;
	v15 =	vmul.f32 v13, v21;
	v11 =	vsub.f32 $1.000000000e+00, v24  }
0x6c9: {  	v12 =	vsub.f32 $1.000000000e+00, v23;
	v13 =	vsub.f32 $1.000000000e+00, v27;
	v42 =	vmul.f32 $5.000000000e-01, v8  }
0x6ca: {  	v55 =	vshra.s32 v8, $0x1;
	v58 =	vsub.f32 $1.500000000e+00, v58;
	v46 =	vmul.f32 v46, v59  }
0x6cb: {  	v61 =	vsub.f32 $1.500000000e+00, v61;
	v47 =	vmul.f32 v47, v60;
	v55 =	vsub.s32 $0x5F3759DF, v55  }
0x6cc: {  	v0 =	vsub.f32 $1.500000000e+00, v0;
	v14 =	vmul.f32 v35, v14;
	v18 =	vadd.f32 $5.098120500e+01, v15  }
0x6cd: {  	v15 =	vsub.f32 $1.000000000e+00, v26;
	v50 =	vshra.s32 v11, $0x1;
	v58 =	vmul.f32 v45, v58  }
0x6ce: {  	v51 =	vshra.s32 v12, $0x1;
	v62 =	vmul.f32 v55, v42;
	v48 =	vmul.f32 v48, v61  }
0x6cf: {  	[tilespmem:$0x1EF80] =	vst v2;
	v50 =	vsub.s32 $0x5F3759DF, v50;
	v2 =	vmul.f32 v57, v0;
	v0 =	vmul.f32 v47, v33  }
0x6d0: {  	v14 =	vmul.f32 v14, v35;
	v20 =	vmul.f32 v18, v21;
	v18 =	vsub.f32 $1.000000000e+00, v5  }
0x6d1: {  	v53 =	vshra.s32 v15, $0x1;
	v62 =	vmul.f32 v55, v62;
	v57 =	vmul.f32 v58, v32  }
0x6d2: {  	[tilespmem:$0x1EF60] =	vst v1;
	v1 =	vmul.f32 v48, v39;
	v0 =	vmul.f32 v0, v47;
	v36 =	vsub.f32 $1.500000000e+00, v14  }
0x6d3: {  	v37 =	vadd.f32 $-1.229560550e+02, v20;
	v43 =	vmul.f32 $5.000000000e-01, v18;
	v57 =	vmul.f32 v57, v58  }
0x6d4: {  	v20 =	vsub.f32 $1.000000000e+00, v7;
	v1 =	vmul.f32 v1, v48;
	v36 =	vmul.f32 v36, v35  }
0x6d5: {  	v0 =	vsub.f32 $1.500000000e+00, v0;
	v21 =	vmul.f32 v37, v21;
	v35 =	vmul.f32 $5.000000000e-01, v11  }
0x6d6: {  	v53 =	vsub.s32 $0x5F3759DF, v53;
	v37 =	vmul.f32 $5.000000000e-01, v15;
	v40 =	vmul.f32 $5.000000000e-01, v20  }
0x6d7: {  	v57 =	vsub.f32 $1.500000000e+00, v57;
	v0 =	vmul.f32 v0, v47;
	v38 =	vmul.f32 v36, v34  }
0x6d8: {  	v1 =	vsub.f32 $1.500000000e+00, v1;
	v34 =	vmul.f32 $5.000000000e-01, v12;
	v36 =	vmul.f32 $5.000000000e-01, v13  }
0x6d9: {  	v21 =	vadd.f32 $9.000000000e+02, v21;
	v63 =	vmul.f32 v50, v35;
	v60 =	vmul.f32 v53, v37  }
0x6da: {  	v52 =	vshra.s32 v13, $0x1;
	v57 =	vmul.f32 v57, v58;
	v1 =	vmul.f32 v1, v48  }
0x6db: {  	v51 =	vsub.s32 $0x5F3759DF, v51;
	v33 =	vmul.f32 v0, v33;
	v21 =	vmul.f32 v38, v21  }
0x6dc: {  	v52 =	vsub.s32 $0x5F3759DF, v52;
	v38 =	vmul.f32 $5.000000000e-01, v6;
	v45 =	vmul.f32 v51, v34  }
0x6dd: {  	v54 =	vsub.s32 $0x5F3759DF, v54;
	v59 =	vmul.f32 v52, v36;
	v63 =	vmul.f32 v50, v63  }
0x6de: {  	v56 =	vshra.s32 v18, $0x1;
	v60 =	vmul.f32 v53, v60;
	v32 =	vmul.f32 v57, v32  }
0x6df: {  	v56 =	vsub.s32 $0x5F3759DF, v56;
	v39 =	vmul.f32 v1, v39;
	v33 =	vmul.f32 v33, v0  }
0x6e0: {  	v61 =	vmul.f32 v54, v38;
	v45 =	vmul.f32 v51, v45;
	v63 =	vsub.f32 $1.500000000e+00, v63  }
0x6e1: {  	v59 =	vmul.f32 v52, v59;
	v60 =	vsub.f32 $1.500000000e+00, v60;
	v32 =	vmul.f32 v32, v57  }
0x6e2: {  	v39 =	vmul.f32 v39, v1;
	v45 =	vsub.f32 $1.500000000e+00, v45;
	v50 =	vmul.f32 v50, v63  }
0x6e3: {  	v59 =	vsub.f32 $1.500000000e+00, v59;
	v63 =	vmul.f32 v56, v43;
	v61 =	vmul.f32 v54, v61  }
0x6e4: {  	v14 =	vsub.f32 $1.000000000e+00, v3;
	v53 =	vmul.f32 v53, v60;
	v51 =	vmul.f32 v51, v45  }
0x6e5: {  	v60 =	vsub.f32 $1.500000000e+00, v62;
	v52 =	vmul.f32 v52, v59;
	v63 =	vmul.f32 v56, v63  }
0x6e6: {  	v59 =	vshra.s32 v20, $0x1;
	v61 =	vsub.f32 $1.500000000e+00, v61;
	v45 =	vmul.f32 $5.000000000e-01, v14  }
0x6e7: {  	v55 =	vmul.f32 v55, v60;
	v59 =	vsub.s32 $0x5F3759DF, v59;
	v62 =	vsub.f32 $1.500000000e+00, v63  }
0x6e8: {  	v54 =	vmul.f32 v54, v61;
	v61 =	vshra.s32 v14, $0x1;
	v60 =	vmul.f32 v59, v40  }
0x6e9: {  	v63 =	vmul.f32 v46, v31;
	v48 =	vmul.f32 v51, v34;
	v61 =	vsub.s32 $0x5F3759DF, v61  }
0x6ea: {  	v21 =	vadd.f32 $5.000000000e-01, v21;
	v56 =	vmul.f32 v56, v62;
	v62 =	vmul.f32 v61, v45  }
0x6eb: {  	v60 =	vmul.f32 v59, v60;
	v63 =	vmul.f32 v63, v46  }
0x6ec: {  	v33 =	vsub.f32 $1.500000000e+00, v33;
	v21 =	vtrunc.f32 v21;
	v48 =	vmul.f32 v48, v51  }
0x6ed: {  	v62 =	vmul.f32 v61, v62;
	v60 =	vsub.f32 $1.500000000e+00, v60;
	v63 =	vsub.f32 $1.500000000e+00, v63  }
0x6ee: {  	v33 =	vmul.f32 v33, v0;
	v21 =	vcvt.f32.s32 v21;
	v48 =	vsub.f32 $1.500000000e+00, v48  }
0x6ef: {  	v62 =	vsub.f32 $1.500000000e+00, v62;
	v59 =	vmul.f32 v59, v60;
	v46 =	vmul.f32 v63, v46  }
0x6f0: {  	v63 =	vmul.f32 v50, v35;
	v48 =	vmul.f32 v48, v51  }
0x6f1: {  	v60 =	vmul.f32 v61, v62;
	v62 =	vmul.f32 v49, v44  }
0x6f2: {  	v47 =	vmul.f32 v63, v50;
	v61 =	vmul.f32 v52, v36  }
0x6f3: {  	v63 =	vmul.f32 v54, v38;
	v58 =	vmul.f32 v62, v49  }
0x6f4: {  	v62 =	vmul.f32 v53, v37;
	v61 =	vmul.f32 v61, v52  }
0x6f5: {  	v47 =	vsub.f32 $1.500000000e+00, v47;
	v51 =	vmul.f32 v63, v54;
	v58 =	vsub.f32 $1.500000000e+00, v58  }
0x6f6: {  	v31 =	vmul.f32 v46, v31;
	v62 =	vmul.f32 v62, v53;
	v61 =	vsub.f32 $1.500000000e+00, v61  }
0x6f7: {  	v47 =	vmul.f32 v47, v50;
	v51 =	vsub.f32 $1.500000000e+00, v51;
	v49 =	vmul.f32 v58, v49  }
0x6f8: {  	v50 =	vmul.f32 v61, v52;
	v61 =	vmul.f32 v55, v42  }
0x6f9: {  	v58 =	vmul.f32 v56, v43;
	v51 =	vmul.f32 v51, v54  }
0x6fa: {  	v63 =	vsub.f32 $1.500000000e+00, v62;
	v54 =	vmul.f32 v59, v40;
	v62 =	vmul.f32 v60, v45  }
0x6fb: {  	v35 =	vmul.f32 v47, v35;
	v52 =	vmul.f32 v61, v55  }
0x6fc: {  	v53 =	vmul.f32 v63, v53;
	v61 =	vmul.f32 v2, v41  }
0x6fd: {  	v58 =	vmul.f32 v58, v56;
	v54 =	vmul.f32 v54, v59;
	v52 =	vsub.f32 $1.500000000e+00, v52  }
0x6fe: {  	v32 =	vsub.f32 $1.500000000e+00, v32;
	v63 =	vmul.f32 v31, v46;
	v61 =	vmul.f32 v61, v2  }
0x6ff: {  	v35 =	vmul.f32 v35, v47;
	v54 =	vsub.f32 $1.500000000e+00, v54;
	v52 =	vmul.f32 v52, v55  }
0x700: {  	v55 =	vsub.f32 $1.500000000e+00, v58;
	v58 =	vsub.f32 $1.500000000e+00, v61;
	v61 =	vmul.f32 v62, v60  }
0x701: {  	v54 =	vmul.f32 v54, v59;
	v59 =	vmul.f32 v49, v44  }
0x702: {  	v31 =	vmul.f32 v32, v57;
	v57 =	vsub.f32 $1.500000000e+00, v35;
	v55 =	vmul.f32 v55, v56  }
0x703: {  	v2 =	vmul.f32 v58, v2;
	v62 =	vsub.f32 $1.500000000e+00, v61;
	v61 =	vmul.f32 v59, v49  }
0x704: {  	v58 =	vmul.f32 $7.233541010e-01, v28;
	v59 =	vmul.f32 v50, v36  }
0x705: {  	v0 =	vsub.f32 $1.500000000e+00, v39;
	v36 =	vmul.f32 v57, v47;
	v42 =	vmul.f32 v52, v42  }
0x706: {  	v40 =	vmul.f32 v54, v40;
	v56 =	vmul.f32 v62, v60  }
0x707: {  	v60 =	vsub.f32 $1.500000000e+00, v63;
	v62 =	vmul.f32 v48, v34;
	v34 =	vmul.f32 v0, v1  }
0x708: {  	v63 =	vsub.f32 $1.500000000e+00, v61;
	v0 =	vmul.f32 $7.233541010e-01, v30;
	v61 =	vmul.f32 $7.233541010e-01, v29  }
0x709: {  	v43 =	vmul.f32 v55, v43;
	v11 =	vmul.f32 v36, v11  }
0x70a: {  	v32 =	vmul.f32 v60, v46;
	v1 =	vmul.f32 v62, v48  }
0x70b: {  	v35 =	vmul.f32 v63, v49;
	v60 =	vmul.f32 v53, v37  }
0x70c: {  	v46 =	vmul.f32 v59, v50;
	v63 =	vmul.f32 v51, v38  }
0x70d: {  	v0 =	vsub.f32 $3.821680070e+00, v0;
	v43 =	vmul.f32 v43, v55;
	v45 =	vmul.f32 v56, v45  }
0x70e: {  	v39 =	vsub.f32 $3.821680070e+00, v61;
	v9 =	vmul.f32 v34, v9;
	v62 =	vmul.f32 v60, v53  }
0x70f: {  	v1 =	vsub.f32 $1.500000000e+00, v1;
	v0 =	vmul.f32 v0, v30;
	v49 =	vmul.f32 v63, v51  }
0x710: {  	v46 =	vsub.f32 $1.500000000e+00, v46;
	v60 =	vmul.f32 v40, v54;
	v45 =	vmul.f32 v45, v56  }
0x711: {  	v43 =	vsub.f32 $1.500000000e+00, v43;
	v10 =	vmul.f32 v35, v10;
	v37 =	vmul.f32 v1, v48  }
0x712: {  	v1 =	vsub.f32 $3.821680070e+00, v58;
	v44 =	vsub.f32 $1.500000000e+00, v62;
	v38 =	vmul.f32 v46, v50  }
0x713: {  	v48 =	vmul.f32 v39, v29;
	v0 =	vadd.f32 $-9.790774340e+00, v0;
	v50 =	vmul.f32 v42, v52  }
0x714: {  	v58 =	vmul.f32 v2, v41;
	v43 =	vmul.f32 v43, v55;
	v62 =	vsub.f32 $1.500000000e+00, v60  }
0x715: {  	v63 =	vsub.f32 $1.500000000e+00, v45;
	v60 =	vmul.f32 $7.233541010e-01, v3;
	v1 =	vmul.f32 v1, v28  }
0x716: {  	v39 =	vmul.f32 v44, v53;
	v0 =	vmul.f32 v0, v30  }
0x717: {  	v46 =	vadd.f32 $-9.790774340e+00, v48;
	v59 =	vmul.f32 v58, v2;
	v55 =	vmul.f32 v63, v56  }
0x718: {  	v44 =	vsub.f32 $1.500000000e+00, v49;
	v56 =	vmul.f32 $7.233541010e-01, v24;
	v58 =	vmul.f32 $7.233541010e-01, v17  }
0x719: {  	v57 =	vsub.f32 $1.500000000e+00, v50;
	v12 =	vmul.f32 v37, v12;
	v13 =	vmul.f32 v38, v13  }
0x71a: {  	vm0 =	vgt.s32 v21, $0x0;
	v18 =	vmul.f32 v43, v18;
	v46 =	vmul.f32 v46, v29  }
0x71b: {  	v1 =	vadd.f32 $-9.790774340e+00, v1;
	v42 =	vmul.f32 v44, v51;
	v41 =	vmul.f32 v57, v52  }
0x71c: {  	v0 =	vadd.f32 $1.769974330e+01, v0;
	v52 =	vmul.f32 v62, v54;
	v57 =	vmul.f32 $7.233541010e-01, v26  }
0x71d: {  	v47 =	vsub.f32 $3.821680070e+00, v56;
	v15 =	vmul.f32 v39, v15;
	v14 =	vmul.f32 v55, v14  }
0x71e: {  	v1 =	vmul.f32 v1, v28;
	v53 =	vadd.f32 $1.769974330e+01, v46;
	v0 =	vmul.f32 v0, v30  }
0x71f: {  	v46 =	vsub.f32 $1.500000000e+00, v59;
	v47 =	vmul.f32 v47, v24;
	v59 =	vmul.f32 $7.233541010e-01, v5  }
0x720: {  	v21 =	vnsel vm0, $0x0, v21;
	v6 =	vmul.f32 v42, v6;
	v8 =	vmul.f32 v41, v8  }
0x721: {  	v20 =	vmul.f32 v52, v20;
	v1 =	vadd.f32 $1.769974330e+01, v1;
	v44 =	vmul.f32 v53, v29  }
0x722: {  	v0 =	vadd.f32 $-2.874775890e+01, v0;
	v61 =	vmul.f32 v46, v2;
	v2 =	vmul.f32 $7.233541010e-01, v25  }
0x723: {  	v53 =	vmul.f32 $7.233541010e-01, v22;
	v47 =	vadd.f32 $-9.790774340e+00, v47;
	v1 =	vmul.f32 v1, v28  }
0x724: {  	v44 =	vadd.f32 $-2.874775890e+01, v44;
	v0 =	vmul.f32 v0, v30;
	v2 =	vsub.f32 $3.821680070e+00, v2  }
0x725: {  	v46 =	vsub.f32 $3.821680070e+00, v53;
	v47 =	vmul.f32 v47, v24;
	v19 =	vmul.f32 v61, v19  }
0x726: {  	v1 =	vadd.f32 $-2.874775890e+01, v1;
	v44 =	vmul.f32 v44, v29;
	v0 =	vadd.f32 $5.098120500e+01, v0  }
0x727: {  	v2 =	vmul.f32 v2, v25;
	v46 =	vmul.f32 v46, v22;
	v47 =	vadd.f32 $1.769974330e+01, v47  }
0x728: {  	v1 =	vmul.f32 v1, v28;
	v0 =	vmul.f32 v0, v30;
	v44 =	vadd.f32 $5.098120500e+01, v44  }
0x729: {  	v2 =	vadd.f32 $-9.790774340e+00, v2;
	v46 =	vadd.f32 $-9.790774340e+00, v46;
	v47 =	vmul.f32 v47, v24  }
0x72a: {  	v1 =	vadd.f32 $5.098120500e+01, v1;
	v0 =	vadd.f32 $-1.229560550e+02, v0;
	v54 =	vmul.f32 v44, v29  }
0x72b: {  	v2 =	vmul.f32 v2, v25;
	v46 =	vmul.f32 v46, v22;
	v47 =	vadd.f32 $-2.874775890e+01, v47  }
0x72c: {  	v1 =	vmul.f32 v1, v28;
	v30 =	vmul.f32 v0, v30;
	v48 =	vadd.f32 $-1.229560550e+02, v54  }
0x72d: {  	v0 =	vmul.f32 $7.233541010e-01, v23;
	v2 =	vadd.f32 $1.769974330e+01, v2;
	v46 =	vadd.f32 $1.769974330e+01, v46  }
0x72e: {  	v47 =	vmul.f32 v47, v24;
	v1 =	vadd.f32 $-1.229560550e+02, v1;
	v29 =	vmul.f32 v48, v29  }
0x72f: {  	v0 =	vsub.f32 $3.821680070e+00, v0;
	v48 =	vsub.f32 $3.821680070e+00, v57;
	v2 =	vmul.f32 v2, v25  }
0x730: {  	v46 =	vmul.f32 v46, v22;
	v47 =	vadd.f32 $5.098120500e+01, v47;
	v28 =	vmul.f32 v1, v28  }
0x731: {  	v30 =	vadd.f32 $9.000000000e+02, v30;
	v1 =	vmul.f32 $7.233541010e-01, v27;
	v0 =	vmul.f32 v0, v23  }
0x732: {  	v48 =	vmul.f32 v48, v26;
	v2 =	vadd.f32 $-2.874775890e+01, v2;
	v46 =	vadd.f32 $-2.874775890e+01, v46  }
0x733: {  	v47 =	vmul.f32 v47, v24;
	v29 =	vadd.f32 $9.000000000e+02, v29;
	v1 =	vsub.f32 $3.821680070e+00, v1  }
0x734: {  	v0 =	vadd.f32 $-9.790774340e+00, v0;
	v48 =	vadd.f32 $-9.790774340e+00, v48;
	v2 =	vmul.f32 v2, v25  }
0x735: {  	v46 =	vmul.f32 v46, v22;
	v47 =	vadd.f32 $-1.229560550e+02, v47;
	v1 =	vmul.f32 v1, v27  }
0x736: {  	v0 =	vmul.f32 v0, v23;
	v48 =	vmul.f32 v48, v26;
	v2 =	vadd.f32 $5.098120500e+01, v2  }
0x737: {  	v46 =	vadd.f32 $5.098120500e+01, v46;
	v24 =	vmul.f32 v47, v24;
	v47 =	vsub.f32 $3.821680070e+00, v59  }
0x738: {  	v1 =	vadd.f32 $-9.790774340e+00, v1;
	v0 =	vadd.f32 $1.769974330e+01, v0;
	v2 =	vmul.f32 v2, v25  }
0x739: {  	v48 =	vadd.f32 $1.769974330e+01, v48;
	v46 =	vmul.f32 v46, v22;
	v47 =	vmul.f32 v47, v5  }
0x73a: {  	v24 =	vadd.f32 $9.000000000e+02, v24;
	v1 =	vmul.f32 v1, v27;
	v0 =	vmul.f32 v0, v23  }
0x73b: {  	v48 =	vmul.f32 v48, v26;
	v2 =	vadd.f32 $-1.229560550e+02, v2;
	v46 =	vadd.f32 $-1.229560550e+02, v46  }
0x73c: {  	v47 =	vadd.f32 $-9.790774340e+00, v47;
	v11 =	vmul.f32 v11, v24;
	v1 =	vadd.f32 $1.769974330e+01, v1  }
0x73d: {  	v0 =	vadd.f32 $-2.874775890e+01, v0;
	v48 =	vadd.f32 $-2.874775890e+01, v48;
	v2 =	vmul.f32 v2, v25  }
0x73e: {  	v25 =	vmul.f32 $7.233541010e-01, v16;
	v22 =	vmul.f32 v46, v22;
	v46 =	vsub.f32 $3.821680070e+00, v58  }
0x73f: {  	v47 =	vmul.f32 v47, v5;
	v11 =	vadd.f32 $5.000000000e-01, v11;
	v1 =	vmul.f32 v1, v27  }
0x740: {  	v0 =	vmul.f32 v0, v23;
	v48 =	vmul.f32 v48, v26;
	v25 =	vsub.f32 $3.821680070e+00, v25  }
0x741: {  	v46 =	vmul.f32 v46, v17;
	v47 =	vadd.f32 $1.769974330e+01, v47;
	v2 =	vadd.f32 $9.000000000e+02, v2  }
0x742: {  	v22 =	vadd.f32 $9.000000000e+02, v22;
	v11 =	vtrunc.f32 v11;
	v1 =	vadd.f32 $-2.874775890e+01, v1  }
0x743: {  	v0 =	vadd.f32 $5.098120500e+01, v0;
	v25 =	vmul.f32 v25, v16;
	v47 =	vmul.f32 v47, v5  }
0x744: {  	v48 =	vadd.f32 $5.098120500e+01, v48;
	v2 =	vmul.f32 v9, v2;
	v9 =	vmul.f32 v10, v22  }
0x745: {  	v46 =	vadd.f32 $-9.790774340e+00, v46;
	v1 =	vmul.f32 v1, v27;
	v0 =	vmul.f32 v0, v23  }
0x746: {  	v48 =	vmul.f32 v48, v26;
	v25 =	vadd.f32 $-9.790774340e+00, v25;
	v47 =	vadd.f32 $-2.874775890e+01, v47  }
0x747: {  	v46 =	vmul.f32 v46, v17;
	v2 =	vadd.f32 $5.000000000e-01, v2;
	v9 =	vadd.f32 $5.000000000e-01, v9  }
0x748: {  	v1 =	vadd.f32 $5.098120500e+01, v1;
	v25 =	vmul.f32 v25, v16;
	v47 =	vmul.f32 v47, v5  }
0x749: {  	v0 =	vadd.f32 $-1.229560550e+02, v0;
	v2 =	vtrunc.f32 v2;
	v9 =	vtrunc.f32 v9  }
0x74a: {  	v48 =	vadd.f32 $-1.229560550e+02, v48;
	v2 =	vcvt.f32.s32 v2;
	v9 =	vcvt.f32.s32 v9  }
0x74b: {  	v46 =	vadd.f32 $1.769974330e+01, v46;
	v1 =	vmul.f32 v1, v27;
	v0 =	vmul.f32 v0, v23  }
0x74c: {  	v28 =	vadd.f32 $9.000000000e+02, v28;
	v23 =	vmul.f32 $7.233541010e-01, v4;
	v26 =	vmul.f32 v48, v26  }
0x74d: {  	v48 =	vsub.f32 $3.821680070e+00, v60;
	v25 =	vadd.f32 $1.769974330e+01, v25;
	v46 =	vmul.f32 v46, v17  }
0x74e: {  	v47 =	vadd.f32 $5.098120500e+01, v47;
	vm3 =	vgt.s32 v2, $0x0;
	vm4 =	vgt.s32 v9, $0x0  }
0x74f: {  	v1 =	vadd.f32 $-1.229560550e+02, v1;
	v23 =	vsub.f32 $3.821680070e+00, v23;
	v48 =	vmul.f32 v48, v3  }
0x750: {  	v25 =	vmul.f32 v25, v16;
	v46 =	vadd.f32 $-2.874775890e+01, v46;
	v47 =	vmul.f32 v47, v5  }
0x751: {  	v0 =	vadd.f32 $9.000000000e+02, v0;
	v26 =	vadd.f32 $9.000000000e+02, v26;
	v1 =	vmul.f32 v1, v27  }
0x752: {  	v27 =	vmul.f32 $7.233541010e-01, v7;
	v23 =	vmul.f32 v23, v4;
	v48 =	vadd.f32 $-9.790774340e+00, v48  }
0x753: {  	v25 =	vadd.f32 $-2.874775890e+01, v25;
	v46 =	vmul.f32 v46, v17;
	v47 =	vadd.f32 $-1.229560550e+02, v47  }
0x754: {  	v0 =	vmul.f32 v12, v0;
	v27 =	vsub.f32 $3.821680070e+00, v27;
	v23 =	vadd.f32 $-9.790774340e+00, v23  }
0x755: {  	v48 =	vmul.f32 v48, v3;
	v25 =	vmul.f32 v25, v16;
	v46 =	vadd.f32 $5.098120500e+01, v46  }
0x756: {  	v5 =	vmul.f32 v47, v5;
	v1 =	vadd.f32 $9.000000000e+02, v1;
	v0 =	vadd.f32 $5.000000000e-01, v0  }
0x757: {  	v27 =	vmul.f32 v27, v7;
	v23 =	vmul.f32 v23, v4;
	v48 =	vadd.f32 $1.769974330e+01, v48  }
0x758: {  	v25 =	vadd.f32 $5.098120500e+01, v25;
	v46 =	vmul.f32 v46, v17;
	v1 =	vmul.f32 v13, v1  }
0x759: {  	v5 =	vadd.f32 $9.000000000e+02, v5;
	v13 =	vmul.f32 v15, v26;
	v0 =	vtrunc.f32 v0  }
0x75a: {  	s3 =	simm.s32 $0x78F0;
	v0 =	vcvt.f32.s32 v0;
	v27 =	vadd.f32 $-9.790774340e+00, v27;
	v23 =	vadd.f32 $1.769974330e+01, v23  }
0x75b: {  	v15 =	vld [tilespmem:s3+$0x0];
	v48 =	vmul.f32 v48, v3;
	v25 =	vmul.f32 v25, v16;
	v46 =	vadd.f32 $-1.229560550e+02, v46  }
0x75c: {  	v5 =	vmul.f32 v18, v5;
	v1 =	vadd.f32 $5.000000000e-01, v1;
	v13 =	vadd.f32 $5.000000000e-01, v13  }
0x75d: {  	v26 =	vld [tilespmem:s3+$0xFFFFFF70];
	vm6 =	vgt.s32 v0, $0x0;
	v27 =	vmul.f32 v27, v7;
	v23 =	vmul.f32 v23, v4  }
0x75e: {  	v48 =	vadd.f32 $-2.874775890e+01, v48;
	v25 =	vadd.f32 $-1.229560550e+02, v25;
	v17 =	vmul.f32 v46, v17  }
0x75f: {  	v5 =	vadd.f32 $5.000000000e-01, v5;
	v1 =	vtrunc.f32 v1;
	v13 =	vtrunc.f32 v13  }
0x760: {  	v15 =	vmul.u32 $0x709, v15;
	v1 =	vcvt.f32.s32 v1;
	v27 =	vadd.f32 $1.769974330e+01, v27  }
0x761: {  	v18 =	vld [tilespmem:s3+$0xFFFFFF30];
	v13 =	vcvt.f32.s32 v13;
	v23 =	vadd.f32 $-2.874775890e+01, v23;
	v48 =	vmul.f32 v48, v3  }
0x762: {  	v39 =	vmul.u32 $0x709, v26;
	v16 =	vmul.f32 v25, v16;
	v27 =	vmul.f32 v27, v7  }
0x763: {  	v17 =	vadd.f32 $9.000000000e+02, v17;
	v5 =	vtrunc.f32 v5;
	v23 =	vmul.f32 v23, v4  }
0x764: {  	v24 =	vcvt.f32.s32 v5;
	vm7 =	vgt.s32 v1, $0x0;
	v27 =	vadd.f32 $-2.874775890e+01, v27  }
0x765: {  	vm9 =	vgt.s32 v13, $0x0;
	v16 =	vadd.f32 $9.000000000e+02, v16;
	v23 =	vadd.f32 $5.098120500e+01, v23  }
0x766: {  	v18 =	vmul.u32 $0x709, v18;
	v8 =	vmul.f32 v8, v17;
	v27 =	vmul.f32 v27, v7  }
0x767: {  	v48 =	vadd.f32 $5.098120500e+01, v48;
	v6 =	vmul.f32 v6, v16;
	v23 =	vmul.f32 v23, v4  }
0x768: {  	v8 =	vadd.f32 $5.000000000e-01, v8;
	v16 =	vmin.u32 v21, $0x708;
	v27 =	vadd.f32 $5.098120500e+01, v27  }
0x769: {  	v48 =	vmul.f32 v48, v3;
	v21 =	vld [tilespmem:s3+$0xFFFFFF50];
	v15 =	vadd.s32 v15, v16;
	v23 =	vadd.f32 $-1.229560550e+02, v23  }
0x76a: {  	v16 =	vld [tilespmem:s3+$0xFFFFFF20];
	v6 =	vadd.f32 $5.000000000e-01, v6;
	v8 =	vtrunc.f32 v8;
	v27 =	vmul.f32 v27, v7  }
0x76b: {  	vm12 =	vgt.s32 v24, $0x0;
	v22 =	vcvt.f32.s32 v8;
	v4 =	vmul.f32 v23, v4;
	v23 =	vld [tilespmem:$0x1EF60]  }
0x76c: {  	v8 =	vnsel vm6, $0x0, v0;
	v6 =	vtrunc.f32 v6;
	v25 =	vadd.f32 $-1.229560550e+02, v27  }
0x76d: {  	v6 =	vcvt.f32.s32 v6;
	vm11 =	vgt.s32 v22, $0x0;
	v27 =	vadd.f32 $-1.229560550e+02, v48  }
0x76e: {  	v21 =	vmul.u32 $0x709, v21;
	v4 =	vadd.f32 $9.000000000e+02, v4;
	v7 =	vmul.f32 v25, v7;
	v25 =	vld [tilespmem:$0x1EF70]  }
0x76f: {  	v36 =	vmul.u32 $0x709, v16;
	vm10 =	vgt.s32 v6, $0x0;
	v3 =	vmul.f32 v27, v3;
	v27 =	vld [tilespmem:$0x1EF80]  }
0x770: {  	v5 =	vnsel vm10, $0x0, v6;
	v4 =	vmul.f32 v19, v4;
	v23 =	vmul.f32 v31, v23  }
0x771: {  	v63 =	vld [tilespmem:s3+$0xFFFFFFB0];
	v19 =	vcvt.f32.s32 v11;
	v11 =	vnsel vm3, $0x0, v2;
	v7 =	vadd.f32 $9.000000000e+02, v7  }
0x772: {  	v62 =	vld [tilespmem:s3+$0xFFFFFFA0];
	v3 =	vadd.f32 $9.000000000e+02, v3;
	v4 =	vadd.f32 $5.000000000e-01, v4;
	v23 =	vmul.f32 v23, v30  }
0x773: {  	vm5 =	vgt.s32 v19, $0x0;
	v30 =	vld [tilespmem:s3+$0xFFFFFF90];
	v7 =	vmul.f32 v20, v7;
	v25 =	vmul.f32 v32, v25  }
0x774: {  	v3 =	vmul.f32 v14, v3;
	v27 =	vmul.f32 v33, v27;
	v23 =	vadd.f32 $5.000000000e-01, v23  }
0x775: {  	v4 =	vtrunc.f32 v4;
	v7 =	vadd.f32 $5.000000000e-01, v7;
	v25 =	vmul.f32 v25, v28  }
0x776: {  	v20 =	vld [tilespmem:s3+$0xFFFFFF40];
	v3 =	vadd.f32 $5.000000000e-01, v3;
	v27 =	vmul.f32 v27, v29;
	v14 =	vtrunc.f32 v23  }
0x777: {  	v33 =	vmul.u32 $0x709, v62;
	v7 =	vtrunc.f32 v7;
	v14 =	vcvt.f32.s32 v14  }
0x778: {  	v3 =	vtrunc.f32 v3;
	v35 =	vmul.u32 $0x709, v30;
	v30 =	vmul.u32 $0x709, v63  }
0x779: {  	v17 =	vld [tilespmem:s3+$0xFFFFFF10];
	v10 =	vadd.f32 $5.000000000e-01, v25;
	v12 =	vadd.f32 $5.000000000e-01, v27;
	v25 =	vcvt.f32.s32 v4  }
0x77a: {  	v23 =	vld [tilespmem:s3+$0xFFFFFF60];
	v27 =	vcvt.f32.s32 v7;
	v28 =	vcvt.f32.s32 v3;
	v7 =	vnsel vm9, $0x0, v13  }
0x77b: {  	v29 =	vld [tilespmem:s3+$0xFFFFFF80];
	v3 =	vnsel vm11, $0x0, v22;
	v4 =	vnsel vm12, $0x0, v24;
	v20 =	vmul.u32 $0x709, v20  }
0x77c: {  	v22 =	vld [tilespmem:s3+$0xFFFFFFE0];
	vm15 =	vgt.s32 v14, $0x0;
	v10 =	vtrunc.f32 v10;
	v12 =	vtrunc.f32 v12  }
0x77d: {  	v24 =	vld [tilespmem:s3+$0xFFFFFFF0];
	v14 =	vnsel vm15, $0x0, v14;
	vm13 =	vgt.s32 v25, $0x0;
	v12 =	vcvt.f32.s32 v12  }
0x77e: {  	vm14 =	vgt.s32 v27, $0x0;
	vm15 =	vgt.s32 v28, $0x0;
	v10 =	vcvt.f32.s32 v10  }
0x77f: {  	v13 =	vld [tilespmem:s3+$0xFFFFFFD0];
	v2 =	vnsel vm13, $0x0, v25;
	v0 =	vnsel vm15, $0x0, v28;
	vm2 =	vgt.s32 v12, $0x0  }
0x780: {  	v28 =	vmul.u32 $0x709, v17;
	v61 =	vnsel vm2, $0x0, v12;
	v12 =	vnsel vm5, $0x0, v19;
	v19 =	vld [tilespmem:s3+$0xFFFFFFC0]  }
0x781: {  	v23 =	vmul.u32 $0x709, v23;
	v38 =	vmul.u32 $0x709, v29;
	v14 =	vmin.u32 v14, $0x708  }
0x782: {  	vm1 =	vgt.s32 v10, $0x0;
	v26 =	vmul.u32 $0x709, v22;
	v25 =	vmul.u32 $0x709, v24  }
0x783: {  	v24 =	vimm.f32 $1.000000000e+00;
	v31 =	vnsel vm1, $0x0, v10;
	v10 =	vnsel vm4, $0x0, v9  }
0x784: {  	v9 =	vnsel vm7, $0x0, v1;
	v1 =	vnsel vm14, $0x0, v27;
	v27 =	vmul.u32 $0x709, v13  }
0x785: {  	s6 =	simm.s32 $0x59F0;
	s1 =	simm.s32 $0x180;
	[tilespmem:v15+s20+$0x0] =	vst.idx.add.f32.msk $0xffff, v24;
	v15 =	vmin.u32 v31, $0x708;
	v13 =	vmin.u32 v61, $0x708;
	v29 =	vmul.u32 $0x709, v19  }
.LBB2_23:
0x786: {  	v16 =	vld [tilespmem:s6+$0x0]  }
0x787: {  	v6 =	vmin.u32 v8, $0x708  }
0x788: {  	v5 =	vmin.u32 v5, $0x708;
	[tilespmem:$0x1ECA0] =	vst v6  }
0x789: {  	v3 =	vmin.u32 v3, $0x708;
	[tilespmem:$0x1EE30] =	vst v5  }
0x78a: {  	v6 =	vmin.u32 v9, $0x708;
	[tilespmem:$0x1EE60] =	vst v3  }
0x78b: {  	v3 =	vmin.u32 v4, $0x708;
	[tilespmem:$0x1ECD0] =	vst v6;
	v8 =	vmax.f32 v16, $0.0e+00  }
0x78c: {  	v12 =	vmin.u32 v12, $0x708;
	v6 =	vmin.u32 v7, $0x708;
	[tilespmem:$0x1EE90] =	vst v3;
	v3 =	vld [tilespmem:s6+$0xFFFFFF40];
	v8 =	vmin.f32 v8, $9.999989860e-01  }
0x78d: {  	v17 =	vld [tilespmem:s6+$0xFFFFFF20];
	v0 =	vmin.u32 v0, $0x708;
	[tilespmem:$0x1EE00] =	vst v6;
	v6 =	vadd.s32 v23, v12;
	v12 =	vsub.f32 $1.000000000e+00, v8  }
0x78e: {  	v2 =	vmin.u32 v2, $0x708;
	v1 =	vmin.u32 v1, $0x708;
	[tilespmem:$0x1EF00] =	vst v0;
	v0 =	vld [tilespmem:s6+$0xFFFFFF50]  }
0x78f: {  	[tilespmem:$0x1EEC0] =	vst v2;
	v7 =	vld [tilespmem:s6+$0xFFFFFF30];
	v2 =	vadd.s32 v36, v15;
	v15 =	vmul.f32 $5.000000000e-01, v12;
	v16 =	vshra.s32 v12, $0x1  }
0x790: {  	v11 =	vmin.u32 v11, $0x708;
	[tilespmem:$0x1EEE0] =	vst v1;
	v5 =	vld [tilespmem:s6+$0xFFFFFF60];
	v1 =	vadd.s32 v28, v14;
	v16 =	vsub.s32 $0x5F3759DF, v16  }
0x791: {  	v9 =	vadd.s32 v20, v11;
	v14 =	vld [tilespmem:s6+$0xFFFFFFA0];
	v3 =	vmax.f32 v3, $0.0e+00;
	v20 =	vmul.f32 v16, v15  }
0x792: {  	v34 =	vmin.f32 v3, $9.999989860e-01;
	v3 =	vld [tilespmem:s6+$0xFFFFFFD0]  }
0x793: {  	v19 =	vld [tilespmem:s6+$0xFFFFFFC0];
	v11 =	vmax.f32 v17, $0.0e+00;
	v20 =	vmul.f32 v16, v20  }
0x794: {  	[tilespmem:$0x1EE10] =	vst v35;
	v35 =	vmin.f32 v11, $9.999989860e-01;
	v11 =	vld [tilespmem:s6+$0xFFFFFF80];
	v7 =	vmax.f32 v7, $0.0e+00;
	v17 =	vmul.f32 $7.233541010e-01, v8  }
0x795: {  	v5 =	vmax.f32 v5, $0.0e+00;
	v31 =	vmin.f32 v7, $9.999989860e-01;
	v7 =	vld [tilespmem:s6+$0xFFFFFF90];
	v20 =	vsub.f32 $1.500000000e+00, v20  }
0x796: {  	v44 =	vmin.f32 v5, $9.999989860e-01;
	v17 =	vsub.f32 $3.821680070e+00, v17;
	v5 =	vmax.f32 v14, $0.0e+00;
	v14 =	vld [tilespmem:s6+$0xFFFFFF10]  }
0x797: {  	v0 =	vmax.f32 v0, $0.0e+00;
	[tilespmem:v1+s20+$0x0] =	vst.idx.add.f32.msk $0xffff, v24;
	v1 =	vmax.f32 v3, $0.0e+00;
	v3 =	vmul.f32 v16, v20  }
0x798: {  	v56 =	vmin.f32 v0, $9.999989860e-01;
	v17 =	vmul.f32 v17, v8  }
0x799: {  	v51 =	vmin.f32 v5, $9.999989860e-01;
	v0 =	vmax.f32 v11, $0.0e+00;
	v5 =	vmul.f32 v3, v15  }
0x79a: {  	[tilespmem:$0x1EEA0] =	vst v29;
	v29 =	vmin.f32 v0, $9.999989860e-01;
	v0 =	vmax.f32 v19, $0.0e+00;
	v17 =	vadd.f32 $-9.790774340e+00, v17  }
0x79b: {  	v11 =	vld [tilespmem:s6+$0xFFFFFFE0];
	v7 =	vmax.f32 v7, $0.0e+00;
	v48 =	vmin.f32 v0, $9.999989860e-01;
	v0 =	vmul.f32 v5, v3  }
0x79c: {  	v28 =	vmin.f32 v7, $9.999989860e-01;
	v7 =	vmul.f32 v17, v8  }
0x79d: {  	v0 =	vsub.f32 $1.500000000e+00, v0  }
0x79e: {  	v7 =	vadd.f32 $1.769974330e+01, v7  }
0x79f: {  	[tilespmem:$0x1ECB0] =	vst v39;
	v0 =	vmul.f32 v0, v3  }
0x7a0: {  	[tilespmem:v2+s20+$0x0] =	vst.idx.add.f32.msk $0xffff, v24;
	v39 =	vmin.f32 v1, $9.999989860e-01;
	v2 =	vmax.f32 v11, $0.0e+00;
	v1 =	vmul.f32 v7, v8  }
0x7a1: {  	v52 =	vmin.f32 v2, $9.999989860e-01;
	v2 =	vmul.f32 v0, v15  }
0x7a2: {  	[tilespmem:v9+s20+$0x0] =	vst.idx.add.f32.msk $0xffff, v24;
	v9 =	vmax.f32 v14, $0.0e+00;
	v1 =	vadd.f32 $-2.874775890e+01, v1  }
0x7a3: {  	v37 =	vmin.f32 v9, $9.999989860e-01;
	v2 =	vmul.f32 v2, v0  }
0x7a4: {  	v5 =	vsub.f32 $1.000000000e+00, v37;
	v1 =	vmul.f32 v1, v8  }
0x7a5: {  	v2 =	vsub.f32 $1.500000000e+00, v2  }
0x7a6: {  	[tilespmem:$0x1EF10] =	vst v25;
	v4 =	vadd.s32 v18, v13;
	v23 =	vmul.f32 $5.000000000e-01, v5;
	v1 =	vadd.f32 $5.098120500e+01, v1  }
0x7a7: {  	v13 =	vld [tilespmem:s6+$0xFFFFFF70];
	[tilespmem:$0x1ED00] =	vst v5;
	v25 =	vshra.s32 v5, $0x1;
	v5 =	vsub.f32 $1.000000000e+00, v44;
	v0 =	vmul.f32 v2, v0  }
0x7a8: {  	[tilespmem:$0x1EE70] =	vst v30;
	s3 =	sadd.s32 $0x100, s3;
	v1 =	vmul.f32 v1, v8  }
0x7a9: {  	[tilespmem:$0x1ED50] =	vst v5;
	v30 =	vmul.f32 $5.000000000e-01, v5;
	v59 =	vshra.s32 v5, $0x1;
	v5 =	vmul.f32 v0, v12;
	v0 =	vld [tilespmem:s3+$0xFFFFFF10]  }
0x7aa: {  	v9 =	vsub.f32 $1.000000000e+00, v31;
	v1 =	vadd.f32 $-1.229560550e+02, v1  }
0x7ab: {  	v7 =	vsub.f32 $1.000000000e+00, v56  }
0x7ac: {  	v13 =	vmax.f32 v13, $0.0e+00;
	v11 =	vmov v9;
	v2 =	vmul.f32 v1, v8  }
0x7ad: {  	v41 =	vmin.f32 v13, $9.999989860e-01;
	v13 =	vld [tilespmem:s6+$0xFFFFFFF0];
	v40 =	vshra.s32 v11, $0x1;
	[tilespmem:$0x1ED40] =	vst v7  }
0x7ae: {  	v11 =	vmul.f32 $5.000000000e-01, v7;
	v42 =	vshra.s32 v7, $0x1;
	v7 =	vadd.f32 $9.000000000e+02, v2;
	[tilespmem:$0x1EAA0] =	vst v0;
	v0 =	vld [tilespmem:s3+$0xFFFFFF20];
	_ =	sdelay $0x1  }
0x7af: {  	[tilespmem:$0x1ECE0] =	vst v38;
	v5 =	vmul.f32 v5, v7  }
0x7b0: {  	[tilespmem:$0x1EE40] =	vst v33  }
0x7b1: {  	[tilespmem:v4+s20+$0x0] =	vst.idx.add.f32.msk $0xffff, v24;
	v5 =	vadd.f32 $5.000000000e-01, v5  }
0x7b2: {  	v4 =	vmax.f32 v13, $0.0e+00;
	[tilespmem:$0x1EAB0] =	vst v0;
	v0 =	vld [tilespmem:s3+$0xFFFFFF30]  }
0x7b3: {  	[tilespmem:$0x1EED0] =	vst v27;
	v14 =	vsub.f32 $1.000000000e+00, v41;
	v47 =	vmin.f32 v4, $9.999989860e-01;
	v5 =	vtrunc.f32 v5  }
0x7b4: {  	v10 =	vmin.u32 v10, $0x708;
	[tilespmem:v6+s20+$0x0] =	vst.idx.add.f32.msk $0xffff, v24;
	v20 =	vsub.f32 $1.000000000e+00, v47;
	v5 =	vcvt.f32.s32 v5  }
0x7b5: {  	v10 =	vadd.s32 v21, v10;
	[tilespmem:$0x1ED60] =	vst v14  }
0x7b6: {  	v63 =	vmul.f32 $5.000000000e-01, v14;
	v43 =	vshra.s32 v14, $0x1;
	[tilespmem:$0x1EDE0] =	vst v20;
	vm0 =	vgt.s32 v5, $0x0  }
0x7b7: {  	v14 =	vmul.f32 $5.000000000e-01, v20;
	[tilespmem:$0x1EAC0] =	vst v0;
	v0 =	vshra.s32 v20, $0x1;
	v20 =	vnsel vm0, $0x0, v5;
	v5 =	vld [tilespmem:s3+$0xFFFFFF60]  }
0x7b8: {  	[tilespmem:$0x1EEF0] =	vst v26  }
0x7b9: {  	[tilespmem:$0x1EA10] =	vst v35  }
0x7ba: {  	[tilespmem:$0x1EA40] =	vst v44  }
0x7bb: {  	v21 =	vsub.f32 $1.000000000e+00, v35;
	[tilespmem:v10+s20+$0x0] =	vst.idx.add.f32.msk $0xffff, v24  }
0x7bc: {  	[tilespmem:$0x1EAF0] =	vst v5;
	v5 =	vld [tilespmem:s3+$0xFFFFFF70]  }
0x7bd: {  	[tilespmem:$0x1ED10] =	vst v21  }
0x7be: {  	[tilespmem:$0x1EA20] =	vst v31  }
0x7bf: {  	[tilespmem:$0x1EA30] =	vst v34  }
0x7c0: {  	[tilespmem:$0x1EA50] =	vst v41  }
0x7c1: {  	v46 =	vmul.f32 $5.000000000e-01, v21;
	v4 =	vsub.f32 $1.000000000e+00, v51;
	[tilespmem:$0x1EB10] =	vst v5;
	v5 =	vld [tilespmem:s3+$0xFFFFFF80]  }
0x7c2: {  	v18 =	vld [tilespmem:s6+$0xFFFFFFB0];
	v6 =	vsub.f32 $1.000000000e+00, v34;
	v26 =	vshra.s32 v21, $0x1;
	v16 =	vsub.f32 $1.000000000e+00, v28;
	[tilespmem:$0x1ED20] =	vst v9  }
0x7c3: {  	v21 =	vmul.f32 $7.233541010e-01, v56;
	v22 =	vmul.f32 $5.000000000e-01, v9;
	v9 =	vsub.f32 $1.000000000e+00, v39;
	[tilespmem:$0x1ED90] =	vst v4  }
0x7c4: {  	v53 =	vmul.f32 $5.000000000e-01, v4;
	v45 =	vshra.s32 v4, $0x1;
	[tilespmem:$0x1ED80] =	vst v16;
	v54 =	vmul.f32 $5.000000000e-01, v16  }
0x7c5: {  	v19 =	vshra.s32 v16, $0x1;
	[tilespmem:$0x1EDC0] =	vst v9;
	v16 =	vmul.f32 $5.000000000e-01, v9;
	v4 =	vshra.s32 v9, $0x1;
	v9 =	vld [tilespmem:s3+$0xFFFFFF40]  }
0x7c6: {  	v21 =	vsub.f32 $3.821680070e+00, v21;
	[tilespmem:$0x1EB20] =	vst v5;
	v5 =	vld [tilespmem:s3+$0xFFFFFF90]  }
0x7c7: {  	v18 =	vmax.f32 v18, $0.0e+00;
	[tilespmem:$0x1ED30] =	vst v6;
	v10 =	vsub.f32 $1.000000000e+00, v29  }
0x7c8: {  	v21 =	vmul.f32 v21, v56;
	[tilespmem:$0x1EA80] =	vst v48;
	v17 =	vmin.f32 v18, $9.999989860e-01  }
0x7c9: {  	v41 =	vmul.f32 $7.233541010e-01, v41;
	[tilespmem:$0x1EA60] =	vst v28;
	v13 =	vmul.f32 $5.000000000e-01, v6;
	v36 =	vshra.s32 v10, $0x1;
	v27 =	vmovc v17  }
0x7ca: {  	v32 =	vmul.f32 $7.233541010e-01, v27;
	v27 =	vmul.f32 $7.233541010e-01, v39;
	v18 =	vsub.s32 $0x5F3759DF, v40;
	[tilespmem:$0x1EAD0] =	vst v9  }
0x7cb: {  	v58 =	vsub.s32 $0x5F3759DF, v42;
	v42 =	vsub.s32 $0x5F3759DF, v43;
	v9 =	vmul.f32 $7.233541010e-01, v34;
	[tilespmem:$0x1EB30] =	vst v5;
	v5 =	vld [tilespmem:s3+$0xFFFFFFA0]  }
0x7cc: {  	[tilespmem:$0x1EA90] =	vst v39;
	v34 =	vmul.f32 $7.233541010e-01, v28;
	v28 =	vmul.f32 $7.233541010e-01, v48;
	v3 =	vmovc v6;
	v6 =	vsub.f32 $1.000000000e+00, v52  }
0x7cd: {  	[tilespmem:$0x1ED70] =	vst v10;
	v38 =	vshra.s32 v3, $0x1;
	v3 =	vmul.f32 $7.233541010e-01, v35;
	v35 =	vsub.s32 $0x5F3759DF, v26  }
0x7ce: {  	[tilespmem:$0x1EB00] =	vst v47;
	v26 =	vmul.f32 $7.233541010e-01, v47;
	v47 =	vsub.s32 $0x5F3759DF, v45;
	v45 =	vsub.s32 $0x5F3759DF, v4  }
0x7cf: {  	[tilespmem:$0x1EA70] =	vst v17;
	v4 =	vmul.f32 v18, v22;
	v15 =	vsub.f32 $1.000000000e+00, v17;
	v55 =	vsub.s32 $0x5F3759DF, v38  }
0x7d0: {  	v17 =	vsub.f32 $1.000000000e+00, v48;
	v50 =	vmul.f32 $5.000000000e-01, v6;
	v40 =	vmul.f32 v55, v13;
	[tilespmem:$0x1EB40] =	vst v5;
	v5 =	vld [tilespmem:s3+$0xFFFFFFB0]  }
0x7d1: {  	[tilespmem:$0x1EBA0] =	vst v13;
	v43 =	vsub.s32 $0x5F3759DF, v19;
	v13 =	vmul.f32 v47, v53;
	v4 =	vmul.f32 v18, v4  }
0x7d2: {  	[tilespmem:$0x1EDA0] =	vst v15;
	v62 =	vmul.f32 $5.000000000e-01, v15;
	v60 =	vshra.s32 v15, $0x1;
	v15 =	vmul.f32 $5.000000000e-01, v17;
	v7 =	vld [tilespmem:s3+$0x0]  }
0x7d3: {  	[tilespmem:$0x1EA00] =	vst v37;
	v48 =	vsub.s32 $0x5F3759DF, v60;
	v60 =	vmul.f32 v55, v40;
	v40 =	vsub.f32 $1.500000000e+00, v4  }
0x7d4: {  	[tilespmem:$0x1EB90] =	vst v22;
	v22 =	vsub.f32 $3.821680070e+00, v9;
	v13 =	vmul.f32 v47, v13;
	v12 =	vmul.f32 $5.000000000e-01, v10;
	v10 =	vld [tilespmem:s3+$0xFFFFFF50]  }
0x7d5: {  	v60 =	vsub.f32 $1.500000000e+00, v60;
	v40 =	vmul.f32 v18, v40;
	v8 =	vshra.s32 v17, $0x1;
	[tilespmem:$0x1EB50] =	vst v5;
	v5 =	vld [tilespmem:s3+$0xFFFFFFC0]  }
0x7d6: {  	[tilespmem:$0x1EC30] =	vst v16;
	v1 =	vmul.f32 $7.233541010e-01, v37;
	v57 =	vsub.s32 $0x5F3759DF, v8;
	v8 =	vmul.f32 v58, v11  }
0x7d7: {  	[tilespmem:$0x1EDD0] =	vst v6;
	v55 =	vmul.f32 v55, v60;
	v2 =	vshra.s32 v6, $0x1;
	v7 =	vmul.u32 $0x709, v7  }
0x7d8: {  	v6 =	vmul.f32 $7.233541010e-01, v31;
	v39 =	vsub.f32 $3.821680070e+00, v1;
	v1 =	vld [tilespmem:s3+$0xFFFFFFE0];
	v20 =	vmin.u32 v20, $0x708  }
0x7d9: {  	v49 =	vsub.s32 $0x5F3759DF, v2;
	v2 =	vmul.f32 v35, v46;
	[tilespmem:$0x1EAE0] =	vst v10;
	v61 =	vadd.s32 v7, v20  }
0x7da: {  	v8 =	vmul.f32 v58, v8;
	v10 =	vmul.f32 $7.233541010e-01, v44;
	v44 =	vsub.s32 $0x5F3759DF, v36;
	[tilespmem:$0x1EC60] =	vst v5;
	v5 =	vld [tilespmem:s3+$0xFFFFFFD0]  }
0x7db: {  	v19 =	vsub.f32 $1.500000000e+00, v13;
	[tilespmem:$0x1EBE0] =	vst v12;
	v9 =	vmul.f32 v44, v12;
	v12 =	vmul.f32 v49, v50  }
0x7dc: {  	[tilespmem:$0x1EDB0] =	vst v17;
	v2 =	vmul.f32 v35, v2;
	v17 =	vsub.f32 $3.821680070e+00, v10;
	v10 =	vmul.f32 v57, v15  }
0x7dd: {  	v37 =	vsub.s32 $0x5F3759DF, v25;
	[tilespmem:$0x1EC80] =	vst v1;
	v12 =	vmul.f32 v49, v12;
	v7 =	vmul.f32 v45, v16  }
0x7de: {  	v10 =	vmul.f32 v57, v10;
	[tilespmem:v61+s20+$0x0] =	vst.idx.add.f32.msk $0xffff, v24;
	v24 =	vsub.f32 $3.821680070e+00, v3;
	v3 =	vmul.f32 v42, v63  }
0x7df: {  	v33 =	vsub.f32 $1.500000000e+00, v8;
	v1 =	vld [tilespmem:s3+$0xFFFFFFF0];
	v7 =	vmul.f32 v45, v7;
	[tilespmem:$0x1EC70] =	vst v5;
	v5 =	vmul.f32 v43, v54  }
0x7e0: {  	[tilespmem:$0x1EC50] =	vst v14;
	v36 =	vsub.f32 $1.500000000e+00, v2;
	v13 =	vsub.f32 $1.500000000e+00, v10;
	v3 =	vmul.f32 v42, v3  }
0x7e1: {  	[tilespmem:$0x1EB70] =	vst v23;
	v8 =	vld [tilespmem:$0x1EA40];
	v10 =	vsub.f32 $1.500000000e+00, v7;
	v7 =	vsub.f32 $1.500000000e+00, v12;
	v5 =	vmul.f32 v43, v5  }
0x7e2: {  	[tilespmem:$0x1EC40] =	vst v50;
	v2 =	vld [tilespmem:$0x1EA20];
	v61 =	vsub.s32 $0x5F3759DF, v0;
	v0 =	vmul.f32 v37, v23;
	v16 =	vsub.f32 $1.500000000e+00, v3  }
0x7e3: {  	[tilespmem:$0x1EC20] =	vst v15;
	v15 =	vld [tilespmem:$0x1EA80];
	v23 =	vsub.f32 $3.821680070e+00, v6;
	v6 =	vmul.f32 v48, v62;
	v50 =	vsub.f32 $1.500000000e+00, v5  }
0x7e4: {  	v21 =	vadd.f32 $-9.790774340e+00, v21;
	[tilespmem:$0x1EC90] =	vst v1;
	v1 =	vmul.f32 v61, v14;
	v14 =	vld [tilespmem:$0x1EA50];
	v60 =	vmul.f32 v42, v16  }
0x7e5: {  	v59 =	vsub.s32 $0x5F3759DF, v59;
	v42 =	vmul.f32 v43, v50;
	v43 =	vmul.f32 v49, v7;
	v7 =	vld [tilespmem:$0x1EAD0]  }
0x7e6: {  	[tilespmem:$0x1EBB0] =	vst v11;
	v28 =	vsub.f32 $3.821680070e+00, v28;
	v25 =	vmul.f32 $7.233541010e-01, v52;
	v11 =	vmul.f32 v59, v30  }
0x7e7: {  	v34 =	vsub.f32 $3.821680070e+00, v34;
	v31 =	vmul.f32 $7.233541010e-01, v29;
	v6 =	vmul.f32 v48, v6  }
0x7e8: {  	[tilespmem:$0x1EBC0] =	vst v30;
	v30 =	vsub.f32 $3.821680070e+00, v41;
	v28 =	vmul.f32 v28, v15;
	v23 =	vmul.f32 v23, v2  }
0x7e9: {  	[tilespmem:$0x1EC00] =	vst v53;
	v53 =	vld [tilespmem:$0x1EA00];
	v58 =	vmul.f32 v58, v33;
	v17 =	vmul.f32 v17, v8;
	v6 =	vsub.f32 $1.500000000e+00, v6  }
0x7ea: {  	v4 =	vadd.f32 $-9.790774340e+00, v23;
	v30 =	vmul.f32 v30, v14;
	v7 =	vmul.u32 $0x709, v7  }
0x7eb: {  	v12 =	vadd.f32 $-9.790774340e+00, v17;
	v0 =	vmul.f32 v37, v0;
	v33 =	vmul.f32 v48, v6;
	v6 =	vld [tilespmem:$0x1EAB0]  }
0x7ec: {  	v17 =	vadd.f32 $-9.790774340e+00, v30;
	v30 =	vadd.f32 $-9.790774340e+00, v28;
	v28 =	vmovc v2;
	[tilespmem:$0x1EF30] =	vst v7;
	v7 =	vmul.f32 v4, v2;
	v2 =	vld [tilespmem:$0x1EAE0]  }
0x7ed: {  	[tilespmem:$0x1EB60] =	vst v29;
	v29 =	vmul.f32 $7.233541010e-01, v51;
	v25 =	vsub.f32 $3.821680070e+00, v25;
	v11 =	vmul.f32 v59, v11;
	v20 =	vld [tilespmem:$0x1EA60]  }
0x7ee: {  	[tilespmem:$0x1EB80] =	vst v46;
	v39 =	vmul.f32 v39, v53;
	v9 =	vmul.f32 v44, v9;
	v46 =	vsub.f32 $1.500000000e+00, v0  }
0x7ef: {  	v41 =	vld [tilespmem:$0x1EA10];
	v25 =	vmul.f32 v25, v52;
	v38 =	vsub.f32 $1.500000000e+00, v11;
	v1 =	vmul.f32 v61, v1  }
0x7f0: {  	v11 =	vld [tilespmem:$0x1EB60];
	v9 =	vsub.f32 $1.500000000e+00, v9;
	v37 =	vmul.f32 v37, v46;
	v46 =	vmul.f32 v35, v36  }
0x7f1: {  	v36 =	vmul.f32 v45, v10;
	v6 =	vmul.u32 $0x709, v6;
	v10 =	vmul.u32 $0x709, v2;
	v2 =	vld [tilespmem:$0x1EB70]  }
0x7f2: {  	v39 =	vadd.f32 $-9.790774340e+00, v39;
	v34 =	vmul.f32 v34, v20;
	v3 =	vld [tilespmem:$0x1EA90];
	v1 =	vsub.f32 $1.500000000e+00, v1  }
0x7f3: {  	v31 =	vsub.f32 $3.821680070e+00, v31;
	v59 =	vmul.f32 v59, v38;
	v18 =	vmul.f32 v44, v9;
	[tilespmem:$0x1EDF0] =	vst v6;
	v6 =	vld [tilespmem:$0x1EAC0]  }
0x7f4: {  	[tilespmem:$0x1EBF0] =	vst v54;
	v34 =	vadd.f32 $-9.790774340e+00, v34;
	v38 =	vmul.f32 v61, v1;
	v1 =	vmul.f32 v39, v53;
	v5 =	vmovc v52;
	v52 =	vld [tilespmem:$0x1EB00]  }
0x7f5: {  	v29 =	vsub.f32 $3.821680070e+00, v29;
	v54 =	vld [tilespmem:$0x1EA30];
	v4 =	vmul.f32 v21, v56;
	[tilespmem:$0x1EF40] =	vst v10;
	v10 =	vmul.f32 v12, v8  }
0x7f6: {  	v44 =	vmovc v53;
	v53 =	vmovc v20;
	v21 =	vmov v8;
	v8 =	vmul.f32 v34, v20;
	v20 =	vmul.f32 v37, v2;
	v2 =	vld [tilespmem:$0x1EBA0]  }
0x7f7: {  	v26 =	vsub.f32 $3.821680070e+00, v26;
	v31 =	vmul.f32 v31, v11;
	v9 =	vld [tilespmem:$0x1EAA0];
	v24 =	vmul.f32 v24, v41  }
0x7f8: {  	v27 =	vsub.f32 $3.821680070e+00, v27;
	v29 =	vmul.f32 v29, v51  }
0x7f9: {  	v24 =	vadd.f32 $-9.790774340e+00, v24;
	v23 =	vadd.f32 $-9.790774340e+00, v31;
	v26 =	vmul.f32 v26, v52  }
0x7fa: {  	v31 =	vadd.f32 $-9.790774340e+00, v25;
	v27 =	vmul.f32 v27, v3;
	v22 =	vmul.f32 v22, v54  }
0x7fb: {  	v6 =	vmul.u32 $0x709, v6;
	v25 =	vadd.f32 $-9.790774340e+00, v26;
	v26 =	vmul.f32 v55, v2;
	v2 =	vld [tilespmem:$0x1EBC0]  }
0x7fc: {  	v9 =	vmul.u32 $0x709, v9;
	v22 =	vadd.f32 $-9.790774340e+00, v22  }
0x7fd: {  	v29 =	vadd.f32 $-9.790774340e+00, v29;
	[tilespmem:$0x1EF20] =	vst v6;
	v6 =	vmul.f32 v24, v41  }
0x7fe: {  	[tilespmem:$0x1EEB0] =	vst v9;
	v16 =	vadd.f32 $-9.790774340e+00, v27;
	v9 =	vmul.f32 v22, v54  }
0x7ff: {  	v27 =	vmovc v54;
	v54 =	vmovc v14;
	v12 =	vadd.f32 $1.769974330e+01, v6;
	v6 =	vmul.f32 v17, v14;
	v14 =	vmul.f32 v29, v51  }
0x800: {  	v45 =	vmovc v51;
	v51 =	vmov v15;
	v15 =	vmul.f32 v30, v15;
	v30 =	vmul.f32 v59, v2;
	v2 =	vld [tilespmem:$0x1EBF0];
	_ =	sdelay $0x4  }
0x801: {  	v34 =	vmul.f32 v42, v2;
	v2 =	vld [tilespmem:$0x1EC00];
	_ =	sdelay $0x2  }
0x802: {  	v50 =	vmul.f32 v47, v19;
	_ =	sdelay $0x1  }
0x803: {  	v39 =	vmul.f32 v50, v2;
	v2 =	vld [tilespmem:$0x1EC20];
	_ =	sdelay $0x2  }
0x804: {  	v0 =	vld [tilespmem:$0x1EA70];
	v35 =	vmul.f32 v57, v13  }
0x805: {  	v13 =	vmul.f32 v23, v11;
	v23 =	vld [tilespmem:$0x1EB90]  }
0x806: {  	[tilespmem:$0x1EC10] =	vst v62;
	v61 =	vmul.f32 v33, v62;
	v62 =	vmul.f32 v35, v2;
	v2 =	vld [tilespmem:$0x1EC30]  }
0x807: {  	v32 =	vsub.f32 $3.821680070e+00, v32;
	_ =	sdelay $0x1  }
0x808: {  	v32 =	vmul.f32 v32, v0  }
0x809: {  	v23 =	vmul.f32 v40, v23;
	v17 =	vmul.f32 v31, v5  }
0x80a: {  	[tilespmem:$0x1EBD0] =	vst v63;
	v32 =	vadd.f32 $-9.790774340e+00, v32;
	v31 =	vmul.f32 v60, v63;
	v63 =	vmul.f32 v36, v2;
	v2 =	vld [tilespmem:$0x1EC40]  }
0x80b: {  	v13 =	vadd.f32 $1.769974330e+01, v13;
	v19 =	vmov v40  }
0x80c: {  	v57 =	vmovc v56;
	v1 =	vadd.f32 $1.769974330e+01, v1;
	v23 =	vmul.f32 v23, v19;
	v56 =	vmovc v11;
	v11 =	vmul.f32 v32, v0  }
0x80d: {  	v47 =	vmovc v0;
	v0 =	vmovc v3;
	v3 =	vmul.f32 v16, v3;
	v7 =	vadd.f32 $1.769974330e+01, v7;
	v4 =	vadd.f32 $1.769974330e+01, v4  }
0x80e: {  	v13 =	vmul.f32 v13, v56;
	v11 =	vadd.f32 $1.769974330e+01, v11;
	v24 =	vadd.f32 $1.769974330e+01, v6;
	v6 =	vld [tilespmem:$0x1EBB0]  }
0x80f: {  	v3 =	vadd.f32 $1.769974330e+01, v3;
	v7 =	vmul.f32 v7, v28;
	v48 =	vmul.f32 v43, v2;
	v2 =	vld [tilespmem:$0x1EC50]  }
0x810: {  	v4 =	vmul.f32 v4, v57;
	v11 =	vmul.f32 v11, v47;
	v14 =	vadd.f32 $1.769974330e+01, v14  }
0x811: {  	v49 =	vmovc v5;
	v23 =	vsub.f32 $1.500000000e+00, v23;
	v3 =	vmul.f32 v3, v0;
	v5 =	vmul.f32 v25, v52  }
0x812: {  	v16 =	vmovc v37;
	v56 =	vmovc v45;
	v10 =	vadd.f32 $1.769974330e+01, v10;
	v24 =	vmul.f32 v24, v54;
	v14 =	vmul.f32 v14, v45  }
0x813: {  	v8 =	vadd.f32 $1.769974330e+01, v8;
	v37 =	vmovc v42;
	v45 =	vmovc v47;
	v29 =	vmul.f32 v58, v6;
	v34 =	vmul.f32 v34, v42  }
0x814: {  	v47 =	vmovc v0;
	v0 =	vadd.f32 $-2.874775890e+01, v7;
	v6 =	vld [tilespmem:$0x1EBE0];
	v42 =	vmovc v28;
	v28 =	vmul.f32 v10, v21;
	v25 =	vmul.f32 v38, v2  }
0x815: {  	v10 =	vmul.f32 v23, v19;
	v23 =	vadd.f32 $-2.874775890e+01, v24;
	v40 =	vmul.f32 v48, v43  }
0x816: {  	v24 =	vadd.f32 $-2.874775890e+01, v3;
	v3 =	vld [tilespmem:$0x1EB10];
	v48 =	vmovc v57;
	v57 =	vmovc v21;
	v21 =	vmul.f32 v8, v53;
	v25 =	vmul.f32 v25, v38  }
0x817: {  	v1 =	vmul.f32 v1, v44  }
0x818: {  	v0 =	vmul.f32 v0, v42;
	v21 =	vadd.f32 $-2.874775890e+01, v21;
	v25 =	vsub.f32 $1.500000000e+00, v25  }
0x819: {  	v52 =	vmovc v43;
	v32 =	vmul.f32 v18, v6;
	v34 =	vsub.f32 $1.500000000e+00, v34;
	v43 =	vmovc v44;
	v44 =	vmov v53  }
0x81a: {  	v38 =	vmul.f32 v25, v38;
	v25 =	vadd.f32 $5.098120500e+01, v0;
	v0 =	vmul.f32 v21, v44  }
0x81b: {  	v22 =	vld [tilespmem:$0x1EB80];
	v32 =	vmul.f32 v32, v18;
	v3 =	vmul.u32 $0x709, v3  }
0x81c: {  	v1 =	vadd.f32 $-2.874775890e+01, v1;
	v19 =	vmul.f32 v34, v37;
	v34 =	vadd.f32 $5.098120500e+01, v0;
	v0 =	vld [tilespmem:$0x1EBE0]  }
0x81d: {  	v32 =	vsub.f32 $1.500000000e+00, v32;
	v39 =	vmul.f32 v39, v50;
	[tilespmem:$0x1ECC0] =	vst v3;
	v3 =	vld [tilespmem:$0x1EB20]  }
0x81e: {  	v1 =	vmul.f32 v1, v43  }
0x81f: {  	v20 =	vmul.f32 v20, v16;
	v6 =	vld [tilespmem:$0x1EAF0];
	v18 =	vmul.f32 v32, v18;
	v39 =	vsub.f32 $1.500000000e+00, v39  }
0x820: {  	v61 =	vmul.f32 v61, v33;
	v2 =	vadd.f32 $-2.874775890e+01, v4;
	v4 =	vadd.f32 $5.098120500e+01, v1;
	v1 =	vld [tilespmem:$0x1EB70]  }
0x821: {  	v20 =	vsub.f32 $1.500000000e+00, v20;
	v50 =	vmul.f32 v39, v50;
	v39 =	vmul.f32 v18, v0;
	v0 =	vld [tilespmem:$0x1EBF0]  }
0x822: {  	v22 =	vmul.f32 v46, v22;
	v3 =	vmul.u32 $0x709, v3  }
0x823: {  	v61 =	vsub.f32 $1.500000000e+00, v61;
	v9 =	vadd.f32 $1.769974330e+01, v9;
	v8 =	vmul.f32 v20, v16  }
0x824: {  	v22 =	vmul.f32 v22, v46;
	v6 =	vmul.u32 $0x709, v6;
	[tilespmem:$0x1ECF0] =	vst v3;
	v3 =	vld [tilespmem:$0x1EB30];
	v40 =	vsub.f32 $1.500000000e+00, v40  }
0x825: {  	v15 =	vadd.f32 $1.769974330e+01, v15;
	v21 =	vmul.f32 v24, v47;
	v24 =	vmul.f32 v8, v1;
	v1 =	vld [tilespmem:$0x1EB80]  }
0x826: {  	v22 =	vsub.f32 $1.500000000e+00, v22;
	v37 =	vmul.f32 v40, v52;
	v40 =	vmul.f32 v19, v0;
	v0 =	vld [tilespmem:$0x1EC00]  }
0x827: {  	v33 =	vmul.f32 v61, v33;
	v15 =	vmul.f32 v15, v51;
	v53 =	vmov v51;
	v51 =	vld [tilespmem:$0x1EB00]  }
0x828: {  	[tilespmem:$0x1EF50] =	vst v6;
	v6 =	vmov v27;
	v27 =	vmul.f32 v9, v27;
	v9 =	vmul.f32 v22, v46  }
0x829: {  	v11 =	vadd.f32 $-2.874775890e+01, v11;
	v5 =	vadd.f32 $1.769974330e+01, v5;
	v26 =	vmul.f32 v26, v55  }
0x82a: {  	v3 =	vmul.u32 $0x709, v3;
	v16 =	vadd.f32 $-2.874775890e+01, v27;
	v27 =	vmul.f32 v9, v1;
	v1 =	vld [tilespmem:$0x1EB90]  }
0x82b: {  	v29 =	vmul.f32 v29, v58;
	v26 =	vsub.f32 $1.500000000e+00, v26;
	v61 =	vmul.f32 v50, v0;
	v0 =	vld [tilespmem:$0x1EC10]  }
0x82c: {  	[tilespmem:$0x1EE20] =	vst v3;
	v3 =	vld [tilespmem:$0x1EB40];
	v5 =	vmul.f32 v5, v51  }
0x82d: {  	v11 =	vmul.f32 v11, v45;
	v29 =	vsub.f32 $1.500000000e+00, v29;
	v55 =	vmul.f32 v26, v55  }
0x82e: {  	v23 =	vmul.f32 v23, v54;
	v62 =	vmul.f32 v62, v35;
	v26 =	vadd.f32 $-2.874775890e+01, v5  }
0x82f: {  	v22 =	vadd.f32 $-2.874775890e+01, v28;
	v7 =	vmovc v48;
	v2 =	vmul.f32 v2, v48;
	v48 =	vmovc v54;
	v28 =	vmul.f32 v10, v1;
	v1 =	vld [tilespmem:$0x1EBA0]  }
0x830: {  	v54 =	vmovc v45;
	v45 =	vmovc v47;
	v47 =	vmov v51;
	v26 =	vmul.f32 v26, v51;
	v51 =	vmul.f32 v33, v0;
	v0 =	vld [tilespmem:$0x1EC20]  }
0x831: {  	v62 =	vsub.f32 $1.500000000e+00, v62;
	v3 =	vmul.u32 $0x709, v3  }
0x832: {  	v58 =	vmul.f32 v29, v58  }
0x833: {  	v15 =	vadd.f32 $-2.874775890e+01, v15;
	v30 =	vmul.f32 v30, v59;
	v35 =	vmul.f32 v62, v35;
	[tilespmem:$0x1EE50] =	vst v3;
	v3 =	vld [tilespmem:$0x1EB50]  }
0x834: {  	v63 =	vmul.f32 v63, v36;
	v29 =	vmul.f32 v55, v1;
	v1 =	vld [tilespmem:$0x1EBB0]  }
0x835: {  	v30 =	vsub.f32 $1.500000000e+00, v30;
	v46 =	vmovc v53;
	v15 =	vmul.f32 v15, v53;
	v53 =	vmul.f32 v35, v0;
	v0 =	vld [tilespmem:$0x1EC30]  }
0x836: {  	v63 =	vsub.f32 $1.500000000e+00, v63  }
0x837: {  	v59 =	vmul.f32 v30, v59  }
0x838: {  	v36 =	vmul.f32 v63, v36;
	v16 =	vmul.f32 v16, v6  }
0x839: {  	v3 =	vmul.u32 $0x709, v3;
	v27 =	vmul.f32 v27, v9;
	v29 =	vmul.f32 v29, v55  }
0x83a: {  	v52 =	vmov v6;
	v30 =	vmul.f32 v58, v1;
	v6 =	vmul.f32 v36, v0;
	v0 =	vld [tilespmem:$0x1EC40]  }
0x83b: {  	v22 =	vmul.f32 v22, v57;
	[tilespmem:$0x1EE80] =	vst v3;
	v3 =	vadd.f32 $5.098120500e+01, v2;
	v61 =	vmul.f32 v61, v50  }
0x83c: {  	v27 =	vsub.f32 $1.500000000e+00, v27;
	v29 =	vsub.f32 $1.500000000e+00, v29;
	v30 =	vmul.f32 v30, v58  }
0x83d: {  	v25 =	vmul.f32 v25, v42;
	v3 =	vmul.f32 v3, v7;
	v61 =	vsub.f32 $1.500000000e+00, v61  }
0x83e: {  	v9 =	vmul.f32 v27, v9;
	v27 =	vmul.f32 v29, v55;
	v55 =	vld [tilespmem:$0x1ECB0];
	v30 =	vsub.f32 $1.500000000e+00, v30  }
0x83f: {  	v25 =	vadd.f32 $-1.229560550e+02, v25;
	v61 =	vmul.f32 v61, v50;
	v50 =	vld [tilespmem:$0x1ECA0];
	v2 =	vmul.f32 v37, v0  }
0x840: {  	v29 =	vmul.f32 v30, v58;
	v58 =	vld [tilespmem:$0x1ECE0];
	v63 =	vmul.f32 v53, v35  }
0x841: {  	v53 =	vmov v7;
	v7 =	vmul.f32 v25, v42;
	v25 =	vld [tilespmem:$0x1ECD0];
	v2 =	vmul.f32 v2, v37  }
0x842: {  	v23 =	vadd.f32 $5.098120500e+01, v23;
	v22 =	vadd.f32 $5.098120500e+01, v22  }
0x843: {  	v2 =	vsub.f32 $1.500000000e+00, v2  }
0x844: {  	v23 =	vmul.f32 v23, v48;
	v22 =	vmul.f32 v22, v57  }
0x845: {  	v34 =	vmul.f32 v34, v44;
	v2 =	vmul.f32 v2, v37;
	v37 =	vadd.s32 v55, v50  }
0x846: {  	v22 =	vadd.f32 $-1.229560550e+02, v22;
	v25 =	vadd.s32 v58, v25  }
0x847: {  	v23 =	vadd.f32 $-1.229560550e+02, v23;
	v30 =	vadd.f32 $-1.229560550e+02, v34  }
0x848: {  	v20 =	vmul.f32 v22, v57  }
0x849: {  	v22 =	vmul.f32 v23, v48;
	v1 =	vld [tilespmem:$0x1EBC0];
	v23 =	vmul.f32 v30, v44;
	v30 =	vimm.f32 $1.000000000e+00  }
0x84a: {  	v31 =	vmul.f32 v31, v60;
	[tilespmem:v37+s20+$0x0] =	vst.idx.add.f32.msk $0xffff, v30;
	v30 =	vimm.f32 $1.000000000e+00  }
0x84b: {  	v24 =	vmul.f32 v24, v8;
	v26 =	vadd.f32 $5.098120500e+01, v26;
	[tilespmem:v25+s20+$0x0] =	vst.idx.add.f32.msk $0xffff, v30  }
0x84c: {  	v31 =	vsub.f32 $1.500000000e+00, v31;
	v25 =	vld [tilespmem:$0x1ED00]  }
0x84d: {  	v24 =	vsub.f32 $1.500000000e+00, v24;
	v26 =	vmul.f32 v26, v47  }
0x84e: {  	v60 =	vmul.f32 v31, v60  }
0x84f: {  	v24 =	vmul.f32 v24, v8;
	v26 =	vadd.f32 $-1.229560550e+02, v26;
	v31 =	vmul.f32 v59, v1;
	v1 =	vld [tilespmem:$0x1EBD0]  }
0x850: {  	v0 =	vld [tilespmem:$0x1EC50]  }
0x851: {  	v24 =	vmul.f32 v24, v25;
	v25 =	vmul.f32 v26, v47;
	v26 =	vld [tilespmem:$0x1ED10];
	_ =	sdelay $0x2  }
0x852: {  	v32 =	vmul.f32 v60, v1  }
0x853: {  	v1 =	vmul.f32 v38, v0;
	v0 =	vmul.f32 v28, v10  }
0x854: {  	v9 =	vmul.f32 v9, v26;
	v26 =	vld [tilespmem:$0x1ED20]  }
0x855: {  	v0 =	vsub.f32 $1.500000000e+00, v0;
	_ =	sdelay $0x1  }
0x856: {  	v17 =	vadd.f32 $1.769974330e+01, v17;
	v12 =	vmul.f32 v12, v41;
	v10 =	vmul.f32 v0, v10;
	_ =	sdelay $0x1  }
0x857: {  	v17 =	vmul.f32 v17, v49;
	v12 =	vadd.f32 $-2.874775890e+01, v12;
	v10 =	vmul.f32 v10, v26;
	v26 =	vld [tilespmem:$0x1ED30]  }
0x858: {  	v14 =	vadd.f32 $-2.874775890e+01, v14  }
0x859: {  	v17 =	vadd.f32 $-2.874775890e+01, v17;
	v12 =	vmul.f32 v12, v41  }
0x85a: {  	v14 =	vmul.f32 v14, v56  }
0x85b: {  	v12 =	vadd.f32 $5.098120500e+01, v12;
	v17 =	vmul.f32 v17, v49  }
0x85c: {  	v14 =	vadd.f32 $5.098120500e+01, v14;
	v26 =	vmul.f32 v27, v26;
	v27 =	vld [tilespmem:$0x1ED40]  }
0x85d: {  	v17 =	vadd.f32 $5.098120500e+01, v17;
	v12 =	vmul.f32 v12, v41  }
0x85e: {  	v14 =	vmul.f32 v14, v56  }
0x85f: {  	v17 =	vmul.f32 v17, v49;
	v12 =	vadd.f32 $-1.229560550e+02, v12  }
0x860: {  	v14 =	vadd.f32 $-1.229560550e+02, v14;
	v5 =	vld [tilespmem:$0x1EB60];
	v31 =	vmul.f32 v31, v59  }
0x861: {  	v17 =	vadd.f32 $-1.229560550e+02, v17;
	v12 =	vmul.f32 v12, v41;
	v27 =	vmul.f32 v29, v27;
	v29 =	vld [tilespmem:$0x1ED50]  }
0x862: {  	v13 =	vadd.f32 $-2.874775890e+01, v13;
	v14 =	vmul.f32 v14, v56;
	v31 =	vsub.f32 $1.500000000e+00, v31  }
0x863: {  	v11 =	vadd.f32 $5.098120500e+01, v11;
	v12 =	vadd.f32 $9.000000000e+02, v12;
	v17 =	vmul.f32 v17, v49  }
0x864: {  	v14 =	vadd.f32 $9.000000000e+02, v14;
	v39 =	vmul.f32 v39, v18;
	v31 =	vmul.f32 v31, v59  }
0x865: {  	v17 =	vadd.f32 $9.000000000e+02, v17;
	v15 =	vadd.f32 $5.098120500e+01, v15;
	v4 =	vmul.f32 v4, v43  }
0x866: {  	v13 =	vmul.f32 v13, v5;
	v39 =	vsub.f32 $1.500000000e+00, v39;
	v29 =	vmul.f32 v31, v29;
	v31 =	vld [tilespmem:$0x1ED70]  }
0x867: {  	v11 =	vmul.f32 v11, v54;
	v15 =	vmul.f32 v15, v46;
	v7 =	vadd.f32 $9.000000000e+02, v7  }
0x868: {  	v13 =	vadd.f32 $5.098120500e+01, v13;
	v18 =	vmul.f32 v39, v18;
	v9 =	vmul.f32 v9, v12;
	v12 =	vld [tilespmem:$0x1EE10]  }
0x869: {  	v16 =	vadd.f32 $5.098120500e+01, v16;
	v40 =	vmul.f32 v40, v19;
	v7 =	vmul.f32 v10, v7;
	v10 =	vld [tilespmem:$0x1EE00]  }
0x86a: {  	v4 =	vadd.f32 $-1.229560550e+02, v4;
	v13 =	vmul.f32 v13, v5;
	v62 =	vmul.f32 v51, v33;
	v51 =	vmovc v5;
	v5 =	vld [tilespmem:$0x1ECC0]  }
0x86b: {  	v11 =	vadd.f32 $-1.229560550e+02, v11;
	v40 =	vsub.f32 $1.500000000e+00, v40;
	v18 =	vmul.f32 v18, v31;
	v31 =	vld [tilespmem:$0x1ED80]  }
0x86c: {  	v16 =	vmul.f32 v16, v52;
	v13 =	vadd.f32 $-1.229560550e+02, v13;
	v62 =	vsub.f32 $1.500000000e+00, v62  }
0x86d: {  	v15 =	vadd.f32 $-1.229560550e+02, v15;
	v4 =	vmul.f32 v4, v43;
	v19 =	vmul.f32 v40, v19  }
0x86e: {  	v13 =	vmul.f32 v13, v51;
	v33 =	vmul.f32 v62, v33;
	v62 =	vld [tilespmem:$0x1EDD0];
	v10 =	vadd.s32 v12, v10  }
0x86f: {  	v16 =	vadd.f32 $-1.229560550e+02, v16;
	v11 =	vmul.f32 v11, v54;
	v21 =	vadd.f32 $5.098120500e+01, v21  }
0x870: {  	v13 =	vadd.f32 $9.000000000e+02, v13;
	v23 =	vadd.f32 $9.000000000e+02, v23;
	v39 =	vmovc v5;
	v5 =	vld [tilespmem:$0x1ECF0];
	v19 =	vmul.f32 v19, v31  }
0x871: {  	v4 =	vadd.f32 $9.000000000e+02, v4;
	v15 =	vmul.f32 v15, v46;
	v59 =	vld [tilespmem:$0x1EDA0];
	v32 =	vmul.f32 v32, v60  }
0x872: {  	v30 =	vld [tilespmem:$0x1ED60];
	v13 =	vmul.f32 v18, v13;
	v18 =	vmul.f32 v19, v23;
	v19 =	vimm.f32 $1.000000000e+00  }
0x873: {  	v16 =	vmul.f32 v16, v52;
	v11 =	vadd.f32 $9.000000000e+02, v11;
	v2 =	vmul.f32 v2, v62;
	[tilespmem:v10+s20+$0x0] =	vst.idx.add.f32.msk $0xffff, v19  }
0x874: {  	v21 =	vmul.f32 v21, v45;
	v63 =	vsub.f32 $1.500000000e+00, v63;
	v32 =	vsub.f32 $1.500000000e+00, v32;
	v19 =	vld [tilespmem:$0x1EE40]  }
0x875: {  	v6 =	vmul.f32 v6, v36;
	v2 =	vmul.f32 v2, v17;
	v17 =	vadd.f32 $5.000000000e-01, v18;
	v18 =	vld [tilespmem:$0x1EE30]  }
0x876: {  	v21 =	vadd.f32 $-1.229560550e+02, v21;
	v32 =	vmul.f32 v32, v60;
	v60 =	vld [tilespmem:$0x1EDB0];
	v1 =	vmul.f32 v1, v38  }
0x877: {  	v3 =	vadd.f32 $-1.229560550e+02, v3;
	v35 =	vmul.f32 v63, v35;
	v63 =	vld [tilespmem:$0x1EDE0];
	v6 =	vsub.f32 $1.500000000e+00, v6  }
0x878: {  	v20 =	vadd.f32 $9.000000000e+02, v20;
	v21 =	vmul.f32 v21, v45;
	v1 =	vsub.f32 $1.500000000e+00, v1;
	v0 =	vld [tilespmem:$0x1EC70]  }
0x879: {  	v22 =	vadd.f32 $9.000000000e+02, v22;
	v3 =	vmul.f32 v3, v53;
	v6 =	vmul.f32 v6, v36;
	v28 =	vld [tilespmem:$0x1EC60]  }
0x87a: {  	v36 =	vmul.f32 v1, v38;
	v30 =	vmul.f32 v32, v30;
	v18 =	vadd.s32 v19, v18;
	v19 =	vld [tilespmem:$0x1EE50]  }
0x87b: {  	v15 =	vadd.f32 $9.000000000e+02, v15;
	v1 =	vld [tilespmem:$0x1EC90];
	v32 =	vmul.f32 v33, v59;
	v33 =	vmul.f32 v35, v60  }
0x87c: {  	v16 =	vadd.f32 $9.000000000e+02, v16;
	v21 =	vadd.f32 $9.000000000e+02, v21;
	v31 =	vld [tilespmem:$0x1ED90]  }
0x87d: {  	v3 =	vadd.f32 $9.000000000e+02, v3;
	v34 =	vmul.f32 v36, v63;
	v8 =	vmul.u32 $0x709, v0;
	v0 =	vld [tilespmem:$0x1EC80]  }
0x87e: {  	v2 =	vadd.f32 $5.000000000e-01, v2;
	v4 =	vmul.f32 v24, v4;
	v12 =	vmul.f32 v29, v20;
	v20 =	vld [tilespmem:$0x1EE70]  }
0x87f: {  	v28 =	vmul.u32 $0x709, v28;
	v11 =	vmul.f32 v32, v11;
	v15 =	vmul.f32 v33, v15;
	v33 =	vmovc v19;
	v19 =	vld [tilespmem:$0x1EE60]  }
0x880: {  	v38 =	vmovc v5;
	v5 =	vld [tilespmem:$0x1EE20];
	v2 =	vtrunc.f32 v2;
	v1 =	vmul.u32 $0x709, v1;
	v4 =	vadd.f32 $5.000000000e-01, v4  }
0x881: {  	v11 =	vadd.f32 $5.000000000e-01, v11;
	v15 =	vadd.f32 $5.000000000e-01, v15;
	v31 =	vmul.f32 v61, v31;
	v61 =	vld [tilespmem:$0x1EDC0]  }
0x882: {  	v0 =	vmul.u32 $0x709, v0;
	v24 =	vadd.f32 $9.000000000e+02, v25;
	v4 =	vtrunc.f32 v4  }
0x883: {  	v11 =	vtrunc.f32 v11;
	v15 =	vtrunc.f32 v15;
	v7 =	vadd.f32 $5.000000000e-01, v7  }
0x884: {  	v4 =	vcvt.f32.s32 v4;
	v15 =	vcvt.f32.s32 v15;
	v19 =	vadd.s32 v20, v19;
	v20 =	vld [tilespmem:$0x1EE80]  }
0x885: {  	v35 =	vmovc v5;
	v9 =	vadd.f32 $5.000000000e-01, v9;
	v7 =	vtrunc.f32 v7;
	v5 =	vmul.f32 v26, v16  }
0x886: {  	vm0 =	vgt.s32 v4, $0x0;
	v16 =	vmul.f32 v30, v22;
	v6 =	vmul.f32 v6, v61  }
0x887: {  	v9 =	vtrunc.f32 v9;
	v7 =	vcvt.f32.s32 v7;
	v5 =	vadd.f32 $5.000000000e-01, v5  }
0x888: {  	v16 =	vadd.f32 $5.000000000e-01, v16;
	v3 =	vmul.f32 v27, v3;
	v6 =	vmul.f32 v6, v21;
	v21 =	vld [tilespmem:$0x1EEA0]  }
0x889: {  	vm11 =	vgt.s32 v15, $0x0;
	v26 =	vmovc v0;
	v0 =	vcvt.f32.s32 v9;
	vm2 =	vgt.s32 v7, $0x0;
	v30 =	vmovc v20;
	v20 =	vld [tilespmem:$0x1EE90]  }
0x88a: {  	v22 =	vld [tilespmem:$0x1EED0];
	v5 =	vtrunc.f32 v5;
	v16 =	vtrunc.f32 v16;
	v3 =	vadd.f32 $5.000000000e-01, v3  }
0x88b: {  	v9 =	vld [tilespmem:$0x1EF00];
	v10 =	vadd.f32 $5.000000000e-01, v12;
	v12 =	vmul.f32 v34, v24;
	v24 =	vimm.f32 $1.000000000e+00  }
0x88c: {  	v25 =	vmovc v1;
	v1 =	vcvt.f32.s32 v5;
	v3 =	vtrunc.f32 v3;
	v13 =	vadd.f32 $5.000000000e-01, v13;
	[tilespmem:v18+s20+$0x0] =	vst.idx.add.f32.msk $0xffff, v24  }
0x88d: {  	vm1 =	vgt.s32 v0, $0x0;
	v16 =	vcvt.f32.s32 v16;
	v3 =	vcvt.f32.s32 v3;
	v18 =	vld [tilespmem:$0x1EF10]  }
0x88e: {  	vm3 =	vgt.s32 v1, $0x0;
	v13 =	vtrunc.f32 v13;
	v20 =	vadd.s32 v21, v20;
	v21 =	vld [tilespmem:$0x1EEC0]  }
0x88f: {  	vm6 =	vgt.s32 v16, $0x0;
	vm4 =	vgt.s32 v3, $0x0;
	v13 =	vcvt.f32.s32 v13  }
0x890: {  	v23 =	vnsel vm2, $0x0, v7;
	v12 =	vadd.f32 $5.000000000e-01, v12;
	v14 =	vmul.f32 v31, v14  }
0x891: {  	vm7 =	vgt.s32 v13, $0x0;
	v10 =	vtrunc.f32 v10;
	v17 =	vtrunc.f32 v17  }
0x892: {  	v27 =	vmovc v8;
	v8 =	vtrunc.f32 v12;
	v12 =	vld [tilespmem:$0x1EEE0];
	v17 =	vcvt.f32.s32 v17;
	v14 =	vadd.f32 $5.000000000e-01, v14  }
0x893: {  	v9 =	vadd.s32 v18, v9;
	v18 =	vcvt.f32.s32 v11;
	v21 =	vadd.s32 v22, v21;
	v22 =	vld [tilespmem:$0x1EEF0]  }
0x894: {  	v36 =	vld [tilespmem:$0x1EDF0];
	v5 =	vcvt.f32.s32 v10;
	v10 =	vnsel vm4, $0x0, v3;
	v6 =	vadd.f32 $5.000000000e-01, v6  }
0x895: {  	v29 =	vmovc v28;
	v28 =	vld [tilespmem:$0x1EEB0];
	vm8 =	vgt.s32 v17, $0x0;
	v14 =	vtrunc.f32 v14;
	vm10 =	vgt.s32 v18, $0x0  }
0x896: {  	v14 =	vcvt.f32.s32 v14;
	v6 =	vtrunc.f32 v6;
	v3 =	vnsel vm10, $0x0, v18;
	v18 =	vld [tilespmem:$0x1EF20]  }
0x897: {  	vm5 =	vgt.s32 v5, $0x0;
	v7 =	vnsel vm8, $0x0, v17;
	v6 =	vcvt.f32.s32 v6;
	[tilespmem:v19+s20+$0x0] =	vst.idx.add.f32.msk $0xffff, v24  }
0x898: {  	s1 =	sadd.s32 $0x10, s1;
	vm9 =	vgt.s32 v14, $0x0;
	[tilespmem:v9+s20+$0x0] =	vst.idx.add.f32.msk $0xffff, v24;
	v19 =	vcvt.f32.s32 v2;
	v12 =	vadd.s32 v22, v12  }
0x899: {  	p3 =	slt.u32 s1, $0x1F0;
	vm12 =	vgt.s32 v6, $0x0;
	v11 =	vnsel vm3, $0x0, v1;
	[tilespmem:v20+s20+$0x0] =	vst.idx.add.f32.msk $0xffff, v24;
	v20 =	vcvt.f32.s32 v8  }
.Ltmp12:
0x89a: {  	v9 =	vnsel vm7, $0x0, v13;
	v13 =	vmin.u32 v23, $0x708;
	v23 =	vld [tilespmem:$0x1EF50];
	vm13 =	vgt.s32 v19, $0x0;
	(pc) =	sbr.rel @p3 .LBB2_23-.Ltmp12, $4  }
0x89b: {  	v2 =	vnsel vm12, $0x0, v6;
	v1 =	vnsel vm13, $0x0, v19;
	vm14 =	vgt.s32 v20, $0x0;
	[tilespmem:v21+s20+$0x0] =	vst.idx.add.f32.msk $0xffff, v24  }
0x89c: {  	v8 =	vnsel vm6, $0x0, v16;
	v22 =	vnsel vm1, $0x0, v0;
	v0 =	vnsel vm14, $0x0, v20;
	v20 =	vld [tilespmem:$0x1EF30]  }
0x89d: {  	v21 =	vnsel vm0, $0x0, v4;
	v4 =	vnsel vm11, $0x0, v15;
	v15 =	vmin.u32 v22, $0x708;
	[tilespmem:v12+s20+$0x0] =	vst.idx.add.f32.msk $0xffff, v24  }
0x89e: {  	s6 =	sadd.s32 $0x100, s6;
	v12 =	vnsel vm5, $0x0, v5;
	v5 =	vnsel vm9, $0x0, v14;
	v14 =	vmin.u32 v21, $0x708;
	v21 =	vld [tilespmem:$0x1EF40]  }
0x89f: {  	v6 =	vadd.s32 v28, v14  }
0x8a0: {  	v62 =	vadd.s32 v36, v15  }
0x8a1: {  	v13 =	vadd.s32 v18, v13;
	v12 =	vmin.u32 v12, $0x708  }
0x8a2: {  	v8 =	vmin.u32 v8, $0x708;
	v12 =	vadd.s32 v23, v12  }
0x8a3: {  	v7 =	vmin.u32 v7, $0x708;
	v8 =	vadd.s32 v39, v8  }
0x8a4: {  	v5 =	vmin.u32 v5, $0x708;
	v7 =	vadd.s32 v35, v7;
	[tilespmem:v6+s20+$0x0] =	vst.idx.add.f32.msk $0xffff, v24  }
0x8a5: {  	v3 =	vmin.u32 v3, $0x708;
	v5 =	vadd.s32 v33, v5;
	[tilespmem:v62+s20+$0x0] =	vst.idx.add.f32.msk $0xffff, v24  }
0x8a6: {  	v4 =	vmin.u32 v4, $0x708;
	v3 =	vadd.s32 v30, v3;
	[tilespmem:v13+s20+$0x0] =	vst.idx.add.f32.msk $0xffff, v24  }
0x8a7: {  	v2 =	vmin.u32 v2, $0x708;
	v4 =	vadd.s32 v29, v4;
	[tilespmem:v12+s20+$0x0] =	vst.idx.add.f32.msk $0xffff, v24  }
0x8a8: {  	v1 =	vmin.u32 v1, $0x708;
	v2 =	vadd.s32 v27, v2;
	[tilespmem:v8+s20+$0x0] =	vst.idx.add.f32.msk $0xffff, v24  }
0x8a9: {  	v0 =	vmin.u32 v0, $0x708;
	v1 =	vadd.s32 v26, v1;
	[tilespmem:v7+s20+$0x0] =	vst.idx.add.f32.msk $0xffff, v24  }
0x8aa: {  	v11 =	vmin.u32 v11, $0x708;
	v0 =	vadd.s32 v25, v0;
	[tilespmem:v5+s20+$0x0] =	vst.idx.add.f32.msk $0xffff, v24  }
0x8ab: {  	v10 =	vmin.u32 v10, $0x708;
	v11 =	vadd.s32 v20, v11;
	[tilespmem:v3+s20+$0x0] =	vst.idx.add.f32.msk $0xffff, v24  }
0x8ac: {  	v63 =	vmin.u32 v9, $0x708;
	s28 =	sadd.s32 $0x1, s28;
	v10 =	vadd.s32 v21, v10;
	[tilespmem:v4+s20+$0x0] =	vst.idx.add.f32.msk $0xffff, v24  }
0x8ad: {  	p3 =	sne.s32 s28, $0x10;
	v6 =	vadd.s32 v38, v63;
	[tilespmem:v2+s20+$0x0] =	vst.idx.add.f32.msk $0xffff, v24  }
.Ltmp13:
0x8ae: {  	[tilespmem:v1+s20+$0x0] =	vst.idx.add.f32.msk $0xffff, v24;
	(pc) =	sbr.rel @p3 .LBB2_4-.Ltmp13, $4  }
0x8af: {  	[tilespmem:v0+s20+$0x0] =	vst.idx.add.f32.msk $0xffff, v24  }
0x8b0: {  	[tilespmem:v11+s20+$0x0] =	vst.idx.add.f32.msk $0xffff, v24  }
0x8b1: {  	[tilespmem:v10+s20+$0x0] =	vst.idx.add.f32.msk $0xffff, v24  }
0x8b2: {  	s1 =	simm.s32 $0x30;
	[tilespmem:v6+s20+$0x0] =	vst.idx.add.f32.msk $0xffff, v24  }
0x8b3: {  	_ =	swait.ge [sflag:s22], $0x80  }
0x8b4: {  	s1 =	sadd.s32 $0xFFFFFFFF, s1;
	[sflag:s22] =	ssyncset.done $0x0  }
.LBB2_26:
0x8b5: {  	p3 =	sne.s32 s1, $0x1;
	s1 =	sadd.s32 $0xFFFFFFFF, s1;
	[sflag:s22] =	ssyncadd.s32 $0xFFFFFF80  }
.Ltmp14:
0x8b6: {  	(pc) =	sbr.rel @p3 .LBB2_26-.Ltmp14, $3  }
0x8b7: {  	_ =	sdelay $0x1  }
0x8b8: {  	_ =	swait.ge [sflag:s22], $0x80  }
0x8b9: {  	[sflag:s22] =	ssyncset.done $0x0  }
0x8ba: {  	[sflag:s22] =	ssyncadd.s32 $0xFFFFFF80  }
0x8bb: {  	_ =	swait.ge [sflag:s23], $0x80  }
0x8bc: {  	s1 =	simm.s32 $0x2F;
	[sflag:s23] =	ssyncset.done $0x0  }
.LBB2_28:
0x8bd: {  	p3 =	sne.s32 s1, $0x1;
	s1 =	sadd.s32 $0xFFFFFFFF, s1;
	[sflag:s23] =	ssyncadd.s32 $0xFFFFFF80  }
.Ltmp15:
0x8be: {  	(pc) =	sbr.rel @p3 .LBB2_28-.Ltmp15, $3  }
0x8bf: {  	_ =	sdelay $0x1  }
0x8c0: {  	_ =	swait.ge [sflag:s23], $0x80  }
0x8c1: {  	[sflag:s23] =	ssyncset.done $0x0  }
0x8c2: {  	[sflag:s23] =	ssyncadd.s32 $0xFFFFFF80;
	s1 =	simm.s32 $0x400  }
0x8c3: {  	[hbm4b:s12+s18] =	stream.strided.scatter [tilespmem:s20], [sflag:$0x5], $0x7100, s1, s18, $0x38;
	[tilespmem:$0x13890] =	vst v63  }
0x8c4: {  	_ =	swait.ge [sflag:s25], $0x7100  }
0x8c5: {  	[sflag:s25] =	ssyncset.done $0x0  }
0x8c6: {  	s1 =	stileid.u32;
	[sflag:s25] =	ssyncadd.s32 $0xFFFF8F00  }
0x8c7: {  	s1 =	sshll.u32 @!p2 s1, $0x6;
	[bflag:$0x0] =	sbarrier.arrive $0xFFFF  }
0x8c8: {  	s3 =	sshrl.u32 @!p2 s4, $0x3;
	s1 =	sor.u32 @!p2 $0x1C05, s1;
	s6 =	rddreg [dreg:$0x5]  }
0x8c9: {  	[hbm:s6], [sflag:s1] =	dma.local @!p2 [spmem:s3], $0xE20  }
0x8ca: {  	s1 =	simm.s32 @!p2 $0x5  }
0x8cb: {  	s26 =	sadd.s32 $0x1, s26;
	_ =	swait.ge @!p2 [sflag:s1], $0xE20  }
0x8cc: {  	p3 =	sne.s32 s26, s13;
	s3 =	simm.s32 @p1 $0x1C05;
	[sflag:s1] =	ssyncset.done @!p2 $0x0  }
0x8cd: {  	s6 =	rddreg [dreg:$0x6];
	[sflag:s1] =	ssyncadd.s32 @!p2 $0xFFFFF1E0;
	s1 =	sshrl.u32 @p1 s4, $0x3  }
0x8ce: {  	[hbm:s6], [sflag:s3] =	dma.local @p1 [spmem:s1], $0xE20  }
.Ltmp16:
0x8cf: {  	_ = 	snop;
	(pc) =	sbr.rel @p3 .LBB2_1-.Ltmp16, $4  }
0x8d0: {  	s1 =	simm.s32 @p1 $0x5  }
0x8d1: {  	_ =	swait.ge @p1 [sflag:s1], $0xE20  }
0x8d2: {  	[sflag:s1] =	ssyncset.done @p1 $0x0  }
0x8d3: {  	[sflag:s1] =	ssyncadd.s32 @p1 $0xFFFFF1E0  }
0x8d4: {  	_ =	sfence.sel $0x180000  }
0x8d5: {  	[bflag:$0x0] =	sbarrier.arrive $0xFFFF  }
0x8d6: {  	_ =	strace $0x90000047  }
0x8d7: {  	[bflag:$0x2] =	sbarrier.arrive $0xFFFF  }
0x8d8: {  	s0 =	rddreg [dreg:$0x4]  }
0x8d9: {  	s0 =	sadd.s32 @!p0 $0x100000, s0  }
0x8da: {  	[sflag:s0] =	ssyncadd.tile.s32 @!p0 $0x1;
	_ =	shalt  }
.Lfunc_end2:
_tile_overlayer_lowered:
.L_overlay_start_2:
0x8db: {  	(tag) =	ssettag $0x2  }
0x8dc: {  	s0 =	rddreg [dreg:$0x0];
	s2 =	stileid.u32  }
0x8dd: {  	s1 =	rddreg [dreg:$0x1];
	p0 =	sne.s32 s2, $0x0  }
0x8de: {  	s3 =	rddreg [dreg:$0x2];
	[bflag:$0x3] =	sbarrier.arrive $0xFFFF;
	s2 =	simm.s32 @!p0 $0x1C05  }
0x8df: {  	[timem:s3], [sflag:s2] =	dma.local @!p0 [hbm:s0], s1  }
0x8e0: {  	s0 =	simm.s32 @!p0 $0x5  }
0x8e1: {  	_ =	swait.ge @!p0 [sflag:s0], s1  }
0x8e2: {  	s1 =	ssub.s32 @!p0 $0x0, s1;
	[sflag:s0] =	ssyncset.done @!p0 $0x0  }
0x8e3: {  	[sflag:s0] =	ssyncadd.s32 @!p0 s1  }
0x8e4: {  	[bflag:$0x3] =	sbarrier.arrive $0xFFFF  }
0x8e5: {  	_ =	shalt  }

</sc_bundles>
